<compile_context>
chip_gen: v7x
topology: tpu7x:2x2x1
jax: 0.10.2.dev20260603
libtpu: 0.0.44.dev20260713+nightly
codegen_flags: <defaults>
</compile_context>

<pallas_src>
import functools

import jax
import jax.numpy as jnp
from jax import lax
from jax.experimental import pallas as pl
from jax.experimental.pallas import tpu as pltpu
from jax.experimental.pallas import tpu_sc as plsc

N_ = 10000
D_ = 128
H1 = 8
HC1 = 64
OUT_ = 16
NPAD = 10112
NCORE = 2
NTILE = 16
CHUNK = 128
NCHUNK = 82
EPAD = NCORE * NTILE * NCHUNK * CHUNK
ROWS_PT = NPAD // NTILE
RB = NPAD // 8

_mesh = plsc.VectorSubcoreMesh(core_axis_name="c", subcore_axis_name="s")
_sc_params = pltpu.CompilerParams(use_tc_tiling_on_sc=False,
                                  needs_layout_passes=False)


def _dg16(v, idx):
    return lax.gather(
        v, idx[:, None],
        lax.GatherDimensionNumbers(
            offset_dims=(), collapsed_slice_dims=(0,), start_index_map=(0,)),
        slice_sizes=(1,),
        mode=lax.GatherScatterMode.PROMISE_IN_BOUNDS)


def _ka_body(x_ref, w1_ref, ms_ref, md_ref, ht_ref, a1b_ref):
    h = jnp.dot(x_ref[...], w1_ref[...], preferred_element_type=jnp.float32)
    asrc = jnp.dot(h, ms_ref[...], preferred_element_type=jnp.float32)
    adst = jnp.dot(h, md_ref[...], preferred_element_type=jnp.float32)
    ht_ref[...] = jnp.concatenate([h, asrc, adst], axis=1)
    a1b_ref[...] = jnp.concatenate([adst, asrc], axis=1)


def _run_ka(xp, W1, msrc, mdst):
    blk = lambda r, c: pl.BlockSpec((r, c), lambda i: (i, 0))
    rep = lambda r, c: pl.BlockSpec((r, c), lambda i: (0, 0))
    return pl.pallas_call(
        _ka_body,
        grid=(NPAD // RB,),
        in_specs=[blk(RB, D_), rep(D_, HC1), rep(HC1, H1), rep(HC1, H1)],
        out_specs=[blk(RB, 80), blk(RB, 16)],
        out_shape=[
            jax.ShapeDtypeStruct((NPAD, 80), jnp.float32),
            jax.ShapeDtypeStruct((NPAD, 16), jnp.float32),
        ],
    )(xp, W1, msrc, mdst)


def _edge1_body(ht_hbm, a1b_hbm, src_hbm, dst_hbm,
                acc_out, s_out,
                src_v, dst_v, D_v, h_v, w_v, msg_v, acc_sh, s_sh,
                sem, sem2):
    c = lax.axis_index("c")
    s = lax.axis_index("s")
    wid = c * NTILE + s
    z16 = jnp.zeros((16,), jnp.float32)

    def zbody(i, carry):
        w_v[0, i] = z16
        for kk in range(4):
            msg_v[0, i, pl.ds(16 * kk, 16)] = z16
        return carry
    lax.fori_loop(0, CHUNK, zbody, 0)

    base = s * ROWS_PT
    for j in range(4):
        pltpu.sync_copy(msg_v.at[0], acc_sh.at[pl.ds(base + j * CHUNK, CHUNK)])
        pltpu.sync_copy(w_v.at[0], s_sh.at[pl.ds(base + j * CHUNK, CHUNK)])
    tail = ROWS_PT - 4 * CHUNK
    pltpu.sync_copy(msg_v.at[0].at[pl.ds(0, tail)],
                    acc_sh.at[pl.ds(base + 4 * CHUNK, tail)])
    pltpu.sync_copy(w_v.at[0].at[pl.ds(0, tail)],
                    s_sh.at[pl.ds(base + 4 * CHUNK, tail)])
    plsc.subcore_barrier()

    iota16 = lax.iota(jnp.int32, 16)
    hi8 = lax.shift_right_logical(iota16, 3)
    pats = [2 * kk + hi8 for kk in range(4)]

    pltpu.sync_copy(src_hbm.at[pl.ds(wid * NCHUNK, NCHUNK)], src_v)
    pltpu.sync_copy(dst_hbm.at[pl.ds(wid * NCHUNK, NCHUNK)], dst_v)

    def gathers(k, b):
        return [
            pltpu.make_async_copy(a1b_hbm.at[dst_v.at[k]], D_v.at[b], sem),
            pltpu.make_async_copy(ht_hbm.at[src_v.at[k]], h_v.at[b], sem),
        ]

    def scatters(k, b):
        return [
            pltpu.make_async_copy(w_v.at[b], s_sh.at[dst_v.at[k]], sem2),
            pltpu.make_async_copy(msg_v.at[b], acc_sh.at[dst_v.at[k]], sem2),
        ]

    for b in range(2):
        for g in gathers(b, b):
            g.start()

    def cbody(j, carry):
        for b in range(2):
            k = 2 * j + b
            for g in gathers(k, b):
                g.wait()

            @pl.when(k >= 2)
            def _():
                for sc in scatters(k - 2, b):
                    sc.wait()

            @plsc.parallel_loop(0, CHUNK, 1, unroll=4)
            def _(i):
                t = h_v[b, i, pl.ds(64, 16)] + D_v[b, i]
                w = jnp.exp(jnp.maximum(t, t * 0.2))
                w_v[b, i] = w
                for kk in range(4):
                    wexp = _dg16(w, pats[kk])
                    msg_v[b, i, pl.ds(16 * kk, 16)] = (
                        h_v[b, i, pl.ds(16 * kk, 16)] * wexp)

            pltpu.async_copy(w_v.at[b], s_sh.at[dst_v.at[k]], sem2, add=True)
            pltpu.async_copy(msg_v.at[b], acc_sh.at[dst_v.at[k]], sem2,
                             add=True)

            @pl.when(k + 2 < NCHUNK)
            def _():
                for g in gathers(k + 2, b):
                    g.start()
        return carry
    lax.fori_loop(0, NCHUNK // 2, cbody, 0)

    for b in range(2):
        for sc in scatters(NCHUNK - 2 + b, b):
            sc.wait()

    plsc.subcore_barrier()
    pltpu.sync_copy(acc_sh.at[pl.ds(base, ROWS_PT)],
                    acc_out.at[pl.ds(c * NPAD + base, ROWS_PT)])
    pltpu.sync_copy(s_sh.at[pl.ds(base, ROWS_PT)],
                    s_out.at[pl.ds(c * NPAD + base, ROWS_PT)])


_edge1 = functools.partial(
    pl.kernel,
    out_type=[
        jax.ShapeDtypeStruct((NCORE * NPAD, HC1), jnp.float32),
        jax.ShapeDtypeStruct((NCORE * NPAD, 16), jnp.float32),
    ],
    mesh=_mesh,
    scratch_types=[
        pltpu.VMEM((NCHUNK, CHUNK), jnp.int32),
        pltpu.VMEM((NCHUNK, CHUNK), jnp.int32),
        pltpu.VMEM((2, CHUNK, 16), jnp.float32),
        pltpu.VMEM((2, CHUNK, 80), jnp.float32),
        pltpu.VMEM((2, CHUNK, 16), jnp.float32),
        pltpu.VMEM((2, CHUNK, HC1), jnp.float32),
        pltpu.VMEM_SHARED((NPAD, HC1), jnp.float32),
        pltpu.VMEM_SHARED((NPAD, 16), jnp.float32),
        pltpu.SemaphoreType.DMA,
        pltpu.SemaphoreType.DMA,
    ],
    compiler_params=_sc_params,
)(_edge1_body)


def _kc_body(a0_ref, a1_ref, s0_ref, s1_ref, b1_ref, w2_ref, erep_ref,
             as2_ref, ad2_ref, ht2_ref, a2b_ref):
    acc = a0_ref[...] + a1_ref[...]
    ssum = s0_ref[...][:, :H1] + s1_ref[...][:, :H1]
    inv = 1.0 / (ssum + 1e-16)
    inv_rep = jnp.dot(inv, erep_ref[...], preferred_element_type=jnp.float32)
    o1 = acc * inv_rep + b1_ref[...]
    hh = jnp.where(o1 > 0, o1, jnp.exp(o1) - 1.0)
    h2 = jnp.dot(hh, w2_ref[...], preferred_element_type=jnp.float32)
    es = jnp.dot(h2, as2_ref[...], preferred_element_type=jnp.float32)
    ed = jnp.dot(h2, ad2_ref[...], preferred_element_type=jnp.float32)
    ht2_ref[...] = jnp.concatenate(
        [h2, jnp.broadcast_to(es, (es.shape[0], 16))], axis=1)
    a2b_ref[...] = jnp.broadcast_to(ed, (ed.shape[0], 16))


def _run_kc(accp, sp, b1row, W2, erep, as2, ad2):
    blk = lambda r, c: pl.BlockSpec((r, c), lambda i: (i, 0))
    hi = lambda r, c: pl.BlockSpec((r, c), lambda i: (i + NPAD // RB, 0))
    rep = lambda r, c: pl.BlockSpec((r, c), lambda i: (0, 0))
    return pl.pallas_call(
        _kc_body,
        grid=(NPAD // RB,),
        in_specs=[blk(RB, HC1), hi(RB, HC1), blk(RB, 16), hi(RB, 16),
                  rep(1, HC1), rep(HC1, OUT_), rep(H1, HC1),
                  rep(OUT_, 1), rep(OUT_, 1)],
        out_specs=[blk(RB, 32), blk(RB, 16)],
        out_shape=[
            jax.ShapeDtypeStruct((NPAD, 32), jnp.float32),
            jax.ShapeDtypeStruct((NPAD, 16), jnp.float32),
        ],
    )(accp, accp, sp, sp, b1row, W2, erep, as2, ad2)


def _edge2_body(ht2_hbm, a2b_hbm, src_hbm, dst_hbm,
                acc_out, s_out,
                src_v, dst_v, D_v, h_v, w_v, msg_v, acc_sh, s_sh,
                sem, sem2):
    c = lax.axis_index("c")
    s = lax.axis_index("s")
    wid = c * NTILE + s
    z16 = jnp.zeros((16,), jnp.float32)

    def zbody(i, carry):
        w_v[0, i] = z16
        msg_v[0, i] = z16
        return carry
    lax.fori_loop(0, CHUNK, zbody, 0)

    base = s * ROWS_PT
    for j in range(4):
        pltpu.sync_copy(msg_v.at[0], acc_sh.at[pl.ds(base + j * CHUNK, CHUNK)])
        pltpu.sync_copy(w_v.at[0], s_sh.at[pl.ds(base + j * CHUNK, CHUNK)])
    tail = ROWS_PT - 4 * CHUNK
    pltpu.sync_copy(msg_v.at[0].at[pl.ds(0, tail)],
                    acc_sh.at[pl.ds(base + 4 * CHUNK, tail)])
    pltpu.sync_copy(w_v.at[0].at[pl.ds(0, tail)],
                    s_sh.at[pl.ds(base + 4 * CHUNK, tail)])
    plsc.subcore_barrier()

    pltpu.sync_copy(src_hbm.at[pl.ds(wid * NCHUNK, NCHUNK)], src_v)
    pltpu.sync_copy(dst_hbm.at[pl.ds(wid * NCHUNK, NCHUNK)], dst_v)

    def gathers(k, b):
        return [
            pltpu.make_async_copy(a2b_hbm.at[dst_v.at[k]], D_v.at[b], sem),
            pltpu.make_async_copy(ht2_hbm.at[src_v.at[k]], h_v.at[b], sem),
        ]

    def scatters(k, b):
        return [
            pltpu.make_async_copy(w_v.at[b], s_sh.at[dst_v.at[k]], sem2),
            pltpu.make_async_copy(msg_v.at[b], acc_sh.at[dst_v.at[k]], sem2),
        ]

    for b in range(2):
        for g in gathers(b, b):
            g.start()

    def cbody(j, carry):
        for b in range(2):
            k = 2 * j + b
            for g in gathers(k, b):
                g.wait()

            @pl.when(k >= 2)
            def _():
                for sc in scatters(k - 2, b):
                    sc.wait()

            @plsc.parallel_loop(0, CHUNK, 1, unroll=8)
            def _(i):
                t = h_v[b, i, pl.ds(16, 16)] + D_v[b, i]
                w = jnp.exp(jnp.maximum(t, t * 0.2))
                w_v[b, i] = w
                msg_v[b, i] = h_v[b, i, pl.ds(0, 16)] * w

            pltpu.async_copy(w_v.at[b], s_sh.at[dst_v.at[k]], sem2, add=True)
            pltpu.async_copy(msg_v.at[b], acc_sh.at[dst_v.at[k]], sem2,
                             add=True)

            @pl.when(k + 2 < NCHUNK)
            def _():
                for g in gathers(k + 2, b):
                    g.start()
        return carry
    lax.fori_loop(0, NCHUNK // 2, cbody, 0)

    for b in range(2):
        for sc in scatters(NCHUNK - 2 + b, b):
            sc.wait()

    plsc.subcore_barrier()
    pltpu.sync_copy(acc_sh.at[pl.ds(base, ROWS_PT)],
                    acc_out.at[pl.ds(c * NPAD + base, ROWS_PT)])
    pltpu.sync_copy(s_sh.at[pl.ds(base, ROWS_PT)],
                    s_out.at[pl.ds(c * NPAD + base, ROWS_PT)])


_edge2 = functools.partial(
    pl.kernel,
    out_type=[
        jax.ShapeDtypeStruct((NCORE * NPAD, OUT_), jnp.float32),
        jax.ShapeDtypeStruct((NCORE * NPAD, 16), jnp.float32),
    ],
    mesh=_mesh,
    scratch_types=[
        pltpu.VMEM((NCHUNK, CHUNK), jnp.int32),
        pltpu.VMEM((NCHUNK, CHUNK), jnp.int32),
        pltpu.VMEM((2, CHUNK, 16), jnp.float32),
        pltpu.VMEM((2, CHUNK, 32), jnp.float32),
        pltpu.VMEM((2, CHUNK, 16), jnp.float32),
        pltpu.VMEM((2, CHUNK, OUT_), jnp.float32),
        pltpu.VMEM_SHARED((NPAD, OUT_), jnp.float32),
        pltpu.VMEM_SHARED((NPAD, 16), jnp.float32),
        pltpu.SemaphoreType.DMA,
        pltpu.SemaphoreType.DMA,
    ],
    compiler_params=_sc_params,
)(_edge2_body)


def _ke_body(a0_ref, a1_ref, s0_ref, s1_ref, b2_ref, out_ref):
    acc = a0_ref[...] + a1_ref[...]
    ssum = s0_ref[...][:, 0:1] + s1_ref[...][:, 0:1]
    out_ref[...] = acc / (ssum + 1e-16) + b2_ref[...]


def _run_ke(a0, a1, s0, s1, b2row):
    blk = lambda r, c: pl.BlockSpec((r, c), lambda i: (i, 0))
    rep = lambda r, c: pl.BlockSpec((r, c), lambda i: (0, 0))
    return pl.pallas_call(
        _ke_body,
        grid=(5,),
        in_specs=[blk(2000, OUT_), blk(2000, OUT_), blk(2000, 16),
                  blk(2000, 16), rep(1, OUT_)],
        out_specs=blk(2000, OUT_),
        out_shape=jax.ShapeDtypeStruct((N_, OUT_), jnp.float32),
    )(a0, a1, s0, s1, b2row)


def kernel(x, edge_index, W1, a_src1, a_dst1, b1, W2, a_src2, a_dst2, b2):
    E = edge_index.shape[1]
    npad_e = EPAD - E - N_
    loop = jnp.arange(N_, dtype=jnp.int32)
    padidx = jnp.full((npad_e,), N_, dtype=jnp.int32)
    def _chunked(a):
        return a.reshape(NCHUNK, NCORE * NTILE, CHUNK).transpose(
            1, 0, 2).reshape(EPAD // CHUNK, CHUNK)
    src = _chunked(jnp.concatenate([edge_index[0], loop, padidx]))
    dst = _chunked(jnp.concatenate([edge_index[1], loop, padidx]))

    xp = jnp.pad(x, ((0, NPAD - N_), (0, 0)))
    rows = jnp.arange(HC1)
    mask = (rows[:, None] // 8 == jnp.arange(H1)[None, :]).astype(jnp.float32)
    msrc = mask * a_src1.reshape(HC1, 1)
    mdst = mask * a_dst1.reshape(HC1, 1)
    erep = mask.T

    ht1, a1b = _run_ka(xp, W1, msrc, mdst)
    acc1, s1 = _edge1(ht1, a1b, src, dst)
    ht2, a2b = _run_kc(acc1, s1, b1.reshape(1, HC1), W2, erep,
                       a_src2.reshape(OUT_, 1), a_dst2.reshape(OUT_, 1))
    acc2, s2 = _edge2(ht2, a2b, src, dst)
    return _run_ke(acc2[:N_], acc2[NPAD:NPAD + N_],
                   s2[:N_], s2[NPAD:NPAD + N_], b2.reshape(1, OUT_))

# --- scband reference (transcript-rebuilt; emitter-appended) ---
"""Pipeline reference for scband-gat-4269197492793 (READ-ONLY COPY).

The authoritative reference and input builder live on the scoring server;
editing this copy changes nothing except your own understanding.
"""

import jax, jax.numpy as jnp
import numpy as np

N = 10000
E = 320000
D = 128
H = 8
C = 8
OUT = 16


def setup_inputs(seed: int = 0) -> dict:
    key = jax.random.key(seed)
    ks = jax.random.split(key, 10)
    x = jax.random.normal(ks[0], (N, D), dtype=jnp.float32)
    edge_index = jax.random.randint(ks[1], (2, E), 0, N, dtype=jnp.int32)
    W1 = jax.random.normal(ks[2], (D, H * C), dtype=jnp.float32) * 0.1
    a_src1 = jax.random.normal(ks[3], (H, C), dtype=jnp.float32) * 0.1
    a_dst1 = jax.random.normal(ks[4], (H, C), dtype=jnp.float32) * 0.1
    b1 = jnp.zeros((H * C,), dtype=jnp.float32)
    W2 = jax.random.normal(ks[5], (H * C, OUT), dtype=jnp.float32) * 0.1
    a_src2 = jax.random.normal(ks[6], (1, OUT), dtype=jnp.float32) * 0.1
    a_dst2 = jax.random.normal(ks[7], (1, OUT), dtype=jnp.float32) * 0.1
    b2 = jnp.zeros((OUT,), dtype=jnp.float32)
    return {"x": x, "edge_index": edge_index, "W1": W1, "a_src1": a_src1,
            "a_dst1": a_dst1, "b1": b1, "W2": W2, "a_src2": a_src2,
            "a_dst2": a_dst2, "b2": b2}


def gat_conv(x, edge_index, W, att_src, att_dst, bias, heads, out_ch, concat):
    n = x.shape[0]
    loop = jnp.arange(n, dtype=edge_index.dtype)
    src = jnp.concatenate([edge_index[0], loop])
    dst = jnp.concatenate([edge_index[1], loop])
    h = (x @ W).reshape(n, heads, out_ch)
    alpha_src = (h * att_src[None, :, :]).sum(-1)  # [n, H]
    alpha_dst = (h * att_dst[None, :, :]).sum(-1)  # [n, H]
    e = alpha_src[src] + alpha_dst[dst]            # [E', H]
    e = jax.nn.leaky_relu(e, negative_slope=0.2)
    m = jax.ops.segment_max(e, dst, num_segments=n)
    m = jax.lax.stop_gradient(m)
    ex = jnp.exp(e - m[dst])
    s = jax.ops.segment_sum(ex, dst, num_segments=n)
    alpha = ex / (s[dst] + 1e-16)                  # softmax over incoming edges
    msg = h[src] * alpha[:, :, None]
    out = jax.ops.segment_sum(msg, dst, num_segments=n)
    if concat:
        out = out.reshape(n, heads * out_ch)
    else:
        out = out.mean(axis=1)
    return out + bias


def reference(x, edge_index, W1, a_src1, a_dst1, b1, W2, a_src2, a_dst2, b2):
    # eval mode: dropout is identity
    h = gat_conv(x, edge_index, W1, a_src1, a_dst1, b1, H, C, True)
    h = jax.nn.elu(h)
    out = gat_conv(h, edge_index, W2, a_src2, a_dst2, b2, 1, OUT, False)
    return out

if __name__ == "__main__":
    import jax
    _d = setup_inputs()
    print(jax.jit(kernel)(*tuple(_d.values())))

</pallas_src>

<mosaic_0001>
#map = affine_map<(d0, d1) -> (0, 0)>
module attributes {stable_mosaic.version = 14 : i64} {
  func.func @_edge2_body(%arg0: i32, %arg1: i32, %arg2: memref<10112x32xf32, #tpu.memory_space<hbm>>, %arg3: memref<10112x16xf32, #tpu.memory_space<hbm>>, %arg4: memref<2624x128xi32, #tpu.memory_space<hbm>>, %arg5: memref<2624x128xi32, #tpu.memory_space<hbm>>, %arg6: memref<20224x16xf32, #tpu.memory_space<hbm>>, %arg7: memref<20224x16xf32, #tpu.memory_space<hbm>>, %arg8: memref<82x128xi32, #tpu.memory_space<vmem>>, %arg9: memref<82x128xi32, #tpu.memory_space<vmem>>, %arg10: memref<2x128x16xf32, #tpu.memory_space<vmem>>, %arg11: memref<2x128x32xf32, #tpu.memory_space<vmem>>, %arg12: memref<2x128x16xf32, #tpu.memory_space<vmem>>, %arg13: memref<2x128x16xf32, #tpu.memory_space<vmem>>, %arg14: memref<10112x16xf32, #tpu.memory_space<vmem_shared>>, %arg15: memref<10112x16xf32, #tpu.memory_space<vmem_shared>>, %arg16: memref<!tpu.dma_semaphore, #tpu.memory_space<semaphore_mem>>, %arg17: memref<!tpu.dma_semaphore, #tpu.memory_space<semaphore_mem>>) attributes {dimension_semantics = [#tpu.dimension_semantics<core_parallel>, #tpu.dimension_semantics<subcore_parallel>], iteration_bounds = array<i64: 2, 16>, scalar_prefetch = 0 : i64, scratch_operands = 10 : i64, tpu.core_type = #tpu.core_type<sc_vector_subcore>, window_params = [{transform_indices = #map}, {transform_indices = #map}, {transform_indices = #map}, {transform_indices = #map}, {transform_indices = #map}, {transform_indices = #map}]} {
    %mul3A = arith.constant 16 : i32
    %mul3A_0 = arith.muli %arg0, %mul3A : i32
    %add3A = arith.addi %mul3A_0, %arg1 : i32
    %broadcast_in_dim3A = arith.constant 0.000000e+00 : f32
    %broadcast_in_dim3A_1 = vector.broadcast %broadcast_in_dim3A : f32 to vector<16xf32>
    %scan3A = arith.constant 0 : i32
    %scan3A_2 = arith.constant 0 : i32
    %scan3A_3 = arith.constant 128 : i32
    %scan3A_4 = arith.addi %scan3A_2, %scan3A_3 : i32
    %scan3A_5 = arith.constant 1 : i32
    scf.for %scan3A_149 = %scan3A_2 to %scan3A_4 step %scan3A_5  : i32 {
      %swap3A = arith.constant 0 : i32
      %swap3A_150 = arith.index_cast %swap3A : i32 to index
      %swap3A_151 = arith.index_cast %scan3A_149 : i32 to index
      %swap3A_152 = arith.constant 0 : index
      %swap3A_153 = tpu.vector_load %arg12[%swap3A_150, %swap3A_151, %swap3A_152] {strides = array<i32>} : memref<2x128x16xf32, #tpu.memory_space<vmem>>, vector<16xf32>,
      tpu.vector_store %arg12[%swap3A_150, %swap3A_151, %swap3A_152], %broadcast_in_dim3A_1 {strides = array<i32>} : memref<2x128x16xf32, #tpu.memory_space<vmem>>, vector<16xf32>,
      %swap3A_154 = arith.constant 0 : i32
      %swap3A_155 = arith.index_cast %swap3A_154 : i32 to index
      %swap3A_156 = arith.index_cast %scan3A_149 : i32 to index
      %swap3A_157 = arith.constant 0 : index
      %swap3A_158 = tpu.vector_load %arg13[%swap3A_155, %swap3A_156, %swap3A_157] {strides = array<i32>} : memref<2x128x16xf32, #tpu.memory_space<vmem>>, vector<16xf32>,
      tpu.vector_store %arg13[%swap3A_155, %swap3A_156, %swap3A_157], %broadcast_in_dim3A_1 {strides = array<i32>} : memref<2x128x16xf32, #tpu.memory_space<vmem>>, vector<16xf32>,
    }
    %scan3A_6 = arith.constant 128 : i32
    %mul3A_7 = arith.constant 632 : i32
    %mul3A_8 = arith.muli %arg1, %mul3A_7 : i32
    %add3A_9 = arith.constant 0 : i32
    %add3A_10 = arith.addi %mul3A_8, %add3A_9 : i32
    %run_scoped3A = arith.constant 0 : i32
    "tpu.region"() ({
      %run_scoped3A_149 = tpu.sem_alloc : memref<!tpu.dma_semaphore, #tpu.memory_space<semaphore_mem>>
      %dma_start3A_150 = arith.constant 0 : i32
      %dma_start3A_151 = arith.constant 0 : i32
      %dma_start3A_152 = tpu.memref_slice %arg13[%run_scoped3A, %dma_start3A_150, %dma_start3A_151] : memref<2x128x16xf32, #tpu.memory_space<vmem>> -> memref<1x128x16xf32, #tpu.memory_space<vmem>>
      %dma_start3A_153 = tpu.memref_squeeze %dma_start3A_152 : memref<1x128x16xf32, #tpu.memory_space<vmem>> -> memref<128x16xf32, #tpu.memory_space<vmem>>
      %dma_start3A_154 = arith.constant 0 : i32
      %dma_start3A_155 = tpu.memref_slice %arg14[%add3A_10, %dma_start3A_154] : memref<10112x16xf32, #tpu.memory_space<vmem_shared>> -> memref<128x16xf32, #tpu.memory_space<vmem_shared>>
      %dma_start3A_156 = arith.constant 0 : i32
      %dma_start3A_157 = tpu.memref_slice %arg14[%add3A_10, %dma_start3A_156] : memref<10112x16xf32, #tpu.memory_space<vmem_shared>> -> memref<128x16xf32, #tpu.memory_space<vmem_shared>>
      %dma_start3A_158 = arith.constant 0 : i32
      %dma_start3A_159 = arith.constant 0 : i32
      %dma_start3A_160 = tpu.memref_slice %arg13[%run_scoped3A, %dma_start3A_158, %dma_start3A_159] : memref<2x128x16xf32, #tpu.memory_space<vmem>> -> memref<1x128x16xf32, #tpu.memory_space<vmem>>
      %dma_start3A_161 = tpu.memref_squeeze %dma_start3A_160 : memref<1x128x16xf32, #tpu.memory_space<vmem>> -> memref<128x16xf32, #tpu.memory_space<vmem>>
      tpu.enqueue_dma source(%dma_start3A_161 : memref<128x16xf32, #tpu.memory_space<vmem>>) target(%dma_start3A_157 : memref<128x16xf32, #tpu.memory_space<vmem_shared>>) target_semaphore(%run_scoped3A_149 : memref<!tpu.dma_semaphore, #tpu.memory_space<semaphore_mem>>)
      %dma_wait3A_162 = arith.constant 0 : i32
      %dma_wait3A_163 = arith.constant 0 : i32
      %dma_wait3A_164 = tpu.memref_slice %arg13[%run_scoped3A, %dma_wait3A_162, %dma_wait3A_163] : memref<2x128x16xf32, #tpu.memory_space<vmem>> -> memref<1x128x16xf32, #tpu.memory_space<vmem>>
      %dma_wait3A_165 = tpu.memref_squeeze %dma_wait3A_164 : memref<1x128x16xf32, #tpu.memory_space<vmem>> -> memref<128x16xf32, #tpu.memory_space<vmem>>
      %dma_wait3A_166 = arith.constant 0 : i32
      %dma_wait3A_167 = tpu.memref_slice %arg14[%add3A_10, %dma_wait3A_166] : memref<10112x16xf32, #tpu.memory_space<vmem_shared>> -> memref<128x16xf32, #tpu.memory_space<vmem_shared>>
      %dma_wait3A_168 = arith.constant 0 : i32
      %dma_wait3A_169 = tpu.memref_slice %arg14[%add3A_10, %dma_wait3A_168] : memref<10112x16xf32, #tpu.memory_space<vmem_shared>> -> memref<128x16xf32, #tpu.memory_space<vmem_shared>>
      %dma_wait3A_170 = arith.constant 0 : i32
      %dma_wait3A_171 = arith.constant 0 : i32
      %dma_wait3A_172 = tpu.memref_slice %arg13[%run_scoped3A, %dma_wait3A_170, %dma_wait3A_171] : memref<2x128x16xf32, #tpu.memory_space<vmem>> -> memref<1x128x16xf32, #tpu.memory_space<vmem>>
      %dma_wait3A_173 = tpu.memref_squeeze %dma_wait3A_172 : memref<1x128x16xf32, #tpu.memory_space<vmem>> -> memref<128x16xf32, #tpu.memory_space<vmem>>
      tpu.wait_dma2 semaphore(%run_scoped3A_149 : memref<!tpu.dma_semaphore, #tpu.memory_space<semaphore_mem>>) src(%dma_wait3A_173 : memref<128x16xf32, #tpu.memory_space<vmem>>) dst(%dma_wait3A_169 : memref<128x16xf32, #tpu.memory_space<vmem_shared>>)
      tpu.yield
    }) : () -> ()
    %add3A_11 = arith.constant 0 : i32
    %add3A_12 = arith.addi %mul3A_8, %add3A_11 : i32
    %run_scoped3A_13 = arith.constant 0 : i32
    "tpu.region"() ({
      %run_scoped3A_149 = tpu.sem_alloc : memref<!tpu.dma_semaphore, #tpu.memory_space<semaphore_mem>>
      %dma_start3A_150 = arith.constant 0 : i32
      %dma_start3A_151 = arith.constant 0 : i32
      %dma_start3A_152 = tpu.memref_slice %arg12[%run_scoped3A_13, %dma_start3A_150, %dma_start3A_151] : memref<2x128x16xf32, #tpu.memory_space<vmem>> -> memref<1x128x16xf32, #tpu.memory_space<vmem>>
      %dma_start3A_153 = tpu.memref_squeeze %dma_start3A_152 : memref<1x128x16xf32, #tpu.memory_space<vmem>> -> memref<128x16xf32, #tpu.memory_space<vmem>>
      %dma_start3A_154 = arith.constant 0 : i32
      %dma_start3A_155 = tpu.memref_slice %arg15[%add3A_12, %dma_start3A_154] : memref<10112x16xf32, #tpu.memory_space<vmem_shared>> -> memref<128x16xf32, #tpu.memory_space<vmem_shared>>
      %dma_start3A_156 = arith.constant 0 : i32
      %dma_start3A_157 = tpu.memref_slice %arg15[%add3A_12, %dma_start3A_156] : memref<10112x16xf32, #tpu.memory_space<vmem_shared>> -> memref<128x16xf32, #tpu.memory_space<vmem_shared>>
      %dma_start3A_158 = arith.constant 0 : i32
      %dma_start3A_159 = arith.constant 0 : i32
      %dma_start3A_160 = tpu.memref_slice %arg12[%run_scoped3A_13, %dma_start3A_158, %dma_start3A_159] : memref<2x128x16xf32, #tpu.memory_space<vmem>> -> memref<1x128x16xf32, #tpu.memory_space<vmem>>
      %dma_start3A_161 = tpu.memref_squeeze %dma_start3A_160 : memref<1x128x16xf32, #tpu.memory_space<vmem>> -> memref<128x16xf32, #tpu.memory_space<vmem>>
      tpu.enqueue_dma source(%dma_start3A_161 : memref<128x16xf32, #tpu.memory_space<vmem>>) target(%dma_start3A_157 : memref<128x16xf32, #tpu.memory_space<vmem_shared>>) target_semaphore(%run_scoped3A_149 : memref<!tpu.dma_semaphore, #tpu.memory_space<semaphore_mem>>)
      %dma_wait3A_162 = arith.constant 0 : i32
      %dma_wait3A_163 = arith.constant 0 : i32
      %dma_wait3A_164 = tpu.memref_slice %arg12[%run_scoped3A_13, %dma_wait3A_162, %dma_wait3A_163] : memref<2x128x16xf32, #tpu.memory_space<vmem>> -> memref<1x128x16xf32, #tpu.memory_space<vmem>>
      %dma_wait3A_165 = tpu.memref_squeeze %dma_wait3A_164 : memref<1x128x16xf32, #tpu.memory_space<vmem>> -> memref<128x16xf32, #tpu.memory_space<vmem>>
      %dma_wait3A_166 = arith.constant 0 : i32
      %dma_wait3A_167 = tpu.memref_slice %arg15[%add3A_12, %dma_wait3A_166] : memref<10112x16xf32, #tpu.memory_space<vmem_shared>> -> memref<128x16xf32, #tpu.memory_space<vmem_shared>>
      %dma_wait3A_168 = arith.constant 0 : i32
      %dma_wait3A_169 = tpu.memref_slice %arg15[%add3A_12, %dma_wait3A_168] : memref<10112x16xf32, #tpu.memory_space<vmem_shared>> -> memref<128x16xf32, #tpu.memory_space<vmem_shared>>
      %dma_wait3A_170 = arith.constant 0 : i32
      %dma_wait3A_171 = arith.constant 0 : i32
      %dma_wait3A_172 = tpu.memref_slice %arg12[%run_scoped3A_13, %dma_wait3A_170, %dma_wait3A_171] : memref<2x128x16xf32, #tpu.memory_space<vmem>> -> memref<1x128x16xf32, #tpu.memory_space<vmem>>
      %dma_wait3A_173 = tpu.memref_squeeze %dma_wait3A_172 : memref<1x128x16xf32, #tpu.memory_space<vmem>> -> memref<128x16xf32, #tpu.memory_space<vmem>>
      tpu.wait_dma2 semaphore(%run_scoped3A_149 : memref<!tpu.dma_semaphore, #tpu.memory_space<semaphore_mem>>) src(%dma_wait3A_173 : memref<128x16xf32, #tpu.memory_space<vmem>>) dst(%dma_wait3A_169 : memref<128x16xf32, #tpu.memory_space<vmem_shared>>)
      tpu.yield
    }) : () -> ()
    %add3A_14 = arith.constant 128 : i32
    %add3A_15 = arith.addi %mul3A_8, %add3A_14 : i32
    %run_scoped3A_16 = arith.constant 0 : i32
    "tpu.region"() ({
      %run_scoped3A_149 = tpu.sem_alloc : memref<!tpu.dma_semaphore, #tpu.memory_space<semaphore_mem>>
      %dma_start3A_150 = arith.constant 0 : i32
      %dma_start3A_151 = arith.constant 0 : i32
      %dma_start3A_152 = tpu.memref_slice %arg13[%run_scoped3A_16, %dma_start3A_150, %dma_start3A_151] : memref<2x128x16xf32, #tpu.memory_space<vmem>> -> memref<1x128x16xf32, #tpu.memory_space<vmem>>
      %dma_start3A_153 = tpu.memref_squeeze %dma_start3A_152 : memref<1x128x16xf32, #tpu.memory_space<vmem>> -> memref<128x16xf32, #tpu.memory_space<vmem>>
      %dma_start3A_154 = arith.constant 0 : i32
      %dma_start3A_155 = tpu.memref_slice %arg14[%add3A_15, %dma_start3A_154] : memref<10112x16xf32, #tpu.memory_space<vmem_shared>> -> memref<128x16xf32, #tpu.memory_space<vmem_shared>>
      %dma_start3A_156 = arith.constant 0 : i32
      %dma_start3A_157 = tpu.memref_slice %arg14[%add3A_15, %dma_start3A_156] : memref<10112x16xf32, #tpu.memory_space<vmem_shared>> -> memref<128x16xf32, #tpu.memory_space<vmem_shared>>
      %dma_start3A_158 = arith.constant 0 : i32
      %dma_start3A_159 = arith.constant 0 : i32
      %dma_start3A_160 = tpu.memref_slice %arg13[%run_scoped3A_16, %dma_start3A_158, %dma_start3A_159] : memref<2x128x16xf32, #tpu.memory_space<vmem>> -> memref<1x128x16xf32, #tpu.memory_space<vmem>>
      %dma_start3A_161 = tpu.memref_squeeze %dma_start3A_160 : memref<1x128x16xf32, #tpu.memory_space<vmem>> -> memref<128x16xf32, #tpu.memory_space<vmem>>
      tpu.enqueue_dma source(%dma_start3A_161 : memref<128x16xf32, #tpu.memory_space<vmem>>) target(%dma_start3A_157 : memref<128x16xf32, #tpu.memory_space<vmem_shared>>) target_semaphore(%run_scoped3A_149 : memref<!tpu.dma_semaphore, #tpu.memory_space<semaphore_mem>>)
      %dma_wait3A_162 = arith.constant 0 : i32
      %dma_wait3A_163 = arith.constant 0 : i32
      %dma_wait3A_164 = tpu.memref_slice %arg13[%run_scoped3A_16, %dma_wait3A_162, %dma_wait3A_163] : memref<2x128x16xf32, #tpu.memory_space<vmem>> -> memref<1x128x16xf32, #tpu.memory_space<vmem>>
      %dma_wait3A_165 = tpu.memref_squeeze %dma_wait3A_164 : memref<1x128x16xf32, #tpu.memory_space<vmem>> -> memref<128x16xf32, #tpu.memory_space<vmem>>
      %dma_wait3A_166 = arith.constant 0 : i32
      %dma_wait3A_167 = tpu.memref_slice %arg14[%add3A_15, %dma_wait3A_166] : memref<10112x16xf32, #tpu.memory_space<vmem_shared>> -> memref<128x16xf32, #tpu.memory_space<vmem_shared>>
      %dma_wait3A_168 = arith.constant 0 : i32
      %dma_wait3A_169 = tpu.memref_slice %arg14[%add3A_15, %dma_wait3A_168] : memref<10112x16xf32, #tpu.memory_space<vmem_shared>> -> memref<128x16xf32, #tpu.memory_space<vmem_shared>>
      %dma_wait3A_170 = arith.constant 0 : i32
      %dma_wait3A_171 = arith.constant 0 : i32
      %dma_wait3A_172 = tpu.memref_slice %arg13[%run_scoped3A_16, %dma_wait3A_170, %dma_wait3A_171] : memref<2x128x16xf32, #tpu.memory_space<vmem>> -> memref<1x128x16xf32, #tpu.memory_space<vmem>>
      %dma_wait3A_173 = tpu.memref_squeeze %dma_wait3A_172 : memref<1x128x16xf32, #tpu.memory_space<vmem>> -> memref<128x16xf32, #tpu.memory_space<vmem>>
      tpu.wait_dma2 semaphore(%run_scoped3A_149 : memref<!tpu.dma_semaphore, #tpu.memory_space<semaphore_mem>>) src(%dma_wait3A_173 : memref<128x16xf32, #tpu.memory_space<vmem>>) dst(%dma_wait3A_169 : memref<128x16xf32, #tpu.memory_space<vmem_shared>>)
      tpu.yield
    }) : () -> ()
    %add3A_17 = arith.constant 128 : i32
    %add3A_18 = arith.addi %mul3A_8, %add3A_17 : i32
    %run_scoped3A_19 = arith.constant 0 : i32
    "tpu.region"() ({
      %run_scoped3A_149 = tpu.sem_alloc : memref<!tpu.dma_semaphore, #tpu.memory_space<semaphore_mem>>
      %dma_start3A_150 = arith.constant 0 : i32
      %dma_start3A_151 = arith.constant 0 : i32
      %dma_start3A_152 = tpu.memref_slice %arg12[%run_scoped3A_19, %dma_start3A_150, %dma_start3A_151] : memref<2x128x16xf32, #tpu.memory_space<vmem>> -> memref<1x128x16xf32, #tpu.memory_space<vmem>>
      %dma_start3A_153 = tpu.memref_squeeze %dma_start3A_152 : memref<1x128x16xf32, #tpu.memory_space<vmem>> -> memref<128x16xf32, #tpu.memory_space<vmem>>
      %dma_start3A_154 = arith.constant 0 : i32
      %dma_start3A_155 = tpu.memref_slice %arg15[%add3A_18, %dma_start3A_154] : memref<10112x16xf32, #tpu.memory_space<vmem_shared>> -> memref<128x16xf32, #tpu.memory_space<vmem_shared>>
      %dma_start3A_156 = arith.constant 0 : i32
      %dma_start3A_157 = tpu.memref_slice %arg15[%add3A_18, %dma_start3A_156] : memref<10112x16xf32, #tpu.memory_space<vmem_shared>> -> memref<128x16xf32, #tpu.memory_space<vmem_shared>>
      %dma_start3A_158 = arith.constant 0 : i32
      %dma_start3A_159 = arith.constant 0 : i32
      %dma_start3A_160 = tpu.memref_slice %arg12[%run_scoped3A_19, %dma_start3A_158, %dma_start3A_159] : memref<2x128x16xf32, #tpu.memory_space<vmem>> -> memref<1x128x16xf32, #tpu.memory_space<vmem>>
      %dma_start3A_161 = tpu.memref_squeeze %dma_start3A_160 : memref<1x128x16xf32, #tpu.memory_space<vmem>> -> memref<128x16xf32, #tpu.memory_space<vmem>>
      tpu.enqueue_dma source(%dma_start3A_161 : memref<128x16xf32, #tpu.memory_space<vmem>>) target(%dma_start3A_157 : memref<128x16xf32, #tpu.memory_space<vmem_shared>>) target_semaphore(%run_scoped3A_149 : memref<!tpu.dma_semaphore, #tpu.memory_space<semaphore_mem>>)
      %dma_wait3A_162 = arith.constant 0 : i32
      %dma_wait3A_163 = arith.constant 0 : i32
      %dma_wait3A_164 = tpu.memref_slice %arg12[%run_scoped3A_19, %dma_wait3A_162, %dma_wait3A_163] : memref<2x128x16xf32, #tpu.memory_space<vmem>> -> memref<1x128x16xf32, #tpu.memory_space<vmem>>
      %dma_wait3A_165 = tpu.memref_squeeze %dma_wait3A_164 : memref<1x128x16xf32, #tpu.memory_space<vmem>> -> memref<128x16xf32, #tpu.memory_space<vmem>>
      %dma_wait3A_166 = arith.constant 0 : i32
      %dma_wait3A_167 = tpu.memref_slice %arg15[%add3A_18, %dma_wait3A_166] : memref<10112x16xf32, #tpu.memory_space<vmem_shared>> -> memref<128x16xf32, #tpu.memory_space<vmem_shared>>
      %dma_wait3A_168 = arith.constant 0 : i32
      %dma_wait3A_169 = tpu.memref_slice %arg15[%add3A_18, %dma_wait3A_168] : memref<10112x16xf32, #tpu.memory_space<vmem_shared>> -> memref<128x16xf32, #tpu.memory_space<vmem_shared>>
      %dma_wait3A_170 = arith.constant 0 : i32
      %dma_wait3A_171 = arith.constant 0 : i32
      %dma_wait3A_172 = tpu.memref_slice %arg12[%run_scoped3A_19, %dma_wait3A_170, %dma_wait3A_171] : memref<2x128x16xf32, #tpu.memory_space<vmem>> -> memref<1x128x16xf32, #tpu.memory_space<vmem>>
      %dma_wait3A_173 = tpu.memref_squeeze %dma_wait3A_172 : memref<1x128x16xf32, #tpu.memory_space<vmem>> -> memref<128x16xf32, #tpu.memory_space<vmem>>
      tpu.wait_dma2 semaphore(%run_scoped3A_149 : memref<!tpu.dma_semaphore, #tpu.memory_space<semaphore_mem>>) src(%dma_wait3A_173 : memref<128x16xf32, #tpu.memory_space<vmem>>) dst(%dma_wait3A_169 : memref<128x16xf32, #tpu.memory_space<vmem_shared>>)
      tpu.yield
    }) : () -> ()
    %add3A_20 = arith.constant 256 : i32
    %add3A_21 = arith.addi %mul3A_8, %add3A_20 : i32
    %run_scoped3A_22 = arith.constant 0 : i32
    "tpu.region"() ({
      %run_scoped3A_149 = tpu.sem_alloc : memref<!tpu.dma_semaphore, #tpu.memory_space<semaphore_mem>>
      %dma_start3A_150 = arith.constant 0 : i32
      %dma_start3A_151 = arith.constant 0 : i32
      %dma_start3A_152 = tpu.memref_slice %arg13[%run_scoped3A_22, %dma_start3A_150, %dma_start3A_151] : memref<2x128x16xf32, #tpu.memory_space<vmem>> -> memref<1x128x16xf32, #tpu.memory_space<vmem>>
      %dma_start3A_153 = tpu.memref_squeeze %dma_start3A_152 : memref<1x128x16xf32, #tpu.memory_space<vmem>> -> memref<128x16xf32, #tpu.memory_space<vmem>>
      %dma_start3A_154 = arith.constant 0 : i32
      %dma_start3A_155 = tpu.memref_slice %arg14[%add3A_21, %dma_start3A_154] : memref<10112x16xf32, #tpu.memory_space<vmem_shared>> -> memref<128x16xf32, #tpu.memory_space<vmem_shared>>
      %dma_start3A_156 = arith.constant 0 : i32
      %dma_start3A_157 = tpu.memref_slice %arg14[%add3A_21, %dma_start3A_156] : memref<10112x16xf32, #tpu.memory_space<vmem_shared>> -> memref<128x16xf32, #tpu.memory_space<vmem_shared>>
      %dma_start3A_158 = arith.constant 0 : i32
      %dma_start3A_159 = arith.constant 0 : i32
      %dma_start3A_160 = tpu.memref_slice %arg13[%run_scoped3A_22, %dma_start3A_158, %dma_start3A_159] : memref<2x128x16xf32, #tpu.memory_space<vmem>> -> memref<1x128x16xf32, #tpu.memory_space<vmem>>
      %dma_start3A_161 = tpu.memref_squeeze %dma_start3A_160 : memref<1x128x16xf32, #tpu.memory_space<vmem>> -> memref<128x16xf32, #tpu.memory_space<vmem>>
      tpu.enqueue_dma source(%dma_start3A_161 : memref<128x16xf32, #tpu.memory_space<vmem>>) target(%dma_start3A_157 : memref<128x16xf32, #tpu.memory_space<vmem_shared>>) target_semaphore(%run_scoped3A_149 : memref<!tpu.dma_semaphore, #tpu.memory_space<semaphore_mem>>)
      %dma_wait3A_162 = arith.constant 0 : i32
      %dma_wait3A_163 = arith.constant 0 : i32
      %dma_wait3A_164 = tpu.memref_slice %arg13[%run_scoped3A_22, %dma_wait3A_162, %dma_wait3A_163] : memref<2x128x16xf32, #tpu.memory_space<vmem>> -> memref<1x128x16xf32, #tpu.memory_space<vmem>>
      %dma_wait3A_165 = tpu.memref_squeeze %dma_wait3A_164 : memref<1x128x16xf32, #tpu.memory_space<vmem>> -> memref<128x16xf32, #tpu.memory_space<vmem>>
      %dma_wait3A_166 = arith.constant 0 : i32
      %dma_wait3A_167 = tpu.memref_slice %arg14[%add3A_21, %dma_wait3A_166] : memref<10112x16xf32, #tpu.memory_space<vmem_shared>> -> memref<128x16xf32, #tpu.memory_space<vmem_shared>>
      %dma_wait3A_168 = arith.constant 0 : i32
      %dma_wait3A_169 = tpu.memref_slice %arg14[%add3A_21, %dma_wait3A_168] : memref<10112x16xf32, #tpu.memory_space<vmem_shared>> -> memref<128x16xf32, #tpu.memory_space<vmem_shared>>
      %dma_wait3A_170 = arith.constant 0 : i32
      %dma_wait3A_171 = arith.constant 0 : i32
      %dma_wait3A_172 = tpu.memref_slice %arg13[%run_scoped3A_22, %dma_wait3A_170, %dma_wait3A_171] : memref<2x128x16xf32, #tpu.memory_space<vmem>> -> memref<1x128x16xf32, #tpu.memory_space<vmem>>
      %dma_wait3A_173 = tpu.memref_squeeze %dma_wait3A_172 : memref<1x128x16xf32, #tpu.memory_space<vmem>> -> memref<128x16xf32, #tpu.memory_space<vmem>>
      tpu.wait_dma2 semaphore(%run_scoped3A_149 : memref<!tpu.dma_semaphore, #tpu.memory_space<semaphore_mem>>) src(%dma_wait3A_173 : memref<128x16xf32, #tpu.memory_space<vmem>>) dst(%dma_wait3A_169 : memref<128x16xf32, #tpu.memory_space<vmem_shared>>)
      tpu.yield
    }) : () -> ()
    %add3A_23 = arith.constant 256 : i32
    %add3A_24 = arith.addi %mul3A_8, %add3A_23 : i32
    %run_scoped3A_25 = arith.constant 0 : i32
    "tpu.region"() ({
      %run_scoped3A_149 = tpu.sem_alloc : memref<!tpu.dma_semaphore, #tpu.memory_space<semaphore_mem>>
      %dma_start3A_150 = arith.constant 0 : i32
      %dma_start3A_151 = arith.constant 0 : i32
      %dma_start3A_152 = tpu.memref_slice %arg12[%run_scoped3A_25, %dma_start3A_150, %dma_start3A_151] : memref<2x128x16xf32, #tpu.memory_space<vmem>> -> memref<1x128x16xf32, #tpu.memory_space<vmem>>
      %dma_start3A_153 = tpu.memref_squeeze %dma_start3A_152 : memref<1x128x16xf32, #tpu.memory_space<vmem>> -> memref<128x16xf32, #tpu.memory_space<vmem>>
      %dma_start3A_154 = arith.constant 0 : i32
      %dma_start3A_155 = tpu.memref_slice %arg15[%add3A_24, %dma_start3A_154] : memref<10112x16xf32, #tpu.memory_space<vmem_shared>> -> memref<128x16xf32, #tpu.memory_space<vmem_shared>>
      %dma_start3A_156 = arith.constant 0 : i32
      %dma_start3A_157 = tpu.memref_slice %arg15[%add3A_24, %dma_start3A_156] : memref<10112x16xf32, #tpu.memory_space<vmem_shared>> -> memref<128x16xf32, #tpu.memory_space<vmem_shared>>
      %dma_start3A_158 = arith.constant 0 : i32
      %dma_start3A_159 = arith.constant 0 : i32
      %dma_start3A_160 = tpu.memref_slice %arg12[%run_scoped3A_25, %dma_start3A_158, %dma_start3A_159] : memref<2x128x16xf32, #tpu.memory_space<vmem>> -> memref<1x128x16xf32, #tpu.memory_space<vmem>>
      %dma_start3A_161 = tpu.memref_squeeze %dma_start3A_160 : memref<1x128x16xf32, #tpu.memory_space<vmem>> -> memref<128x16xf32, #tpu.memory_space<vmem>>
      tpu.enqueue_dma source(%dma_start3A_161 : memref<128x16xf32, #tpu.memory_space<vmem>>) target(%dma_start3A_157 : memref<128x16xf32, #tpu.memory_space<vmem_shared>>) target_semaphore(%run_scoped3A_149 : memref<!tpu.dma_semaphore, #tpu.memory_space<semaphore_mem>>)
      %dma_wait3A_162 = arith.constant 0 : i32
      %dma_wait3A_163 = arith.constant 0 : i32
      %dma_wait3A_164 = tpu.memref_slice %arg12[%run_scoped3A_25, %dma_wait3A_162, %dma_wait3A_163] : memref<2x128x16xf32, #tpu.memory_space<vmem>> -> memref<1x128x16xf32, #tpu.memory_space<vmem>>
      %dma_wait3A_165 = tpu.memref_squeeze %dma_wait3A_164 : memref<1x128x16xf32, #tpu.memory_space<vmem>> -> memref<128x16xf32, #tpu.memory_space<vmem>>
      %dma_wait3A_166 = arith.constant 0 : i32
      %dma_wait3A_167 = tpu.memref_slice %arg15[%add3A_24, %dma_wait3A_166] : memref<10112x16xf32, #tpu.memory_space<vmem_shared>> -> memref<128x16xf32, #tpu.memory_space<vmem_shared>>
      %dma_wait3A_168 = arith.constant 0 : i32
      %dma_wait3A_169 = tpu.memref_slice %arg15[%add3A_24, %dma_wait3A_168] : memref<10112x16xf32, #tpu.memory_space<vmem_shared>> -> memref<128x16xf32, #tpu.memory_space<vmem_shared>>
      %dma_wait3A_170 = arith.constant 0 : i32
      %dma_wait3A_171 = arith.constant 0 : i32
      %dma_wait3A_172 = tpu.memref_slice %arg12[%run_scoped3A_25, %dma_wait3A_170, %dma_wait3A_171] : memref<2x128x16xf32, #tpu.memory_space<vmem>> -> memref<1x128x16xf32, #tpu.memory_space<vmem>>
      %dma_wait3A_173 = tpu.memref_squeeze %dma_wait3A_172 : memref<1x128x16xf32, #tpu.memory_space<vmem>> -> memref<128x16xf32, #tpu.memory_space<vmem>>
      tpu.wait_dma2 semaphore(%run_scoped3A_149 : memref<!tpu.dma_semaphore, #tpu.memory_space<semaphore_mem>>) src(%dma_wait3A_173 : memref<128x16xf32, #tpu.memory_space<vmem>>) dst(%dma_wait3A_169 : memref<128x16xf32, #tpu.memory_space<vmem_shared>>)
      tpu.yield
    }) : () -> ()
    %add3A_26 = arith.constant 384 : i32
    %add3A_27 = arith.addi %mul3A_8, %add3A_26 : i32
    %run_scoped3A_28 = arith.constant 0 : i32
    "tpu.region"() ({
      %run_scoped3A_149 = tpu.sem_alloc : memref<!tpu.dma_semaphore, #tpu.memory_space<semaphore_mem>>
      %dma_start3A_150 = arith.constant 0 : i32
      %dma_start3A_151 = arith.constant 0 : i32
      %dma_start3A_152 = tpu.memref_slice %arg13[%run_scoped3A_28, %dma_start3A_150, %dma_start3A_151] : memref<2x128x16xf32, #tpu.memory_space<vmem>> -> memref<1x128x16xf32, #tpu.memory_space<vmem>>
      %dma_start3A_153 = tpu.memref_squeeze %dma_start3A_152 : memref<1x128x16xf32, #tpu.memory_space<vmem>> -> memref<128x16xf32, #tpu.memory_space<vmem>>
      %dma_start3A_154 = arith.constant 0 : i32
      %dma_start3A_155 = tpu.memref_slice %arg14[%add3A_27, %dma_start3A_154] : memref<10112x16xf32, #tpu.memory_space<vmem_shared>> -> memref<128x16xf32, #tpu.memory_space<vmem_shared>>
      %dma_start3A_156 = arith.constant 0 : i32
      %dma_start3A_157 = tpu.memref_slice %arg14[%add3A_27, %dma_start3A_156] : memref<10112x16xf32, #tpu.memory_space<vmem_shared>> -> memref<128x16xf32, #tpu.memory_space<vmem_shared>>
      %dma_start3A_158 = arith.constant 0 : i32
      %dma_start3A_159 = arith.constant 0 : i32
      %dma_start3A_160 = tpu.memref_slice %arg13[%run_scoped3A_28, %dma_start3A_158, %dma_start3A_159] : memref<2x128x16xf32, #tpu.memory_space<vmem>> -> memref<1x128x16xf32, #tpu.memory_space<vmem>>
      %dma_start3A_161 = tpu.memref_squeeze %dma_start3A_160 : memref<1x128x16xf32, #tpu.memory_space<vmem>> -> memref<128x16xf32, #tpu.memory_space<vmem>>
      tpu.enqueue_dma source(%dma_start3A_161 : memref<128x16xf32, #tpu.memory_space<vmem>>) target(%dma_start3A_157 : memref<128x16xf32, #tpu.memory_space<vmem_shared>>) target_semaphore(%run_scoped3A_149 : memref<!tpu.dma_semaphore, #tpu.memory_space<semaphore_mem>>)
      %dma_wait3A_162 = arith.constant 0 : i32
      %dma_wait3A_163 = arith.constant 0 : i32
      %dma_wait3A_164 = tpu.memref_slice %arg13[%run_scoped3A_28, %dma_wait3A_162, %dma_wait3A_163] : memref<2x128x16xf32, #tpu.memory_space<vmem>> -> memref<1x128x16xf32, #tpu.memory_space<vmem>>
      %dma_wait3A_165 = tpu.memref_squeeze %dma_wait3A_164 : memref<1x128x16xf32, #tpu.memory_space<vmem>> -> memref<128x16xf32, #tpu.memory_space<vmem>>
      %dma_wait3A_166 = arith.constant 0 : i32
      %dma_wait3A_167 = tpu.memref_slice %arg14[%add3A_27, %dma_wait3A_166] : memref<10112x16xf32, #tpu.memory_space<vmem_shared>> -> memref<128x16xf32, #tpu.memory_space<vmem_shared>>
      %dma_wait3A_168 = arith.constant 0 : i32
      %dma_wait3A_169 = tpu.memref_slice %arg14[%add3A_27, %dma_wait3A_168] : memref<10112x16xf32, #tpu.memory_space<vmem_shared>> -> memref<128x16xf32, #tpu.memory_space<vmem_shared>>
      %dma_wait3A_170 = arith.constant 0 : i32
      %dma_wait3A_171 = arith.constant 0 : i32
      %dma_wait3A_172 = tpu.memref_slice %arg13[%run_scoped3A_28, %dma_wait3A_170, %dma_wait3A_171] : memref<2x128x16xf32, #tpu.memory_space<vmem>> -> memref<1x128x16xf32, #tpu.memory_space<vmem>>
      %dma_wait3A_173 = tpu.memref_squeeze %dma_wait3A_172 : memref<1x128x16xf32, #tpu.memory_space<vmem>> -> memref<128x16xf32, #tpu.memory_space<vmem>>
      tpu.wait_dma2 semaphore(%run_scoped3A_149 : memref<!tpu.dma_semaphore, #tpu.memory_space<semaphore_mem>>) src(%dma_wait3A_173 : memref<128x16xf32, #tpu.memory_space<vmem>>) dst(%dma_wait3A_169 : memref<128x16xf32, #tpu.memory_space<vmem_shared>>)
      tpu.yield
    }) : () -> ()
    %add3A_29 = arith.constant 384 : i32
    %add3A_30 = arith.addi %mul3A_8, %add3A_29 : i32
    %run_scoped3A_31 = arith.constant 0 : i32
    "tpu.region"() ({
      %run_scoped3A_149 = tpu.sem_alloc : memref<!tpu.dma_semaphore, #tpu.memory_space<semaphore_mem>>
      %dma_start3A_150 = arith.constant 0 : i32
      %dma_start3A_151 = arith.constant 0 : i32
      %dma_start3A_152 = tpu.memref_slice %arg12[%run_scoped3A_31, %dma_start3A_150, %dma_start3A_151] : memref<2x128x16xf32, #tpu.memory_space<vmem>> -> memref<1x128x16xf32, #tpu.memory_space<vmem>>
      %dma_start3A_153 = tpu.memref_squeeze %dma_start3A_152 : memref<1x128x16xf32, #tpu.memory_space<vmem>> -> memref<128x16xf32, #tpu.memory_space<vmem>>
      %dma_start3A_154 = arith.constant 0 : i32
      %dma_start3A_155 = tpu.memref_slice %arg15[%add3A_30, %dma_start3A_154] : memref<10112x16xf32, #tpu.memory_space<vmem_shared>> -> memref<128x16xf32, #tpu.memory_space<vmem_shared>>
      %dma_start3A_156 = arith.constant 0 : i32
      %dma_start3A_157 = tpu.memref_slice %arg15[%add3A_30, %dma_start3A_156] : memref<10112x16xf32, #tpu.memory_space<vmem_shared>> -> memref<128x16xf32, #tpu.memory_space<vmem_shared>>
      %dma_start3A_158 = arith.constant 0 : i32
      %dma_start3A_159 = arith.constant 0 : i32
      %dma_start3A_160 = tpu.memref_slice %arg12[%run_scoped3A_31, %dma_start3A_158, %dma_start3A_159] : memref<2x128x16xf32, #tpu.memory_space<vmem>> -> memref<1x128x16xf32, #tpu.memory_space<vmem>>
      %dma_start3A_161 = tpu.memref_squeeze %dma_start3A_160 : memref<1x128x16xf32, #tpu.memory_space<vmem>> -> memref<128x16xf32, #tpu.memory_space<vmem>>
      tpu.enqueue_dma source(%dma_start3A_161 : memref<128x16xf32, #tpu.memory_space<vmem>>) target(%dma_start3A_157 : memref<128x16xf32, #tpu.memory_space<vmem_shared>>) target_semaphore(%run_scoped3A_149 : memref<!tpu.dma_semaphore, #tpu.memory_space<semaphore_mem>>)
      %dma_wait3A_162 = arith.constant 0 : i32
      %dma_wait3A_163 = arith.constant 0 : i32
      %dma_wait3A_164 = tpu.memref_slice %arg12[%run_scoped3A_31, %dma_wait3A_162, %dma_wait3A_163] : memref<2x128x16xf32, #tpu.memory_space<vmem>> -> memref<1x128x16xf32, #tpu.memory_space<vmem>>
      %dma_wait3A_165 = tpu.memref_squeeze %dma_wait3A_164 : memref<1x128x16xf32, #tpu.memory_space<vmem>> -> memref<128x16xf32, #tpu.memory_space<vmem>>
      %dma_wait3A_166 = arith.constant 0 : i32
      %dma_wait3A_167 = tpu.memref_slice %arg15[%add3A_30, %dma_wait3A_166] : memref<10112x16xf32, #tpu.memory_space<vmem_shared>> -> memref<128x16xf32, #tpu.memory_space<vmem_shared>>
      %dma_wait3A_168 = arith.constant 0 : i32
      %dma_wait3A_169 = tpu.memref_slice %arg15[%add3A_30, %dma_wait3A_168] : memref<10112x16xf32, #tpu.memory_space<vmem_shared>> -> memref<128x16xf32, #tpu.memory_space<vmem_shared>>
      %dma_wait3A_170 = arith.constant 0 : i32
      %dma_wait3A_171 = arith.constant 0 : i32
      %dma_wait3A_172 = tpu.memref_slice %arg12[%run_scoped3A_31, %dma_wait3A_170, %dma_wait3A_171] : memref<2x128x16xf32, #tpu.memory_space<vmem>> -> memref<1x128x16xf32, #tpu.memory_space<vmem>>
      %dma_wait3A_173 = tpu.memref_squeeze %dma_wait3A_172 : memref<1x128x16xf32, #tpu.memory_space<vmem>> -> memref<128x16xf32, #tpu.memory_space<vmem>>
      tpu.wait_dma2 semaphore(%run_scoped3A_149 : memref<!tpu.dma_semaphore, #tpu.memory_space<semaphore_mem>>) src(%dma_wait3A_173 : memref<128x16xf32, #tpu.memory_space<vmem>>) dst(%dma_wait3A_169 : memref<128x16xf32, #tpu.memory_space<vmem_shared>>)
      tpu.yield
    }) : () -> ()
    %add3A_32 = arith.constant 512 : i32
    %add3A_33 = arith.addi %mul3A_8, %add3A_32 : i32
    %run_scoped3A_34 = arith.constant 0 : i32
    "tpu.region"() ({
      %run_scoped3A_149 = tpu.sem_alloc : memref<!tpu.dma_semaphore, #tpu.memory_space<semaphore_mem>>
      %dma_start3A_150 = arith.constant 0 : i32
      %dma_start3A_151 = arith.constant 0 : i32
      %dma_start3A_152 = tpu.memref_slice %arg13[%run_scoped3A_34, %dma_start3A_150, %dma_start3A_151] : memref<2x128x16xf32, #tpu.memory_space<vmem>> -> memref<1x128x16xf32, #tpu.memory_space<vmem>>
      %dma_start3A_153 = tpu.memref_squeeze %dma_start3A_152 : memref<1x128x16xf32, #tpu.memory_space<vmem>> -> memref<128x16xf32, #tpu.memory_space<vmem>>
      %dma_start3A_154 = arith.constant 0 : i32
      %dma_start3A_155 = arith.constant 0 : i32
      %dma_start3A_156 = tpu.memref_slice %dma_start3A_153[%dma_start3A_154, %dma_start3A_155] : memref<128x16xf32, #tpu.memory_space<vmem>> -> memref<120x16xf32, #tpu.memory_space<vmem>>
      %dma_start3A_157 = arith.constant 0 : i32
      %dma_start3A_158 = tpu.memref_slice %arg14[%add3A_33, %dma_start3A_157] : memref<10112x16xf32, #tpu.memory_space<vmem_shared>> -> memref<120x16xf32, #tpu.memory_space<vmem_shared>>
      %dma_start3A_159 = arith.constant 0 : i32
      %dma_start3A_160 = tpu.memref_slice %arg14[%add3A_33, %dma_start3A_159] : memref<10112x16xf32, #tpu.memory_space<vmem_shared>> -> memref<120x16xf32, #tpu.memory_space<vmem_shared>>
      %dma_start3A_161 = arith.constant 0 : i32
      %dma_start3A_162 = arith.constant 0 : i32
      %dma_start3A_163 = tpu.memref_slice %arg13[%run_scoped3A_34, %dma_start3A_161, %dma_start3A_162] : memref<2x128x16xf32, #tpu.memory_space<vmem>> -> memref<1x128x16xf32, #tpu.memory_space<vmem>>
      %dma_start3A_164 = tpu.memref_squeeze %dma_start3A_163 : memref<1x128x16xf32, #tpu.memory_space<vmem>> -> memref<128x16xf32, #tpu.memory_space<vmem>>
      %dma_start3A_165 = arith.constant 0 : i32
      %dma_start3A_166 = arith.constant 0 : i32
      %dma_start3A_167 = tpu.memref_slice %dma_start3A_164[%dma_start3A_165, %dma_start3A_166] : memref<128x16xf32, #tpu.memory_space<vmem>> -> memref<120x16xf32, #tpu.memory_space<vmem>>
      tpu.enqueue_dma source(%dma_start3A_167 : memref<120x16xf32, #tpu.memory_space<vmem>>) target(%dma_start3A_160 : memref<120x16xf32, #tpu.memory_space<vmem_shared>>) target_semaphore(%run_scoped3A_149 : memref<!tpu.dma_semaphore, #tpu.memory_space<semaphore_mem>>)
      %dma_wait3A_168 = arith.constant 0 : i32
      %dma_wait3A_169 = arith.constant 0 : i32
      %dma_wait3A_170 = tpu.memref_slice %arg13[%run_scoped3A_34, %dma_wait3A_168, %dma_wait3A_169] : memref<2x128x16xf32, #tpu.memory_space<vmem>> -> memref<1x128x16xf32, #tpu.memory_space<vmem>>
      %dma_wait3A_171 = tpu.memref_squeeze %dma_wait3A_170 : memref<1x128x16xf32, #tpu.memory_space<vmem>> -> memref<128x16xf32, #tpu.memory_space<vmem>>
      %dma_wait3A_172 = arith.constant 0 : i32
      %dma_wait3A_173 = arith.constant 0 : i32
      %dma_wait3A_174 = tpu.memref_slice %dma_wait3A_171[%dma_wait3A_172, %dma_wait3A_173] : memref<128x16xf32, #tpu.memory_space<vmem>> -> memref<120x16xf32, #tpu.memory_space<vmem>>
      %dma_wait3A_175 = arith.constant 0 : i32
      %dma_wait3A_176 = tpu.memref_slice %arg14[%add3A_33, %dma_wait3A_175] : memref<10112x16xf32, #tpu.memory_space<vmem_shared>> -> memref<120x16xf32, #tpu.memory_space<vmem_shared>>
      %dma_wait3A_177 = arith.constant 0 : i32
      %dma_wait3A_178 = tpu.memref_slice %arg14[%add3A_33, %dma_wait3A_177] : memref<10112x16xf32, #tpu.memory_space<vmem_shared>> -> memref<120x16xf32, #tpu.memory_space<vmem_shared>>
      %dma_wait3A_179 = arith.constant 0 : i32
      %dma_wait3A_180 = arith.constant 0 : i32
      %dma_wait3A_181 = tpu.memref_slice %arg13[%run_scoped3A_34, %dma_wait3A_179, %dma_wait3A_180] : memref<2x128x16xf32, #tpu.memory_space<vmem>> -> memref<1x128x16xf32, #tpu.memory_space<vmem>>
      %dma_wait3A_182 = tpu.memref_squeeze %dma_wait3A_181 : memref<1x128x16xf32, #tpu.memory_space<vmem>> -> memref<128x16xf32, #tpu.memory_space<vmem>>
      %dma_wait3A_183 = arith.constant 0 : i32
      %dma_wait3A_184 = arith.constant 0 : i32
      %dma_wait3A_185 = tpu.memref_slice %dma_wait3A_182[%dma_wait3A_183, %dma_wait3A_184] : memref<128x16xf32, #tpu.memory_space<vmem>> -> memref<120x16xf32, #tpu.memory_space<vmem>>
      tpu.wait_dma2 semaphore(%run_scoped3A_149 : memref<!tpu.dma_semaphore, #tpu.memory_space<semaphore_mem>>) src(%dma_wait3A_185 : memref<120x16xf32, #tpu.memory_space<vmem>>) dst(%dma_wait3A_178 : memref<120x16xf32, #tpu.memory_space<vmem_shared>>)
      tpu.yield
    }) : () -> ()
    %add3A_35 = arith.constant 512 : i32
    %add3A_36 = arith.addi %mul3A_8, %add3A_35 : i32
    %run_scoped3A_37 = arith.constant 0 : i32
    "tpu.region"() ({
      %run_scoped3A_149 = tpu.sem_alloc : memref<!tpu.dma_semaphore, #tpu.memory_space<semaphore_mem>>
      %dma_start3A_150 = arith.constant 0 : i32
      %dma_start3A_151 = arith.constant 0 : i32
      %dma_start3A_152 = tpu.memref_slice %arg12[%run_scoped3A_37, %dma_start3A_150, %dma_start3A_151] : memref<2x128x16xf32, #tpu.memory_space<vmem>> -> memref<1x128x16xf32, #tpu.memory_space<vmem>>
      %dma_start3A_153 = tpu.memref_squeeze %dma_start3A_152 : memref<1x128x16xf32, #tpu.memory_space<vmem>> -> memref<128x16xf32, #tpu.memory_space<vmem>>
      %dma_start3A_154 = arith.constant 0 : i32
      %dma_start3A_155 = arith.constant 0 : i32
      %dma_start3A_156 = tpu.memref_slice %dma_start3A_153[%dma_start3A_154, %dma_start3A_155] : memref<128x16xf32, #tpu.memory_space<vmem>> -> memref<120x16xf32, #tpu.memory_space<vmem>>
      %dma_start3A_157 = arith.constant 0 : i32
      %dma_start3A_158 = tpu.memref_slice %arg15[%add3A_36, %dma_start3A_157] : memref<10112x16xf32, #tpu.memory_space<vmem_shared>> -> memref<120x16xf32, #tpu.memory_space<vmem_shared>>
      %dma_start3A_159 = arith.constant 0 : i32
      %dma_start3A_160 = tpu.memref_slice %arg15[%add3A_36, %dma_start3A_159] : memref<10112x16xf32, #tpu.memory_space<vmem_shared>> -> memref<120x16xf32, #tpu.memory_space<vmem_shared>>
      %dma_start3A_161 = arith.constant 0 : i32
      %dma_start3A_162 = arith.constant 0 : i32
      %dma_start3A_163 = tpu.memref_slice %arg12[%run_scoped3A_37, %dma_start3A_161, %dma_start3A_162] : memref<2x128x16xf32, #tpu.memory_space<vmem>> -> memref<1x128x16xf32, #tpu.memory_space<vmem>>
      %dma_start3A_164 = tpu.memref_squeeze %dma_start3A_163 : memref<1x128x16xf32, #tpu.memory_space<vmem>> -> memref<128x16xf32, #tpu.memory_space<vmem>>
      %dma_start3A_165 = arith.constant 0 : i32
      %dma_start3A_166 = arith.constant 0 : i32
      %dma_start3A_167 = tpu.memref_slice %dma_start3A_164[%dma_start3A_165, %dma_start3A_166] : memref<128x16xf32, #tpu.memory_space<vmem>> -> memref<120x16xf32, #tpu.memory_space<vmem>>
      tpu.enqueue_dma source(%dma_start3A_167 : memref<120x16xf32, #tpu.memory_space<vmem>>) target(%dma_start3A_160 : memref<120x16xf32, #tpu.memory_space<vmem_shared>>) target_semaphore(%run_scoped3A_149 : memref<!tpu.dma_semaphore, #tpu.memory_space<semaphore_mem>>)
      %dma_wait3A_168 = arith.constant 0 : i32
      %dma_wait3A_169 = arith.constant 0 : i32
      %dma_wait3A_170 = tpu.memref_slice %arg12[%run_scoped3A_37, %dma_wait3A_168, %dma_wait3A_169] : memref<2x128x16xf32, #tpu.memory_space<vmem>> -> memref<1x128x16xf32, #tpu.memory_space<vmem>>
      %dma_wait3A_171 = tpu.memref_squeeze %dma_wait3A_170 : memref<1x128x16xf32, #tpu.memory_space<vmem>> -> memref<128x16xf32, #tpu.memory_space<vmem>>
      %dma_wait3A_172 = arith.constant 0 : i32
      %dma_wait3A_173 = arith.constant 0 : i32
      %dma_wait3A_174 = tpu.memref_slice %dma_wait3A_171[%dma_wait3A_172, %dma_wait3A_173] : memref<128x16xf32, #tpu.memory_space<vmem>> -> memref<120x16xf32, #tpu.memory_space<vmem>>
      %dma_wait3A_175 = arith.constant 0 : i32
      %dma_wait3A_176 = tpu.memref_slice %arg15[%add3A_36, %dma_wait3A_175] : memref<10112x16xf32, #tpu.memory_space<vmem_shared>> -> memref<120x16xf32, #tpu.memory_space<vmem_shared>>
      %dma_wait3A_177 = arith.constant 0 : i32
      %dma_wait3A_178 = tpu.memref_slice %arg15[%add3A_36, %dma_wait3A_177] : memref<10112x16xf32, #tpu.memory_space<vmem_shared>> -> memref<120x16xf32, #tpu.memory_space<vmem_shared>>
      %dma_wait3A_179 = arith.constant 0 : i32
      %dma_wait3A_180 = arith.constant 0 : i32
      %dma_wait3A_181 = tpu.memref_slice %arg12[%run_scoped3A_37, %dma_wait3A_179, %dma_wait3A_180] : memref<2x128x16xf32, #tpu.memory_space<vmem>> -> memref<1x128x16xf32, #tpu.memory_space<vmem>>
      %dma_wait3A_182 = tpu.memref_squeeze %dma_wait3A_181 : memref<1x128x16xf32, #tpu.memory_space<vmem>> -> memref<128x16xf32, #tpu.memory_space<vmem>>
      %dma_wait3A_183 = arith.constant 0 : i32
      %dma_wait3A_184 = arith.constant 0 : i32
      %dma_wait3A_185 = tpu.memref_slice %dma_wait3A_182[%dma_wait3A_183, %dma_wait3A_184] : memref<128x16xf32, #tpu.memory_space<vmem>> -> memref<120x16xf32, #tpu.memory_space<vmem>>
      tpu.wait_dma2 semaphore(%run_scoped3A_149 : memref<!tpu.dma_semaphore, #tpu.memory_space<semaphore_mem>>) src(%dma_wait3A_185 : memref<120x16xf32, #tpu.memory_space<vmem>>) dst(%dma_wait3A_178 : memref<120x16xf32, #tpu.memory_space<vmem_shared>>)
      tpu.yield
    }) : () -> ()
    %barrier3A = arith.constant 0 : index
    tpu.barrier barrier_id(%barrier3A)
    %mul3A_38 = arith.constant 82 : i32
    %mul3A_39 = arith.muli %add3A, %mul3A_38 : i32
    "tpu.region"() ({
      %run_scoped3A_149 = tpu.sem_alloc : memref<!tpu.dma_semaphore, #tpu.memory_space<semaphore_mem>>
      %dma_start3A_150 = arith.constant 0 : i32
      %dma_start3A_151 = tpu.memref_slice %arg4[%mul3A_39, %dma_start3A_150] : memref<2624x128xi32, #tpu.memory_space<hbm>> -> memref<82x128xi32, #tpu.memory_space<hbm>>
      %dma_start3A_152 = arith.constant 0 : i32
      %dma_start3A_153 = tpu.memref_slice %arg4[%mul3A_39, %dma_start3A_152] : memref<2624x128xi32, #tpu.memory_space<hbm>> -> memref<82x128xi32, #tpu.memory_space<hbm>>
      tpu.enqueue_dma source(%dma_start3A_153 : memref<82x128xi32, #tpu.memory_space<hbm>>) target(%arg8 : memref<82x128xi32, #tpu.memory_space<vmem>>) target_semaphore(%run_scoped3A_149 : memref<!tpu.dma_semaphore, #tpu.memory_space<semaphore_mem>>)
      %dma_wait3A_154 = arith.constant 0 : i32
      %dma_wait3A_155 = tpu.memref_slice %arg4[%mul3A_39, %dma_wait3A_154] : memref<2624x128xi32, #tpu.memory_space<hbm>> -> memref<82x128xi32, #tpu.memory_space<hbm>>
      %dma_wait3A_156 = arith.constant 0 : i32
      %dma_wait3A_157 = tpu.memref_slice %arg4[%mul3A_39, %dma_wait3A_156] : memref<2624x128xi32, #tpu.memory_space<hbm>> -> memref<82x128xi32, #tpu.memory_space<hbm>>
      tpu.wait_dma2 semaphore(%run_scoped3A_149 : memref<!tpu.dma_semaphore, #tpu.memory_space<semaphore_mem>>) src(%dma_wait3A_157 : memref<82x128xi32, #tpu.memory_space<hbm>>) dst(%arg8 : memref<82x128xi32, #tpu.memory_space<vmem>>)
      tpu.yield
    }) : () -> ()
    %mul3A_40 = arith.constant 82 : i32
    %mul3A_41 = arith.muli %add3A, %mul3A_40 : i32
    "tpu.region"() ({
      %run_scoped3A_149 = tpu.sem_alloc : memref<!tpu.dma_semaphore, #tpu.memory_space<semaphore_mem>>
      %dma_start3A_150 = arith.constant 0 : i32
      %dma_start3A_151 = tpu.memref_slice %arg5[%mul3A_41, %dma_start3A_150] : memref<2624x128xi32, #tpu.memory_space<hbm>> -> memref<82x128xi32, #tpu.memory_space<hbm>>
      %dma_start3A_152 = arith.constant 0 : i32
      %dma_start3A_153 = tpu.memref_slice %arg5[%mul3A_41, %dma_start3A_152] : memref<2624x128xi32, #tpu.memory_space<hbm>> -> memref<82x128xi32, #tpu.memory_space<hbm>>
      tpu.enqueue_dma source(%dma_start3A_153 : memref<82x128xi32, #tpu.memory_space<hbm>>) target(%arg9 : memref<82x128xi32, #tpu.memory_space<vmem>>) target_semaphore(%run_scoped3A_149 : memref<!tpu.dma_semaphore, #tpu.memory_space<semaphore_mem>>)
      %dma_wait3A_154 = arith.constant 0 : i32
      %dma_wait3A_155 = tpu.memref_slice %arg5[%mul3A_41, %dma_wait3A_154] : memref<2624x128xi32, #tpu.memory_space<hbm>> -> memref<82x128xi32, #tpu.memory_space<hbm>>
      %dma_wait3A_156 = arith.constant 0 : i32
      %dma_wait3A_157 = tpu.memref_slice %arg5[%mul3A_41, %dma_wait3A_156] : memref<2624x128xi32, #tpu.memory_space<hbm>> -> memref<82x128xi32, #tpu.memory_space<hbm>>
      tpu.wait_dma2 semaphore(%run_scoped3A_149 : memref<!tpu.dma_semaphore, #tpu.memory_space<semaphore_mem>>) src(%dma_wait3A_157 : memref<82x128xi32, #tpu.memory_space<hbm>>) dst(%arg9 : memref<82x128xi32, #tpu.memory_space<vmem>>)
      tpu.yield
    }) : () -> ()
    %dma_start3A = arith.constant 0 : i32
    %dma_start3A_42 = arith.constant 0 : i32
    %dma_start3A_43 = arith.constant 0 : i32
    %dma_start3A_44 = arith.constant 0 : i32
    %dma_start3A_45 = tpu.memref_slice %arg10[%dma_start3A_42, %dma_start3A_43, %dma_start3A_44] : memref<2x128x16xf32, #tpu.memory_space<vmem>> -> memref<1x128x16xf32, #tpu.memory_space<vmem>>
    %dma_start3A_46 = tpu.memref_squeeze %dma_start3A_45 : memref<1x128x16xf32, #tpu.memory_space<vmem>> -> memref<128x16xf32, #tpu.memory_space<vmem>>
    %dma_start3A_47 = arith.constant 0 : i32
    %dma_start3A_48 = tpu.memref_slice %arg9[%dma_start3A, %dma_start3A_47] : memref<82x128xi32, #tpu.memory_space<vmem>> -> memref<1x128xi32, #tpu.memory_space<vmem>>
    %dma_start3A_49 = tpu.memref_squeeze %dma_start3A_48 : memref<1x128xi32, #tpu.memory_space<vmem>> -> memref<128xi32, #tpu.memory_space<vmem>>
    %dma_start3A_50 = arith.constant 0 : i32
    %dma_start3A_51 = arith.constant 0 : i32
    %dma_start3A_52 = tpu.memref_slice %arg3[%dma_start3A_50, %dma_start3A_51] : memref<10112x16xf32, #tpu.memory_space<hbm>> -> memref<10112x16xf32, #tpu.memory_space<hbm>>
    tpu.enqueue_indirect_dma source(%dma_start3A_52 : memref<10112x16xf32, #tpu.memory_space<hbm>>) target(%dma_start3A_46 : memref<128x16xf32, #tpu.memory_space<vmem>>) offsets(%dma_start3A_49 : memref<128xi32, #tpu.memory_space<vmem>>) semaphore(%arg16 : memref<!tpu.dma_semaphore, #tpu.memory_space<semaphore_mem>>)
    %dma_start3A_53 = arith.constant 0 : i32
    %dma_start3A_54 = arith.constant 0 : i32
    %dma_start3A_55 = arith.constant 0 : i32
    %dma_start3A_56 = arith.constant 0 : i32
    %dma_start3A_57 = tpu.memref_slice %arg11[%dma_start3A_54, %dma_start3A_55, %dma_start3A_56] : memref<2x128x32xf32, #tpu.memory_space<vmem>> -> memref<1x128x32xf32, #tpu.memory_space<vmem>>
    %dma_start3A_58 = tpu.memref_squeeze %dma_start3A_57 : memref<1x128x32xf32, #tpu.memory_space<vmem>> -> memref<128x32xf32, #tpu.memory_space<vmem>>
    %dma_start3A_59 = arith.constant 0 : i32
    %dma_start3A_60 = tpu.memref_slice %arg8[%dma_start3A_53, %dma_start3A_59] : memref<82x128xi32, #tpu.memory_space<vmem>> -> memref<1x128xi32, #tpu.memory_space<vmem>>
    %dma_start3A_61 = tpu.memref_squeeze %dma_start3A_60 : memref<1x128xi32, #tpu.memory_space<vmem>> -> memref<128xi32, #tpu.memory_space<vmem>>
    %dma_start3A_62 = arith.constant 0 : i32
    %dma_start3A_63 = arith.constant 0 : i32
    %dma_start3A_64 = tpu.memref_slice %arg2[%dma_start3A_62, %dma_start3A_63] : memref<10112x32xf32, #tpu.memory_space<hbm>> -> memref<10112x32xf32, #tpu.memory_space<hbm>>
    tpu.enqueue_indirect_dma source(%dma_start3A_64 : memref<10112x32xf32, #tpu.memory_space<hbm>>) target(%dma_start3A_58 : memref<128x32xf32, #tpu.memory_space<vmem>>) offsets(%dma_start3A_61 : memref<128xi32, #tpu.memory_space<vmem>>) semaphore(%arg16 : memref<!tpu.dma_semaphore, #tpu.memory_space<semaphore_mem>>)
    %dma_start3A_65 = arith.constant 1 : i32
    %dma_start3A_66 = arith.constant 1 : i32
    %dma_start3A_67 = arith.constant 0 : i32
    %dma_start3A_68 = arith.constant 0 : i32
    %dma_start3A_69 = tpu.memref_slice %arg10[%dma_start3A_66, %dma_start3A_67, %dma_start3A_68] : memref<2x128x16xf32, #tpu.memory_space<vmem>> -> memref<1x128x16xf32, #tpu.memory_space<vmem>>
    %dma_start3A_70 = tpu.memref_squeeze %dma_start3A_69 : memref<1x128x16xf32, #tpu.memory_space<vmem>> -> memref<128x16xf32, #tpu.memory_space<vmem>>
    %dma_start3A_71 = arith.constant 0 : i32
    %dma_start3A_72 = tpu.memref_slice %arg9[%dma_start3A_65, %dma_start3A_71] : memref<82x128xi32, #tpu.memory_space<vmem>> -> memref<1x128xi32, #tpu.memory_space<vmem>>
    %dma_start3A_73 = tpu.memref_squeeze %dma_start3A_72 : memref<1x128xi32, #tpu.memory_space<vmem>> -> memref<128xi32, #tpu.memory_space<vmem>>
    %dma_start3A_74 = arith.constant 0 : i32
    %dma_start3A_75 = arith.constant 0 : i32
    %dma_start3A_76 = tpu.memref_slice %arg3[%dma_start3A_74, %dma_start3A_75] : memref<10112x16xf32, #tpu.memory_space<hbm>> -> memref<10112x16xf32, #tpu.memory_space<hbm>>
    tpu.enqueue_indirect_dma source(%dma_start3A_76 : memref<10112x16xf32, #tpu.memory_space<hbm>>) target(%dma_start3A_70 : memref<128x16xf32, #tpu.memory_space<vmem>>) offsets(%dma_start3A_73 : memref<128xi32, #tpu.memory_space<vmem>>) semaphore(%arg16 : memref<!tpu.dma_semaphore, #tpu.memory_space<semaphore_mem>>)
    %dma_start3A_77 = arith.constant 1 : i32
    %dma_start3A_78 = arith.constant 1 : i32
    %dma_start3A_79 = arith.constant 0 : i32
    %dma_start3A_80 = arith.constant 0 : i32
    %dma_start3A_81 = tpu.memref_slice %arg11[%dma_start3A_78, %dma_start3A_79, %dma_start3A_80] : memref<2x128x32xf32, #tpu.memory_space<vmem>> -> memref<1x128x32xf32, #tpu.memory_space<vmem>>
    %dma_start3A_82 = tpu.memref_squeeze %dma_start3A_81 : memref<1x128x32xf32, #tpu.memory_space<vmem>> -> memref<128x32xf32, #tpu.memory_space<vmem>>
    %dma_start3A_83 = arith.constant 0 : i32
    %dma_start3A_84 = tpu.memref_slice %arg8[%dma_start3A_77, %dma_start3A_83] : memref<82x128xi32, #tpu.memory_space<vmem>> -> memref<1x128xi32, #tpu.memory_space<vmem>>
    %dma_start3A_85 = tpu.memref_squeeze %dma_start3A_84 : memref<1x128xi32, #tpu.memory_space<vmem>> -> memref<128xi32, #tpu.memory_space<vmem>>
    %dma_start3A_86 = arith.constant 0 : i32
    %dma_start3A_87 = arith.constant 0 : i32
    %dma_start3A_88 = tpu.memref_slice %arg2[%dma_start3A_86, %dma_start3A_87] : memref<10112x32xf32, #tpu.memory_space<hbm>> -> memref<10112x32xf32, #tpu.memory_space<hbm>>
    tpu.enqueue_indirect_dma source(%dma_start3A_88 : memref<10112x32xf32, #tpu.memory_space<hbm>>) target(%dma_start3A_82 : memref<128x32xf32, #tpu.memory_space<vmem>>) offsets(%dma_start3A_85 : memref<128xi32, #tpu.memory_space<vmem>>) semaphore(%arg16 : memref<!tpu.dma_semaphore, #tpu.memory_space<semaphore_mem>>)
    %scan3A_89 = arith.constant 0 : i32
    %scan3A_90 = arith.constant 0 : i32
    %scan3A_91 = arith.constant 41 : i32
    %scan3A_92 = arith.addi %scan3A_90, %scan3A_91 : i32
    %scan3A_93 = arith.constant 1 : i32
    scf.for %scan3A_149 = %scan3A_90 to %scan3A_92 step %scan3A_93  : i32 {
      %mul3A_150 = arith.constant 2 : i32
      %mul3A_151 = arith.muli %mul3A_150, %scan3A_149 : i32
      %add3A_152 = arith.constant 0 : i32
      %add3A_153 = arith.addi %mul3A_151, %add3A_152 : i32
      %dma_wait3A_154 = arith.constant 0 : i32
      %dma_wait3A_155 = arith.constant 0 : i32
      %dma_wait3A_156 = arith.constant 0 : i32
      %dma_wait3A_157 = tpu.memref_slice %arg10[%dma_wait3A_154, %dma_wait3A_155, %dma_wait3A_156] : memref<2x128x16xf32, #tpu.memory_space<vmem>> -> memref<1x128x16xf32, #tpu.memory_space<vmem>>
      %dma_wait3A_158 = tpu.memref_squeeze %dma_wait3A_157 : memref<1x128x16xf32, #tpu.memory_space<vmem>> -> memref<128x16xf32, #tpu.memory_space<vmem>>
      %dma_wait3A_159 = arith.constant 0 : i32
      %dma_wait3A_160 = tpu.memref_slice %arg9[%add3A_153, %dma_wait3A_159] : memref<82x128xi32, #tpu.memory_space<vmem>> -> memref<1x128xi32, #tpu.memory_space<vmem>>
      %dma_wait3A_161 = tpu.memref_squeeze %dma_wait3A_160 : memref<1x128xi32, #tpu.memory_space<vmem>> -> memref<128xi32, #tpu.memory_space<vmem>>
      %dma_wait3A_162 = arith.constant 0 : i32
      %dma_wait3A_163 = arith.constant 0 : i32
      %dma_wait3A_164 = tpu.memref_slice %arg3[%dma_wait3A_162, %dma_wait3A_163] : memref<10112x16xf32, #tpu.memory_space<hbm>> -> memref<10112x16xf32, #tpu.memory_space<hbm>>
      tpu.wait_indirect_dma semaphore(%arg16 : memref<!tpu.dma_semaphore, #tpu.memory_space<semaphore_mem>>) src(%dma_wait3A_164 : memref<10112x16xf32, #tpu.memory_space<hbm>>) dst(%dma_wait3A_158 : memref<128x16xf32, #tpu.memory_space<vmem>>)
      %dma_wait3A_165 = arith.constant 0 : i32
      %dma_wait3A_166 = arith.constant 0 : i32
      %dma_wait3A_167 = arith.constant 0 : i32
      %dma_wait3A_168 = tpu.memref_slice %arg11[%dma_wait3A_165, %dma_wait3A_166, %dma_wait3A_167] : memref<2x128x32xf32, #tpu.memory_space<vmem>> -> memref<1x128x32xf32, #tpu.memory_space<vmem>>
      %dma_wait3A_169 = tpu.memref_squeeze %dma_wait3A_168 : memref<1x128x32xf32, #tpu.memory_space<vmem>> -> memref<128x32xf32, #tpu.memory_space<vmem>>
      %dma_wait3A_170 = arith.constant 0 : i32
      %dma_wait3A_171 = tpu.memref_slice %arg8[%add3A_153, %dma_wait3A_170] : memref<82x128xi32, #tpu.memory_space<vmem>> -> memref<1x128xi32, #tpu.memory_space<vmem>>
      %dma_wait3A_172 = tpu.memref_squeeze %dma_wait3A_171 : memref<1x128xi32, #tpu.memory_space<vmem>> -> memref<128xi32, #tpu.memory_space<vmem>>
      %dma_wait3A_173 = arith.constant 0 : i32
      %dma_wait3A_174 = arith.constant 0 : i32
      %dma_wait3A_175 = tpu.memref_slice %arg2[%dma_wait3A_173, %dma_wait3A_174] : memref<10112x32xf32, #tpu.memory_space<hbm>> -> memref<10112x32xf32, #tpu.memory_space<hbm>>
      tpu.wait_indirect_dma semaphore(%arg16 : memref<!tpu.dma_semaphore, #tpu.memory_space<semaphore_mem>>) src(%dma_wait3A_175 : memref<10112x32xf32, #tpu.memory_space<hbm>>) dst(%dma_wait3A_169 : memref<128x32xf32, #tpu.memory_space<vmem>>)
      %ge3A = arith.constant 2 : i32
      %ge3A_176 = arith.cmpi sge, %add3A_153, %ge3A : i32
      %convert_element_type3A = arith.extui %ge3A_176 : i1 to i32
      %cond3A = arith.constant 0 : i32
      %cond3A_177 = arith.cmpi ne, %convert_element_type3A, %cond3A : i32
      scf.if %cond3A_177 {
        %sub3A = arith.constant 2 : i32
        %sub3A_271 = arith.subi %add3A_153, %sub3A : i32
        %dma_wait3A_272 = arith.constant 0 : i32
        %dma_wait3A_273 = arith.constant 0 : i32
        %dma_wait3A_274 = arith.constant 0 : i32
        %dma_wait3A_275 = tpu.memref_slice %arg12[%dma_wait3A_272, %dma_wait3A_273, %dma_wait3A_274] : memref<2x128x16xf32, #tpu.memory_space<vmem>> -> memref<1x128x16xf32, #tpu.memory_space<vmem>>
        %dma_wait3A_276 = tpu.memref_squeeze %dma_wait3A_275 : memref<1x128x16xf32, #tpu.memory_space<vmem>> -> memref<128x16xf32, #tpu.memory_space<vmem>>
        %dma_wait3A_277 = arith.constant 0 : i32
        %dma_wait3A_278 = tpu.memref_slice %arg9[%sub3A_271, %dma_wait3A_277] : memref<82x128xi32, #tpu.memory_space<vmem>> -> memref<1x128xi32, #tpu.memory_space<vmem>>
        %dma_wait3A_279 = tpu.memref_squeeze %dma_wait3A_278 : memref<1x128xi32, #tpu.memory_space<vmem>> -> memref<128xi32, #tpu.memory_space<vmem>>
        %dma_wait3A_280 = arith.constant 0 : i32
        %dma_wait3A_281 = arith.constant 0 : i32
        %dma_wait3A_282 = tpu.memref_slice %arg15[%dma_wait3A_280, %dma_wait3A_281] : memref<10112x16xf32, #tpu.memory_space<vmem_shared>> -> memref<10112x16xf32, #tpu.memory_space<vmem_shared>>
        tpu.wait_indirect_dma semaphore(%arg17 : memref<!tpu.dma_semaphore, #tpu.memory_space<semaphore_mem>>) src(%dma_wait3A_276 : memref<128x16xf32, #tpu.memory_space<vmem>>) dst(%dma_wait3A_282 : memref<10112x16xf32, #tpu.memory_space<vmem_shared>>)
        %dma_wait3A_283 = arith.constant 0 : i32
        %dma_wait3A_284 = arith.constant 0 : i32
        %dma_wait3A_285 = arith.constant 0 : i32
        %dma_wait3A_286 = tpu.memref_slice %arg13[%dma_wait3A_283, %dma_wait3A_284, %dma_wait3A_285] : memref<2x128x16xf32, #tpu.memory_space<vmem>> -> memref<1x128x16xf32, #tpu.memory_space<vmem>>
        %dma_wait3A_287 = tpu.memref_squeeze %dma_wait3A_286 : memref<1x128x16xf32, #tpu.memory_space<vmem>> -> memref<128x16xf32, #tpu.memory_space<vmem>>
        %dma_wait3A_288 = arith.constant 0 : i32
        %dma_wait3A_289 = tpu.memref_slice %arg9[%sub3A_271, %dma_wait3A_288] : memref<82x128xi32, #tpu.memory_space<vmem>> -> memref<1x128xi32, #tpu.memory_space<vmem>>
        %dma_wait3A_290 = tpu.memref_squeeze %dma_wait3A_289 : memref<1x128xi32, #tpu.memory_space<vmem>> -> memref<128xi32, #tpu.memory_space<vmem>>
        %dma_wait3A_291 = arith.constant 0 : i32
        %dma_wait3A_292 = arith.constant 0 : i32
        %dma_wait3A_293 = tpu.memref_slice %arg14[%dma_wait3A_291, %dma_wait3A_292] : memref<10112x16xf32, #tpu.memory_space<vmem_shared>> -> memref<10112x16xf32, #tpu.memory_space<vmem_shared>>
        tpu.wait_indirect_dma semaphore(%arg17 : memref<!tpu.dma_semaphore, #tpu.memory_space<semaphore_mem>>) src(%dma_wait3A_287 : memref<128x16xf32, #tpu.memory_space<vmem>>) dst(%dma_wait3A_293 : memref<10112x16xf32, #tpu.memory_space<vmem_shared>>)
      } else {
      }
      %parallel_loop3A = arith.constant 0 : i32
      %parallel_loop3A_178 = arith.constant 128 : i32
      %parallel_loop3A_179 = arith.constant 1 : i32
      scf.for %parallel_loop3A_271 = %parallel_loop3A to %parallel_loop3A_178 step %parallel_loop3A_179  : i32 {
        %parallel_loop3A_272 = arith.constant 0 : i32
        %parallel_loop3A_273 = arith.index_cast %parallel_loop3A_272 : i32 to index
        %parallel_loop3A_274 = arith.index_cast %parallel_loop3A_271 : i32 to index
        %parallel_loop3A_275 = arith.constant 16 : index
        %parallel_loop3A_276 = tpu.vector_load %arg11[%parallel_loop3A_273, %parallel_loop3A_274, %parallel_loop3A_275] {strides = array<i32>} : memref<2x128x32xf32, #tpu.memory_space<vmem>>, vector<16xf32>,
        %parallel_loop3A_277 = arith.constant 0 : i32
        %parallel_loop3A_278 = arith.index_cast %parallel_loop3A_277 : i32 to index
        %parallel_loop3A_279 = arith.index_cast %parallel_loop3A_271 : i32 to index
        %parallel_loop3A_280 = arith.constant 0 : index
        %parallel_loop3A_281 = tpu.vector_load %arg10[%parallel_loop3A_278, %parallel_loop3A_279, %parallel_loop3A_280] {strides = array<i32>} : memref<2x128x16xf32, #tpu.memory_space<vmem>>, vector<16xf32>,
        %parallel_loop3A_282 = arith.addf %parallel_loop3A_276, %parallel_loop3A_281 : vector<16xf32>
        %parallel_loop3A_283 = arith.constant 2.000000e-01 : f32
        %parallel_loop3A_284 = vector.broadcast %parallel_loop3A_283 : f32 to vector<16xf32>
        %parallel_loop3A_285 = arith.mulf %parallel_loop3A_282, %parallel_loop3A_284 : vector<16xf32>
        %parallel_loop3A_286 = arith.maximumf %parallel_loop3A_282, %parallel_loop3A_285 : vector<16xf32>
        %parallel_loop3A_287 = math.exp %parallel_loop3A_286 : vector<16xf32>
        %parallel_loop3A_288 = arith.constant 0 : i32
        %parallel_loop3A_289 = arith.index_cast %parallel_loop3A_288 : i32 to index
        %parallel_loop3A_290 = arith.index_cast %parallel_loop3A_271 : i32 to index
        %parallel_loop3A_291 = arith.constant 0 : index
        %parallel_loop3A_292 = tpu.vector_load %arg12[%parallel_loop3A_289, %parallel_loop3A_290, %parallel_loop3A_291] {strides = array<i32>} : memref<2x128x16xf32, #tpu.memory_space<vmem>>, vector<16xf32>,
        tpu.vector_store %arg12[%parallel_loop3A_289, %parallel_loop3A_290, %parallel_loop3A_291], %parallel_loop3A_287 {strides = array<i32>} : memref<2x128x16xf32, #tpu.memory_space<vmem>>, vector<16xf32>,
        %parallel_loop3A_293 = arith.constant 0 : i32
        %parallel_loop3A_294 = arith.index_cast %parallel_loop3A_293 : i32 to index
        %parallel_loop3A_295 = arith.index_cast %parallel_loop3A_271 : i32 to index
        %parallel_loop3A_296 = arith.constant 0 : index
        %parallel_loop3A_297 = tpu.vector_load %arg11[%parallel_loop3A_294, %parallel_loop3A_295, %parallel_loop3A_296] {strides = array<i32>} : memref<2x128x32xf32, #tpu.memory_space<vmem>>, vector<16xf32>,
        %parallel_loop3A_298 = arith.mulf %parallel_loop3A_297, %parallel_loop3A_287 : vector<16xf32>
        %parallel_loop3A_299 = arith.constant 0 : i32
        %parallel_loop3A_300 = arith.index_cast %parallel_loop3A_299 : i32 to index
        %parallel_loop3A_301 = arith.index_cast %parallel_loop3A_271 : i32 to index
        %parallel_loop3A_302 = arith.constant 0 : index
        %parallel_loop3A_303 = tpu.vector_load %arg13[%parallel_loop3A_300, %parallel_loop3A_301, %parallel_loop3A_302] {strides = array<i32>} : memref<2x128x16xf32, #tpu.memory_space<vmem>>, vector<16xf32>,
        tpu.vector_store %arg13[%parallel_loop3A_300, %parallel_loop3A_301, %parallel_loop3A_302], %parallel_loop3A_298 {strides = array<i32>} : memref<2x128x16xf32, #tpu.memory_space<vmem>>, vector<16xf32>,
      } {sc.loop_unroll_factor = 8 : i64, sc.parallel_access}
      %dma_start3A_180 = arith.constant 0 : i32
      %dma_start3A_181 = arith.constant 0 : i32
      %dma_start3A_182 = arith.constant 0 : i32
      %dma_start3A_183 = tpu.memref_slice %arg12[%dma_start3A_180, %dma_start3A_181, %dma_start3A_182] : memref<2x128x16xf32, #tpu.memory_space<vmem>> -> memref<1x128x16xf32, #tpu.memory_space<vmem>>
      %dma_start3A_184 = tpu.memref_squeeze %dma_start3A_183 : memref<1x128x16xf32, #tpu.memory_space<vmem>> -> memref<128x16xf32, #tpu.memory_space<vmem>>
      %dma_start3A_185 = arith.constant 0 : i32
      %dma_start3A_186 = tpu.memref_slice %arg9[%add3A_153, %dma_start3A_185] : memref<82x128xi32, #tpu.memory_space<vmem>> -> memref<1x128xi32, #tpu.memory_space<vmem>>
      %dma_start3A_187 = tpu.memref_squeeze %dma_start3A_186 : memref<1x128xi32, #tpu.memory_space<vmem>> -> memref<128xi32, #tpu.memory_space<vmem>>
      %dma_start3A_188 = arith.constant 0 : i32
      %dma_start3A_189 = arith.constant 0 : i32
      %dma_start3A_190 = tpu.memref_slice %arg15[%dma_start3A_188, %dma_start3A_189] : memref<10112x16xf32, #tpu.memory_space<vmem_shared>> -> memref<10112x16xf32, #tpu.memory_space<vmem_shared>>
      tpu.enqueue_indirect_dma source(%dma_start3A_184 : memref<128x16xf32, #tpu.memory_space<vmem>>) target(%dma_start3A_190 : memref<10112x16xf32, #tpu.memory_space<vmem_shared>>) offsets(%dma_start3A_187 : memref<128xi32, #tpu.memory_space<vmem>>) semaphore(%arg17 : memref<!tpu.dma_semaphore, #tpu.memory_space<semaphore_mem>>) {add = true}
      %dma_start3A_191 = arith.constant 0 : i32
      %dma_start3A_192 = arith.constant 0 : i32
      %dma_start3A_193 = arith.constant 0 : i32
      %dma_start3A_194 = tpu.memref_slice %arg13[%dma_start3A_191, %dma_start3A_192, %dma_start3A_193] : memref<2x128x16xf32, #tpu.memory_space<vmem>> -> memref<1x128x16xf32, #tpu.memory_space<vmem>>
      %dma_start3A_195 = tpu.memref_squeeze %dma_start3A_194 : memref<1x128x16xf32, #tpu.memory_space<vmem>> -> memref<128x16xf32, #tpu.memory_space<vmem>>
      %dma_start3A_196 = arith.constant 0 : i32
      %dma_start3A_197 = tpu.memref_slice %arg9[%add3A_153, %dma_start3A_196] : memref<82x128xi32, #tpu.memory_space<vmem>> -> memref<1x128xi32, #tpu.memory_space<vmem>>
      %dma_start3A_198 = tpu.memref_squeeze %dma_start3A_197 : memref<1x128xi32, #tpu.memory_space<vmem>> -> memref<128xi32, #tpu.memory_space<vmem>>
      %dma_start3A_199 = arith.constant 0 : i32
      %dma_start3A_200 = arith.constant 0 : i32
      %dma_start3A_201 = tpu.memref_slice %arg14[%dma_start3A_199, %dma_start3A_200] : memref<10112x16xf32, #tpu.memory_space<vmem_shared>> -> memref<10112x16xf32, #tpu.memory_space<vmem_shared>>
      tpu.enqueue_indirect_dma source(%dma_start3A_195 : memref<128x16xf32, #tpu.memory_space<vmem>>) target(%dma_start3A_201 : memref<10112x16xf32, #tpu.memory_space<vmem_shared>>) offsets(%dma_start3A_198 : memref<128xi32, #tpu.memory_space<vmem>>) semaphore(%arg17 : memref<!tpu.dma_semaphore, #tpu.memory_space<semaphore_mem>>) {add = true}
      %add3A_202 = arith.constant 2 : i32
      %add3A_203 = arith.addi %add3A_153, %add3A_202 : i32
      %lt3A = arith.constant 82 : i32
      %lt3A_204 = arith.cmpi slt, %add3A_203, %lt3A : i32
      %convert_element_type3A_205 = arith.extui %lt3A_204 : i1 to i32
      %cond3A_206 = arith.constant 0 : i32
      %cond3A_207 = arith.cmpi ne, %convert_element_type3A_205, %cond3A_206 : i32
      scf.if %cond3A_207 {
        %add3A_271 = arith.constant 2 : i32
        %add3A_272 = arith.addi %add3A_153, %add3A_271 : i32
        %dma_start3A_273 = arith.constant 0 : i32
        %dma_start3A_274 = arith.constant 0 : i32
        %dma_start3A_275 = arith.constant 0 : i32
        %dma_start3A_276 = tpu.memref_slice %arg10[%dma_start3A_273, %dma_start3A_274, %dma_start3A_275] : memref<2x128x16xf32, #tpu.memory_space<vmem>> -> memref<1x128x16xf32, #tpu.memory_space<vmem>>
        %dma_start3A_277 = tpu.memref_squeeze %dma_start3A_276 : memref<1x128x16xf32, #tpu.memory_space<vmem>> -> memref<128x16xf32, #tpu.memory_space<vmem>>
        %dma_start3A_278 = arith.constant 0 : i32
        %dma_start3A_279 = tpu.memref_slice %arg9[%add3A_272, %dma_start3A_278] : memref<82x128xi32, #tpu.memory_space<vmem>> -> memref<1x128xi32, #tpu.memory_space<vmem>>
        %dma_start3A_280 = tpu.memref_squeeze %dma_start3A_279 : memref<1x128xi32, #tpu.memory_space<vmem>> -> memref<128xi32, #tpu.memory_space<vmem>>
        %dma_start3A_281 = arith.constant 0 : i32
        %dma_start3A_282 = arith.constant 0 : i32
        %dma_start3A_283 = tpu.memref_slice %arg3[%dma_start3A_281, %dma_start3A_282] : memref<10112x16xf32, #tpu.memory_space<hbm>> -> memref<10112x16xf32, #tpu.memory_space<hbm>>
        tpu.enqueue_indirect_dma source(%dma_start3A_283 : memref<10112x16xf32, #tpu.memory_space<hbm>>) target(%dma_start3A_277 : memref<128x16xf32, #tpu.memory_space<vmem>>) offsets(%dma_start3A_280 : memref<128xi32, #tpu.memory_space<vmem>>) semaphore(%arg16 : memref<!tpu.dma_semaphore, #tpu.memory_space<semaphore_mem>>)
        %dma_start3A_284 = arith.constant 0 : i32
        %dma_start3A_285 = arith.constant 0 : i32
        %dma_start3A_286 = arith.constant 0 : i32
        %dma_start3A_287 = tpu.memref_slice %arg11[%dma_start3A_284, %dma_start3A_285, %dma_start3A_286] : memref<2x128x32xf32, #tpu.memory_space<vmem>> -> memref<1x128x32xf32, #tpu.memory_space<vmem>>
        %dma_start3A_288 = tpu.memref_squeeze %dma_start3A_287 : memref<1x128x32xf32, #tpu.memory_space<vmem>> -> memref<128x32xf32, #tpu.memory_space<vmem>>
        %dma_start3A_289 = arith.constant 0 : i32
        %dma_start3A_290 = tpu.memref_slice %arg8[%add3A_272, %dma_start3A_289] : memref<82x128xi32, #tpu.memory_space<vmem>> -> memref<1x128xi32, #tpu.memory_space<vmem>>
        %dma_start3A_291 = tpu.memref_squeeze %dma_start3A_290 : memref<1x128xi32, #tpu.memory_space<vmem>> -> memref<128xi32, #tpu.memory_space<vmem>>
        %dma_start3A_292 = arith.constant 0 : i32
        %dma_start3A_293 = arith.constant 0 : i32
        %dma_start3A_294 = tpu.memref_slice %arg2[%dma_start3A_292, %dma_start3A_293] : memref<10112x32xf32, #tpu.memory_space<hbm>> -> memref<10112x32xf32, #tpu.memory_space<hbm>>
        tpu.enqueue_indirect_dma source(%dma_start3A_294 : memref<10112x32xf32, #tpu.memory_space<hbm>>) target(%dma_start3A_288 : memref<128x32xf32, #tpu.memory_space<vmem>>) offsets(%dma_start3A_291 : memref<128xi32, #tpu.memory_space<vmem>>) semaphore(%arg16 : memref<!tpu.dma_semaphore, #tpu.memory_space<semaphore_mem>>)
      } else {
      }
      %mul3A_208 = arith.constant 2 : i32
      %mul3A_209 = arith.muli %mul3A_208, %scan3A_149 : i32
      %add3A_210 = arith.constant 1 : i32
      %add3A_211 = arith.addi %mul3A_209, %add3A_210 : i32
      %dma_wait3A_212 = arith.constant 1 : i32
      %dma_wait3A_213 = arith.constant 0 : i32
      %dma_wait3A_214 = arith.constant 0 : i32
      %dma_wait3A_215 = tpu.memref_slice %arg10[%dma_wait3A_212, %dma_wait3A_213, %dma_wait3A_214] : memref<2x128x16xf32, #tpu.memory_space<vmem>> -> memref<1x128x16xf32, #tpu.memory_space<vmem>>
      %dma_wait3A_216 = tpu.memref_squeeze %dma_wait3A_215 : memref<1x128x16xf32, #tpu.memory_space<vmem>> -> memref<128x16xf32, #tpu.memory_space<vmem>>
      %dma_wait3A_217 = arith.constant 0 : i32
      %dma_wait3A_218 = tpu.memref_slice %arg9[%add3A_211, %dma_wait3A_217] : memref<82x128xi32, #tpu.memory_space<vmem>> -> memref<1x128xi32, #tpu.memory_space<vmem>>
      %dma_wait3A_219 = tpu.memref_squeeze %dma_wait3A_218 : memref<1x128xi32, #tpu.memory_space<vmem>> -> memref<128xi32, #tpu.memory_space<vmem>>
      %dma_wait3A_220 = arith.constant 0 : i32
      %dma_wait3A_221 = arith.constant 0 : i32
      %dma_wait3A_222 = tpu.memref_slice %arg3[%dma_wait3A_220, %dma_wait3A_221] : memref<10112x16xf32, #tpu.memory_space<hbm>> -> memref<10112x16xf32, #tpu.memory_space<hbm>>
      tpu.wait_indirect_dma semaphore(%arg16 : memref<!tpu.dma_semaphore, #tpu.memory_space<semaphore_mem>>) src(%dma_wait3A_222 : memref<10112x16xf32, #tpu.memory_space<hbm>>) dst(%dma_wait3A_216 : memref<128x16xf32, #tpu.memory_space<vmem>>)
      %dma_wait3A_223 = arith.constant 1 : i32
      %dma_wait3A_224 = arith.constant 0 : i32
      %dma_wait3A_225 = arith.constant 0 : i32
      %dma_wait3A_226 = tpu.memref_slice %arg11[%dma_wait3A_223, %dma_wait3A_224, %dma_wait3A_225] : memref<2x128x32xf32, #tpu.memory_space<vmem>> -> memref<1x128x32xf32, #tpu.memory_space<vmem>>
      %dma_wait3A_227 = tpu.memref_squeeze %dma_wait3A_226 : memref<1x128x32xf32, #tpu.memory_space<vmem>> -> memref<128x32xf32, #tpu.memory_space<vmem>>
      %dma_wait3A_228 = arith.constant 0 : i32
      %dma_wait3A_229 = tpu.memref_slice %arg8[%add3A_211, %dma_wait3A_228] : memref<82x128xi32, #tpu.memory_space<vmem>> -> memref<1x128xi32, #tpu.memory_space<vmem>>
      %dma_wait3A_230 = tpu.memref_squeeze %dma_wait3A_229 : memref<1x128xi32, #tpu.memory_space<vmem>> -> memref<128xi32, #tpu.memory_space<vmem>>
      %dma_wait3A_231 = arith.constant 0 : i32
      %dma_wait3A_232 = arith.constant 0 : i32
      %dma_wait3A_233 = tpu.memref_slice %arg2[%dma_wait3A_231, %dma_wait3A_232] : memref<10112x32xf32, #tpu.memory_space<hbm>> -> memref<10112x32xf32, #tpu.memory_space<hbm>>
      tpu.wait_indirect_dma semaphore(%arg16 : memref<!tpu.dma_semaphore, #tpu.memory_space<semaphore_mem>>) src(%dma_wait3A_233 : memref<10112x32xf32, #tpu.memory_space<hbm>>) dst(%dma_wait3A_227 : memref<128x32xf32, #tpu.memory_space<vmem>>)
      %ge3A_234 = arith.constant 2 : i32
      %ge3A_235 = arith.cmpi sge, %add3A_211, %ge3A_234 : i32
      %convert_element_type3A_236 = arith.extui %ge3A_235 : i1 to i32
      %cond3A_237 = arith.constant 0 : i32
      %cond3A_238 = arith.cmpi ne, %convert_element_type3A_236, %cond3A_237 : i32
      scf.if %cond3A_238 {
        %sub3A = arith.constant 2 : i32
        %sub3A_271 = arith.subi %add3A_211, %sub3A : i32
        %dma_wait3A_272 = arith.constant 1 : i32
        %dma_wait3A_273 = arith.constant 0 : i32
        %dma_wait3A_274 = arith.constant 0 : i32
        %dma_wait3A_275 = tpu.memref_slice %arg12[%dma_wait3A_272, %dma_wait3A_273, %dma_wait3A_274] : memref<2x128x16xf32, #tpu.memory_space<vmem>> -> memref<1x128x16xf32, #tpu.memory_space<vmem>>
        %dma_wait3A_276 = tpu.memref_squeeze %dma_wait3A_275 : memref<1x128x16xf32, #tpu.memory_space<vmem>> -> memref<128x16xf32, #tpu.memory_space<vmem>>
        %dma_wait3A_277 = arith.constant 0 : i32
        %dma_wait3A_278 = tpu.memref_slice %arg9[%sub3A_271, %dma_wait3A_277] : memref<82x128xi32, #tpu.memory_space<vmem>> -> memref<1x128xi32, #tpu.memory_space<vmem>>
        %dma_wait3A_279 = tpu.memref_squeeze %dma_wait3A_278 : memref<1x128xi32, #tpu.memory_space<vmem>> -> memref<128xi32, #tpu.memory_space<vmem>>
        %dma_wait3A_280 = arith.constant 0 : i32
        %dma_wait3A_281 = arith.constant 0 : i32
        %dma_wait3A_282 = tpu.memref_slice %arg15[%dma_wait3A_280, %dma_wait3A_281] : memref<10112x16xf32, #tpu.memory_space<vmem_shared>> -> memref<10112x16xf32, #tpu.memory_space<vmem_shared>>
        tpu.wait_indirect_dma semaphore(%arg17 : memref<!tpu.dma_semaphore, #tpu.memory_space<semaphore_mem>>) src(%dma_wait3A_276 : memref<128x16xf32, #tpu.memory_space<vmem>>) dst(%dma_wait3A_282 : memref<10112x16xf32, #tpu.memory_space<vmem_shared>>)
        %dma_wait3A_283 = arith.constant 1 : i32
        %dma_wait3A_284 = arith.constant 0 : i32
        %dma_wait3A_285 = arith.constant 0 : i32
        %dma_wait3A_286 = tpu.memref_slice %arg13[%dma_wait3A_283, %dma_wait3A_284, %dma_wait3A_285] : memref<2x128x16xf32, #tpu.memory_space<vmem>> -> memref<1x128x16xf32, #tpu.memory_space<vmem>>
        %dma_wait3A_287 = tpu.memref_squeeze %dma_wait3A_286 : memref<1x128x16xf32, #tpu.memory_space<vmem>> -> memref<128x16xf32, #tpu.memory_space<vmem>>
        %dma_wait3A_288 = arith.constant 0 : i32
        %dma_wait3A_289 = tpu.memref_slice %arg9[%sub3A_271, %dma_wait3A_288] : memref<82x128xi32, #tpu.memory_space<vmem>> -> memref<1x128xi32, #tpu.memory_space<vmem>>
        %dma_wait3A_290 = tpu.memref_squeeze %dma_wait3A_289 : memref<1x128xi32, #tpu.memory_space<vmem>> -> memref<128xi32, #tpu.memory_space<vmem>>
        %dma_wait3A_291 = arith.constant 0 : i32
        %dma_wait3A_292 = arith.constant 0 : i32
        %dma_wait3A_293 = tpu.memref_slice %arg14[%dma_wait3A_291, %dma_wait3A_292] : memref<10112x16xf32, #tpu.memory_space<vmem_shared>> -> memref<10112x16xf32, #tpu.memory_space<vmem_shared>>
        tpu.wait_indirect_dma semaphore(%arg17 : memref<!tpu.dma_semaphore, #tpu.memory_space<semaphore_mem>>) src(%dma_wait3A_287 : memref<128x16xf32, #tpu.memory_space<vmem>>) dst(%dma_wait3A_293 : memref<10112x16xf32, #tpu.memory_space<vmem_shared>>)
      } else {
      }
      %parallel_loop3A_239 = arith.constant 0 : i32
      %parallel_loop3A_240 = arith.constant 128 : i32
      %parallel_loop3A_241 = arith.constant 1 : i32
      scf.for %parallel_loop3A_271 = %parallel_loop3A_239 to %parallel_loop3A_240 step %parallel_loop3A_241  : i32 {
        %parallel_loop3A_272 = arith.constant 1 : i32
        %parallel_loop3A_273 = arith.index_cast %parallel_loop3A_272 : i32 to index
        %parallel_loop3A_274 = arith.index_cast %parallel_loop3A_271 : i32 to index
        %parallel_loop3A_275 = arith.constant 16 : index
        %parallel_loop3A_276 = tpu.vector_load %arg11[%parallel_loop3A_273, %parallel_loop3A_274, %parallel_loop3A_275] {strides = array<i32>} : memref<2x128x32xf32, #tpu.memory_space<vmem>>, vector<16xf32>,
        %parallel_loop3A_277 = arith.constant 1 : i32
        %parallel_loop3A_278 = arith.index_cast %parallel_loop3A_277 : i32 to index
        %parallel_loop3A_279 = arith.index_cast %parallel_loop3A_271 : i32 to index
        %parallel_loop3A_280 = arith.constant 0 : index
        %parallel_loop3A_281 = tpu.vector_load %arg10[%parallel_loop3A_278, %parallel_loop3A_279, %parallel_loop3A_280] {strides = array<i32>} : memref<2x128x16xf32, #tpu.memory_space<vmem>>, vector<16xf32>,
        %parallel_loop3A_282 = arith.addf %parallel_loop3A_276, %parallel_loop3A_281 : vector<16xf32>
        %parallel_loop3A_283 = arith.constant 2.000000e-01 : f32
        %parallel_loop3A_284 = vector.broadcast %parallel_loop3A_283 : f32 to vector<16xf32>
        %parallel_loop3A_285 = arith.mulf %parallel_loop3A_282, %parallel_loop3A_284 : vector<16xf32>
        %parallel_loop3A_286 = arith.maximumf %parallel_loop3A_282, %parallel_loop3A_285 : vector<16xf32>
        %parallel_loop3A_287 = math.exp %parallel_loop3A_286 : vector<16xf32>
        %parallel_loop3A_288 = arith.constant 1 : i32
        %parallel_loop3A_289 = arith.index_cast %parallel_loop3A_288 : i32 to index
        %parallel_loop3A_290 = arith.index_cast %parallel_loop3A_271 : i32 to index
        %parallel_loop3A_291 = arith.constant 0 : index
        %parallel_loop3A_292 = tpu.vector_load %arg12[%parallel_loop3A_289, %parallel_loop3A_290, %parallel_loop3A_291] {strides = array<i32>} : memref<2x128x16xf32, #tpu.memory_space<vmem>>, vector<16xf32>,
        tpu.vector_store %arg12[%parallel_loop3A_289, %parallel_loop3A_290, %parallel_loop3A_291], %parallel_loop3A_287 {strides = array<i32>} : memref<2x128x16xf32, #tpu.memory_space<vmem>>, vector<16xf32>,
        %parallel_loop3A_293 = arith.constant 1 : i32
        %parallel_loop3A_294 = arith.index_cast %parallel_loop3A_293 : i32 to index
        %parallel_loop3A_295 = arith.index_cast %parallel_loop3A_271 : i32 to index
        %parallel_loop3A_296 = arith.constant 0 : index
        %parallel_loop3A_297 = tpu.vector_load %arg11[%parallel_loop3A_294, %parallel_loop3A_295, %parallel_loop3A_296] {strides = array<i32>} : memref<2x128x32xf32, #tpu.memory_space<vmem>>, vector<16xf32>,
        %parallel_loop3A_298 = arith.mulf %parallel_loop3A_297, %parallel_loop3A_287 : vector<16xf32>
        %parallel_loop3A_299 = arith.constant 1 : i32
        %parallel_loop3A_300 = arith.index_cast %parallel_loop3A_299 : i32 to index
        %parallel_loop3A_301 = arith.index_cast %parallel_loop3A_271 : i32 to index
        %parallel_loop3A_302 = arith.constant 0 : index
        %parallel_loop3A_303 = tpu.vector_load %arg13[%parallel_loop3A_300, %parallel_loop3A_301, %parallel_loop3A_302] {strides = array<i32>} : memref<2x128x16xf32, #tpu.memory_space<vmem>>, vector<16xf32>,
        tpu.vector_store %arg13[%parallel_loop3A_300, %parallel_loop3A_301, %parallel_loop3A_302], %parallel_loop3A_298 {strides = array<i32>} : memref<2x128x16xf32, #tpu.memory_space<vmem>>, vector<16xf32>,
      } {sc.loop_unroll_factor = 8 : i64, sc.parallel_access}
      %dma_start3A_242 = arith.constant 1 : i32
      %dma_start3A_243 = arith.constant 0 : i32
      %dma_start3A_244 = arith.constant 0 : i32
      %dma_start3A_245 = tpu.memref_slice %arg12[%dma_start3A_242, %dma_start3A_243, %dma_start3A_244] : memref<2x128x16xf32, #tpu.memory_space<vmem>> -> memref<1x128x16xf32, #tpu.memory_space<vmem>>
      %dma_start3A_246 = tpu.memref_squeeze %dma_start3A_245 : memref<1x128x16xf32, #tpu.memory_space<vmem>> -> memref<128x16xf32, #tpu.memory_space<vmem>>
      %dma_start3A_247 = arith.constant 0 : i32
      %dma_start3A_248 = tpu.memref_slice %arg9[%add3A_211, %dma_start3A_247] : memref<82x128xi32, #tpu.memory_space<vmem>> -> memref<1x128xi32, #tpu.memory_space<vmem>>
      %dma_start3A_249 = tpu.memref_squeeze %dma_start3A_248 : memref<1x128xi32, #tpu.memory_space<vmem>> -> memref<128xi32, #tpu.memory_space<vmem>>
      %dma_start3A_250 = arith.constant 0 : i32
      %dma_start3A_251 = arith.constant 0 : i32
      %dma_start3A_252 = tpu.memref_slice %arg15[%dma_start3A_250, %dma_start3A_251] : memref<10112x16xf32, #tpu.memory_space<vmem_shared>> -> memref<10112x16xf32, #tpu.memory_space<vmem_shared>>
      tpu.enqueue_indirect_dma source(%dma_start3A_246 : memref<128x16xf32, #tpu.memory_space<vmem>>) target(%dma_start3A_252 : memref<10112x16xf32, #tpu.memory_space<vmem_shared>>) offsets(%dma_start3A_249 : memref<128xi32, #tpu.memory_space<vmem>>) semaphore(%arg17 : memref<!tpu.dma_semaphore, #tpu.memory_space<semaphore_mem>>) {add = true}
      %dma_start3A_253 = arith.constant 1 : i32
      %dma_start3A_254 = arith.constant 0 : i32
      %dma_start3A_255 = arith.constant 0 : i32
      %dma_start3A_256 = tpu.memref_slice %arg13[%dma_start3A_253, %dma_start3A_254, %dma_start3A_255] : memref<2x128x16xf32, #tpu.memory_space<vmem>> -> memref<1x128x16xf32, #tpu.memory_space<vmem>>
      %dma_start3A_257 = tpu.memref_squeeze %dma_start3A_256 : memref<1x128x16xf32, #tpu.memory_space<vmem>> -> memref<128x16xf32, #tpu.memory_space<vmem>>
      %dma_start3A_258 = arith.constant 0 : i32
      %dma_start3A_259 = tpu.memref_slice %arg9[%add3A_211, %dma_start3A_258] : memref<82x128xi32, #tpu.memory_space<vmem>> -> memref<1x128xi32, #tpu.memory_space<vmem>>
      %dma_start3A_260 = tpu.memref_squeeze %dma_start3A_259 : memref<1x128xi32, #tpu.memory_space<vmem>> -> memref<128xi32, #tpu.memory_space<vmem>>
      %dma_start3A_261 = arith.constant 0 : i32
      %dma_start3A_262 = arith.constant 0 : i32
      %dma_start3A_263 = tpu.memref_slice %arg14[%dma_start3A_261, %dma_start3A_262] : memref<10112x16xf32, #tpu.memory_space<vmem_shared>> -> memref<10112x16xf32, #tpu.memory_space<vmem_shared>>
      tpu.enqueue_indirect_dma source(%dma_start3A_257 : memref<128x16xf32, #tpu.memory_space<vmem>>) target(%dma_start3A_263 : memref<10112x16xf32, #tpu.memory_space<vmem_shared>>) offsets(%dma_start3A_260 : memref<128xi32, #tpu.memory_space<vmem>>) semaphore(%arg17 : memref<!tpu.dma_semaphore, #tpu.memory_space<semaphore_mem>>) {add = true}
      %add3A_264 = arith.constant 2 : i32
      %add3A_265 = arith.addi %add3A_211, %add3A_264 : i32
      %lt3A_266 = arith.constant 82 : i32
      %lt3A_267 = arith.cmpi slt, %add3A_265, %lt3A_266 : i32
      %convert_element_type3A_268 = arith.extui %lt3A_267 : i1 to i32
      %cond3A_269 = arith.constant 0 : i32
      %cond3A_270 = arith.cmpi ne, %convert_element_type3A_268, %cond3A_269 : i32
      scf.if %cond3A_270 {
        %add3A_271 = arith.constant 2 : i32
        %add3A_272 = arith.addi %add3A_211, %add3A_271 : i32
        %dma_start3A_273 = arith.constant 1 : i32
        %dma_start3A_274 = arith.constant 0 : i32
        %dma_start3A_275 = arith.constant 0 : i32
        %dma_start3A_276 = tpu.memref_slice %arg10[%dma_start3A_273, %dma_start3A_274, %dma_start3A_275] : memref<2x128x16xf32, #tpu.memory_space<vmem>> -> memref<1x128x16xf32, #tpu.memory_space<vmem>>
        %dma_start3A_277 = tpu.memref_squeeze %dma_start3A_276 : memref<1x128x16xf32, #tpu.memory_space<vmem>> -> memref<128x16xf32, #tpu.memory_space<vmem>>
        %dma_start3A_278 = arith.constant 0 : i32
        %dma_start3A_279 = tpu.memref_slice %arg9[%add3A_272, %dma_start3A_278] : memref<82x128xi32, #tpu.memory_space<vmem>> -> memref<1x128xi32, #tpu.memory_space<vmem>>
        %dma_start3A_280 = tpu.memref_squeeze %dma_start3A_279 : memref<1x128xi32, #tpu.memory_space<vmem>> -> memref<128xi32, #tpu.memory_space<vmem>>
        %dma_start3A_281 = arith.constant 0 : i32
        %dma_start3A_282 = arith.constant 0 : i32
        %dma_start3A_283 = tpu.memref_slice %arg3[%dma_start3A_281, %dma_start3A_282] : memref<10112x16xf32, #tpu.memory_space<hbm>> -> memref<10112x16xf32, #tpu.memory_space<hbm>>
        tpu.enqueue_indirect_dma source(%dma_start3A_283 : memref<10112x16xf32, #tpu.memory_space<hbm>>) target(%dma_start3A_277 : memref<128x16xf32, #tpu.memory_space<vmem>>) offsets(%dma_start3A_280 : memref<128xi32, #tpu.memory_space<vmem>>) semaphore(%arg16 : memref<!tpu.dma_semaphore, #tpu.memory_space<semaphore_mem>>)
        %dma_start3A_284 = arith.constant 1 : i32
        %dma_start3A_285 = arith.constant 0 : i32
        %dma_start3A_286 = arith.constant 0 : i32
        %dma_start3A_287 = tpu.memref_slice %arg11[%dma_start3A_284, %dma_start3A_285, %dma_start3A_286] : memref<2x128x32xf32, #tpu.memory_space<vmem>> -> memref<1x128x32xf32, #tpu.memory_space<vmem>>
        %dma_start3A_288 = tpu.memref_squeeze %dma_start3A_287 : memref<1x128x32xf32, #tpu.memory_space<vmem>> -> memref<128x32xf32, #tpu.memory_space<vmem>>
        %dma_start3A_289 = arith.constant 0 : i32
        %dma_start3A_290 = tpu.memref_slice %arg8[%add3A_272, %dma_start3A_289] : memref<82x128xi32, #tpu.memory_space<vmem>> -> memref<1x128xi32, #tpu.memory_space<vmem>>
        %dma_start3A_291 = tpu.memref_squeeze %dma_start3A_290 : memref<1x128xi32, #tpu.memory_space<vmem>> -> memref<128xi32, #tpu.memory_space<vmem>>
        %dma_start3A_292 = arith.constant 0 : i32
        %dma_start3A_293 = arith.constant 0 : i32
        %dma_start3A_294 = tpu.memref_slice %arg2[%dma_start3A_292, %dma_start3A_293] : memref<10112x32xf32, #tpu.memory_space<hbm>> -> memref<10112x32xf32, #tpu.memory_space<hbm>>
        tpu.enqueue_indirect_dma source(%dma_start3A_294 : memref<10112x32xf32, #tpu.memory_space<hbm>>) target(%dma_start3A_288 : memref<128x32xf32, #tpu.memory_space<vmem>>) offsets(%dma_start3A_291 : memref<128xi32, #tpu.memory_space<vmem>>) semaphore(%arg16 : memref<!tpu.dma_semaphore, #tpu.memory_space<semaphore_mem>>)
      } else {
      }
    }
    %scan3A_94 = arith.constant 41 : i32
    %dma_wait3A = arith.constant 0 : i32
    %dma_wait3A_95 = arith.constant 80 : i32
    %dma_wait3A_96 = arith.constant 0 : i32
    %dma_wait3A_97 = arith.constant 0 : i32
    %dma_wait3A_98 = tpu.memref_slice %arg12[%dma_wait3A, %dma_wait3A_96, %dma_wait3A_97] : memref<2x128x16xf32, #tpu.memory_space<vmem>> -> memref<1x128x16xf32, #tpu.memory_space<vmem>>
    %dma_wait3A_99 = tpu.memref_squeeze %dma_wait3A_98 : memref<1x128x16xf32, #tpu.memory_space<vmem>> -> memref<128x16xf32, #tpu.memory_space<vmem>>
    %dma_wait3A_100 = arith.constant 0 : i32
    %dma_wait3A_101 = tpu.memref_slice %arg9[%dma_wait3A_95, %dma_wait3A_100] : memref<82x128xi32, #tpu.memory_space<vmem>> -> memref<1x128xi32, #tpu.memory_space<vmem>>
    %dma_wait3A_102 = tpu.memref_squeeze %dma_wait3A_101 : memref<1x128xi32, #tpu.memory_space<vmem>> -> memref<128xi32, #tpu.memory_space<vmem>>
    %dma_wait3A_103 = arith.constant 0 : i32
    %dma_wait3A_104 = arith.constant 0 : i32
    %dma_wait3A_105 = tpu.memref_slice %arg15[%dma_wait3A_103, %dma_wait3A_104] : memref<10112x16xf32, #tpu.memory_space<vmem_shared>> -> memref<10112x16xf32, #tpu.memory_space<vmem_shared>>
    tpu.wait_indirect_dma semaphore(%arg17 : memref<!tpu.dma_semaphore, #tpu.memory_space<semaphore_mem>>) src(%dma_wait3A_99 : memref<128x16xf32, #tpu.memory_space<vmem>>) dst(%dma_wait3A_105 : memref<10112x16xf32, #tpu.memory_space<vmem_shared>>)
    %dma_wait3A_106 = arith.constant 0 : i32
    %dma_wait3A_107 = arith.constant 80 : i32
    %dma_wait3A_108 = arith.constant 0 : i32
    %dma_wait3A_109 = arith.constant 0 : i32
    %dma_wait3A_110 = tpu.memref_slice %arg13[%dma_wait3A_106, %dma_wait3A_108, %dma_wait3A_109] : memref<2x128x16xf32, #tpu.memory_space<vmem>> -> memref<1x128x16xf32, #tpu.memory_space<vmem>>
    %dma_wait3A_111 = tpu.memref_squeeze %dma_wait3A_110 : memref<1x128x16xf32, #tpu.memory_space<vmem>> -> memref<128x16xf32, #tpu.memory_space<vmem>>
    %dma_wait3A_112 = arith.constant 0 : i32
    %dma_wait3A_113 = tpu.memref_slice %arg9[%dma_wait3A_107, %dma_wait3A_112] : memref<82x128xi32, #tpu.memory_space<vmem>> -> memref<1x128xi32, #tpu.memory_space<vmem>>
    %dma_wait3A_114 = tpu.memref_squeeze %dma_wait3A_113 : memref<1x128xi32, #tpu.memory_space<vmem>> -> memref<128xi32, #tpu.memory_space<vmem>>
    %dma_wait3A_115 = arith.constant 0 : i32
    %dma_wait3A_116 = arith.constant 0 : i32
    %dma_wait3A_117 = tpu.memref_slice %arg14[%dma_wait3A_115, %dma_wait3A_116] : memref<10112x16xf32, #tpu.memory_space<vmem_shared>> -> memref<10112x16xf32, #tpu.memory_space<vmem_shared>>
    tpu.wait_indirect_dma semaphore(%arg17 : memref<!tpu.dma_semaphore, #tpu.memory_space<semaphore_mem>>) src(%dma_wait3A_111 : memref<128x16xf32, #tpu.memory_space<vmem>>) dst(%dma_wait3A_117 : memref<10112x16xf32, #tpu.memory_space<vmem_shared>>)
    %dma_wait3A_118 = arith.constant 1 : i32
    %dma_wait3A_119 = arith.constant 81 : i32
    %dma_wait3A_120 = arith.constant 0 : i32
    %dma_wait3A_121 = arith.constant 0 : i32
    %dma_wait3A_122 = tpu.memref_slice %arg12[%dma_wait3A_118, %dma_wait3A_120, %dma_wait3A_121] : memref<2x128x16xf32, #tpu.memory_space<vmem>> -> memref<1x128x16xf32, #tpu.memory_space<vmem>>
    %dma_wait3A_123 = tpu.memref_squeeze %dma_wait3A_122 : memref<1x128x16xf32, #tpu.memory_space<vmem>> -> memref<128x16xf32, #tpu.memory_space<vmem>>
    %dma_wait3A_124 = arith.constant 0 : i32
    %dma_wait3A_125 = tpu.memref_slice %arg9[%dma_wait3A_119, %dma_wait3A_124] : memref<82x128xi32, #tpu.memory_space<vmem>> -> memref<1x128xi32, #tpu.memory_space<vmem>>
    %dma_wait3A_126 = tpu.memref_squeeze %dma_wait3A_125 : memref<1x128xi32, #tpu.memory_space<vmem>> -> memref<128xi32, #tpu.memory_space<vmem>>
    %dma_wait3A_127 = arith.constant 0 : i32
    %dma_wait3A_128 = arith.constant 0 : i32
    %dma_wait3A_129 = tpu.memref_slice %arg15[%dma_wait3A_127, %dma_wait3A_128] : memref<10112x16xf32, #tpu.memory_space<vmem_shared>> -> memref<10112x16xf32, #tpu.memory_space<vmem_shared>>
    tpu.wait_indirect_dma semaphore(%arg17 : memref<!tpu.dma_semaphore, #tpu.memory_space<semaphore_mem>>) src(%dma_wait3A_123 : memref<128x16xf32, #tpu.memory_space<vmem>>) dst(%dma_wait3A_129 : memref<10112x16xf32, #tpu.memory_space<vmem_shared>>)
    %dma_wait3A_130 = arith.constant 1 : i32
    %dma_wait3A_131 = arith.constant 81 : i32
    %dma_wait3A_132 = arith.constant 0 : i32
    %dma_wait3A_133 = arith.constant 0 : i32
    %dma_wait3A_134 = tpu.memref_slice %arg13[%dma_wait3A_130, %dma_wait3A_132, %dma_wait3A_133] : memref<2x128x16xf32, #tpu.memory_space<vmem>> -> memref<1x128x16xf32, #tpu.memory_space<vmem>>
    %dma_wait3A_135 = tpu.memref_squeeze %dma_wait3A_134 : memref<1x128x16xf32, #tpu.memory_space<vmem>> -> memref<128x16xf32, #tpu.memory_space<vmem>>
    %dma_wait3A_136 = arith.constant 0 : i32
    %dma_wait3A_137 = tpu.memref_slice %arg9[%dma_wait3A_131, %dma_wait3A_136] : memref<82x128xi32, #tpu.memory_space<vmem>> -> memref<1x128xi32, #tpu.memory_space<vmem>>
    %dma_wait3A_138 = tpu.memref_squeeze %dma_wait3A_137 : memref<1x128xi32, #tpu.memory_space<vmem>> -> memref<128xi32, #tpu.memory_space<vmem>>
    %dma_wait3A_139 = arith.constant 0 : i32
    %dma_wait3A_140 = arith.constant 0 : i32
    %dma_wait3A_141 = tpu.memref_slice %arg14[%dma_wait3A_139, %dma_wait3A_140] : memref<10112x16xf32, #tpu.memory_space<vmem_shared>> -> memref<10112x16xf32, #tpu.memory_space<vmem_shared>>
    tpu.wait_indirect_dma semaphore(%arg17 : memref<!tpu.dma_semaphore, #tpu.memory_space<semaphore_mem>>) src(%dma_wait3A_135 : memref<128x16xf32, #tpu.memory_space<vmem>>) dst(%dma_wait3A_141 : memref<10112x16xf32, #tpu.memory_space<vmem_shared>>)
    %barrier3A_142 = arith.constant 0 : index
    tpu.barrier barrier_id(%barrier3A_142)
    %mul3A_143 = arith.constant 10112 : i32
    %mul3A_144 = arith.muli %arg0, %mul3A_143 : i32
    %add3A_145 = arith.addi %mul3A_144, %mul3A_8 : i32
    "tpu.region"() ({
      %run_scoped3A_149 = tpu.sem_alloc : memref<!tpu.dma_semaphore, #tpu.memory_space<semaphore_mem>>
      %dma_start3A_150 = arith.constant 0 : i32
      %dma_start3A_151 = tpu.memref_slice %arg6[%add3A_145, %dma_start3A_150] : memref<20224x16xf32, #tpu.memory_space<hbm>> -> memref<632x16xf32, #tpu.memory_space<hbm>>
      %dma_start3A_152 = arith.constant 0 : i32
      %dma_start3A_153 = tpu.memref_slice %arg14[%mul3A_8, %dma_start3A_152] : memref<10112x16xf32, #tpu.memory_space<vmem_shared>> -> memref<632x16xf32, #tpu.memory_space<vmem_shared>>
      tpu.enqueue_dma source(%dma_start3A_153 : memref<632x16xf32, #tpu.memory_space<vmem_shared>>) target(%dma_start3A_151 : memref<632x16xf32, #tpu.memory_space<hbm>>) target_semaphore(%run_scoped3A_149 : memref<!tpu.dma_semaphore, #tpu.memory_space<semaphore_mem>>)
      %dma_wait3A_154 = arith.constant 0 : i32
      %dma_wait3A_155 = tpu.memref_slice %arg6[%add3A_145, %dma_wait3A_154] : memref<20224x16xf32, #tpu.memory_space<hbm>> -> memref<632x16xf32, #tpu.memory_space<hbm>>
      %dma_wait3A_156 = arith.constant 0 : i32
      %dma_wait3A_157 = tpu.memref_slice %arg14[%mul3A_8, %dma_wait3A_156] : memref<10112x16xf32, #tpu.memory_space<vmem_shared>> -> memref<632x16xf32, #tpu.memory_space<vmem_shared>>
      tpu.wait_dma2 semaphore(%run_scoped3A_149 : memref<!tpu.dma_semaphore, #tpu.memory_space<semaphore_mem>>) src(%dma_wait3A_157 : memref<632x16xf32, #tpu.memory_space<vmem_shared>>) dst(%dma_wait3A_155 : memref<632x16xf32, #tpu.memory_space<hbm>>)
      tpu.yield
    }) : () -> ()
    %mul3A_146 = arith.constant 10112 : i32
    %mul3A_147 = arith.muli %arg0, %mul3A_146 : i32
    %add3A_148 = arith.addi %mul3A_147, %mul3A_8 : i32
    "tpu.region"() ({
      %run_scoped3A_149 = tpu.sem_alloc : memref<!tpu.dma_semaphore, #tpu.memory_space<semaphore_mem>>
      %dma_start3A_150 = arith.constant 0 : i32
      %dma_start3A_151 = tpu.memref_slice %arg7[%add3A_148, %dma_start3A_150] : memref<20224x16xf32, #tpu.memory_space<hbm>> -> memref<632x16xf32, #tpu.memory_space<hbm>>
      %dma_start3A_152 = arith.constant 0 : i32
      %dma_start3A_153 = tpu.memref_slice %arg15[%mul3A_8, %dma_start3A_152] : memref<10112x16xf32, #tpu.memory_space<vmem_shared>> -> memref<632x16xf32, #tpu.memory_space<vmem_shared>>
      tpu.enqueue_dma source(%dma_start3A_153 : memref<632x16xf32, #tpu.memory_space<vmem_shared>>) target(%dma_start3A_151 : memref<632x16xf32, #tpu.memory_space<hbm>>) target_semaphore(%run_scoped3A_149 : memref<!tpu.dma_semaphore, #tpu.memory_space<semaphore_mem>>)
      %dma_wait3A_154 = arith.constant 0 : i32
      %dma_wait3A_155 = tpu.memref_slice %arg7[%add3A_148, %dma_wait3A_154] : memref<20224x16xf32, #tpu.memory_space<hbm>> -> memref<632x16xf32, #tpu.memory_space<hbm>>
      %dma_wait3A_156 = arith.constant 0 : i32
      %dma_wait3A_157 = tpu.memref_slice %arg15[%mul3A_8, %dma_wait3A_156] : memref<10112x16xf32, #tpu.memory_space<vmem_shared>> -> memref<632x16xf32, #tpu.memory_space<vmem_shared>>
      tpu.wait_dma2 semaphore(%run_scoped3A_149 : memref<!tpu.dma_semaphore, #tpu.memory_space<semaphore_mem>>) src(%dma_wait3A_157 : memref<632x16xf32, #tpu.memory_space<vmem_shared>>) dst(%dma_wait3A_155 : memref<632x16xf32, #tpu.memory_space<hbm>>)
      tpu.yield
    }) : () -> ()
    return
  }
}

#map = affine_map<(d0, d1) -> (0, 0)>
module attributes {stable_mosaic.version = 14 : i64} {
  func.func @_edge1_body(%arg0: i32, %arg1: i32, %arg2: memref<10112x80xf32, #tpu.memory_space<hbm>>, %arg3: memref<10112x16xf32, #tpu.memory_space<hbm>>, %arg4: memref<2624x128xi32, #tpu.memory_space<hbm>>, %arg5: memref<2624x128xi32, #tpu.memory_space<hbm>>, %arg6: memref<20224x64xf32, #tpu.memory_space<hbm>>, %arg7: memref<20224x16xf32, #tpu.memory_space<hbm>>, %arg8: memref<82x128xi32, #tpu.memory_space<vmem>>, %arg9: memref<82x128xi32, #tpu.memory_space<vmem>>, %arg10: memref<2x128x16xf32, #tpu.memory_space<vmem>>, %arg11: memref<2x128x80xf32, #tpu.memory_space<vmem>>, %arg12: memref<2x128x16xf32, #tpu.memory_space<vmem>>, %arg13: memref<2x128x64xf32, #tpu.memory_space<vmem>>, %arg14: memref<10112x64xf32, #tpu.memory_space<vmem_shared>>, %arg15: memref<10112x16xf32, #tpu.memory_space<vmem_shared>>, %arg16: memref<!tpu.dma_semaphore, #tpu.memory_space<semaphore_mem>>, %arg17: memref<!tpu.dma_semaphore, #tpu.memory_space<semaphore_mem>>) attributes {dimension_semantics = [#tpu.dimension_semantics<core_parallel>, #tpu.dimension_semantics<subcore_parallel>], iteration_bounds = array<i64: 2, 16>, scalar_prefetch = 0 : i64, scratch_operands = 10 : i64, tpu.core_type = #tpu.core_type<sc_vector_subcore>, window_params = [{transform_indices = #map}, {transform_indices = #map}, {transform_indices = #map}, {transform_indices = #map}, {transform_indices = #map}, {transform_indices = #map}]} {
    %mul3A = arith.constant 16 : i32
    %mul3A_0 = arith.muli %arg0, %mul3A : i32
    %add3A = arith.addi %mul3A_0, %arg1 : i32
    %broadcast_in_dim3A = arith.constant 0.000000e+00 : f32
    %broadcast_in_dim3A_1 = vector.broadcast %broadcast_in_dim3A : f32 to vector<16xf32>
    %scan3A = arith.constant 0 : i32
    %scan3A_2 = arith.constant 0 : i32
    %scan3A_3 = arith.constant 128 : i32
    %scan3A_4 = arith.addi %scan3A_2, %scan3A_3 : i32
    %scan3A_5 = arith.constant 1 : i32
    scf.for %scan3A_163 = %scan3A_2 to %scan3A_4 step %scan3A_5  : i32 {
      %swap3A = arith.constant 0 : i32
      %swap3A_164 = arith.index_cast %swap3A : i32 to index
      %swap3A_165 = arith.index_cast %scan3A_163 : i32 to index
      %swap3A_166 = arith.constant 0 : index
      %swap3A_167 = tpu.vector_load %arg12[%swap3A_164, %swap3A_165, %swap3A_166] {strides = array<i32>} : memref<2x128x16xf32, #tpu.memory_space<vmem>>, vector<16xf32>,
      tpu.vector_store %arg12[%swap3A_164, %swap3A_165, %swap3A_166], %broadcast_in_dim3A_1 {strides = array<i32>} : memref<2x128x16xf32, #tpu.memory_space<vmem>>, vector<16xf32>,
      %swap3A_168 = arith.constant 0 : i32
      %swap3A_169 = arith.index_cast %swap3A_168 : i32 to index
      %swap3A_170 = arith.index_cast %scan3A_163 : i32 to index
      %swap3A_171 = arith.constant 0 : index
      %swap3A_172 = tpu.vector_load %arg13[%swap3A_169, %swap3A_170, %swap3A_171] {strides = array<i32>} : memref<2x128x64xf32, #tpu.memory_space<vmem>>, vector<16xf32>,
      tpu.vector_store %arg13[%swap3A_169, %swap3A_170, %swap3A_171], %broadcast_in_dim3A_1 {strides = array<i32>} : memref<2x128x64xf32, #tpu.memory_space<vmem>>, vector<16xf32>,
      %swap3A_173 = arith.constant 0 : i32
      %swap3A_174 = arith.index_cast %swap3A_173 : i32 to index
      %swap3A_175 = arith.index_cast %scan3A_163 : i32 to index
      %swap3A_176 = arith.constant 16 : index
      %swap3A_177 = tpu.vector_load %arg13[%swap3A_174, %swap3A_175, %swap3A_176] {strides = array<i32>} : memref<2x128x64xf32, #tpu.memory_space<vmem>>, vector<16xf32>,
      tpu.vector_store %arg13[%swap3A_174, %swap3A_175, %swap3A_176], %broadcast_in_dim3A_1 {strides = array<i32>} : memref<2x128x64xf32, #tpu.memory_space<vmem>>, vector<16xf32>,
      %swap3A_178 = arith.constant 0 : i32
      %swap3A_179 = arith.index_cast %swap3A_178 : i32 to index
      %swap3A_180 = arith.index_cast %scan3A_163 : i32 to index
      %swap3A_181 = arith.constant 32 : index
      %swap3A_182 = tpu.vector_load %arg13[%swap3A_179, %swap3A_180, %swap3A_181] {strides = array<i32>} : memref<2x128x64xf32, #tpu.memory_space<vmem>>, vector<16xf32>,
      tpu.vector_store %arg13[%swap3A_179, %swap3A_180, %swap3A_181], %broadcast_in_dim3A_1 {strides = array<i32>} : memref<2x128x64xf32, #tpu.memory_space<vmem>>, vector<16xf32>,
      %swap3A_183 = arith.constant 0 : i32
      %swap3A_184 = arith.index_cast %swap3A_183 : i32 to index
      %swap3A_185 = arith.index_cast %scan3A_163 : i32 to index
      %swap3A_186 = arith.constant 48 : index
      %swap3A_187 = tpu.vector_load %arg13[%swap3A_184, %swap3A_185, %swap3A_186] {strides = array<i32>} : memref<2x128x64xf32, #tpu.memory_space<vmem>>, vector<16xf32>,
      tpu.vector_store %arg13[%swap3A_184, %swap3A_185, %swap3A_186], %broadcast_in_dim3A_1 {strides = array<i32>} : memref<2x128x64xf32, #tpu.memory_space<vmem>>, vector<16xf32>,
    }
    %scan3A_6 = arith.constant 128 : i32
    %mul3A_7 = arith.constant 632 : i32
    %mul3A_8 = arith.muli %arg1, %mul3A_7 : i32
    %add3A_9 = arith.constant 0 : i32
    %add3A_10 = arith.addi %mul3A_8, %add3A_9 : i32
    %run_scoped3A = arith.constant 0 : i32
    "tpu.region"() ({
      %run_scoped3A_163 = tpu.sem_alloc : memref<!tpu.dma_semaphore, #tpu.memory_space<semaphore_mem>>
      %dma_start3A_164 = arith.constant 0 : i32
      %dma_start3A_165 = arith.constant 0 : i32
      %dma_start3A_166 = tpu.memref_slice %arg13[%run_scoped3A, %dma_start3A_164, %dma_start3A_165] : memref<2x128x64xf32, #tpu.memory_space<vmem>> -> memref<1x128x64xf32, #tpu.memory_space<vmem>>
      %dma_start3A_167 = tpu.memref_squeeze %dma_start3A_166 : memref<1x128x64xf32, #tpu.memory_space<vmem>> -> memref<128x64xf32, #tpu.memory_space<vmem>>
      %dma_start3A_168 = arith.constant 0 : i32
      %dma_start3A_169 = tpu.memref_slice %arg14[%add3A_10, %dma_start3A_168] : memref<10112x64xf32, #tpu.memory_space<vmem_shared>> -> memref<128x64xf32, #tpu.memory_space<vmem_shared>>
      %dma_start3A_170 = arith.constant 0 : i32
      %dma_start3A_171 = tpu.memref_slice %arg14[%add3A_10, %dma_start3A_170] : memref<10112x64xf32, #tpu.memory_space<vmem_shared>> -> memref<128x64xf32, #tpu.memory_space<vmem_shared>>
      %dma_start3A_172 = arith.constant 0 : i32
      %dma_start3A_173 = arith.constant 0 : i32
      %dma_start3A_174 = tpu.memref_slice %arg13[%run_scoped3A, %dma_start3A_172, %dma_start3A_173] : memref<2x128x64xf32, #tpu.memory_space<vmem>> -> memref<1x128x64xf32, #tpu.memory_space<vmem>>
      %dma_start3A_175 = tpu.memref_squeeze %dma_start3A_174 : memref<1x128x64xf32, #tpu.memory_space<vmem>> -> memref<128x64xf32, #tpu.memory_space<vmem>>
      tpu.enqueue_dma source(%dma_start3A_175 : memref<128x64xf32, #tpu.memory_space<vmem>>) target(%dma_start3A_171 : memref<128x64xf32, #tpu.memory_space<vmem_shared>>) target_semaphore(%run_scoped3A_163 : memref<!tpu.dma_semaphore, #tpu.memory_space<semaphore_mem>>)
      %dma_wait3A_176 = arith.constant 0 : i32
      %dma_wait3A_177 = arith.constant 0 : i32
      %dma_wait3A_178 = tpu.memref_slice %arg13[%run_scoped3A, %dma_wait3A_176, %dma_wait3A_177] : memref<2x128x64xf32, #tpu.memory_space<vmem>> -> memref<1x128x64xf32, #tpu.memory_space<vmem>>
      %dma_wait3A_179 = tpu.memref_squeeze %dma_wait3A_178 : memref<1x128x64xf32, #tpu.memory_space<vmem>> -> memref<128x64xf32, #tpu.memory_space<vmem>>
      %dma_wait3A_180 = arith.constant 0 : i32
      %dma_wait3A_181 = tpu.memref_slice %arg14[%add3A_10, %dma_wait3A_180] : memref<10112x64xf32, #tpu.memory_space<vmem_shared>> -> memref<128x64xf32, #tpu.memory_space<vmem_shared>>
      %dma_wait3A_182 = arith.constant 0 : i32
      %dma_wait3A_183 = tpu.memref_slice %arg14[%add3A_10, %dma_wait3A_182] : memref<10112x64xf32, #tpu.memory_space<vmem_shared>> -> memref<128x64xf32, #tpu.memory_space<vmem_shared>>
      %dma_wait3A_184 = arith.constant 0 : i32
      %dma_wait3A_185 = arith.constant 0 : i32
      %dma_wait3A_186 = tpu.memref_slice %arg13[%run_scoped3A, %dma_wait3A_184, %dma_wait3A_185] : memref<2x128x64xf32, #tpu.memory_space<vmem>> -> memref<1x128x64xf32, #tpu.memory_space<vmem>>
      %dma_wait3A_187 = tpu.memref_squeeze %dma_wait3A_186 : memref<1x128x64xf32, #tpu.memory_space<vmem>> -> memref<128x64xf32, #tpu.memory_space<vmem>>
      tpu.wait_dma2 semaphore(%run_scoped3A_163 : memref<!tpu.dma_semaphore, #tpu.memory_space<semaphore_mem>>) src(%dma_wait3A_187 : memref<128x64xf32, #tpu.memory_space<vmem>>) dst(%dma_wait3A_183 : memref<128x64xf32, #tpu.memory_space<vmem_shared>>)
      tpu.yield
    }) : () -> ()
    %add3A_11 = arith.constant 0 : i32
    %add3A_12 = arith.addi %mul3A_8, %add3A_11 : i32
    %run_scoped3A_13 = arith.constant 0 : i32
    "tpu.region"() ({
      %run_scoped3A_163 = tpu.sem_alloc : memref<!tpu.dma_semaphore, #tpu.memory_space<semaphore_mem>>
      %dma_start3A_164 = arith.constant 0 : i32
      %dma_start3A_165 = arith.constant 0 : i32
      %dma_start3A_166 = tpu.memref_slice %arg12[%run_scoped3A_13, %dma_start3A_164, %dma_start3A_165] : memref<2x128x16xf32, #tpu.memory_space<vmem>> -> memref<1x128x16xf32, #tpu.memory_space<vmem>>
      %dma_start3A_167 = tpu.memref_squeeze %dma_start3A_166 : memref<1x128x16xf32, #tpu.memory_space<vmem>> -> memref<128x16xf32, #tpu.memory_space<vmem>>
      %dma_start3A_168 = arith.constant 0 : i32
      %dma_start3A_169 = tpu.memref_slice %arg15[%add3A_12, %dma_start3A_168] : memref<10112x16xf32, #tpu.memory_space<vmem_shared>> -> memref<128x16xf32, #tpu.memory_space<vmem_shared>>
      %dma_start3A_170 = arith.constant 0 : i32
      %dma_start3A_171 = tpu.memref_slice %arg15[%add3A_12, %dma_start3A_170] : memref<10112x16xf32, #tpu.memory_space<vmem_shared>> -> memref<128x16xf32, #tpu.memory_space<vmem_shared>>
      %dma_start3A_172 = arith.constant 0 : i32
      %dma_start3A_173 = arith.constant 0 : i32
      %dma_start3A_174 = tpu.memref_slice %arg12[%run_scoped3A_13, %dma_start3A_172, %dma_start3A_173] : memref<2x128x16xf32, #tpu.memory_space<vmem>> -> memref<1x128x16xf32, #tpu.memory_space<vmem>>
      %dma_start3A_175 = tpu.memref_squeeze %dma_start3A_174 : memref<1x128x16xf32, #tpu.memory_space<vmem>> -> memref<128x16xf32, #tpu.memory_space<vmem>>
      tpu.enqueue_dma source(%dma_start3A_175 : memref<128x16xf32, #tpu.memory_space<vmem>>) target(%dma_start3A_171 : memref<128x16xf32, #tpu.memory_space<vmem_shared>>) target_semaphore(%run_scoped3A_163 : memref<!tpu.dma_semaphore, #tpu.memory_space<semaphore_mem>>)
      %dma_wait3A_176 = arith.constant 0 : i32
      %dma_wait3A_177 = arith.constant 0 : i32
      %dma_wait3A_178 = tpu.memref_slice %arg12[%run_scoped3A_13, %dma_wait3A_176, %dma_wait3A_177] : memref<2x128x16xf32, #tpu.memory_space<vmem>> -> memref<1x128x16xf32, #tpu.memory_space<vmem>>
      %dma_wait3A_179 = tpu.memref_squeeze %dma_wait3A_178 : memref<1x128x16xf32, #tpu.memory_space<vmem>> -> memref<128x16xf32, #tpu.memory_space<vmem>>
      %dma_wait3A_180 = arith.constant 0 : i32
      %dma_wait3A_181 = tpu.memref_slice %arg15[%add3A_12, %dma_wait3A_180] : memref<10112x16xf32, #tpu.memory_space<vmem_shared>> -> memref<128x16xf32, #tpu.memory_space<vmem_shared>>
      %dma_wait3A_182 = arith.constant 0 : i32
      %dma_wait3A_183 = tpu.memref_slice %arg15[%add3A_12, %dma_wait3A_182] : memref<10112x16xf32, #tpu.memory_space<vmem_shared>> -> memref<128x16xf32, #tpu.memory_space<vmem_shared>>
      %dma_wait3A_184 = arith.constant 0 : i32
      %dma_wait3A_185 = arith.constant 0 : i32
      %dma_wait3A_186 = tpu.memref_slice %arg12[%run_scoped3A_13, %dma_wait3A_184, %dma_wait3A_185] : memref<2x128x16xf32, #tpu.memory_space<vmem>> -> memref<1x128x16xf32, #tpu.memory_space<vmem>>
      %dma_wait3A_187 = tpu.memref_squeeze %dma_wait3A_186 : memref<1x128x16xf32, #tpu.memory_space<vmem>> -> memref<128x16xf32, #tpu.memory_space<vmem>>
      tpu.wait_dma2 semaphore(%run_scoped3A_163 : memref<!tpu.dma_semaphore, #tpu.memory_space<semaphore_mem>>) src(%dma_wait3A_187 : memref<128x16xf32, #tpu.memory_space<vmem>>) dst(%dma_wait3A_183 : memref<128x16xf32, #tpu.memory_space<vmem_shared>>)
      tpu.yield
    }) : () -> ()
    %add3A_14 = arith.constant 128 : i32
    %add3A_15 = arith.addi %mul3A_8, %add3A_14 : i32
    %run_scoped3A_16 = arith.constant 0 : i32
    "tpu.region"() ({
      %run_scoped3A_163 = tpu.sem_alloc : memref<!tpu.dma_semaphore, #tpu.memory_space<semaphore_mem>>
      %dma_start3A_164 = arith.constant 0 : i32
      %dma_start3A_165 = arith.constant 0 : i32
      %dma_start3A_166 = tpu.memref_slice %arg13[%run_scoped3A_16, %dma_start3A_164, %dma_start3A_165] : memref<2x128x64xf32, #tpu.memory_space<vmem>> -> memref<1x128x64xf32, #tpu.memory_space<vmem>>
      %dma_start3A_167 = tpu.memref_squeeze %dma_start3A_166 : memref<1x128x64xf32, #tpu.memory_space<vmem>> -> memref<128x64xf32, #tpu.memory_space<vmem>>
      %dma_start3A_168 = arith.constant 0 : i32
      %dma_start3A_169 = tpu.memref_slice %arg14[%add3A_15, %dma_start3A_168] : memref<10112x64xf32, #tpu.memory_space<vmem_shared>> -> memref<128x64xf32, #tpu.memory_space<vmem_shared>>
      %dma_start3A_170 = arith.constant 0 : i32
      %dma_start3A_171 = tpu.memref_slice %arg14[%add3A_15, %dma_start3A_170] : memref<10112x64xf32, #tpu.memory_space<vmem_shared>> -> memref<128x64xf32, #tpu.memory_space<vmem_shared>>
      %dma_start3A_172 = arith.constant 0 : i32
      %dma_start3A_173 = arith.constant 0 : i32
      %dma_start3A_174 = tpu.memref_slice %arg13[%run_scoped3A_16, %dma_start3A_172, %dma_start3A_173] : memref<2x128x64xf32, #tpu.memory_space<vmem>> -> memref<1x128x64xf32, #tpu.memory_space<vmem>>
      %dma_start3A_175 = tpu.memref_squeeze %dma_start3A_174 : memref<1x128x64xf32, #tpu.memory_space<vmem>> -> memref<128x64xf32, #tpu.memory_space<vmem>>
      tpu.enqueue_dma source(%dma_start3A_175 : memref<128x64xf32, #tpu.memory_space<vmem>>) target(%dma_start3A_171 : memref<128x64xf32, #tpu.memory_space<vmem_shared>>) target_semaphore(%run_scoped3A_163 : memref<!tpu.dma_semaphore, #tpu.memory_space<semaphore_mem>>)
      %dma_wait3A_176 = arith.constant 0 : i32
      %dma_wait3A_177 = arith.constant 0 : i32
      %dma_wait3A_178 = tpu.memref_slice %arg13[%run_scoped3A_16, %dma_wait3A_176, %dma_wait3A_177] : memref<2x128x64xf32, #tpu.memory_space<vmem>> -> memref<1x128x64xf32, #tpu.memory_space<vmem>>
      %dma_wait3A_179 = tpu.memref_squeeze %dma_wait3A_178 : memref<1x128x64xf32, #tpu.memory_space<vmem>> -> memref<128x64xf32, #tpu.memory_space<vmem>>
      %dma_wait3A_180 = arith.constant 0 : i32
      %dma_wait3A_181 = tpu.memref_slice %arg14[%add3A_15, %dma_wait3A_180] : memref<10112x64xf32, #tpu.memory_space<vmem_shared>> -> memref<128x64xf32, #tpu.memory_space<vmem_shared>>
      %dma_wait3A_182 = arith.constant 0 : i32
      %dma_wait3A_183 = tpu.memref_slice %arg14[%add3A_15, %dma_wait3A_182] : memref<10112x64xf32, #tpu.memory_space<vmem_shared>> -> memref<128x64xf32, #tpu.memory_space<vmem_shared>>
      %dma_wait3A_184 = arith.constant 0 : i32
      %dma_wait3A_185 = arith.constant 0 : i32
      %dma_wait3A_186 = tpu.memref_slice %arg13[%run_scoped3A_16, %dma_wait3A_184, %dma_wait3A_185] : memref<2x128x64xf32, #tpu.memory_space<vmem>> -> memref<1x128x64xf32, #tpu.memory_space<vmem>>
      %dma_wait3A_187 = tpu.memref_squeeze %dma_wait3A_186 : memref<1x128x64xf32, #tpu.memory_space<vmem>> -> memref<128x64xf32, #tpu.memory_space<vmem>>
      tpu.wait_dma2 semaphore(%run_scoped3A_163 : memref<!tpu.dma_semaphore, #tpu.memory_space<semaphore_mem>>) src(%dma_wait3A_187 : memref<128x64xf32, #tpu.memory_space<vmem>>) dst(%dma_wait3A_183 : memref<128x64xf32, #tpu.memory_space<vmem_shared>>)
      tpu.yield
    }) : () -> ()
    %add3A_17 = arith.constant 128 : i32
    %add3A_18 = arith.addi %mul3A_8, %add3A_17 : i32
    %run_scoped3A_19 = arith.constant 0 : i32
    "tpu.region"() ({
      %run_scoped3A_163 = tpu.sem_alloc : memref<!tpu.dma_semaphore, #tpu.memory_space<semaphore_mem>>
      %dma_start3A_164 = arith.constant 0 : i32
      %dma_start3A_165 = arith.constant 0 : i32
      %dma_start3A_166 = tpu.memref_slice %arg12[%run_scoped3A_19, %dma_start3A_164, %dma_start3A_165] : memref<2x128x16xf32, #tpu.memory_space<vmem>> -> memref<1x128x16xf32, #tpu.memory_space<vmem>>
      %dma_start3A_167 = tpu.memref_squeeze %dma_start3A_166 : memref<1x128x16xf32, #tpu.memory_space<vmem>> -> memref<128x16xf32, #tpu.memory_space<vmem>>
      %dma_start3A_168 = arith.constant 0 : i32
      %dma_start3A_169 = tpu.memref_slice %arg15[%add3A_18, %dma_start3A_168] : memref<10112x16xf32, #tpu.memory_space<vmem_shared>> -> memref<128x16xf32, #tpu.memory_space<vmem_shared>>
      %dma_start3A_170 = arith.constant 0 : i32
      %dma_start3A_171 = tpu.memref_slice %arg15[%add3A_18, %dma_start3A_170] : memref<10112x16xf32, #tpu.memory_space<vmem_shared>> -> memref<128x16xf32, #tpu.memory_space<vmem_shared>>
      %dma_start3A_172 = arith.constant 0 : i32
      %dma_start3A_173 = arith.constant 0 : i32
      %dma_start3A_174 = tpu.memref_slice %arg12[%run_scoped3A_19, %dma_start3A_172, %dma_start3A_173] : memref<2x128x16xf32, #tpu.memory_space<vmem>> -> memref<1x128x16xf32, #tpu.memory_space<vmem>>
      %dma_start3A_175 = tpu.memref_squeeze %dma_start3A_174 : memref<1x128x16xf32, #tpu.memory_space<vmem>> -> memref<128x16xf32, #tpu.memory_space<vmem>>
      tpu.enqueue_dma source(%dma_start3A_175 : memref<128x16xf32, #tpu.memory_space<vmem>>) target(%dma_start3A_171 : memref<128x16xf32, #tpu.memory_space<vmem_shared>>) target_semaphore(%run_scoped3A_163 : memref<!tpu.dma_semaphore, #tpu.memory_space<semaphore_mem>>)
      %dma_wait3A_176 = arith.constant 0 : i32
      %dma_wait3A_177 = arith.constant 0 : i32
      %dma_wait3A_178 = tpu.memref_slice %arg12[%run_scoped3A_19, %dma_wait3A_176, %dma_wait3A_177] : memref<2x128x16xf32, #tpu.memory_space<vmem>> -> memref<1x128x16xf32, #tpu.memory_space<vmem>>
      %dma_wait3A_179 = tpu.memref_squeeze %dma_wait3A_178 : memref<1x128x16xf32, #tpu.memory_space<vmem>> -> memref<128x16xf32, #tpu.memory_space<vmem>>
      %dma_wait3A_180 = arith.constant 0 : i32
      %dma_wait3A_181 = tpu.memref_slice %arg15[%add3A_18, %dma_wait3A_180] : memref<10112x16xf32, #tpu.memory_space<vmem_shared>> -> memref<128x16xf32, #tpu.memory_space<vmem_shared>>
      %dma_wait3A_182 = arith.constant 0 : i32
      %dma_wait3A_183 = tpu.memref_slice %arg15[%add3A_18, %dma_wait3A_182] : memref<10112x16xf32, #tpu.memory_space<vmem_shared>> -> memref<128x16xf32, #tpu.memory_space<vmem_shared>>
      %dma_wait3A_184 = arith.constant 0 : i32
      %dma_wait3A_185 = arith.constant 0 : i32
      %dma_wait3A_186 = tpu.memref_slice %arg12[%run_scoped3A_19, %dma_wait3A_184, %dma_wait3A_185] : memref<2x128x16xf32, #tpu.memory_space<vmem>> -> memref<1x128x16xf32, #tpu.memory_space<vmem>>
      %dma_wait3A_187 = tpu.memref_squeeze %dma_wait3A_186 : memref<1x128x16xf32, #tpu.memory_space<vmem>> -> memref<128x16xf32, #tpu.memory_space<vmem>>
      tpu.wait_dma2 semaphore(%run_scoped3A_163 : memref<!tpu.dma_semaphore, #tpu.memory_space<semaphore_mem>>) src(%dma_wait3A_187 : memref<128x16xf32, #tpu.memory_space<vmem>>) dst(%dma_wait3A_183 : memref<128x16xf32, #tpu.memory_space<vmem_shared>>)
      tpu.yield
    }) : () -> ()
    %add3A_20 = arith.constant 256 : i32
    %add3A_21 = arith.addi %mul3A_8, %add3A_20 : i32
    %run_scoped3A_22 = arith.constant 0 : i32
    "tpu.region"() ({
      %run_scoped3A_163 = tpu.sem_alloc : memref<!tpu.dma_semaphore, #tpu.memory_space<semaphore_mem>>
      %dma_start3A_164 = arith.constant 0 : i32
      %dma_start3A_165 = arith.constant 0 : i32
      %dma_start3A_166 = tpu.memref_slice %arg13[%run_scoped3A_22, %dma_start3A_164, %dma_start3A_165] : memref<2x128x64xf32, #tpu.memory_space<vmem>> -> memref<1x128x64xf32, #tpu.memory_space<vmem>>
      %dma_start3A_167 = tpu.memref_squeeze %dma_start3A_166 : memref<1x128x64xf32, #tpu.memory_space<vmem>> -> memref<128x64xf32, #tpu.memory_space<vmem>>
      %dma_start3A_168 = arith.constant 0 : i32
      %dma_start3A_169 = tpu.memref_slice %arg14[%add3A_21, %dma_start3A_168] : memref<10112x64xf32, #tpu.memory_space<vmem_shared>> -> memref<128x64xf32, #tpu.memory_space<vmem_shared>>
      %dma_start3A_170 = arith.constant 0 : i32
      %dma_start3A_171 = tpu.memref_slice %arg14[%add3A_21, %dma_start3A_170] : memref<10112x64xf32, #tpu.memory_space<vmem_shared>> -> memref<128x64xf32, #tpu.memory_space<vmem_shared>>
      %dma_start3A_172 = arith.constant 0 : i32
      %dma_start3A_173 = arith.constant 0 : i32
      %dma_start3A_174 = tpu.memref_slice %arg13[%run_scoped3A_22, %dma_start3A_172, %dma_start3A_173] : memref<2x128x64xf32, #tpu.memory_space<vmem>> -> memref<1x128x64xf32, #tpu.memory_space<vmem>>
      %dma_start3A_175 = tpu.memref_squeeze %dma_start3A_174 : memref<1x128x64xf32, #tpu.memory_space<vmem>> -> memref<128x64xf32, #tpu.memory_space<vmem>>
      tpu.enqueue_dma source(%dma_start3A_175 : memref<128x64xf32, #tpu.memory_space<vmem>>) target(%dma_start3A_171 : memref<128x64xf32, #tpu.memory_space<vmem_shared>>) target_semaphore(%run_scoped3A_163 : memref<!tpu.dma_semaphore, #tpu.memory_space<semaphore_mem>>)
      %dma_wait3A_176 = arith.constant 0 : i32
      %dma_wait3A_177 = arith.constant 0 : i32
      %dma_wait3A_178 = tpu.memref_slice %arg13[%run_scoped3A_22, %dma_wait3A_176, %dma_wait3A_177] : memref<2x128x64xf32, #tpu.memory_space<vmem>> -> memref<1x128x64xf32, #tpu.memory_space<vmem>>
      %dma_wait3A_179 = tpu.memref_squeeze %dma_wait3A_178 : memref<1x128x64xf32, #tpu.memory_space<vmem>> -> memref<128x64xf32, #tpu.memory_space<vmem>>
      %dma_wait3A_180 = arith.constant 0 : i32
      %dma_wait3A_181 = tpu.memref_slice %arg14[%add3A_21, %dma_wait3A_180] : memref<10112x64xf32, #tpu.memory_space<vmem_shared>> -> memref<128x64xf32, #tpu.memory_space<vmem_shared>>
      %dma_wait3A_182 = arith.constant 0 : i32
      %dma_wait3A_183 = tpu.memref_slice %arg14[%add3A_21, %dma_wait3A_182] : memref<10112x64xf32, #tpu.memory_space<vmem_shared>> -> memref<128x64xf32, #tpu.memory_space<vmem_shared>>
      %dma_wait3A_184 = arith.constant 0 : i32
      %dma_wait3A_185 = arith.constant 0 : i32
      %dma_wait3A_186 = tpu.memref_slice %arg13[%run_scoped3A_22, %dma_wait3A_184, %dma_wait3A_185] : memref<2x128x64xf32, #tpu.memory_space<vmem>> -> memref<1x128x64xf32, #tpu.memory_space<vmem>>
      %dma_wait3A_187 = tpu.memref_squeeze %dma_wait3A_186 : memref<1x128x64xf32, #tpu.memory_space<vmem>> -> memref<128x64xf32, #tpu.memory_space<vmem>>
      tpu.wait_dma2 semaphore(%run_scoped3A_163 : memref<!tpu.dma_semaphore, #tpu.memory_space<semaphore_mem>>) src(%dma_wait3A_187 : memref<128x64xf32, #tpu.memory_space<vmem>>) dst(%dma_wait3A_183 : memref<128x64xf32, #tpu.memory_space<vmem_shared>>)
      tpu.yield
    }) : () -> ()
    %add3A_23 = arith.constant 256 : i32
    %add3A_24 = arith.addi %mul3A_8, %add3A_23 : i32
    %run_scoped3A_25 = arith.constant 0 : i32
    "tpu.region"() ({
      %run_scoped3A_163 = tpu.sem_alloc : memref<!tpu.dma_semaphore, #tpu.memory_space<semaphore_mem>>
      %dma_start3A_164 = arith.constant 0 : i32
      %dma_start3A_165 = arith.constant 0 : i32
      %dma_start3A_166 = tpu.memref_slice %arg12[%run_scoped3A_25, %dma_start3A_164, %dma_start3A_165] : memref<2x128x16xf32, #tpu.memory_space<vmem>> -> memref<1x128x16xf32, #tpu.memory_space<vmem>>
      %dma_start3A_167 = tpu.memref_squeeze %dma_start3A_166 : memref<1x128x16xf32, #tpu.memory_space<vmem>> -> memref<128x16xf32, #tpu.memory_space<vmem>>
      %dma_start3A_168 = arith.constant 0 : i32
      %dma_start3A_169 = tpu.memref_slice %arg15[%add3A_24, %dma_start3A_168] : memref<10112x16xf32, #tpu.memory_space<vmem_shared>> -> memref<128x16xf32, #tpu.memory_space<vmem_shared>>
      %dma_start3A_170 = arith.constant 0 : i32
      %dma_start3A_171 = tpu.memref_slice %arg15[%add3A_24, %dma_start3A_170] : memref<10112x16xf32, #tpu.memory_space<vmem_shared>> -> memref<128x16xf32, #tpu.memory_space<vmem_shared>>
      %dma_start3A_172 = arith.constant 0 : i32
      %dma_start3A_173 = arith.constant 0 : i32
      %dma_start3A_174 = tpu.memref_slice %arg12[%run_scoped3A_25, %dma_start3A_172, %dma_start3A_173] : memref<2x128x16xf32, #tpu.memory_space<vmem>> -> memref<1x128x16xf32, #tpu.memory_space<vmem>>
      %dma_start3A_175 = tpu.memref_squeeze %dma_start3A_174 : memref<1x128x16xf32, #tpu.memory_space<vmem>> -> memref<128x16xf32, #tpu.memory_space<vmem>>
      tpu.enqueue_dma source(%dma_start3A_175 : memref<128x16xf32, #tpu.memory_space<vmem>>) target(%dma_start3A_171 : memref<128x16xf32, #tpu.memory_space<vmem_shared>>) target_semaphore(%run_scoped3A_163 : memref<!tpu.dma_semaphore, #tpu.memory_space<semaphore_mem>>)
      %dma_wait3A_176 = arith.constant 0 : i32
      %dma_wait3A_177 = arith.constant 0 : i32
      %dma_wait3A_178 = tpu.memref_slice %arg12[%run_scoped3A_25, %dma_wait3A_176, %dma_wait3A_177] : memref<2x128x16xf32, #tpu.memory_space<vmem>> -> memref<1x128x16xf32, #tpu.memory_space<vmem>>
      %dma_wait3A_179 = tpu.memref_squeeze %dma_wait3A_178 : memref<1x128x16xf32, #tpu.memory_space<vmem>> -> memref<128x16xf32, #tpu.memory_space<vmem>>
      %dma_wait3A_180 = arith.constant 0 : i32
      %dma_wait3A_181 = tpu.memref_slice %arg15[%add3A_24, %dma_wait3A_180] : memref<10112x16xf32, #tpu.memory_space<vmem_shared>> -> memref<128x16xf32, #tpu.memory_space<vmem_shared>>
      %dma_wait3A_182 = arith.constant 0 : i32
      %dma_wait3A_183 = tpu.memref_slice %arg15[%add3A_24, %dma_wait3A_182] : memref<10112x16xf32, #tpu.memory_space<vmem_shared>> -> memref<128x16xf32, #tpu.memory_space<vmem_shared>>
      %dma_wait3A_184 = arith.constant 0 : i32
      %dma_wait3A_185 = arith.constant 0 : i32
      %dma_wait3A_186 = tpu.memref_slice %arg12[%run_scoped3A_25, %dma_wait3A_184, %dma_wait3A_185] : memref<2x128x16xf32, #tpu.memory_space<vmem>> -> memref<1x128x16xf32, #tpu.memory_space<vmem>>
      %dma_wait3A_187 = tpu.memref_squeeze %dma_wait3A_186 : memref<1x128x16xf32, #tpu.memory_space<vmem>> -> memref<128x16xf32, #tpu.memory_space<vmem>>
      tpu.wait_dma2 semaphore(%run_scoped3A_163 : memref<!tpu.dma_semaphore, #tpu.memory_space<semaphore_mem>>) src(%dma_wait3A_187 : memref<128x16xf32, #tpu.memory_space<vmem>>) dst(%dma_wait3A_183 : memref<128x16xf32, #tpu.memory_space<vmem_shared>>)
      tpu.yield
    }) : () -> ()
    %add3A_26 = arith.constant 384 : i32
    %add3A_27 = arith.addi %mul3A_8, %add3A_26 : i32
    %run_scoped3A_28 = arith.constant 0 : i32
    "tpu.region"() ({
      %run_scoped3A_163 = tpu.sem_alloc : memref<!tpu.dma_semaphore, #tpu.memory_space<semaphore_mem>>
      %dma_start3A_164 = arith.constant 0 : i32
      %dma_start3A_165 = arith.constant 0 : i32
      %dma_start3A_166 = tpu.memref_slice %arg13[%run_scoped3A_28, %dma_start3A_164, %dma_start3A_165] : memref<2x128x64xf32, #tpu.memory_space<vmem>> -> memref<1x128x64xf32, #tpu.memory_space<vmem>>
      %dma_start3A_167 = tpu.memref_squeeze %dma_start3A_166 : memref<1x128x64xf32, #tpu.memory_space<vmem>> -> memref<128x64xf32, #tpu.memory_space<vmem>>
      %dma_start3A_168 = arith.constant 0 : i32
      %dma_start3A_169 = tpu.memref_slice %arg14[%add3A_27, %dma_start3A_168] : memref<10112x64xf32, #tpu.memory_space<vmem_shared>> -> memref<128x64xf32, #tpu.memory_space<vmem_shared>>
      %dma_start3A_170 = arith.constant 0 : i32
      %dma_start3A_171 = tpu.memref_slice %arg14[%add3A_27, %dma_start3A_170] : memref<10112x64xf32, #tpu.memory_space<vmem_shared>> -> memref<128x64xf32, #tpu.memory_space<vmem_shared>>
      %dma_start3A_172 = arith.constant 0 : i32
      %dma_start3A_173 = arith.constant 0 : i32
      %dma_start3A_174 = tpu.memref_slice %arg13[%run_scoped3A_28, %dma_start3A_172, %dma_start3A_173] : memref<2x128x64xf32, #tpu.memory_space<vmem>> -> memref<1x128x64xf32, #tpu.memory_space<vmem>>
      %dma_start3A_175 = tpu.memref_squeeze %dma_start3A_174 : memref<1x128x64xf32, #tpu.memory_space<vmem>> -> memref<128x64xf32, #tpu.memory_space<vmem>>
      tpu.enqueue_dma source(%dma_start3A_175 : memref<128x64xf32, #tpu.memory_space<vmem>>) target(%dma_start3A_171 : memref<128x64xf32, #tpu.memory_space<vmem_shared>>) target_semaphore(%run_scoped3A_163 : memref<!tpu.dma_semaphore, #tpu.memory_space<semaphore_mem>>)
      %dma_wait3A_176 = arith.constant 0 : i32
      %dma_wait3A_177 = arith.constant 0 : i32
      %dma_wait3A_178 = tpu.memref_slice %arg13[%run_scoped3A_28, %dma_wait3A_176, %dma_wait3A_177] : memref<2x128x64xf32, #tpu.memory_space<vmem>> -> memref<1x128x64xf32, #tpu.memory_space<vmem>>
      %dma_wait3A_179 = tpu.memref_squeeze %dma_wait3A_178 : memref<1x128x64xf32, #tpu.memory_space<vmem>> -> memref<128x64xf32, #tpu.memory_space<vmem>>
      %dma_wait3A_180 = arith.constant 0 : i32
      %dma_wait3A_181 = tpu.memref_slice %arg14[%add3A_27, %dma_wait3A_180] : memref<10112x64xf32, #tpu.memory_space<vmem_shared>> -> memref<128x64xf32, #tpu.memory_space<vmem_shared>>
      %dma_wait3A_182 = arith.constant 0 : i32
      %dma_wait3A_183 = tpu.memref_slice %arg14[%add3A_27, %dma_wait3A_182] : memref<10112x64xf32, #tpu.memory_space<vmem_shared>> -> memref<128x64xf32, #tpu.memory_space<vmem_shared>>
      %dma_wait3A_184 = arith.constant 0 : i32
      %dma_wait3A_185 = arith.constant 0 : i32
      %dma_wait3A_186 = tpu.memref_slice %arg13[%run_scoped3A_28, %dma_wait3A_184, %dma_wait3A_185] : memref<2x128x64xf32, #tpu.memory_space<vmem>> -> memref<1x128x64xf32, #tpu.memory_space<vmem>>
      %dma_wait3A_187 = tpu.memref_squeeze %dma_wait3A_186 : memref<1x128x64xf32, #tpu.memory_space<vmem>> -> memref<128x64xf32, #tpu.memory_space<vmem>>
      tpu.wait_dma2 semaphore(%run_scoped3A_163 : memref<!tpu.dma_semaphore, #tpu.memory_space<semaphore_mem>>) src(%dma_wait3A_187 : memref<128x64xf32, #tpu.memory_space<vmem>>) dst(%dma_wait3A_183 : memref<128x64xf32, #tpu.memory_space<vmem_shared>>)
      tpu.yield
    }) : () -> ()
    %add3A_29 = arith.constant 384 : i32
    %add3A_30 = arith.addi %mul3A_8, %add3A_29 : i32
    %run_scoped3A_31 = arith.constant 0 : i32
    "tpu.region"() ({
      %run_scoped3A_163 = tpu.sem_alloc : memref<!tpu.dma_semaphore, #tpu.memory_space<semaphore_mem>>
      %dma_start3A_164 = arith.constant 0 : i32
      %dma_start3A_165 = arith.constant 0 : i32
      %dma_start3A_166 = tpu.memref_slice %arg12[%run_scoped3A_31, %dma_start3A_164, %dma_start3A_165] : memref<2x128x16xf32, #tpu.memory_space<vmem>> -> memref<1x128x16xf32, #tpu.memory_space<vmem>>
      %dma_start3A_167 = tpu.memref_squeeze %dma_start3A_166 : memref<1x128x16xf32, #tpu.memory_space<vmem>> -> memref<128x16xf32, #tpu.memory_space<vmem>>
      %dma_start3A_168 = arith.constant 0 : i32
      %dma_start3A_169 = tpu.memref_slice %arg15[%add3A_30, %dma_start3A_168] : memref<10112x16xf32, #tpu.memory_space<vmem_shared>> -> memref<128x16xf32, #tpu.memory_space<vmem_shared>>
      %dma_start3A_170 = arith.constant 0 : i32
      %dma_start3A_171 = tpu.memref_slice %arg15[%add3A_30, %dma_start3A_170] : memref<10112x16xf32, #tpu.memory_space<vmem_shared>> -> memref<128x16xf32, #tpu.memory_space<vmem_shared>>
      %dma_start3A_172 = arith.constant 0 : i32
      %dma_start3A_173 = arith.constant 0 : i32
      %dma_start3A_174 = tpu.memref_slice %arg12[%run_scoped3A_31, %dma_start3A_172, %dma_start3A_173] : memref<2x128x16xf32, #tpu.memory_space<vmem>> -> memref<1x128x16xf32, #tpu.memory_space<vmem>>
      %dma_start3A_175 = tpu.memref_squeeze %dma_start3A_174 : memref<1x128x16xf32, #tpu.memory_space<vmem>> -> memref<128x16xf32, #tpu.memory_space<vmem>>
      tpu.enqueue_dma source(%dma_start3A_175 : memref<128x16xf32, #tpu.memory_space<vmem>>) target(%dma_start3A_171 : memref<128x16xf32, #tpu.memory_space<vmem_shared>>) target_semaphore(%run_scoped3A_163 : memref<!tpu.dma_semaphore, #tpu.memory_space<semaphore_mem>>)
      %dma_wait3A_176 = arith.constant 0 : i32
      %dma_wait3A_177 = arith.constant 0 : i32
      %dma_wait3A_178 = tpu.memref_slice %arg12[%run_scoped3A_31, %dma_wait3A_176, %dma_wait3A_177] : memref<2x128x16xf32, #tpu.memory_space<vmem>> -> memref<1x128x16xf32, #tpu.memory_space<vmem>>
      %dma_wait3A_179 = tpu.memref_squeeze %dma_wait3A_178 : memref<1x128x16xf32, #tpu.memory_space<vmem>> -> memref<128x16xf32, #tpu.memory_space<vmem>>
      %dma_wait3A_180 = arith.constant 0 : i32
      %dma_wait3A_181 = tpu.memref_slice %arg15[%add3A_30, %dma_wait3A_180] : memref<10112x16xf32, #tpu.memory_space<vmem_shared>> -> memref<128x16xf32, #tpu.memory_space<vmem_shared>>
      %dma_wait3A_182 = arith.constant 0 : i32
      %dma_wait3A_183 = tpu.memref_slice %arg15[%add3A_30, %dma_wait3A_182] : memref<10112x16xf32, #tpu.memory_space<vmem_shared>> -> memref<128x16xf32, #tpu.memory_space<vmem_shared>>
      %dma_wait3A_184 = arith.constant 0 : i32
      %dma_wait3A_185 = arith.constant 0 : i32
      %dma_wait3A_186 = tpu.memref_slice %arg12[%run_scoped3A_31, %dma_wait3A_184, %dma_wait3A_185] : memref<2x128x16xf32, #tpu.memory_space<vmem>> -> memref<1x128x16xf32, #tpu.memory_space<vmem>>
      %dma_wait3A_187 = tpu.memref_squeeze %dma_wait3A_186 : memref<1x128x16xf32, #tpu.memory_space<vmem>> -> memref<128x16xf32, #tpu.memory_space<vmem>>
      tpu.wait_dma2 semaphore(%run_scoped3A_163 : memref<!tpu.dma_semaphore, #tpu.memory_space<semaphore_mem>>) src(%dma_wait3A_187 : memref<128x16xf32, #tpu.memory_space<vmem>>) dst(%dma_wait3A_183 : memref<128x16xf32, #tpu.memory_space<vmem_shared>>)
      tpu.yield
    }) : () -> ()
    %add3A_32 = arith.constant 512 : i32
    %add3A_33 = arith.addi %mul3A_8, %add3A_32 : i32
    %run_scoped3A_34 = arith.constant 0 : i32
    "tpu.region"() ({
      %run_scoped3A_163 = tpu.sem_alloc : memref<!tpu.dma_semaphore, #tpu.memory_space<semaphore_mem>>
      %dma_start3A_164 = arith.constant 0 : i32
      %dma_start3A_165 = arith.constant 0 : i32
      %dma_start3A_166 = tpu.memref_slice %arg13[%run_scoped3A_34, %dma_start3A_164, %dma_start3A_165] : memref<2x128x64xf32, #tpu.memory_space<vmem>> -> memref<1x128x64xf32, #tpu.memory_space<vmem>>
      %dma_start3A_167 = tpu.memref_squeeze %dma_start3A_166 : memref<1x128x64xf32, #tpu.memory_space<vmem>> -> memref<128x64xf32, #tpu.memory_space<vmem>>
      %dma_start3A_168 = arith.constant 0 : i32
      %dma_start3A_169 = arith.constant 0 : i32
      %dma_start3A_170 = tpu.memref_slice %dma_start3A_167[%dma_start3A_168, %dma_start3A_169] : memref<128x64xf32, #tpu.memory_space<vmem>> -> memref<120x64xf32, #tpu.memory_space<vmem>>
      %dma_start3A_171 = arith.constant 0 : i32
      %dma_start3A_172 = tpu.memref_slice %arg14[%add3A_33, %dma_start3A_171] : memref<10112x64xf32, #tpu.memory_space<vmem_shared>> -> memref<120x64xf32, #tpu.memory_space<vmem_shared>>
      %dma_start3A_173 = arith.constant 0 : i32
      %dma_start3A_174 = tpu.memref_slice %arg14[%add3A_33, %dma_start3A_173] : memref<10112x64xf32, #tpu.memory_space<vmem_shared>> -> memref<120x64xf32, #tpu.memory_space<vmem_shared>>
      %dma_start3A_175 = arith.constant 0 : i32
      %dma_start3A_176 = arith.constant 0 : i32
      %dma_start3A_177 = tpu.memref_slice %arg13[%run_scoped3A_34, %dma_start3A_175, %dma_start3A_176] : memref<2x128x64xf32, #tpu.memory_space<vmem>> -> memref<1x128x64xf32, #tpu.memory_space<vmem>>
      %dma_start3A_178 = tpu.memref_squeeze %dma_start3A_177 : memref<1x128x64xf32, #tpu.memory_space<vmem>> -> memref<128x64xf32, #tpu.memory_space<vmem>>
      %dma_start3A_179 = arith.constant 0 : i32
      %dma_start3A_180 = arith.constant 0 : i32
      %dma_start3A_181 = tpu.memref_slice %dma_start3A_178[%dma_start3A_179, %dma_start3A_180] : memref<128x64xf32, #tpu.memory_space<vmem>> -> memref<120x64xf32, #tpu.memory_space<vmem>>
      tpu.enqueue_dma source(%dma_start3A_181 : memref<120x64xf32, #tpu.memory_space<vmem>>) target(%dma_start3A_174 : memref<120x64xf32, #tpu.memory_space<vmem_shared>>) target_semaphore(%run_scoped3A_163 : memref<!tpu.dma_semaphore, #tpu.memory_space<semaphore_mem>>)
      %dma_wait3A_182 = arith.constant 0 : i32
      %dma_wait3A_183 = arith.constant 0 : i32
      %dma_wait3A_184 = tpu.memref_slice %arg13[%run_scoped3A_34, %dma_wait3A_182, %dma_wait3A_183] : memref<2x128x64xf32, #tpu.memory_space<vmem>> -> memref<1x128x64xf32, #tpu.memory_space<vmem>>
      %dma_wait3A_185 = tpu.memref_squeeze %dma_wait3A_184 : memref<1x128x64xf32, #tpu.memory_space<vmem>> -> memref<128x64xf32, #tpu.memory_space<vmem>>
      %dma_wait3A_186 = arith.constant 0 : i32
      %dma_wait3A_187 = arith.constant 0 : i32
      %dma_wait3A_188 = tpu.memref_slice %dma_wait3A_185[%dma_wait3A_186, %dma_wait3A_187] : memref<128x64xf32, #tpu.memory_space<vmem>> -> memref<120x64xf32, #tpu.memory_space<vmem>>
      %dma_wait3A_189 = arith.constant 0 : i32
      %dma_wait3A_190 = tpu.memref_slice %arg14[%add3A_33, %dma_wait3A_189] : memref<10112x64xf32, #tpu.memory_space<vmem_shared>> -> memref<120x64xf32, #tpu.memory_space<vmem_shared>>
      %dma_wait3A_191 = arith.constant 0 : i32
      %dma_wait3A_192 = tpu.memref_slice %arg14[%add3A_33, %dma_wait3A_191] : memref<10112x64xf32, #tpu.memory_space<vmem_shared>> -> memref<120x64xf32, #tpu.memory_space<vmem_shared>>
      %dma_wait3A_193 = arith.constant 0 : i32
      %dma_wait3A_194 = arith.constant 0 : i32
      %dma_wait3A_195 = tpu.memref_slice %arg13[%run_scoped3A_34, %dma_wait3A_193, %dma_wait3A_194] : memref<2x128x64xf32, #tpu.memory_space<vmem>> -> memref<1x128x64xf32, #tpu.memory_space<vmem>>
      %dma_wait3A_196 = tpu.memref_squeeze %dma_wait3A_195 : memref<1x128x64xf32, #tpu.memory_space<vmem>> -> memref<128x64xf32, #tpu.memory_space<vmem>>
      %dma_wait3A_197 = arith.constant 0 : i32
      %dma_wait3A_198 = arith.constant 0 : i32
      %dma_wait3A_199 = tpu.memref_slice %dma_wait3A_196[%dma_wait3A_197, %dma_wait3A_198] : memref<128x64xf32, #tpu.memory_space<vmem>> -> memref<120x64xf32, #tpu.memory_space<vmem>>
      tpu.wait_dma2 semaphore(%run_scoped3A_163 : memref<!tpu.dma_semaphore, #tpu.memory_space<semaphore_mem>>) src(%dma_wait3A_199 : memref<120x64xf32, #tpu.memory_space<vmem>>) dst(%dma_wait3A_192 : memref<120x64xf32, #tpu.memory_space<vmem_shared>>)
      tpu.yield
    }) : () -> ()
    %add3A_35 = arith.constant 512 : i32
    %add3A_36 = arith.addi %mul3A_8, %add3A_35 : i32
    %run_scoped3A_37 = arith.constant 0 : i32
    "tpu.region"() ({
      %run_scoped3A_163 = tpu.sem_alloc : memref<!tpu.dma_semaphore, #tpu.memory_space<semaphore_mem>>
      %dma_start3A_164 = arith.constant 0 : i32
      %dma_start3A_165 = arith.constant 0 : i32
      %dma_start3A_166 = tpu.memref_slice %arg12[%run_scoped3A_37, %dma_start3A_164, %dma_start3A_165] : memref<2x128x16xf32, #tpu.memory_space<vmem>> -> memref<1x128x16xf32, #tpu.memory_space<vmem>>
      %dma_start3A_167 = tpu.memref_squeeze %dma_start3A_166 : memref<1x128x16xf32, #tpu.memory_space<vmem>> -> memref<128x16xf32, #tpu.memory_space<vmem>>
      %dma_start3A_168 = arith.constant 0 : i32
      %dma_start3A_169 = arith.constant 0 : i32
      %dma_start3A_170 = tpu.memref_slice %dma_start3A_167[%dma_start3A_168, %dma_start3A_169] : memref<128x16xf32, #tpu.memory_space<vmem>> -> memref<120x16xf32, #tpu.memory_space<vmem>>
      %dma_start3A_171 = arith.constant 0 : i32
      %dma_start3A_172 = tpu.memref_slice %arg15[%add3A_36, %dma_start3A_171] : memref<10112x16xf32, #tpu.memory_space<vmem_shared>> -> memref<120x16xf32, #tpu.memory_space<vmem_shared>>
      %dma_start3A_173 = arith.constant 0 : i32
      %dma_start3A_174 = tpu.memref_slice %arg15[%add3A_36, %dma_start3A_173] : memref<10112x16xf32, #tpu.memory_space<vmem_shared>> -> memref<120x16xf32, #tpu.memory_space<vmem_shared>>
      %dma_start3A_175 = arith.constant 0 : i32
      %dma_start3A_176 = arith.constant 0 : i32
      %dma_start3A_177 = tpu.memref_slice %arg12[%run_scoped3A_37, %dma_start3A_175, %dma_start3A_176] : memref<2x128x16xf32, #tpu.memory_space<vmem>> -> memref<1x128x16xf32, #tpu.memory_space<vmem>>
      %dma_start3A_178 = tpu.memref_squeeze %dma_start3A_177 : memref<1x128x16xf32, #tpu.memory_space<vmem>> -> memref<128x16xf32, #tpu.memory_space<vmem>>
      %dma_start3A_179 = arith.constant 0 : i32
      %dma_start3A_180 = arith.constant 0 : i32
      %dma_start3A_181 = tpu.memref_slice %dma_start3A_178[%dma_start3A_179, %dma_start3A_180] : memref<128x16xf32, #tpu.memory_space<vmem>> -> memref<120x16xf32, #tpu.memory_space<vmem>>
      tpu.enqueue_dma source(%dma_start3A_181 : memref<120x16xf32, #tpu.memory_space<vmem>>) target(%dma_start3A_174 : memref<120x16xf32, #tpu.memory_space<vmem_shared>>) target_semaphore(%run_scoped3A_163 : memref<!tpu.dma_semaphore, #tpu.memory_space<semaphore_mem>>)
      %dma_wait3A_182 = arith.constant 0 : i32
      %dma_wait3A_183 = arith.constant 0 : i32
      %dma_wait3A_184 = tpu.memref_slice %arg12[%run_scoped3A_37, %dma_wait3A_182, %dma_wait3A_183] : memref<2x128x16xf32, #tpu.memory_space<vmem>> -> memref<1x128x16xf32, #tpu.memory_space<vmem>>
      %dma_wait3A_185 = tpu.memref_squeeze %dma_wait3A_184 : memref<1x128x16xf32, #tpu.memory_space<vmem>> -> memref<128x16xf32, #tpu.memory_space<vmem>>
      %dma_wait3A_186 = arith.constant 0 : i32
      %dma_wait3A_187 = arith.constant 0 : i32
      %dma_wait3A_188 = tpu.memref_slice %dma_wait3A_185[%dma_wait3A_186, %dma_wait3A_187] : memref<128x16xf32, #tpu.memory_space<vmem>> -> memref<120x16xf32, #tpu.memory_space<vmem>>
      %dma_wait3A_189 = arith.constant 0 : i32
      %dma_wait3A_190 = tpu.memref_slice %arg15[%add3A_36, %dma_wait3A_189] : memref<10112x16xf32, #tpu.memory_space<vmem_shared>> -> memref<120x16xf32, #tpu.memory_space<vmem_shared>>
      %dma_wait3A_191 = arith.constant 0 : i32
      %dma_wait3A_192 = tpu.memref_slice %arg15[%add3A_36, %dma_wait3A_191] : memref<10112x16xf32, #tpu.memory_space<vmem_shared>> -> memref<120x16xf32, #tpu.memory_space<vmem_shared>>
      %dma_wait3A_193 = arith.constant 0 : i32
      %dma_wait3A_194 = arith.constant 0 : i32
      %dma_wait3A_195 = tpu.memref_slice %arg12[%run_scoped3A_37, %dma_wait3A_193, %dma_wait3A_194] : memref<2x128x16xf32, #tpu.memory_space<vmem>> -> memref<1x128x16xf32, #tpu.memory_space<vmem>>
      %dma_wait3A_196 = tpu.memref_squeeze %dma_wait3A_195 : memref<1x128x16xf32, #tpu.memory_space<vmem>> -> memref<128x16xf32, #tpu.memory_space<vmem>>
      %dma_wait3A_197 = arith.constant 0 : i32
      %dma_wait3A_198 = arith.constant 0 : i32
      %dma_wait3A_199 = tpu.memref_slice %dma_wait3A_196[%dma_wait3A_197, %dma_wait3A_198] : memref<128x16xf32, #tpu.memory_space<vmem>> -> memref<120x16xf32, #tpu.memory_space<vmem>>
      tpu.wait_dma2 semaphore(%run_scoped3A_163 : memref<!tpu.dma_semaphore, #tpu.memory_space<semaphore_mem>>) src(%dma_wait3A_199 : memref<120x16xf32, #tpu.memory_space<vmem>>) dst(%dma_wait3A_192 : memref<120x16xf32, #tpu.memory_space<vmem_shared>>)
      tpu.yield
    }) : () -> ()
    %barrier3A = arith.constant 0 : index
    tpu.barrier barrier_id(%barrier3A)
    %iota3A = tpu.iota {dimensions = array<i32: 0>} : vector<16xi32>
    %shift_right_logical3A = arith.constant 3 : i32
    %shift_right_logical3A_38 = vector.broadcast %shift_right_logical3A : i32 to vector<16xi32>
    %shift_right_logical3A_39 = arith.shrui %iota3A, %shift_right_logical3A_38 : vector<16xi32>
    %add3A_40 = arith.constant 0 : i32
    %add3A_41 = vector.broadcast %add3A_40 : i32 to vector<16xi32>
    %add3A_42 = arith.addi %add3A_41, %shift_right_logical3A_39 : vector<16xi32>
    %add3A_43 = arith.constant 2 : i32
    %add3A_44 = vector.broadcast %add3A_43 : i32 to vector<16xi32>
    %add3A_45 = arith.addi %add3A_44, %shift_right_logical3A_39 : vector<16xi32>
    %add3A_46 = arith.constant 4 : i32
    %add3A_47 = vector.broadcast %add3A_46 : i32 to vector<16xi32>
    %add3A_48 = arith.addi %add3A_47, %shift_right_logical3A_39 : vector<16xi32>
    %add3A_49 = arith.constant 6 : i32
    %add3A_50 = vector.broadcast %add3A_49 : i32 to vector<16xi32>
    %add3A_51 = arith.addi %add3A_50, %shift_right_logical3A_39 : vector<16xi32>
    %mul3A_52 = arith.constant 82 : i32
    %mul3A_53 = arith.muli %add3A, %mul3A_52 : i32
    "tpu.region"() ({
      %run_scoped3A_163 = tpu.sem_alloc : memref<!tpu.dma_semaphore, #tpu.memory_space<semaphore_mem>>
      %dma_start3A_164 = arith.constant 0 : i32
      %dma_start3A_165 = tpu.memref_slice %arg4[%mul3A_53, %dma_start3A_164] : memref<2624x128xi32, #tpu.memory_space<hbm>> -> memref<82x128xi32, #tpu.memory_space<hbm>>
      %dma_start3A_166 = arith.constant 0 : i32
      %dma_start3A_167 = tpu.memref_slice %arg4[%mul3A_53, %dma_start3A_166] : memref<2624x128xi32, #tpu.memory_space<hbm>> -> memref<82x128xi32, #tpu.memory_space<hbm>>
      tpu.enqueue_dma source(%dma_start3A_167 : memref<82x128xi32, #tpu.memory_space<hbm>>) target(%arg8 : memref<82x128xi32, #tpu.memory_space<vmem>>) target_semaphore(%run_scoped3A_163 : memref<!tpu.dma_semaphore, #tpu.memory_space<semaphore_mem>>)
      %dma_wait3A_168 = arith.constant 0 : i32
      %dma_wait3A_169 = tpu.memref_slice %arg4[%mul3A_53, %dma_wait3A_168] : memref<2624x128xi32, #tpu.memory_space<hbm>> -> memref<82x128xi32, #tpu.memory_space<hbm>>
      %dma_wait3A_170 = arith.constant 0 : i32
      %dma_wait3A_171 = tpu.memref_slice %arg4[%mul3A_53, %dma_wait3A_170] : memref<2624x128xi32, #tpu.memory_space<hbm>> -> memref<82x128xi32, #tpu.memory_space<hbm>>
      tpu.wait_dma2 semaphore(%run_scoped3A_163 : memref<!tpu.dma_semaphore, #tpu.memory_space<semaphore_mem>>) src(%dma_wait3A_171 : memref<82x128xi32, #tpu.memory_space<hbm>>) dst(%arg8 : memref<82x128xi32, #tpu.memory_space<vmem>>)
      tpu.yield
    }) : () -> ()
    %mul3A_54 = arith.constant 82 : i32
    %mul3A_55 = arith.muli %add3A, %mul3A_54 : i32
    "tpu.region"() ({
      %run_scoped3A_163 = tpu.sem_alloc : memref<!tpu.dma_semaphore, #tpu.memory_space<semaphore_mem>>
      %dma_start3A_164 = arith.constant 0 : i32
      %dma_start3A_165 = tpu.memref_slice %arg5[%mul3A_55, %dma_start3A_164] : memref<2624x128xi32, #tpu.memory_space<hbm>> -> memref<82x128xi32, #tpu.memory_space<hbm>>
      %dma_start3A_166 = arith.constant 0 : i32
      %dma_start3A_167 = tpu.memref_slice %arg5[%mul3A_55, %dma_start3A_166] : memref<2624x128xi32, #tpu.memory_space<hbm>> -> memref<82x128xi32, #tpu.memory_space<hbm>>
      tpu.enqueue_dma source(%dma_start3A_167 : memref<82x128xi32, #tpu.memory_space<hbm>>) target(%arg9 : memref<82x128xi32, #tpu.memory_space<vmem>>) target_semaphore(%run_scoped3A_163 : memref<!tpu.dma_semaphore, #tpu.memory_space<semaphore_mem>>)
      %dma_wait3A_168 = arith.constant 0 : i32
      %dma_wait3A_169 = tpu.memref_slice %arg5[%mul3A_55, %dma_wait3A_168] : memref<2624x128xi32, #tpu.memory_space<hbm>> -> memref<82x128xi32, #tpu.memory_space<hbm>>
      %dma_wait3A_170 = arith.constant 0 : i32
      %dma_wait3A_171 = tpu.memref_slice %arg5[%mul3A_55, %dma_wait3A_170] : memref<2624x128xi32, #tpu.memory_space<hbm>> -> memref<82x128xi32, #tpu.memory_space<hbm>>
      tpu.wait_dma2 semaphore(%run_scoped3A_163 : memref<!tpu.dma_semaphore, #tpu.memory_space<semaphore_mem>>) src(%dma_wait3A_171 : memref<82x128xi32, #tpu.memory_space<hbm>>) dst(%arg9 : memref<82x128xi32, #tpu.memory_space<vmem>>)
      tpu.yield
    }) : () -> ()
    %dma_start3A = arith.constant 0 : i32
    %dma_start3A_56 = arith.constant 0 : i32
    %dma_start3A_57 = arith.constant 0 : i32
    %dma_start3A_58 = arith.constant 0 : i32
    %dma_start3A_59 = tpu.memref_slice %arg10[%dma_start3A_56, %dma_start3A_57, %dma_start3A_58] : memref<2x128x16xf32, #tpu.memory_space<vmem>> -> memref<1x128x16xf32, #tpu.memory_space<vmem>>
    %dma_start3A_60 = tpu.memref_squeeze %dma_start3A_59 : memref<1x128x16xf32, #tpu.memory_space<vmem>> -> memref<128x16xf32, #tpu.memory_space<vmem>>
    %dma_start3A_61 = arith.constant 0 : i32
    %dma_start3A_62 = tpu.memref_slice %arg9[%dma_start3A, %dma_start3A_61] : memref<82x128xi32, #tpu.memory_space<vmem>> -> memref<1x128xi32, #tpu.memory_space<vmem>>
    %dma_start3A_63 = tpu.memref_squeeze %dma_start3A_62 : memref<1x128xi32, #tpu.memory_space<vmem>> -> memref<128xi32, #tpu.memory_space<vmem>>
    %dma_start3A_64 = arith.constant 0 : i32
    %dma_start3A_65 = arith.constant 0 : i32
    %dma_start3A_66 = tpu.memref_slice %arg3[%dma_start3A_64, %dma_start3A_65] : memref<10112x16xf32, #tpu.memory_space<hbm>> -> memref<10112x16xf32, #tpu.memory_space<hbm>>
    tpu.enqueue_indirect_dma source(%dma_start3A_66 : memref<10112x16xf32, #tpu.memory_space<hbm>>) target(%dma_start3A_60 : memref<128x16xf32, #tpu.memory_space<vmem>>) offsets(%dma_start3A_63 : memref<128xi32, #tpu.memory_space<vmem>>) semaphore(%arg16 : memref<!tpu.dma_semaphore, #tpu.memory_space<semaphore_mem>>)
    %dma_start3A_67 = arith.constant 0 : i32
    %dma_start3A_68 = arith.constant 0 : i32
    %dma_start3A_69 = arith.constant 0 : i32
    %dma_start3A_70 = arith.constant 0 : i32
    %dma_start3A_71 = tpu.memref_slice %arg11[%dma_start3A_68, %dma_start3A_69, %dma_start3A_70] : memref<2x128x80xf32, #tpu.memory_space<vmem>> -> memref<1x128x80xf32, #tpu.memory_space<vmem>>
    %dma_start3A_72 = tpu.memref_squeeze %dma_start3A_71 : memref<1x128x80xf32, #tpu.memory_space<vmem>> -> memref<128x80xf32, #tpu.memory_space<vmem>>
    %dma_start3A_73 = arith.constant 0 : i32
    %dma_start3A_74 = tpu.memref_slice %arg8[%dma_start3A_67, %dma_start3A_73] : memref<82x128xi32, #tpu.memory_space<vmem>> -> memref<1x128xi32, #tpu.memory_space<vmem>>
    %dma_start3A_75 = tpu.memref_squeeze %dma_start3A_74 : memref<1x128xi32, #tpu.memory_space<vmem>> -> memref<128xi32, #tpu.memory_space<vmem>>
    %dma_start3A_76 = arith.constant 0 : i32
    %dma_start3A_77 = arith.constant 0 : i32
    %dma_start3A_78 = tpu.memref_slice %arg2[%dma_start3A_76, %dma_start3A_77] : memref<10112x80xf32, #tpu.memory_space<hbm>> -> memref<10112x80xf32, #tpu.memory_space<hbm>>
    tpu.enqueue_indirect_dma source(%dma_start3A_78 : memref<10112x80xf32, #tpu.memory_space<hbm>>) target(%dma_start3A_72 : memref<128x80xf32, #tpu.memory_space<vmem>>) offsets(%dma_start3A_75 : memref<128xi32, #tpu.memory_space<vmem>>) semaphore(%arg16 : memref<!tpu.dma_semaphore, #tpu.memory_space<semaphore_mem>>)
    %dma_start3A_79 = arith.constant 1 : i32
    %dma_start3A_80 = arith.constant 1 : i32
    %dma_start3A_81 = arith.constant 0 : i32
    %dma_start3A_82 = arith.constant 0 : i32
    %dma_start3A_83 = tpu.memref_slice %arg10[%dma_start3A_80, %dma_start3A_81, %dma_start3A_82] : memref<2x128x16xf32, #tpu.memory_space<vmem>> -> memref<1x128x16xf32, #tpu.memory_space<vmem>>
    %dma_start3A_84 = tpu.memref_squeeze %dma_start3A_83 : memref<1x128x16xf32, #tpu.memory_space<vmem>> -> memref<128x16xf32, #tpu.memory_space<vmem>>
    %dma_start3A_85 = arith.constant 0 : i32
    %dma_start3A_86 = tpu.memref_slice %arg9[%dma_start3A_79, %dma_start3A_85] : memref<82x128xi32, #tpu.memory_space<vmem>> -> memref<1x128xi32, #tpu.memory_space<vmem>>
    %dma_start3A_87 = tpu.memref_squeeze %dma_start3A_86 : memref<1x128xi32, #tpu.memory_space<vmem>> -> memref<128xi32, #tpu.memory_space<vmem>>
    %dma_start3A_88 = arith.constant 0 : i32
    %dma_start3A_89 = arith.constant 0 : i32
    %dma_start3A_90 = tpu.memref_slice %arg3[%dma_start3A_88, %dma_start3A_89] : memref<10112x16xf32, #tpu.memory_space<hbm>> -> memref<10112x16xf32, #tpu.memory_space<hbm>>
    tpu.enqueue_indirect_dma source(%dma_start3A_90 : memref<10112x16xf32, #tpu.memory_space<hbm>>) target(%dma_start3A_84 : memref<128x16xf32, #tpu.memory_space<vmem>>) offsets(%dma_start3A_87 : memref<128xi32, #tpu.memory_space<vmem>>) semaphore(%arg16 : memref<!tpu.dma_semaphore, #tpu.memory_space<semaphore_mem>>)
    %dma_start3A_91 = arith.constant 1 : i32
    %dma_start3A_92 = arith.constant 1 : i32
    %dma_start3A_93 = arith.constant 0 : i32
    %dma_start3A_94 = arith.constant 0 : i32
    %dma_start3A_95 = tpu.memref_slice %arg11[%dma_start3A_92, %dma_start3A_93, %dma_start3A_94] : memref<2x128x80xf32, #tpu.memory_space<vmem>> -> memref<1x128x80xf32, #tpu.memory_space<vmem>>
    %dma_start3A_96 = tpu.memref_squeeze %dma_start3A_95 : memref<1x128x80xf32, #tpu.memory_space<vmem>> -> memref<128x80xf32, #tpu.memory_space<vmem>>
    %dma_start3A_97 = arith.constant 0 : i32
    %dma_start3A_98 = tpu.memref_slice %arg8[%dma_start3A_91, %dma_start3A_97] : memref<82x128xi32, #tpu.memory_space<vmem>> -> memref<1x128xi32, #tpu.memory_space<vmem>>
    %dma_start3A_99 = tpu.memref_squeeze %dma_start3A_98 : memref<1x128xi32, #tpu.memory_space<vmem>> -> memref<128xi32, #tpu.memory_space<vmem>>
    %dma_start3A_100 = arith.constant 0 : i32
    %dma_start3A_101 = arith.constant 0 : i32
    %dma_start3A_102 = tpu.memref_slice %arg2[%dma_start3A_100, %dma_start3A_101] : memref<10112x80xf32, #tpu.memory_space<hbm>> -> memref<10112x80xf32, #tpu.memory_space<hbm>>
    tpu.enqueue_indirect_dma source(%dma_start3A_102 : memref<10112x80xf32, #tpu.memory_space<hbm>>) target(%dma_start3A_96 : memref<128x80xf32, #tpu.memory_space<vmem>>) offsets(%dma_start3A_99 : memref<128xi32, #tpu.memory_space<vmem>>) semaphore(%arg16 : memref<!tpu.dma_semaphore, #tpu.memory_space<semaphore_mem>>)
    %scan3A_103 = arith.constant 0 : i32
    %scan3A_104 = arith.constant 0 : i32
    %scan3A_105 = arith.constant 41 : i32
    %scan3A_106 = arith.addi %scan3A_104, %scan3A_105 : i32
    %scan3A_107 = arith.constant 1 : i32
    scf.for %scan3A_163 = %scan3A_104 to %scan3A_106 step %scan3A_107  : i32 {
      %mul3A_164 = arith.constant 2 : i32
      %mul3A_165 = arith.muli %mul3A_164, %scan3A_163 : i32
      %add3A_166 = arith.constant 0 : i32
      %add3A_167 = arith.addi %mul3A_165, %add3A_166 : i32
      %dma_wait3A_168 = arith.constant 0 : i32
      %dma_wait3A_169 = arith.constant 0 : i32
      %dma_wait3A_170 = arith.constant 0 : i32
      %dma_wait3A_171 = tpu.memref_slice %arg10[%dma_wait3A_168, %dma_wait3A_169, %dma_wait3A_170] : memref<2x128x16xf32, #tpu.memory_space<vmem>> -> memref<1x128x16xf32, #tpu.memory_space<vmem>>
      %dma_wait3A_172 = tpu.memref_squeeze %dma_wait3A_171 : memref<1x128x16xf32, #tpu.memory_space<vmem>> -> memref<128x16xf32, #tpu.memory_space<vmem>>
      %dma_wait3A_173 = arith.constant 0 : i32
      %dma_wait3A_174 = tpu.memref_slice %arg9[%add3A_167, %dma_wait3A_173] : memref<82x128xi32, #tpu.memory_space<vmem>> -> memref<1x128xi32, #tpu.memory_space<vmem>>
      %dma_wait3A_175 = tpu.memref_squeeze %dma_wait3A_174 : memref<1x128xi32, #tpu.memory_space<vmem>> -> memref<128xi32, #tpu.memory_space<vmem>>
      %dma_wait3A_176 = arith.constant 0 : i32
      %dma_wait3A_177 = arith.constant 0 : i32
      %dma_wait3A_178 = tpu.memref_slice %arg3[%dma_wait3A_176, %dma_wait3A_177] : memref<10112x16xf32, #tpu.memory_space<hbm>> -> memref<10112x16xf32, #tpu.memory_space<hbm>>
      tpu.wait_indirect_dma semaphore(%arg16 : memref<!tpu.dma_semaphore, #tpu.memory_space<semaphore_mem>>) src(%dma_wait3A_178 : memref<10112x16xf32, #tpu.memory_space<hbm>>) dst(%dma_wait3A_172 : memref<128x16xf32, #tpu.memory_space<vmem>>)
      %dma_wait3A_179 = arith.constant 0 : i32
      %dma_wait3A_180 = arith.constant 0 : i32
      %dma_wait3A_181 = arith.constant 0 : i32
      %dma_wait3A_182 = tpu.memref_slice %arg11[%dma_wait3A_179, %dma_wait3A_180, %dma_wait3A_181] : memref<2x128x80xf32, #tpu.memory_space<vmem>> -> memref<1x128x80xf32, #tpu.memory_space<vmem>>
      %dma_wait3A_183 = tpu.memref_squeeze %dma_wait3A_182 : memref<1x128x80xf32, #tpu.memory_space<vmem>> -> memref<128x80xf32, #tpu.memory_space<vmem>>
      %dma_wait3A_184 = arith.constant 0 : i32
      %dma_wait3A_185 = tpu.memref_slice %arg8[%add3A_167, %dma_wait3A_184] : memref<82x128xi32, #tpu.memory_space<vmem>> -> memref<1x128xi32, #tpu.memory_space<vmem>>
      %dma_wait3A_186 = tpu.memref_squeeze %dma_wait3A_185 : memref<1x128xi32, #tpu.memory_space<vmem>> -> memref<128xi32, #tpu.memory_space<vmem>>
      %dma_wait3A_187 = arith.constant 0 : i32
      %dma_wait3A_188 = arith.constant 0 : i32
      %dma_wait3A_189 = tpu.memref_slice %arg2[%dma_wait3A_187, %dma_wait3A_188] : memref<10112x80xf32, #tpu.memory_space<hbm>> -> memref<10112x80xf32, #tpu.memory_space<hbm>>
      tpu.wait_indirect_dma semaphore(%arg16 : memref<!tpu.dma_semaphore, #tpu.memory_space<semaphore_mem>>) src(%dma_wait3A_189 : memref<10112x80xf32, #tpu.memory_space<hbm>>) dst(%dma_wait3A_183 : memref<128x80xf32, #tpu.memory_space<vmem>>)
      %ge3A = arith.constant 2 : i32
      %ge3A_190 = arith.cmpi sge, %add3A_167, %ge3A : i32
      %convert_element_type3A = arith.extui %ge3A_190 : i1 to i32
      %cond3A = arith.constant 0 : i32
      %cond3A_191 = arith.cmpi ne, %convert_element_type3A, %cond3A : i32
      scf.if %cond3A_191 {
        %sub3A = arith.constant 2 : i32
        %sub3A_285 = arith.subi %add3A_167, %sub3A : i32
        %dma_wait3A_286 = arith.constant 0 : i32
        %dma_wait3A_287 = arith.constant 0 : i32
        %dma_wait3A_288 = arith.constant 0 : i32
        %dma_wait3A_289 = tpu.memref_slice %arg12[%dma_wait3A_286, %dma_wait3A_287, %dma_wait3A_288] : memref<2x128x16xf32, #tpu.memory_space<vmem>> -> memref<1x128x16xf32, #tpu.memory_space<vmem>>
        %dma_wait3A_290 = tpu.memref_squeeze %dma_wait3A_289 : memref<1x128x16xf32, #tpu.memory_space<vmem>> -> memref<128x16xf32, #tpu.memory_space<vmem>>
        %dma_wait3A_291 = arith.constant 0 : i32
        %dma_wait3A_292 = tpu.memref_slice %arg9[%sub3A_285, %dma_wait3A_291] : memref<82x128xi32, #tpu.memory_space<vmem>> -> memref<1x128xi32, #tpu.memory_space<vmem>>
        %dma_wait3A_293 = tpu.memref_squeeze %dma_wait3A_292 : memref<1x128xi32, #tpu.memory_space<vmem>> -> memref<128xi32, #tpu.memory_space<vmem>>
        %dma_wait3A_294 = arith.constant 0 : i32
        %dma_wait3A_295 = arith.constant 0 : i32
        %dma_wait3A_296 = tpu.memref_slice %arg15[%dma_wait3A_294, %dma_wait3A_295] : memref<10112x16xf32, #tpu.memory_space<vmem_shared>> -> memref<10112x16xf32, #tpu.memory_space<vmem_shared>>
        tpu.wait_indirect_dma semaphore(%arg17 : memref<!tpu.dma_semaphore, #tpu.memory_space<semaphore_mem>>) src(%dma_wait3A_290 : memref<128x16xf32, #tpu.memory_space<vmem>>) dst(%dma_wait3A_296 : memref<10112x16xf32, #tpu.memory_space<vmem_shared>>)
        %dma_wait3A_297 = arith.constant 0 : i32
        %dma_wait3A_298 = arith.constant 0 : i32
        %dma_wait3A_299 = arith.constant 0 : i32
        %dma_wait3A_300 = tpu.memref_slice %arg13[%dma_wait3A_297, %dma_wait3A_298, %dma_wait3A_299] : memref<2x128x64xf32, #tpu.memory_space<vmem>> -> memref<1x128x64xf32, #tpu.memory_space<vmem>>
        %dma_wait3A_301 = tpu.memref_squeeze %dma_wait3A_300 : memref<1x128x64xf32, #tpu.memory_space<vmem>> -> memref<128x64xf32, #tpu.memory_space<vmem>>
        %dma_wait3A_302 = arith.constant 0 : i32
        %dma_wait3A_303 = tpu.memref_slice %arg9[%sub3A_285, %dma_wait3A_302] : memref<82x128xi32, #tpu.memory_space<vmem>> -> memref<1x128xi32, #tpu.memory_space<vmem>>
        %dma_wait3A_304 = tpu.memref_squeeze %dma_wait3A_303 : memref<1x128xi32, #tpu.memory_space<vmem>> -> memref<128xi32, #tpu.memory_space<vmem>>
        %dma_wait3A_305 = arith.constant 0 : i32
        %dma_wait3A_306 = arith.constant 0 : i32
        %dma_wait3A_307 = tpu.memref_slice %arg14[%dma_wait3A_305, %dma_wait3A_306] : memref<10112x64xf32, #tpu.memory_space<vmem_shared>> -> memref<10112x64xf32, #tpu.memory_space<vmem_shared>>
        tpu.wait_indirect_dma semaphore(%arg17 : memref<!tpu.dma_semaphore, #tpu.memory_space<semaphore_mem>>) src(%dma_wait3A_301 : memref<128x64xf32, #tpu.memory_space<vmem>>) dst(%dma_wait3A_307 : memref<10112x64xf32, #tpu.memory_space<vmem_shared>>)
      } else {
      }
      %parallel_loop3A = arith.constant 0 : i32
      %parallel_loop3A_192 = arith.constant 128 : i32
      %parallel_loop3A_193 = arith.constant 1 : i32
      scf.for %parallel_loop3A_285 = %parallel_loop3A to %parallel_loop3A_192 step %parallel_loop3A_193  : i32 {
        %parallel_loop3A_286 = arith.constant 0 : i32
        %parallel_loop3A_287 = arith.index_cast %parallel_loop3A_286 : i32 to index
        %parallel_loop3A_288 = arith.index_cast %parallel_loop3A_285 : i32 to index
        %parallel_loop3A_289 = arith.constant 64 : index
        %parallel_loop3A_290 = tpu.vector_load %arg11[%parallel_loop3A_287, %parallel_loop3A_288, %parallel_loop3A_289] {strides = array<i32>} : memref<2x128x80xf32, #tpu.memory_space<vmem>>, vector<16xf32>,
        %parallel_loop3A_291 = arith.constant 0 : i32
        %parallel_loop3A_292 = arith.index_cast %parallel_loop3A_291 : i32 to index
        %parallel_loop3A_293 = arith.index_cast %parallel_loop3A_285 : i32 to index
        %parallel_loop3A_294 = arith.constant 0 : index
        %parallel_loop3A_295 = tpu.vector_load %arg10[%parallel_loop3A_292, %parallel_loop3A_293, %parallel_loop3A_294] {strides = array<i32>} : memref<2x128x16xf32, #tpu.memory_space<vmem>>, vector<16xf32>,
        %parallel_loop3A_296 = arith.addf %parallel_loop3A_290, %parallel_loop3A_295 : vector<16xf32>
        %parallel_loop3A_297 = arith.constant 2.000000e-01 : f32
        %parallel_loop3A_298 = vector.broadcast %parallel_loop3A_297 : f32 to vector<16xf32>
        %parallel_loop3A_299 = arith.mulf %parallel_loop3A_296, %parallel_loop3A_298 : vector<16xf32>
        %parallel_loop3A_300 = arith.maximumf %parallel_loop3A_296, %parallel_loop3A_299 : vector<16xf32>
        %parallel_loop3A_301 = math.exp %parallel_loop3A_300 : vector<16xf32>
        %parallel_loop3A_302 = arith.constant 0 : i32
        %parallel_loop3A_303 = arith.index_cast %parallel_loop3A_302 : i32 to index
        %parallel_loop3A_304 = arith.index_cast %parallel_loop3A_285 : i32 to index
        %parallel_loop3A_305 = arith.constant 0 : index
        %parallel_loop3A_306 = tpu.vector_load %arg12[%parallel_loop3A_303, %parallel_loop3A_304, %parallel_loop3A_305] {strides = array<i32>} : memref<2x128x16xf32, #tpu.memory_space<vmem>>, vector<16xf32>,
        tpu.vector_store %arg12[%parallel_loop3A_303, %parallel_loop3A_304, %parallel_loop3A_305], %parallel_loop3A_301 {strides = array<i32>} : memref<2x128x16xf32, #tpu.memory_space<vmem>>, vector<16xf32>,
        %parallel_loop3A_307 = vector.shape_cast %add3A_42 : vector<16xi32> to vector<16x1xi32>
        %parallel_loop3A_308 = vector.shape_cast %parallel_loop3A_307 : vector<16x1xi32> to vector<16xi32>
        %parallel_loop3A_309 = tpu.dynamic_gather %parallel_loop3A_301[%parallel_loop3A_308] in [0] : vector<16xf32>, vector<16xi32> -> vector<16xf32>
        %parallel_loop3A_310 = arith.constant 0 : i32
        %parallel_loop3A_311 = arith.index_cast %parallel_loop3A_310 : i32 to index
        %parallel_loop3A_312 = arith.index_cast %parallel_loop3A_285 : i32 to index
        %parallel_loop3A_313 = arith.constant 0 : index
        %parallel_loop3A_314 = tpu.vector_load %arg11[%parallel_loop3A_311, %parallel_loop3A_312, %parallel_loop3A_313] {strides = array<i32>} : memref<2x128x80xf32, #tpu.memory_space<vmem>>, vector<16xf32>,
        %parallel_loop3A_315 = arith.mulf %parallel_loop3A_314, %parallel_loop3A_309 : vector<16xf32>
        %parallel_loop3A_316 = arith.constant 0 : i32
        %parallel_loop3A_317 = arith.index_cast %parallel_loop3A_316 : i32 to index
        %parallel_loop3A_318 = arith.index_cast %parallel_loop3A_285 : i32 to index
        %parallel_loop3A_319 = arith.constant 0 : index
        %parallel_loop3A_320 = tpu.vector_load %arg13[%parallel_loop3A_317, %parallel_loop3A_318, %parallel_loop3A_319] {strides = array<i32>} : memref<2x128x64xf32, #tpu.memory_space<vmem>>, vector<16xf32>,
        tpu.vector_store %arg13[%parallel_loop3A_317, %parallel_loop3A_318, %parallel_loop3A_319], %parallel_loop3A_315 {strides = array<i32>} : memref<2x128x64xf32, #tpu.memory_space<vmem>>, vector<16xf32>,
        %parallel_loop3A_321 = vector.shape_cast %add3A_45 : vector<16xi32> to vector<16x1xi32>
        %parallel_loop3A_322 = vector.shape_cast %parallel_loop3A_321 : vector<16x1xi32> to vector<16xi32>
        %parallel_loop3A_323 = tpu.dynamic_gather %parallel_loop3A_301[%parallel_loop3A_322] in [0] : vector<16xf32>, vector<16xi32> -> vector<16xf32>
        %parallel_loop3A_324 = arith.constant 0 : i32
        %parallel_loop3A_325 = arith.index_cast %parallel_loop3A_324 : i32 to index
        %parallel_loop3A_326 = arith.index_cast %parallel_loop3A_285 : i32 to index
        %parallel_loop3A_327 = arith.constant 16 : index
        %parallel_loop3A_328 = tpu.vector_load %arg11[%parallel_loop3A_325, %parallel_loop3A_326, %parallel_loop3A_327] {strides = array<i32>} : memref<2x128x80xf32, #tpu.memory_space<vmem>>, vector<16xf32>,
        %parallel_loop3A_329 = arith.mulf %parallel_loop3A_328, %parallel_loop3A_323 : vector<16xf32>
        %parallel_loop3A_330 = arith.constant 0 : i32
        %parallel_loop3A_331 = arith.index_cast %parallel_loop3A_330 : i32 to index
        %parallel_loop3A_332 = arith.index_cast %parallel_loop3A_285 : i32 to index
        %parallel_loop3A_333 = arith.constant 16 : index
        %parallel_loop3A_334 = tpu.vector_load %arg13[%parallel_loop3A_331, %parallel_loop3A_332, %parallel_loop3A_333] {strides = array<i32>} : memref<2x128x64xf32, #tpu.memory_space<vmem>>, vector<16xf32>,
        tpu.vector_store %arg13[%parallel_loop3A_331, %parallel_loop3A_332, %parallel_loop3A_333], %parallel_loop3A_329 {strides = array<i32>} : memref<2x128x64xf32, #tpu.memory_space<vmem>>, vector<16xf32>,
        %parallel_loop3A_335 = vector.shape_cast %add3A_48 : vector<16xi32> to vector<16x1xi32>
        %parallel_loop3A_336 = vector.shape_cast %parallel_loop3A_335 : vector<16x1xi32> to vector<16xi32>
        %parallel_loop3A_337 = tpu.dynamic_gather %parallel_loop3A_301[%parallel_loop3A_336] in [0] : vector<16xf32>, vector<16xi32> -> vector<16xf32>
        %parallel_loop3A_338 = arith.constant 0 : i32
        %parallel_loop3A_339 = arith.index_cast %parallel_loop3A_338 : i32 to index
        %parallel_loop3A_340 = arith.index_cast %parallel_loop3A_285 : i32 to index
        %parallel_loop3A_341 = arith.constant 32 : index
        %parallel_loop3A_342 = tpu.vector_load %arg11[%parallel_loop3A_339, %parallel_loop3A_340, %parallel_loop3A_341] {strides = array<i32>} : memref<2x128x80xf32, #tpu.memory_space<vmem>>, vector<16xf32>,
        %parallel_loop3A_343 = arith.mulf %parallel_loop3A_342, %parallel_loop3A_337 : vector<16xf32>
        %parallel_loop3A_344 = arith.constant 0 : i32
        %parallel_loop3A_345 = arith.index_cast %parallel_loop3A_344 : i32 to index
        %parallel_loop3A_346 = arith.index_cast %parallel_loop3A_285 : i32 to index
        %parallel_loop3A_347 = arith.constant 32 : index
        %parallel_loop3A_348 = tpu.vector_load %arg13[%parallel_loop3A_345, %parallel_loop3A_346, %parallel_loop3A_347] {strides = array<i32>} : memref<2x128x64xf32, #tpu.memory_space<vmem>>, vector<16xf32>,
        tpu.vector_store %arg13[%parallel_loop3A_345, %parallel_loop3A_346, %parallel_loop3A_347], %parallel_loop3A_343 {strides = array<i32>} : memref<2x128x64xf32, #tpu.memory_space<vmem>>, vector<16xf32>,
        %parallel_loop3A_349 = vector.shape_cast %add3A_51 : vector<16xi32> to vector<16x1xi32>
        %parallel_loop3A_350 = vector.shape_cast %parallel_loop3A_349 : vector<16x1xi32> to vector<16xi32>
        %parallel_loop3A_351 = tpu.dynamic_gather %parallel_loop3A_301[%parallel_loop3A_350] in [0] : vector<16xf32>, vector<16xi32> -> vector<16xf32>
        %parallel_loop3A_352 = arith.constant 0 : i32
        %parallel_loop3A_353 = arith.index_cast %parallel_loop3A_352 : i32 to index
        %parallel_loop3A_354 = arith.index_cast %parallel_loop3A_285 : i32 to index
        %parallel_loop3A_355 = arith.constant 48 : index
        %parallel_loop3A_356 = tpu.vector_load %arg11[%parallel_loop3A_353, %parallel_loop3A_354, %parallel_loop3A_355] {strides = array<i32>} : memref<2x128x80xf32, #tpu.memory_space<vmem>>, vector<16xf32>,
        %parallel_loop3A_357 = arith.mulf %parallel_loop3A_356, %parallel_loop3A_351 : vector<16xf32>
        %parallel_loop3A_358 = arith.constant 0 : i32
        %parallel_loop3A_359 = arith.index_cast %parallel_loop3A_358 : i32 to index
        %parallel_loop3A_360 = arith.index_cast %parallel_loop3A_285 : i32 to index
        %parallel_loop3A_361 = arith.constant 48 : index
        %parallel_loop3A_362 = tpu.vector_load %arg13[%parallel_loop3A_359, %parallel_loop3A_360, %parallel_loop3A_361] {strides = array<i32>} : memref<2x128x64xf32, #tpu.memory_space<vmem>>, vector<16xf32>,
        tpu.vector_store %arg13[%parallel_loop3A_359, %parallel_loop3A_360, %parallel_loop3A_361], %parallel_loop3A_357 {strides = array<i32>} : memref<2x128x64xf32, #tpu.memory_space<vmem>>, vector<16xf32>,
      } {sc.loop_unroll_factor = 4 : i64, sc.parallel_access}
      %dma_start3A_194 = arith.constant 0 : i32
      %dma_start3A_195 = arith.constant 0 : i32
      %dma_start3A_196 = arith.constant 0 : i32
      %dma_start3A_197 = tpu.memref_slice %arg12[%dma_start3A_194, %dma_start3A_195, %dma_start3A_196] : memref<2x128x16xf32, #tpu.memory_space<vmem>> -> memref<1x128x16xf32, #tpu.memory_space<vmem>>
      %dma_start3A_198 = tpu.memref_squeeze %dma_start3A_197 : memref<1x128x16xf32, #tpu.memory_space<vmem>> -> memref<128x16xf32, #tpu.memory_space<vmem>>
      %dma_start3A_199 = arith.constant 0 : i32
      %dma_start3A_200 = tpu.memref_slice %arg9[%add3A_167, %dma_start3A_199] : memref<82x128xi32, #tpu.memory_space<vmem>> -> memref<1x128xi32, #tpu.memory_space<vmem>>
      %dma_start3A_201 = tpu.memref_squeeze %dma_start3A_200 : memref<1x128xi32, #tpu.memory_space<vmem>> -> memref<128xi32, #tpu.memory_space<vmem>>
      %dma_start3A_202 = arith.constant 0 : i32
      %dma_start3A_203 = arith.constant 0 : i32
      %dma_start3A_204 = tpu.memref_slice %arg15[%dma_start3A_202, %dma_start3A_203] : memref<10112x16xf32, #tpu.memory_space<vmem_shared>> -> memref<10112x16xf32, #tpu.memory_space<vmem_shared>>
      tpu.enqueue_indirect_dma source(%dma_start3A_198 : memref<128x16xf32, #tpu.memory_space<vmem>>) target(%dma_start3A_204 : memref<10112x16xf32, #tpu.memory_space<vmem_shared>>) offsets(%dma_start3A_201 : memref<128xi32, #tpu.memory_space<vmem>>) semaphore(%arg17 : memref<!tpu.dma_semaphore, #tpu.memory_space<semaphore_mem>>) {add = true}
      %dma_start3A_205 = arith.constant 0 : i32
      %dma_start3A_206 = arith.constant 0 : i32
      %dma_start3A_207 = arith.constant 0 : i32
      %dma_start3A_208 = tpu.memref_slice %arg13[%dma_start3A_205, %dma_start3A_206, %dma_start3A_207] : memref<2x128x64xf32, #tpu.memory_space<vmem>> -> memref<1x128x64xf32, #tpu.memory_space<vmem>>
      %dma_start3A_209 = tpu.memref_squeeze %dma_start3A_208 : memref<1x128x64xf32, #tpu.memory_space<vmem>> -> memref<128x64xf32, #tpu.memory_space<vmem>>
      %dma_start3A_210 = arith.constant 0 : i32
      %dma_start3A_211 = tpu.memref_slice %arg9[%add3A_167, %dma_start3A_210] : memref<82x128xi32, #tpu.memory_space<vmem>> -> memref<1x128xi32, #tpu.memory_space<vmem>>
      %dma_start3A_212 = tpu.memref_squeeze %dma_start3A_211 : memref<1x128xi32, #tpu.memory_space<vmem>> -> memref<128xi32, #tpu.memory_space<vmem>>
      %dma_start3A_213 = arith.constant 0 : i32
      %dma_start3A_214 = arith.constant 0 : i32
      %dma_start3A_215 = tpu.memref_slice %arg14[%dma_start3A_213, %dma_start3A_214] : memref<10112x64xf32, #tpu.memory_space<vmem_shared>> -> memref<10112x64xf32, #tpu.memory_space<vmem_shared>>
      tpu.enqueue_indirect_dma source(%dma_start3A_209 : memref<128x64xf32, #tpu.memory_space<vmem>>) target(%dma_start3A_215 : memref<10112x64xf32, #tpu.memory_space<vmem_shared>>) offsets(%dma_start3A_212 : memref<128xi32, #tpu.memory_space<vmem>>) semaphore(%arg17 : memref<!tpu.dma_semaphore, #tpu.memory_space<semaphore_mem>>) {add = true}
      %add3A_216 = arith.constant 2 : i32
      %add3A_217 = arith.addi %add3A_167, %add3A_216 : i32
      %lt3A = arith.constant 82 : i32
      %lt3A_218 = arith.cmpi slt, %add3A_217, %lt3A : i32
      %convert_element_type3A_219 = arith.extui %lt3A_218 : i1 to i32
      %cond3A_220 = arith.constant 0 : i32
      %cond3A_221 = arith.cmpi ne, %convert_element_type3A_219, %cond3A_220 : i32
      scf.if %cond3A_221 {
        %add3A_285 = arith.constant 2 : i32
        %add3A_286 = arith.addi %add3A_167, %add3A_285 : i32
        %dma_start3A_287 = arith.constant 0 : i32
        %dma_start3A_288 = arith.constant 0 : i32
        %dma_start3A_289 = arith.constant 0 : i32
        %dma_start3A_290 = tpu.memref_slice %arg10[%dma_start3A_287, %dma_start3A_288, %dma_start3A_289] : memref<2x128x16xf32, #tpu.memory_space<vmem>> -> memref<1x128x16xf32, #tpu.memory_space<vmem>>
        %dma_start3A_291 = tpu.memref_squeeze %dma_start3A_290 : memref<1x128x16xf32, #tpu.memory_space<vmem>> -> memref<128x16xf32, #tpu.memory_space<vmem>>
        %dma_start3A_292 = arith.constant 0 : i32
        %dma_start3A_293 = tpu.memref_slice %arg9[%add3A_286, %dma_start3A_292] : memref<82x128xi32, #tpu.memory_space<vmem>> -> memref<1x128xi32, #tpu.memory_space<vmem>>
        %dma_start3A_294 = tpu.memref_squeeze %dma_start3A_293 : memref<1x128xi32, #tpu.memory_space<vmem>> -> memref<128xi32, #tpu.memory_space<vmem>>
        %dma_start3A_295 = arith.constant 0 : i32
        %dma_start3A_296 = arith.constant 0 : i32
        %dma_start3A_297 = tpu.memref_slice %arg3[%dma_start3A_295, %dma_start3A_296] : memref<10112x16xf32, #tpu.memory_space<hbm>> -> memref<10112x16xf32, #tpu.memory_space<hbm>>
        tpu.enqueue_indirect_dma source(%dma_start3A_297 : memref<10112x16xf32, #tpu.memory_space<hbm>>) target(%dma_start3A_291 : memref<128x16xf32, #tpu.memory_space<vmem>>) offsets(%dma_start3A_294 : memref<128xi32, #tpu.memory_space<vmem>>) semaphore(%arg16 : memref<!tpu.dma_semaphore, #tpu.memory_space<semaphore_mem>>)
        %dma_start3A_298 = arith.constant 0 : i32
        %dma_start3A_299 = arith.constant 0 : i32
        %dma_start3A_300 = arith.constant 0 : i32
        %dma_start3A_301 = tpu.memref_slice %arg11[%dma_start3A_298, %dma_start3A_299, %dma_start3A_300] : memref<2x128x80xf32, #tpu.memory_space<vmem>> -> memref<1x128x80xf32, #tpu.memory_space<vmem>>
        %dma_start3A_302 = tpu.memref_squeeze %dma_start3A_301 : memref<1x128x80xf32, #tpu.memory_space<vmem>> -> memref<128x80xf32, #tpu.memory_space<vmem>>
        %dma_start3A_303 = arith.constant 0 : i32
        %dma_start3A_304 = tpu.memref_slice %arg8[%add3A_286, %dma_start3A_303] : memref<82x128xi32, #tpu.memory_space<vmem>> -> memref<1x128xi32, #tpu.memory_space<vmem>>
        %dma_start3A_305 = tpu.memref_squeeze %dma_start3A_304 : memref<1x128xi32, #tpu.memory_space<vmem>> -> memref<128xi32, #tpu.memory_space<vmem>>
        %dma_start3A_306 = arith.constant 0 : i32
        %dma_start3A_307 = arith.constant 0 : i32
        %dma_start3A_308 = tpu.memref_slice %arg2[%dma_start3A_306, %dma_start3A_307] : memref<10112x80xf32, #tpu.memory_space<hbm>> -> memref<10112x80xf32, #tpu.memory_space<hbm>>
        tpu.enqueue_indirect_dma source(%dma_start3A_308 : memref<10112x80xf32, #tpu.memory_space<hbm>>) target(%dma_start3A_302 : memref<128x80xf32, #tpu.memory_space<vmem>>) offsets(%dma_start3A_305 : memref<128xi32, #tpu.memory_space<vmem>>) semaphore(%arg16 : memref<!tpu.dma_semaphore, #tpu.memory_space<semaphore_mem>>)
      } else {
      }
      %mul3A_222 = arith.constant 2 : i32
      %mul3A_223 = arith.muli %mul3A_222, %scan3A_163 : i32
      %add3A_224 = arith.constant 1 : i32
      %add3A_225 = arith.addi %mul3A_223, %add3A_224 : i32
      %dma_wait3A_226 = arith.constant 1 : i32
      %dma_wait3A_227 = arith.constant 0 : i32
      %dma_wait3A_228 = arith.constant 0 : i32
      %dma_wait3A_229 = tpu.memref_slice %arg10[%dma_wait3A_226, %dma_wait3A_227, %dma_wait3A_228] : memref<2x128x16xf32, #tpu.memory_space<vmem>> -> memref<1x128x16xf32, #tpu.memory_space<vmem>>
      %dma_wait3A_230 = tpu.memref_squeeze %dma_wait3A_229 : memref<1x128x16xf32, #tpu.memory_space<vmem>> -> memref<128x16xf32, #tpu.memory_space<vmem>>
      %dma_wait3A_231 = arith.constant 0 : i32
      %dma_wait3A_232 = tpu.memref_slice %arg9[%add3A_225, %dma_wait3A_231] : memref<82x128xi32, #tpu.memory_space<vmem>> -> memref<1x128xi32, #tpu.memory_space<vmem>>
      %dma_wait3A_233 = tpu.memref_squeeze %dma_wait3A_232 : memref<1x128xi32, #tpu.memory_space<vmem>> -> memref<128xi32, #tpu.memory_space<vmem>>
      %dma_wait3A_234 = arith.constant 0 : i32
      %dma_wait3A_235 = arith.constant 0 : i32
      %dma_wait3A_236 = tpu.memref_slice %arg3[%dma_wait3A_234, %dma_wait3A_235] : memref<10112x16xf32, #tpu.memory_space<hbm>> -> memref<10112x16xf32, #tpu.memory_space<hbm>>
      tpu.wait_indirect_dma semaphore(%arg16 : memref<!tpu.dma_semaphore, #tpu.memory_space<semaphore_mem>>) src(%dma_wait3A_236 : memref<10112x16xf32, #tpu.memory_space<hbm>>) dst(%dma_wait3A_230 : memref<128x16xf32, #tpu.memory_space<vmem>>)
      %dma_wait3A_237 = arith.constant 1 : i32
      %dma_wait3A_238 = arith.constant 0 : i32
      %dma_wait3A_239 = arith.constant 0 : i32
      %dma_wait3A_240 = tpu.memref_slice %arg11[%dma_wait3A_237, %dma_wait3A_238, %dma_wait3A_239] : memref<2x128x80xf32, #tpu.memory_space<vmem>> -> memref<1x128x80xf32, #tpu.memory_space<vmem>>
      %dma_wait3A_241 = tpu.memref_squeeze %dma_wait3A_240 : memref<1x128x80xf32, #tpu.memory_space<vmem>> -> memref<128x80xf32, #tpu.memory_space<vmem>>
      %dma_wait3A_242 = arith.constant 0 : i32
      %dma_wait3A_243 = tpu.memref_slice %arg8[%add3A_225, %dma_wait3A_242] : memref<82x128xi32, #tpu.memory_space<vmem>> -> memref<1x128xi32, #tpu.memory_space<vmem>>
      %dma_wait3A_244 = tpu.memref_squeeze %dma_wait3A_243 : memref<1x128xi32, #tpu.memory_space<vmem>> -> memref<128xi32, #tpu.memory_space<vmem>>
      %dma_wait3A_245 = arith.constant 0 : i32
      %dma_wait3A_246 = arith.constant 0 : i32
      %dma_wait3A_247 = tpu.memref_slice %arg2[%dma_wait3A_245, %dma_wait3A_246] : memref<10112x80xf32, #tpu.memory_space<hbm>> -> memref<10112x80xf32, #tpu.memory_space<hbm>>
      tpu.wait_indirect_dma semaphore(%arg16 : memref<!tpu.dma_semaphore, #tpu.memory_space<semaphore_mem>>) src(%dma_wait3A_247 : memref<10112x80xf32, #tpu.memory_space<hbm>>) dst(%dma_wait3A_241 : memref<128x80xf32, #tpu.memory_space<vmem>>)
      %ge3A_248 = arith.constant 2 : i32
      %ge3A_249 = arith.cmpi sge, %add3A_225, %ge3A_248 : i32
      %convert_element_type3A_250 = arith.extui %ge3A_249 : i1 to i32
      %cond3A_251 = arith.constant 0 : i32
      %cond3A_252 = arith.cmpi ne, %convert_element_type3A_250, %cond3A_251 : i32
      scf.if %cond3A_252 {
        %sub3A = arith.constant 2 : i32
        %sub3A_285 = arith.subi %add3A_225, %sub3A : i32
        %dma_wait3A_286 = arith.constant 1 : i32
        %dma_wait3A_287 = arith.constant 0 : i32
        %dma_wait3A_288 = arith.constant 0 : i32
        %dma_wait3A_289 = tpu.memref_slice %arg12[%dma_wait3A_286, %dma_wait3A_287, %dma_wait3A_288] : memref<2x128x16xf32, #tpu.memory_space<vmem>> -> memref<1x128x16xf32, #tpu.memory_space<vmem>>
        %dma_wait3A_290 = tpu.memref_squeeze %dma_wait3A_289 : memref<1x128x16xf32, #tpu.memory_space<vmem>> -> memref<128x16xf32, #tpu.memory_space<vmem>>
        %dma_wait3A_291 = arith.constant 0 : i32
        %dma_wait3A_292 = tpu.memref_slice %arg9[%sub3A_285, %dma_wait3A_291] : memref<82x128xi32, #tpu.memory_space<vmem>> -> memref<1x128xi32, #tpu.memory_space<vmem>>
        %dma_wait3A_293 = tpu.memref_squeeze %dma_wait3A_292 : memref<1x128xi32, #tpu.memory_space<vmem>> -> memref<128xi32, #tpu.memory_space<vmem>>
        %dma_wait3A_294 = arith.constant 0 : i32
        %dma_wait3A_295 = arith.constant 0 : i32
        %dma_wait3A_296 = tpu.memref_slice %arg15[%dma_wait3A_294, %dma_wait3A_295] : memref<10112x16xf32, #tpu.memory_space<vmem_shared>> -> memref<10112x16xf32, #tpu.memory_space<vmem_shared>>
        tpu.wait_indirect_dma semaphore(%arg17 : memref<!tpu.dma_semaphore, #tpu.memory_space<semaphore_mem>>) src(%dma_wait3A_290 : memref<128x16xf32, #tpu.memory_space<vmem>>) dst(%dma_wait3A_296 : memref<10112x16xf32, #tpu.memory_space<vmem_shared>>)
        %dma_wait3A_297 = arith.constant 1 : i32
        %dma_wait3A_298 = arith.constant 0 : i32
        %dma_wait3A_299 = arith.constant 0 : i32
        %dma_wait3A_300 = tpu.memref_slice %arg13[%dma_wait3A_297, %dma_wait3A_298, %dma_wait3A_299] : memref<2x128x64xf32, #tpu.memory_space<vmem>> -> memref<1x128x64xf32, #tpu.memory_space<vmem>>
        %dma_wait3A_301 = tpu.memref_squeeze %dma_wait3A_300 : memref<1x128x64xf32, #tpu.memory_space<vmem>> -> memref<128x64xf32, #tpu.memory_space<vmem>>
        %dma_wait3A_302 = arith.constant 0 : i32
        %dma_wait3A_303 = tpu.memref_slice %arg9[%sub3A_285, %dma_wait3A_302] : memref<82x128xi32, #tpu.memory_space<vmem>> -> memref<1x128xi32, #tpu.memory_space<vmem>>
        %dma_wait3A_304 = tpu.memref_squeeze %dma_wait3A_303 : memref<1x128xi32, #tpu.memory_space<vmem>> -> memref<128xi32, #tpu.memory_space<vmem>>
        %dma_wait3A_305 = arith.constant 0 : i32
        %dma_wait3A_306 = arith.constant 0 : i32
        %dma_wait3A_307 = tpu.memref_slice %arg14[%dma_wait3A_305, %dma_wait3A_306] : memref<10112x64xf32, #tpu.memory_space<vmem_shared>> -> memref<10112x64xf32, #tpu.memory_space<vmem_shared>>
        tpu.wait_indirect_dma semaphore(%arg17 : memref<!tpu.dma_semaphore, #tpu.memory_space<semaphore_mem>>) src(%dma_wait3A_301 : memref<128x64xf32, #tpu.memory_space<vmem>>) dst(%dma_wait3A_307 : memref<10112x64xf32, #tpu.memory_space<vmem_shared>>)
      } else {
      }
      %parallel_loop3A_253 = arith.constant 0 : i32
      %parallel_loop3A_254 = arith.constant 128 : i32
      %parallel_loop3A_255 = arith.constant 1 : i32
      scf.for %parallel_loop3A_285 = %parallel_loop3A_253 to %parallel_loop3A_254 step %parallel_loop3A_255  : i32 {
        %parallel_loop3A_286 = arith.constant 1 : i32
        %parallel_loop3A_287 = arith.index_cast %parallel_loop3A_286 : i32 to index
        %parallel_loop3A_288 = arith.index_cast %parallel_loop3A_285 : i32 to index
        %parallel_loop3A_289 = arith.constant 64 : index
        %parallel_loop3A_290 = tpu.vector_load %arg11[%parallel_loop3A_287, %parallel_loop3A_288, %parallel_loop3A_289] {strides = array<i32>} : memref<2x128x80xf32, #tpu.memory_space<vmem>>, vector<16xf32>,
        %parallel_loop3A_291 = arith.constant 1 : i32
        %parallel_loop3A_292 = arith.index_cast %parallel_loop3A_291 : i32 to index
        %parallel_loop3A_293 = arith.index_cast %parallel_loop3A_285 : i32 to index
        %parallel_loop3A_294 = arith.constant 0 : index
        %parallel_loop3A_295 = tpu.vector_load %arg10[%parallel_loop3A_292, %parallel_loop3A_293, %parallel_loop3A_294] {strides = array<i32>} : memref<2x128x16xf32, #tpu.memory_space<vmem>>, vector<16xf32>,
        %parallel_loop3A_296 = arith.addf %parallel_loop3A_290, %parallel_loop3A_295 : vector<16xf32>
        %parallel_loop3A_297 = arith.constant 2.000000e-01 : f32
        %parallel_loop3A_298 = vector.broadcast %parallel_loop3A_297 : f32 to vector<16xf32>
        %parallel_loop3A_299 = arith.mulf %parallel_loop3A_296, %parallel_loop3A_298 : vector<16xf32>
        %parallel_loop3A_300 = arith.maximumf %parallel_loop3A_296, %parallel_loop3A_299 : vector<16xf32>
        %parallel_loop3A_301 = math.exp %parallel_loop3A_300 : vector<16xf32>
        %parallel_loop3A_302 = arith.constant 1 : i32
        %parallel_loop3A_303 = arith.index_cast %parallel_loop3A_302 : i32 to index
        %parallel_loop3A_304 = arith.index_cast %parallel_loop3A_285 : i32 to index
        %parallel_loop3A_305 = arith.constant 0 : index
        %parallel_loop3A_306 = tpu.vector_load %arg12[%parallel_loop3A_303, %parallel_loop3A_304, %parallel_loop3A_305] {strides = array<i32>} : memref<2x128x16xf32, #tpu.memory_space<vmem>>, vector<16xf32>,
        tpu.vector_store %arg12[%parallel_loop3A_303, %parallel_loop3A_304, %parallel_loop3A_305], %parallel_loop3A_301 {strides = array<i32>} : memref<2x128x16xf32, #tpu.memory_space<vmem>>, vector<16xf32>,
        %parallel_loop3A_307 = vector.shape_cast %add3A_42 : vector<16xi32> to vector<16x1xi32>
        %parallel_loop3A_308 = vector.shape_cast %parallel_loop3A_307 : vector<16x1xi32> to vector<16xi32>
        %parallel_loop3A_309 = tpu.dynamic_gather %parallel_loop3A_301[%parallel_loop3A_308] in [0] : vector<16xf32>, vector<16xi32> -> vector<16xf32>
        %parallel_loop3A_310 = arith.constant 1 : i32
        %parallel_loop3A_311 = arith.index_cast %parallel_loop3A_310 : i32 to index
        %parallel_loop3A_312 = arith.index_cast %parallel_loop3A_285 : i32 to index
        %parallel_loop3A_313 = arith.constant 0 : index
        %parallel_loop3A_314 = tpu.vector_load %arg11[%parallel_loop3A_311, %parallel_loop3A_312, %parallel_loop3A_313] {strides = array<i32>} : memref<2x128x80xf32, #tpu.memory_space<vmem>>, vector<16xf32>,
        %parallel_loop3A_315 = arith.mulf %parallel_loop3A_314, %parallel_loop3A_309 : vector<16xf32>
        %parallel_loop3A_316 = arith.constant 1 : i32
        %parallel_loop3A_317 = arith.index_cast %parallel_loop3A_316 : i32 to index
        %parallel_loop3A_318 = arith.index_cast %parallel_loop3A_285 : i32 to index
        %parallel_loop3A_319 = arith.constant 0 : index
        %parallel_loop3A_320 = tpu.vector_load %arg13[%parallel_loop3A_317, %parallel_loop3A_318, %parallel_loop3A_319] {strides = array<i32>} : memref<2x128x64xf32, #tpu.memory_space<vmem>>, vector<16xf32>,
        tpu.vector_store %arg13[%parallel_loop3A_317, %parallel_loop3A_318, %parallel_loop3A_319], %parallel_loop3A_315 {strides = array<i32>} : memref<2x128x64xf32, #tpu.memory_space<vmem>>, vector<16xf32>,
        %parallel_loop3A_321 = vector.shape_cast %add3A_45 : vector<16xi32> to vector<16x1xi32>
        %parallel_loop3A_322 = vector.shape_cast %parallel_loop3A_321 : vector<16x1xi32> to vector<16xi32>
        %parallel_loop3A_323 = tpu.dynamic_gather %parallel_loop3A_301[%parallel_loop3A_322] in [0] : vector<16xf32>, vector<16xi32> -> vector<16xf32>
        %parallel_loop3A_324 = arith.constant 1 : i32
        %parallel_loop3A_325 = arith.index_cast %parallel_loop3A_324 : i32 to index
        %parallel_loop3A_326 = arith.index_cast %parallel_loop3A_285 : i32 to index
        %parallel_loop3A_327 = arith.constant 16 : index
        %parallel_loop3A_328 = tpu.vector_load %arg11[%parallel_loop3A_325, %parallel_loop3A_326, %parallel_loop3A_327] {strides = array<i32>} : memref<2x128x80xf32, #tpu.memory_space<vmem>>, vector<16xf32>,
        %parallel_loop3A_329 = arith.mulf %parallel_loop3A_328, %parallel_loop3A_323 : vector<16xf32>
        %parallel_loop3A_330 = arith.constant 1 : i32
        %parallel_loop3A_331 = arith.index_cast %parallel_loop3A_330 : i32 to index
        %parallel_loop3A_332 = arith.index_cast %parallel_loop3A_285 : i32 to index
        %parallel_loop3A_333 = arith.constant 16 : index
        %parallel_loop3A_334 = tpu.vector_load %arg13[%parallel_loop3A_331, %parallel_loop3A_332, %parallel_loop3A_333] {strides = array<i32>} : memref<2x128x64xf32, #tpu.memory_space<vmem>>, vector<16xf32>,
        tpu.vector_store %arg13[%parallel_loop3A_331, %parallel_loop3A_332, %parallel_loop3A_333], %parallel_loop3A_329 {strides = array<i32>} : memref<2x128x64xf32, #tpu.memory_space<vmem>>, vector<16xf32>,
        %parallel_loop3A_335 = vector.shape_cast %add3A_48 : vector<16xi32> to vector<16x1xi32>
        %parallel_loop3A_336 = vector.shape_cast %parallel_loop3A_335 : vector<16x1xi32> to vector<16xi32>
        %parallel_loop3A_337 = tpu.dynamic_gather %parallel_loop3A_301[%parallel_loop3A_336] in [0] : vector<16xf32>, vector<16xi32> -> vector<16xf32>
        %parallel_loop3A_338 = arith.constant 1 : i32
        %parallel_loop3A_339 = arith.index_cast %parallel_loop3A_338 : i32 to index
        %parallel_loop3A_340 = arith.index_cast %parallel_loop3A_285 : i32 to index
        %parallel_loop3A_341 = arith.constant 32 : index
        %parallel_loop3A_342 = tpu.vector_load %arg11[%parallel_loop3A_339, %parallel_loop3A_340, %parallel_loop3A_341] {strides = array<i32>} : memref<2x128x80xf32, #tpu.memory_space<vmem>>, vector<16xf32>,
        %parallel_loop3A_343 = arith.mulf %parallel_loop3A_342, %parallel_loop3A_337 : vector<16xf32>
        %parallel_loop3A_344 = arith.constant 1 : i32
        %parallel_loop3A_345 = arith.index_cast %parallel_loop3A_344 : i32 to index
        %parallel_loop3A_346 = arith.index_cast %parallel_loop3A_285 : i32 to index
        %parallel_loop3A_347 = arith.constant 32 : index
        %parallel_loop3A_348 = tpu.vector_load %arg13[%parallel_loop3A_345, %parallel_loop3A_346, %parallel_loop3A_347] {strides = array<i32>} : memref<2x128x64xf32, #tpu.memory_space<vmem>>, vector<16xf32>,
        tpu.vector_store %arg13[%parallel_loop3A_345, %parallel_loop3A_346, %parallel_loop3A_347], %parallel_loop3A_343 {strides = array<i32>} : memref<2x128x64xf32, #tpu.memory_space<vmem>>, vector<16xf32>,
        %parallel_loop3A_349 = vector.shape_cast %add3A_51 : vector<16xi32> to vector<16x1xi32>
        %parallel_loop3A_350 = vector.shape_cast %parallel_loop3A_349 : vector<16x1xi32> to vector<16xi32>
        %parallel_loop3A_351 = tpu.dynamic_gather %parallel_loop3A_301[%parallel_loop3A_350] in [0] : vector<16xf32>, vector<16xi32> -> vector<16xf32>
        %parallel_loop3A_352 = arith.constant 1 : i32
        %parallel_loop3A_353 = arith.index_cast %parallel_loop3A_352 : i32 to index
        %parallel_loop3A_354 = arith.index_cast %parallel_loop3A_285 : i32 to index
        %parallel_loop3A_355 = arith.constant 48 : index
        %parallel_loop3A_356 = tpu.vector_load %arg11[%parallel_loop3A_353, %parallel_loop3A_354, %parallel_loop3A_355] {strides = array<i32>} : memref<2x128x80xf32, #tpu.memory_space<vmem>>, vector<16xf32>,
        %parallel_loop3A_357 = arith.mulf %parallel_loop3A_356, %parallel_loop3A_351 : vector<16xf32>
        %parallel_loop3A_358 = arith.constant 1 : i32
        %parallel_loop3A_359 = arith.index_cast %parallel_loop3A_358 : i32 to index
        %parallel_loop3A_360 = arith.index_cast %parallel_loop3A_285 : i32 to index
        %parallel_loop3A_361 = arith.constant 48 : index
        %parallel_loop3A_362 = tpu.vector_load %arg13[%parallel_loop3A_359, %parallel_loop3A_360, %parallel_loop3A_361] {strides = array<i32>} : memref<2x128x64xf32, #tpu.memory_space<vmem>>, vector<16xf32>,
        tpu.vector_store %arg13[%parallel_loop3A_359, %parallel_loop3A_360, %parallel_loop3A_361], %parallel_loop3A_357 {strides = array<i32>} : memref<2x128x64xf32, #tpu.memory_space<vmem>>, vector<16xf32>,
      } {sc.loop_unroll_factor = 4 : i64, sc.parallel_access}
      %dma_start3A_256 = arith.constant 1 : i32
      %dma_start3A_257 = arith.constant 0 : i32
      %dma_start3A_258 = arith.constant 0 : i32
      %dma_start3A_259 = tpu.memref_slice %arg12[%dma_start3A_256, %dma_start3A_257, %dma_start3A_258] : memref<2x128x16xf32, #tpu.memory_space<vmem>> -> memref<1x128x16xf32, #tpu.memory_space<vmem>>
      %dma_start3A_260 = tpu.memref_squeeze %dma_start3A_259 : memref<1x128x16xf32, #tpu.memory_space<vmem>> -> memref<128x16xf32, #tpu.memory_space<vmem>>
      %dma_start3A_261 = arith.constant 0 : i32
      %dma_start3A_262 = tpu.memref_slice %arg9[%add3A_225, %dma_start3A_261] : memref<82x128xi32, #tpu.memory_space<vmem>> -> memref<1x128xi32, #tpu.memory_space<vmem>>
      %dma_start3A_263 = tpu.memref_squeeze %dma_start3A_262 : memref<1x128xi32, #tpu.memory_space<vmem>> -> memref<128xi32, #tpu.memory_space<vmem>>
      %dma_start3A_264 = arith.constant 0 : i32
      %dma_start3A_265 = arith.constant 0 : i32
      %dma_start3A_266 = tpu.memref_slice %arg15[%dma_start3A_264, %dma_start3A_265] : memref<10112x16xf32, #tpu.memory_space<vmem_shared>> -> memref<10112x16xf32, #tpu.memory_space<vmem_shared>>
      tpu.enqueue_indirect_dma source(%dma_start3A_260 : memref<128x16xf32, #tpu.memory_space<vmem>>) target(%dma_start3A_266 : memref<10112x16xf32, #tpu.memory_space<vmem_shared>>) offsets(%dma_start3A_263 : memref<128xi32, #tpu.memory_space<vmem>>) semaphore(%arg17 : memref<!tpu.dma_semaphore, #tpu.memory_space<semaphore_mem>>) {add = true}
      %dma_start3A_267 = arith.constant 1 : i32
      %dma_start3A_268 = arith.constant 0 : i32
      %dma_start3A_269 = arith.constant 0 : i32
      %dma_start3A_270 = tpu.memref_slice %arg13[%dma_start3A_267, %dma_start3A_268, %dma_start3A_269] : memref<2x128x64xf32, #tpu.memory_space<vmem>> -> memref<1x128x64xf32, #tpu.memory_space<vmem>>
      %dma_start3A_271 = tpu.memref_squeeze %dma_start3A_270 : memref<1x128x64xf32, #tpu.memory_space<vmem>> -> memref<128x64xf32, #tpu.memory_space<vmem>>
      %dma_start3A_272 = arith.constant 0 : i32
      %dma_start3A_273 = tpu.memref_slice %arg9[%add3A_225, %dma_start3A_272] : memref<82x128xi32, #tpu.memory_space<vmem>> -> memref<1x128xi32, #tpu.memory_space<vmem>>
      %dma_start3A_274 = tpu.memref_squeeze %dma_start3A_273 : memref<1x128xi32, #tpu.memory_space<vmem>> -> memref<128xi32, #tpu.memory_space<vmem>>
      %dma_start3A_275 = arith.constant 0 : i32
      %dma_start3A_276 = arith.constant 0 : i32
      %dma_start3A_277 = tpu.memref_slice %arg14[%dma_start3A_275, %dma_start3A_276] : memref<10112x64xf32, #tpu.memory_space<vmem_shared>> -> memref<10112x64xf32, #tpu.memory_space<vmem_shared>>
      tpu.enqueue_indirect_dma source(%dma_start3A_271 : memref<128x64xf32, #tpu.memory_space<vmem>>) target(%dma_start3A_277 : memref<10112x64xf32, #tpu.memory_space<vmem_shared>>) offsets(%dma_start3A_274 : memref<128xi32, #tpu.memory_space<vmem>>) semaphore(%arg17 : memref<!tpu.dma_semaphore, #tpu.memory_space<semaphore_mem>>) {add = true}
      %add3A_278 = arith.constant 2 : i32
      %add3A_279 = arith.addi %add3A_225, %add3A_278 : i32
      %lt3A_280 = arith.constant 82 : i32
      %lt3A_281 = arith.cmpi slt, %add3A_279, %lt3A_280 : i32
      %convert_element_type3A_282 = arith.extui %lt3A_281 : i1 to i32
      %cond3A_283 = arith.constant 0 : i32
      %cond3A_284 = arith.cmpi ne, %convert_element_type3A_282, %cond3A_283 : i32
      scf.if %cond3A_284 {
        %add3A_285 = arith.constant 2 : i32
        %add3A_286 = arith.addi %add3A_225, %add3A_285 : i32
        %dma_start3A_287 = arith.constant 1 : i32
        %dma_start3A_288 = arith.constant 0 : i32
        %dma_start3A_289 = arith.constant 0 : i32
        %dma_start3A_290 = tpu.memref_slice %arg10[%dma_start3A_287, %dma_start3A_288, %dma_start3A_289] : memref<2x128x16xf32, #tpu.memory_space<vmem>> -> memref<1x128x16xf32, #tpu.memory_space<vmem>>
        %dma_start3A_291 = tpu.memref_squeeze %dma_start3A_290 : memref<1x128x16xf32, #tpu.memory_space<vmem>> -> memref<128x16xf32, #tpu.memory_space<vmem>>
        %dma_start3A_292 = arith.constant 0 : i32
        %dma_start3A_293 = tpu.memref_slice %arg9[%add3A_286, %dma_start3A_292] : memref<82x128xi32, #tpu.memory_space<vmem>> -> memref<1x128xi32, #tpu.memory_space<vmem>>
        %dma_start3A_294 = tpu.memref_squeeze %dma_start3A_293 : memref<1x128xi32, #tpu.memory_space<vmem>> -> memref<128xi32, #tpu.memory_space<vmem>>
        %dma_start3A_295 = arith.constant 0 : i32
        %dma_start3A_296 = arith.constant 0 : i32
        %dma_start3A_297 = tpu.memref_slice %arg3[%dma_start3A_295, %dma_start3A_296] : memref<10112x16xf32, #tpu.memory_space<hbm>> -> memref<10112x16xf32, #tpu.memory_space<hbm>>
        tpu.enqueue_indirect_dma source(%dma_start3A_297 : memref<10112x16xf32, #tpu.memory_space<hbm>>) target(%dma_start3A_291 : memref<128x16xf32, #tpu.memory_space<vmem>>) offsets(%dma_start3A_294 : memref<128xi32, #tpu.memory_space<vmem>>) semaphore(%arg16 : memref<!tpu.dma_semaphore, #tpu.memory_space<semaphore_mem>>)
        %dma_start3A_298 = arith.constant 1 : i32
        %dma_start3A_299 = arith.constant 0 : i32
        %dma_start3A_300 = arith.constant 0 : i32
        %dma_start3A_301 = tpu.memref_slice %arg11[%dma_start3A_298, %dma_start3A_299, %dma_start3A_300] : memref<2x128x80xf32, #tpu.memory_space<vmem>> -> memref<1x128x80xf32, #tpu.memory_space<vmem>>
        %dma_start3A_302 = tpu.memref_squeeze %dma_start3A_301 : memref<1x128x80xf32, #tpu.memory_space<vmem>> -> memref<128x80xf32, #tpu.memory_space<vmem>>
        %dma_start3A_303 = arith.constant 0 : i32
        %dma_start3A_304 = tpu.memref_slice %arg8[%add3A_286, %dma_start3A_303] : memref<82x128xi32, #tpu.memory_space<vmem>> -> memref<1x128xi32, #tpu.memory_space<vmem>>
        %dma_start3A_305 = tpu.memref_squeeze %dma_start3A_304 : memref<1x128xi32, #tpu.memory_space<vmem>> -> memref<128xi32, #tpu.memory_space<vmem>>
        %dma_start3A_306 = arith.constant 0 : i32
        %dma_start3A_307 = arith.constant 0 : i32
        %dma_start3A_308 = tpu.memref_slice %arg2[%dma_start3A_306, %dma_start3A_307] : memref<10112x80xf32, #tpu.memory_space<hbm>> -> memref<10112x80xf32, #tpu.memory_space<hbm>>
        tpu.enqueue_indirect_dma source(%dma_start3A_308 : memref<10112x80xf32, #tpu.memory_space<hbm>>) target(%dma_start3A_302 : memref<128x80xf32, #tpu.memory_space<vmem>>) offsets(%dma_start3A_305 : memref<128xi32, #tpu.memory_space<vmem>>) semaphore(%arg16 : memref<!tpu.dma_semaphore, #tpu.memory_space<semaphore_mem>>)
      } else {
      }
    }
    %scan3A_108 = arith.constant 41 : i32
    %dma_wait3A = arith.constant 0 : i32
    %dma_wait3A_109 = arith.constant 80 : i32
    %dma_wait3A_110 = arith.constant 0 : i32
    %dma_wait3A_111 = arith.constant 0 : i32
    %dma_wait3A_112 = tpu.memref_slice %arg12[%dma_wait3A, %dma_wait3A_110, %dma_wait3A_111] : memref<2x128x16xf32, #tpu.memory_space<vmem>> -> memref<1x128x16xf32, #tpu.memory_space<vmem>>
    %dma_wait3A_113 = tpu.memref_squeeze %dma_wait3A_112 : memref<1x128x16xf32, #tpu.memory_space<vmem>> -> memref<128x16xf32, #tpu.memory_space<vmem>>
    %dma_wait3A_114 = arith.constant 0 : i32
    %dma_wait3A_115 = tpu.memref_slice %arg9[%dma_wait3A_109, %dma_wait3A_114] : memref<82x128xi32, #tpu.memory_space<vmem>> -> memref<1x128xi32, #tpu.memory_space<vmem>>
    %dma_wait3A_116 = tpu.memref_squeeze %dma_wait3A_115 : memref<1x128xi32, #tpu.memory_space<vmem>> -> memref<128xi32, #tpu.memory_space<vmem>>
    %dma_wait3A_117 = arith.constant 0 : i32
    %dma_wait3A_118 = arith.constant 0 : i32
    %dma_wait3A_119 = tpu.memref_slice %arg15[%dma_wait3A_117, %dma_wait3A_118] : memref<10112x16xf32, #tpu.memory_space<vmem_shared>> -> memref<10112x16xf32, #tpu.memory_space<vmem_shared>>
    tpu.wait_indirect_dma semaphore(%arg17 : memref<!tpu.dma_semaphore, #tpu.memory_space<semaphore_mem>>) src(%dma_wait3A_113 : memref<128x16xf32, #tpu.memory_space<vmem>>) dst(%dma_wait3A_119 : memref<10112x16xf32, #tpu.memory_space<vmem_shared>>)
    %dma_wait3A_120 = arith.constant 0 : i32
    %dma_wait3A_121 = arith.constant 80 : i32
    %dma_wait3A_122 = arith.constant 0 : i32
    %dma_wait3A_123 = arith.constant 0 : i32
    %dma_wait3A_124 = tpu.memref_slice %arg13[%dma_wait3A_120, %dma_wait3A_122, %dma_wait3A_123] : memref<2x128x64xf32, #tpu.memory_space<vmem>> -> memref<1x128x64xf32, #tpu.memory_space<vmem>>
    %dma_wait3A_125 = tpu.memref_squeeze %dma_wait3A_124 : memref<1x128x64xf32, #tpu.memory_space<vmem>> -> memref<128x64xf32, #tpu.memory_space<vmem>>
    %dma_wait3A_126 = arith.constant 0 : i32
    %dma_wait3A_127 = tpu.memref_slice %arg9[%dma_wait3A_121, %dma_wait3A_126] : memref<82x128xi32, #tpu.memory_space<vmem>> -> memref<1x128xi32, #tpu.memory_space<vmem>>
    %dma_wait3A_128 = tpu.memref_squeeze %dma_wait3A_127 : memref<1x128xi32, #tpu.memory_space<vmem>> -> memref<128xi32, #tpu.memory_space<vmem>>
    %dma_wait3A_129 = arith.constant 0 : i32
    %dma_wait3A_130 = arith.constant 0 : i32
    %dma_wait3A_131 = tpu.memref_slice %arg14[%dma_wait3A_129, %dma_wait3A_130] : memref<10112x64xf32, #tpu.memory_space<vmem_shared>> -> memref<10112x64xf32, #tpu.memory_space<vmem_shared>>
    tpu.wait_indirect_dma semaphore(%arg17 : memref<!tpu.dma_semaphore, #tpu.memory_space<semaphore_mem>>) src(%dma_wait3A_125 : memref<128x64xf32, #tpu.memory_space<vmem>>) dst(%dma_wait3A_131 : memref<10112x64xf32, #tpu.memory_space<vmem_shared>>)
    %dma_wait3A_132 = arith.constant 1 : i32
    %dma_wait3A_133 = arith.constant 81 : i32
    %dma_wait3A_134 = arith.constant 0 : i32
    %dma_wait3A_135 = arith.constant 0 : i32
    %dma_wait3A_136 = tpu.memref_slice %arg12[%dma_wait3A_132, %dma_wait3A_134, %dma_wait3A_135] : memref<2x128x16xf32, #tpu.memory_space<vmem>> -> memref<1x128x16xf32, #tpu.memory_space<vmem>>
    %dma_wait3A_137 = tpu.memref_squeeze %dma_wait3A_136 : memref<1x128x16xf32, #tpu.memory_space<vmem>> -> memref<128x16xf32, #tpu.memory_space<vmem>>
    %dma_wait3A_138 = arith.constant 0 : i32
    %dma_wait3A_139 = tpu.memref_slice %arg9[%dma_wait3A_133, %dma_wait3A_138] : memref<82x128xi32, #tpu.memory_space<vmem>> -> memref<1x128xi32, #tpu.memory_space<vmem>>
    %dma_wait3A_140 = tpu.memref_squeeze %dma_wait3A_139 : memref<1x128xi32, #tpu.memory_space<vmem>> -> memref<128xi32, #tpu.memory_space<vmem>>
    %dma_wait3A_141 = arith.constant 0 : i32
    %dma_wait3A_142 = arith.constant 0 : i32
    %dma_wait3A_143 = tpu.memref_slice %arg15[%dma_wait3A_141, %dma_wait3A_142] : memref<10112x16xf32, #tpu.memory_space<vmem_shared>> -> memref<10112x16xf32, #tpu.memory_space<vmem_shared>>
    tpu.wait_indirect_dma semaphore(%arg17 : memref<!tpu.dma_semaphore, #tpu.memory_space<semaphore_mem>>) src(%dma_wait3A_137 : memref<128x16xf32, #tpu.memory_space<vmem>>) dst(%dma_wait3A_143 : memref<10112x16xf32, #tpu.memory_space<vmem_shared>>)
    %dma_wait3A_144 = arith.constant 1 : i32
    %dma_wait3A_145 = arith.constant 81 : i32
    %dma_wait3A_146 = arith.constant 0 : i32
    %dma_wait3A_147 = arith.constant 0 : i32
    %dma_wait3A_148 = tpu.memref_slice %arg13[%dma_wait3A_144, %dma_wait3A_146, %dma_wait3A_147] : memref<2x128x64xf32, #tpu.memory_space<vmem>> -> memref<1x128x64xf32, #tpu.memory_space<vmem>>
    %dma_wait3A_149 = tpu.memref_squeeze %dma_wait3A_148 : memref<1x128x64xf32, #tpu.memory_space<vmem>> -> memref<128x64xf32, #tpu.memory_space<vmem>>
    %dma_wait3A_150 = arith.constant 0 : i32
    %dma_wait3A_151 = tpu.memref_slice %arg9[%dma_wait3A_145, %dma_wait3A_150] : memref<82x128xi32, #tpu.memory_space<vmem>> -> memref<1x128xi32, #tpu.memory_space<vmem>>
    %dma_wait3A_152 = tpu.memref_squeeze %dma_wait3A_151 : memref<1x128xi32, #tpu.memory_space<vmem>> -> memref<128xi32, #tpu.memory_space<vmem>>
    %dma_wait3A_153 = arith.constant 0 : i32
    %dma_wait3A_154 = arith.constant 0 : i32
    %dma_wait3A_155 = tpu.memref_slice %arg14[%dma_wait3A_153, %dma_wait3A_154] : memref<10112x64xf32, #tpu.memory_space<vmem_shared>> -> memref<10112x64xf32, #tpu.memory_space<vmem_shared>>
    tpu.wait_indirect_dma semaphore(%arg17 : memref<!tpu.dma_semaphore, #tpu.memory_space<semaphore_mem>>) src(%dma_wait3A_149 : memref<128x64xf32, #tpu.memory_space<vmem>>) dst(%dma_wait3A_155 : memref<10112x64xf32, #tpu.memory_space<vmem_shared>>)
    %barrier3A_156 = arith.constant 0 : index
    tpu.barrier barrier_id(%barrier3A_156)
    %mul3A_157 = arith.constant 10112 : i32
    %mul3A_158 = arith.muli %arg0, %mul3A_157 : i32
    %add3A_159 = arith.addi %mul3A_158, %mul3A_8 : i32
    "tpu.region"() ({
      %run_scoped3A_163 = tpu.sem_alloc : memref<!tpu.dma_semaphore, #tpu.memory_space<semaphore_mem>>
      %dma_start3A_164 = arith.constant 0 : i32
      %dma_start3A_165 = tpu.memref_slice %arg6[%add3A_159, %dma_start3A_164] : memref<20224x64xf32, #tpu.memory_space<hbm>> -> memref<632x64xf32, #tpu.memory_space<hbm>>
      %dma_start3A_166 = arith.constant 0 : i32
      %dma_start3A_167 = tpu.memref_slice %arg14[%mul3A_8, %dma_start3A_166] : memref<10112x64xf32, #tpu.memory_space<vmem_shared>> -> memref<632x64xf32, #tpu.memory_space<vmem_shared>>
      tpu.enqueue_dma source(%dma_start3A_167 : memref<632x64xf32, #tpu.memory_space<vmem_shared>>) target(%dma_start3A_165 : memref<632x64xf32, #tpu.memory_space<hbm>>) target_semaphore(%run_scoped3A_163 : memref<!tpu.dma_semaphore, #tpu.memory_space<semaphore_mem>>)
      %dma_wait3A_168 = arith.constant 0 : i32
      %dma_wait3A_169 = tpu.memref_slice %arg6[%add3A_159, %dma_wait3A_168] : memref<20224x64xf32, #tpu.memory_space<hbm>> -> memref<632x64xf32, #tpu.memory_space<hbm>>
      %dma_wait3A_170 = arith.constant 0 : i32
      %dma_wait3A_171 = tpu.memref_slice %arg14[%mul3A_8, %dma_wait3A_170] : memref<10112x64xf32, #tpu.memory_space<vmem_shared>> -> memref<632x64xf32, #tpu.memory_space<vmem_shared>>
      tpu.wait_dma2 semaphore(%run_scoped3A_163 : memref<!tpu.dma_semaphore, #tpu.memory_space<semaphore_mem>>) src(%dma_wait3A_171 : memref<632x64xf32, #tpu.memory_space<vmem_shared>>) dst(%dma_wait3A_169 : memref<632x64xf32, #tpu.memory_space<hbm>>)
      tpu.yield
    }) : () -> ()
    %mul3A_160 = arith.constant 10112 : i32
    %mul3A_161 = arith.muli %arg0, %mul3A_160 : i32
    %add3A_162 = arith.addi %mul3A_161, %mul3A_8 : i32
    "tpu.region"() ({
      %run_scoped3A_163 = tpu.sem_alloc : memref<!tpu.dma_semaphore, #tpu.memory_space<semaphore_mem>>
      %dma_start3A_164 = arith.constant 0 : i32
      %dma_start3A_165 = tpu.memref_slice %arg7[%add3A_162, %dma_start3A_164] : memref<20224x16xf32, #tpu.memory_space<hbm>> -> memref<632x16xf32, #tpu.memory_space<hbm>>
      %dma_start3A_166 = arith.constant 0 : i32
      %dma_start3A_167 = tpu.memref_slice %arg15[%mul3A_8, %dma_start3A_166] : memref<10112x16xf32, #tpu.memory_space<vmem_shared>> -> memref<632x16xf32, #tpu.memory_space<vmem_shared>>
      tpu.enqueue_dma source(%dma_start3A_167 : memref<632x16xf32, #tpu.memory_space<vmem_shared>>) target(%dma_start3A_165 : memref<632x16xf32, #tpu.memory_space<hbm>>) target_semaphore(%run_scoped3A_163 : memref<!tpu.dma_semaphore, #tpu.memory_space<semaphore_mem>>)
      %dma_wait3A_168 = arith.constant 0 : i32
      %dma_wait3A_169 = tpu.memref_slice %arg7[%add3A_162, %dma_wait3A_168] : memref<20224x16xf32, #tpu.memory_space<hbm>> -> memref<632x16xf32, #tpu.memory_space<hbm>>
      %dma_wait3A_170 = arith.constant 0 : i32
      %dma_wait3A_171 = tpu.memref_slice %arg15[%mul3A_8, %dma_wait3A_170] : memref<10112x16xf32, #tpu.memory_space<vmem_shared>> -> memref<632x16xf32, #tpu.memory_space<vmem_shared>>
      tpu.wait_dma2 semaphore(%run_scoped3A_163 : memref<!tpu.dma_semaphore, #tpu.memory_space<semaphore_mem>>) src(%dma_wait3A_171 : memref<632x16xf32, #tpu.memory_space<vmem_shared>>) dst(%dma_wait3A_169 : memref<632x16xf32, #tpu.memory_space<hbm>>)
      tpu.yield
    }) : () -> ()
    return
  }
}

module attributes {stable_mosaic.version = 14 : i64} {
  func.func @_ka_body(%arg0: i32, %arg1: memref<1264x128xf32, #tpu.memory_space<vmem>>, %arg2: memref<128x64xf32, #tpu.memory_space<vmem>>, %arg3: memref<64x8xf32, #tpu.memory_space<vmem>>, %arg4: memref<64x8xf32, #tpu.memory_space<vmem>>, %arg5: memref<1264x80xf32, #tpu.memory_space<vmem>>, %arg6: memref<1264x16xf32, #tpu.memory_space<vmem>>) attributes {dimension_semantics = [#tpu.dimension_semantics<arbitrary>], iteration_bounds = array<i64: 8>, scalar_prefetch = 0 : i64, scratch_operands = 0 : i64, tpu.core_type = #tpu.core_type<tc>, window_params = [{transform_indices = @transform_0, window_bounds = array<i64: 1264, 128>}, {pipeline_mode = #tpu.pipeline_mode<synchronous>, transform_indices = @transform_1, window_bounds = array<i64: 128, 64>}, {pipeline_mode = #tpu.pipeline_mode<synchronous>, transform_indices = @transform_2, window_bounds = array<i64: 64, 8>}, {pipeline_mode = #tpu.pipeline_mode<synchronous>, transform_indices = @transform_3, window_bounds = array<i64: 64, 8>}, {transform_indices = @transform_4, window_bounds = array<i64: 1264, 80>}, {transform_indices = @transform_5, window_bounds = array<i64: 1264, 16>}]} {
    %get3A = arith.constant 0 : index
    %get3A_0 = arith.constant 0 : index
    %get3A_1 = vector.load %arg1[%get3A, %get3A_0] : memref<1264x128xf32, #tpu.memory_space<vmem>>, vector<1264x128xf32>
    %get3A_2 = arith.constant 0 : index
    %get3A_3 = arith.constant 0 : index
    %get3A_4 = vector.load %arg2[%get3A_2, %get3A_3] : memref<128x64xf32, #tpu.memory_space<vmem>>, vector<128x64xf32>
    %dot_general3A = arith.constant dense<0.000000e+00> : vector<1264x64xf32>
    %dot_general3A_5 = tpu.matmul %get3A_1, %get3A_4, %dot_general3A {dimension_numbers = #tpu.dot_dimension_numbers<[1], [0], [0], [1], [0, 0, 1, 1], [], []>, transpose_lhs_hint = false} : vector<1264x128xf32>, vector<128x64xf32>, vector<1264x64xf32> -> vector<1264x64xf32>
    %get3A_6 = arith.constant 0 : index
    %get3A_7 = arith.constant 0 : index
    %get3A_8 = vector.load %arg3[%get3A_6, %get3A_7] : memref<64x8xf32, #tpu.memory_space<vmem>>, vector<64x8xf32>
    %dot_general3A_9 = arith.constant dense<0.000000e+00> : vector<1264x8xf32>
    %dot_general3A_10 = tpu.matmul %dot_general3A_5, %get3A_8, %dot_general3A_9 {dimension_numbers = #tpu.dot_dimension_numbers<[1], [0], [0], [1], [0, 0, 1, 1], [], []>, transpose_lhs_hint = false} : vector<1264x64xf32>, vector<64x8xf32>, vector<1264x8xf32> -> vector<1264x8xf32>
    %get3A_11 = arith.constant 0 : index
    %get3A_12 = arith.constant 0 : index
    %get3A_13 = vector.load %arg4[%get3A_11, %get3A_12] : memref<64x8xf32, #tpu.memory_space<vmem>>, vector<64x8xf32>
    %dot_general3A_14 = arith.constant dense<0.000000e+00> : vector<1264x8xf32>
    %dot_general3A_15 = tpu.matmul %dot_general3A_5, %get3A_13, %dot_general3A_14 {dimension_numbers = #tpu.dot_dimension_numbers<[1], [0], [0], [1], [0, 0, 1, 1], [], []>, transpose_lhs_hint = false} : vector<1264x64xf32>, vector<64x8xf32>, vector<1264x8xf32> -> vector<1264x8xf32>
    %concatenate3A = tpu.concatenate %dot_general3A_5, %dot_general3A_10, %dot_general3A_15 in 1 : vector<1264x64xf32>, vector<1264x8xf32>, vector<1264x8xf32> -> vector<1264x80xf32>
    %swap3A = arith.constant 0 : index
    %swap3A_16 = arith.constant 0 : index
    %swap3A_17 = vector.load %arg5[%swap3A, %swap3A_16] : memref<1264x80xf32, #tpu.memory_space<vmem>>, vector<1264x80xf32>
    tpu.vector_store %arg5[%swap3A, %swap3A_16], %concatenate3A {strides = array<i32>} : memref<1264x80xf32, #tpu.memory_space<vmem>>, vector<1264x80xf32>,
    %concatenate3A_18 = tpu.concatenate %dot_general3A_15, %dot_general3A_10 in 1 : vector<1264x8xf32>, vector<1264x8xf32> -> vector<1264x16xf32>
    %swap3A_19 = arith.constant 0 : index
    %swap3A_20 = arith.constant 0 : index
    %swap3A_21 = vector.load %arg6[%swap3A_19, %swap3A_20] : memref<1264x16xf32, #tpu.memory_space<vmem>>, vector<1264x16xf32>
    tpu.vector_store %arg6[%swap3A_19, %swap3A_20], %concatenate3A_18 {strides = array<i32>} : memref<1264x16xf32, #tpu.memory_space<vmem>>, vector<1264x16xf32>,
    return
  }
  func.func @transform_0(%arg0: i32) -> (i32, i32) {
    %c0_i32 = arith.constant 0 : i32
    %c0_i32_0 = arith.constant 0 : i32
    return %arg0, %c0_i32 : i32, i32
  }
  func.func @transform_1(%arg0: i32) -> (i32, i32) {
    %c0_i32 = arith.constant 0 : i32
    %c0_i32_0 = arith.constant 0 : i32
    %c0_i32_1 = arith.constant 0 : i32
    return %c0_i32, %c0_i32_0 : i32, i32
  }
  func.func @transform_2(%arg0: i32) -> (i32, i32) {
    %c0_i32 = arith.constant 0 : i32
    %c0_i32_0 = arith.constant 0 : i32
    %c0_i32_1 = arith.constant 0 : i32
    return %c0_i32, %c0_i32_0 : i32, i32
  }
  func.func @transform_3(%arg0: i32) -> (i32, i32) {
    %c0_i32 = arith.constant 0 : i32
    %c0_i32_0 = arith.constant 0 : i32
    %c0_i32_1 = arith.constant 0 : i32
    return %c0_i32, %c0_i32_0 : i32, i32
  }
  func.func @transform_4(%arg0: i32) -> (i32, i32) {
    %c0_i32 = arith.constant 0 : i32
    %c0_i32_0 = arith.constant 0 : i32
    return %arg0, %c0_i32 : i32, i32
  }
  func.func @transform_5(%arg0: i32) -> (i32, i32) {
    %c0_i32 = arith.constant 0 : i32
    %c0_i32_0 = arith.constant 0 : i32
    return %arg0, %c0_i32 : i32, i32
  }
}

module attributes {stable_mosaic.version = 14 : i64} {
  func.func @_kc_body(%arg0: i32, %arg1: memref<1264x64xf32, #tpu.memory_space<vmem>>, %arg2: memref<1264x64xf32, #tpu.memory_space<vmem>>, %arg3: memref<1264x16xf32, #tpu.memory_space<vmem>>, %arg4: memref<1264x16xf32, #tpu.memory_space<vmem>>, %arg5: memref<1x64xf32, #tpu.memory_space<vmem>>, %arg6: memref<64x16xf32, #tpu.memory_space<vmem>>, %arg7: memref<8x64xf32, #tpu.memory_space<vmem>>, %arg8: memref<16x1xf32, #tpu.memory_space<vmem>>, %arg9: memref<16x1xf32, #tpu.memory_space<vmem>>, %arg10: memref<1264x32xf32, #tpu.memory_space<vmem>>, %arg11: memref<1264x16xf32, #tpu.memory_space<vmem>>) attributes {dimension_semantics = [#tpu.dimension_semantics<arbitrary>], iteration_bounds = array<i64: 8>, scalar_prefetch = 0 : i64, scratch_operands = 0 : i64, tpu.core_type = #tpu.core_type<tc>, window_params = [{transform_indices = @transform_0, window_bounds = array<i64: 1264, 64>}, {transform_indices = @transform_1, window_bounds = array<i64: 1264, 64>}, {transform_indices = @transform_2, window_bounds = array<i64: 1264, 16>}, {transform_indices = @transform_3, window_bounds = array<i64: 1264, 16>}, {pipeline_mode = #tpu.pipeline_mode<synchronous>, transform_indices = @transform_4, window_bounds = array<i64: 1, 64>}, {pipeline_mode = #tpu.pipeline_mode<synchronous>, transform_indices = @transform_5, window_bounds = array<i64: 64, 16>}, {pipeline_mode = #tpu.pipeline_mode<synchronous>, transform_indices = @transform_6, window_bounds = array<i64: 8, 64>}, {pipeline_mode = #tpu.pipeline_mode<synchronous>, transform_indices = @transform_7, window_bounds = array<i64: 16, 1>}, {pipeline_mode = #tpu.pipeline_mode<synchronous>, transform_indices = @transform_8, window_bounds = array<i64: 16, 1>}, {transform_indices = @transform_9, window_bounds = array<i64: 1264, 32>}, {transform_indices = @transform_10, window_bounds = array<i64: 1264, 16>}]} {
    %get3A = arith.constant 0 : index
    %get3A_0 = arith.constant 0 : index
    %get3A_1 = vector.load %arg1[%get3A, %get3A_0] : memref<1264x64xf32, #tpu.memory_space<vmem>>, vector<1264x64xf32>
    %get3A_2 = arith.constant 0 : index
    %get3A_3 = arith.constant 0 : index
    %get3A_4 = vector.load %arg2[%get3A_2, %get3A_3] : memref<1264x64xf32, #tpu.memory_space<vmem>>, vector<1264x64xf32>
    %add3A = arith.addf %get3A_1, %get3A_4 : vector<1264x64xf32>
    %get3A_5 = arith.constant 0 : index
    %get3A_6 = arith.constant 0 : index
    %get3A_7 = vector.load %arg3[%get3A_5, %get3A_6] : memref<1264x16xf32, #tpu.memory_space<vmem>>, vector<1264x16xf32>
    %slice3A = vector.extract_strided_slice %get3A_7 {offsets = [0, 0], sizes = [1264, 8], strides = [1, 1]} : vector<1264x16xf32> to vector<1264x8xf32>
    %get3A_8 = arith.constant 0 : index
    %get3A_9 = arith.constant 0 : index
    %get3A_10 = vector.load %arg4[%get3A_8, %get3A_9] : memref<1264x16xf32, #tpu.memory_space<vmem>>, vector<1264x16xf32>
    %slice3A_11 = vector.extract_strided_slice %get3A_10 {offsets = [0, 0], sizes = [1264, 8], strides = [1, 1]} : vector<1264x16xf32> to vector<1264x8xf32>
    %add3A_12 = arith.addf %slice3A, %slice3A_11 : vector<1264x8xf32>
    %add3A_13 = arith.constant 1.000000e-16 : f32
    %add3A_14 = vector.broadcast %add3A_13 : f32 to vector<1264x8xf32>
    %add3A_15 = arith.addf %add3A_12, %add3A_14 : vector<1264x8xf32>
    %div3A = arith.constant 1.000000e+00 : f32
    %div3A_16 = vector.broadcast %div3A : f32 to vector<1264x8xf32>
    %div3A_17 = arith.divf %div3A_16, %add3A_15 : vector<1264x8xf32>
    %get3A_18 = arith.constant 0 : index
    %get3A_19 = arith.constant 0 : index
    %get3A_20 = vector.load %arg7[%get3A_18, %get3A_19] : memref<8x64xf32, #tpu.memory_space<vmem>>, vector<8x64xf32>
    %dot_general3A = arith.constant dense<0.000000e+00> : vector<1264x64xf32>
    %dot_general3A_21 = tpu.matmul %div3A_17, %get3A_20, %dot_general3A {dimension_numbers = #tpu.dot_dimension_numbers<[1], [0], [0], [1], [0, 0, 1, 1], [], []>, transpose_lhs_hint = false} : vector<1264x8xf32>, vector<8x64xf32>, vector<1264x64xf32> -> vector<1264x64xf32>
    %mul3A = arith.mulf %add3A, %dot_general3A_21 : vector<1264x64xf32>
    %get3A_22 = arith.constant 0 : index
    %get3A_23 = arith.constant 0 : index
    %get3A_24 = vector.load %arg5[%get3A_22, %get3A_23] : memref<1x64xf32, #tpu.memory_space<vmem>>, vector<1x64xf32>
    %add3A_25 = vector.broadcast %get3A_24 : vector<1x64xf32> to vector<1264x64xf32>
    %add3A_26 = arith.addf %mul3A, %add3A_25 : vector<1264x64xf32>
    %gt3A = arith.constant 0.000000e+00 : f32
    %gt3A_27 = vector.broadcast %gt3A : f32 to vector<1264x64xf32>
    %gt3A_28 = arith.cmpf ogt, %add3A_26, %gt3A_27 : vector<1264x64xf32>
    %exp3A = math.exp %add3A_26 : vector<1264x64xf32>
    %sub3A = arith.constant 1.000000e+00 : f32
    %sub3A_29 = vector.broadcast %sub3A : f32 to vector<1264x64xf32>
    %sub3A_30 = arith.subf %exp3A, %sub3A_29 : vector<1264x64xf32>
    %select_n3A = arith.select %gt3A_28, %add3A_26, %sub3A_30 : vector<1264x64xi1>, vector<1264x64xf32>
    %get3A_31 = arith.constant 0 : index
    %get3A_32 = arith.constant 0 : index
    %get3A_33 = vector.load %arg6[%get3A_31, %get3A_32] : memref<64x16xf32, #tpu.memory_space<vmem>>, vector<64x16xf32>
    %dot_general3A_34 = arith.constant dense<0.000000e+00> : vector<1264x16xf32>
    %dot_general3A_35 = tpu.matmul %select_n3A, %get3A_33, %dot_general3A_34 {dimension_numbers = #tpu.dot_dimension_numbers<[1], [0], [0], [1], [0, 0, 1, 1], [], []>, transpose_lhs_hint = false} : vector<1264x64xf32>, vector<64x16xf32>, vector<1264x16xf32> -> vector<1264x16xf32>
    %get3A_36 = arith.constant 0 : index
    %get3A_37 = arith.constant 0 : index
    %get3A_38 = vector.load %arg8[%get3A_36, %get3A_37] : memref<16x1xf32, #tpu.memory_space<vmem>>, vector<16x1xf32>
    %dot_general3A_39 = arith.constant dense<0.000000e+00> : vector<1264x1xf32>
    %dot_general3A_40 = tpu.matmul %dot_general3A_35, %get3A_38, %dot_general3A_39 {dimension_numbers = #tpu.dot_dimension_numbers<[1], [0], [0], [1], [0, 0, 1, 1], [], []>, transpose_lhs_hint = false} : vector<1264x16xf32>, vector<16x1xf32>, vector<1264x1xf32> -> vector<1264x1xf32>
    %get3A_41 = arith.constant 0 : index
    %get3A_42 = arith.constant 0 : index
    %get3A_43 = vector.load %arg9[%get3A_41, %get3A_42] : memref<16x1xf32, #tpu.memory_space<vmem>>, vector<16x1xf32>
    %dot_general3A_44 = arith.constant dense<0.000000e+00> : vector<1264x1xf32>
    %dot_general3A_45 = tpu.matmul %dot_general3A_35, %get3A_43, %dot_general3A_44 {dimension_numbers = #tpu.dot_dimension_numbers<[1], [0], [0], [1], [0, 0, 1, 1], [], []>, transpose_lhs_hint = false} : vector<1264x16xf32>, vector<16x1xf32>, vector<1264x1xf32> -> vector<1264x1xf32>
    %broadcast_in_dim3A = vector.shape_cast %dot_general3A_40 : vector<1264x1xf32> to vector<1264x1xf32>
    %broadcast_in_dim3A_46 = vector.broadcast %broadcast_in_dim3A : vector<1264x1xf32> to vector<1264x16xf32>
    %concatenate3A = tpu.concatenate %dot_general3A_35, %broadcast_in_dim3A_46 in 1 : vector<1264x16xf32>, vector<1264x16xf32> -> vector<1264x32xf32>
    %swap3A = arith.constant 0 : index
    %swap3A_47 = arith.constant 0 : index
    %swap3A_48 = vector.load %arg10[%swap3A, %swap3A_47] : memref<1264x32xf32, #tpu.memory_space<vmem>>, vector<1264x32xf32>
    tpu.vector_store %arg10[%swap3A, %swap3A_47], %concatenate3A {strides = array<i32>} : memref<1264x32xf32, #tpu.memory_space<vmem>>, vector<1264x32xf32>,
    %broadcast_in_dim3A_49 = vector.shape_cast %dot_general3A_45 : vector<1264x1xf32> to vector<1264x1xf32>
    %broadcast_in_dim3A_50 = vector.broadcast %broadcast_in_dim3A_49 : vector<1264x1xf32> to vector<1264x16xf32>
    %swap3A_51 = arith.constant 0 : index
    %swap3A_52 = arith.constant 0 : index
    %swap3A_53 = vector.load %arg11[%swap3A_51, %swap3A_52] : memref<1264x16xf32, #tpu.memory_space<vmem>>, vector<1264x16xf32>
    tpu.vector_store %arg11[%swap3A_51, %swap3A_52], %broadcast_in_dim3A_50 {strides = array<i32>} : memref<1264x16xf32, #tpu.memory_space<vmem>>, vector<1264x16xf32>,
    return
  }
  func.func @transform_0(%arg0: i32) -> (i32, i32) {
    %c0_i32 = arith.constant 0 : i32
    %c0_i32_0 = arith.constant 0 : i32
    return %arg0, %c0_i32 : i32, i32
  }
  func.func @transform_1(%arg0: i32) -> (i32, i32) {
    %add3A = arith.constant 8 : i32
    %add3A_0 = arith.addi %arg0, %add3A : i32
    %c0_i32 = arith.constant 0 : i32
    %c0_i32_1 = arith.constant 0 : i32
    return %add3A_0, %c0_i32 : i32, i32
  }
  func.func @transform_2(%arg0: i32) -> (i32, i32) {
    %c0_i32 = arith.constant 0 : i32
    %c0_i32_0 = arith.constant 0 : i32
    return %arg0, %c0_i32 : i32, i32
  }
  func.func @transform_3(%arg0: i32) -> (i32, i32) {
    %add3A = arith.constant 8 : i32
    %add3A_0 = arith.addi %arg0, %add3A : i32
    %c0_i32 = arith.constant 0 : i32
    %c0_i32_1 = arith.constant 0 : i32
    return %add3A_0, %c0_i32 : i32, i32
  }
  func.func @transform_4(%arg0: i32) -> (i32, i32) {
    %c0_i32 = arith.constant 0 : i32
    %c0_i32_0 = arith.constant 0 : i32
    %c0_i32_1 = arith.constant 0 : i32
    return %c0_i32, %c0_i32_0 : i32, i32
  }
  func.func @transform_5(%arg0: i32) -> (i32, i32) {
    %c0_i32 = arith.constant 0 : i32
    %c0_i32_0 = arith.constant 0 : i32
    %c0_i32_1 = arith.constant 0 : i32
    return %c0_i32, %c0_i32_0 : i32, i32
  }
  func.func @transform_6(%arg0: i32) -> (i32, i32) {
    %c0_i32 = arith.constant 0 : i32
    %c0_i32_0 = arith.constant 0 : i32
    %c0_i32_1 = arith.constant 0 : i32
    return %c0_i32, %c0_i32_0 : i32, i32
  }
  func.func @transform_7(%arg0: i32) -> (i32, i32) {
    %c0_i32 = arith.constant 0 : i32
    %c0_i32_0 = arith.constant 0 : i32
    %c0_i32_1 = arith.constant 0 : i32
    return %c0_i32, %c0_i32_0 : i32, i32
  }
  func.func @transform_8(%arg0: i32) -> (i32, i32) {
    %c0_i32 = arith.constant 0 : i32
    %c0_i32_0 = arith.constant 0 : i32
    %c0_i32_1 = arith.constant 0 : i32
    return %c0_i32, %c0_i32_0 : i32, i32
  }
  func.func @transform_9(%arg0: i32) -> (i32, i32) {
    %c0_i32 = arith.constant 0 : i32
    %c0_i32_0 = arith.constant 0 : i32
    return %arg0, %c0_i32 : i32, i32
  }
  func.func @transform_10(%arg0: i32) -> (i32, i32) {
    %c0_i32 = arith.constant 0 : i32
    %c0_i32_0 = arith.constant 0 : i32
    return %arg0, %c0_i32 : i32, i32
  }
}

module attributes {stable_mosaic.version = 14 : i64} {
  func.func @_ke_body(%arg0: i32, %arg1: memref<2000x16xf32, #tpu.memory_space<vmem>>, %arg2: memref<2000x16xf32, #tpu.memory_space<vmem>>, %arg3: memref<2000x16xf32, #tpu.memory_space<vmem>>, %arg4: memref<2000x16xf32, #tpu.memory_space<vmem>>, %arg5: memref<1x16xf32, #tpu.memory_space<vmem>>, %arg6: memref<2000x16xf32, #tpu.memory_space<vmem>>) attributes {dimension_semantics = [#tpu.dimension_semantics<arbitrary>], iteration_bounds = array<i64: 5>, scalar_prefetch = 0 : i64, scratch_operands = 0 : i64, tpu.core_type = #tpu.core_type<tc>, window_params = [{transform_indices = @transform_0, window_bounds = array<i64: 2000, 16>}, {transform_indices = @transform_1, window_bounds = array<i64: 2000, 16>}, {transform_indices = @transform_2, window_bounds = array<i64: 2000, 16>}, {transform_indices = @transform_3, window_bounds = array<i64: 2000, 16>}, {pipeline_mode = #tpu.pipeline_mode<synchronous>, transform_indices = @transform_4, window_bounds = array<i64: 1, 16>}, {transform_indices = @transform_5, window_bounds = array<i64: 2000, 16>}]} {
    %get3A = arith.constant 0 : index
    %get3A_0 = arith.constant 0 : index
    %get3A_1 = vector.load %arg1[%get3A, %get3A_0] : memref<2000x16xf32, #tpu.memory_space<vmem>>, vector<2000x16xf32>
    %get3A_2 = arith.constant 0 : index
    %get3A_3 = arith.constant 0 : index
    %get3A_4 = vector.load %arg2[%get3A_2, %get3A_3] : memref<2000x16xf32, #tpu.memory_space<vmem>>, vector<2000x16xf32>
    %add3A = arith.addf %get3A_1, %get3A_4 : vector<2000x16xf32>
    %get3A_5 = arith.constant 0 : index
    %get3A_6 = arith.constant 0 : index
    %get3A_7 = vector.load %arg3[%get3A_5, %get3A_6] : memref<2000x16xf32, #tpu.memory_space<vmem>>, vector<2000x16xf32>
    %slice3A = vector.extract_strided_slice %get3A_7 {offsets = [0, 0], sizes = [2000, 1], strides = [1, 1]} : vector<2000x16xf32> to vector<2000x1xf32>
    %get3A_8 = arith.constant 0 : index
    %get3A_9 = arith.constant 0 : index
    %get3A_10 = vector.load %arg4[%get3A_8, %get3A_9] : memref<2000x16xf32, #tpu.memory_space<vmem>>, vector<2000x16xf32>
    %slice3A_11 = vector.extract_strided_slice %get3A_10 {offsets = [0, 0], sizes = [2000, 1], strides = [1, 1]} : vector<2000x16xf32> to vector<2000x1xf32>
    %add3A_12 = arith.addf %slice3A, %slice3A_11 : vector<2000x1xf32>
    %add3A_13 = arith.constant 1.000000e-16 : f32
    %add3A_14 = vector.broadcast %add3A_13 : f32 to vector<2000x1xf32>
    %add3A_15 = arith.addf %add3A_12, %add3A_14 : vector<2000x1xf32>
    %div3A = vector.broadcast %add3A_15 : vector<2000x1xf32> to vector<2000x16xf32>
    %div3A_16 = arith.divf %add3A, %div3A : vector<2000x16xf32>
    %get3A_17 = arith.constant 0 : index
    %get3A_18 = arith.constant 0 : index
    %get3A_19 = vector.load %arg5[%get3A_17, %get3A_18] : memref<1x16xf32, #tpu.memory_space<vmem>>, vector<1x16xf32>
    %add3A_20 = vector.broadcast %get3A_19 : vector<1x16xf32> to vector<2000x16xf32>
    %add3A_21 = arith.addf %div3A_16, %add3A_20 : vector<2000x16xf32>
    %swap3A = arith.constant 0 : index
    %swap3A_22 = arith.constant 0 : index
    %swap3A_23 = vector.load %arg6[%swap3A, %swap3A_22] : memref<2000x16xf32, #tpu.memory_space<vmem>>, vector<2000x16xf32>
    tpu.vector_store %arg6[%swap3A, %swap3A_22], %add3A_21 {strides = array<i32>} : memref<2000x16xf32, #tpu.memory_space<vmem>>, vector<2000x16xf32>,
    return
  }
  func.func @transform_0(%arg0: i32) -> (i32, i32) {
    %c0_i32 = arith.constant 0 : i32
    %c0_i32_0 = arith.constant 0 : i32
    return %arg0, %c0_i32 : i32, i32
  }
  func.func @transform_1(%arg0: i32) -> (i32, i32) {
    %c0_i32 = arith.constant 0 : i32
    %c0_i32_0 = arith.constant 0 : i32
    return %arg0, %c0_i32 : i32, i32
  }
  func.func @transform_2(%arg0: i32) -> (i32, i32) {
    %c0_i32 = arith.constant 0 : i32
    %c0_i32_0 = arith.constant 0 : i32
    return %arg0, %c0_i32 : i32, i32
  }
  func.func @transform_3(%arg0: i32) -> (i32, i32) {
    %c0_i32 = arith.constant 0 : i32
    %c0_i32_0 = arith.constant 0 : i32
    return %arg0, %c0_i32 : i32, i32
  }
  func.func @transform_4(%arg0: i32) -> (i32, i32) {
    %c0_i32 = arith.constant 0 : i32
    %c0_i32_0 = arith.constant 0 : i32
    %c0_i32_1 = arith.constant 0 : i32
    return %c0_i32, %c0_i32_0 : i32, i32
  }
  func.func @transform_5(%arg0: i32) -> (i32, i32) {
    %c0_i32 = arith.constant 0 : i32
    %c0_i32_0 = arith.constant 0 : i32
    return %arg0, %c0_i32 : i32, i32
  }
}

</mosaic_0001>

<sc_bundles>
// kernel: kernel.10.cloned.1.call-start
scs
__scs_entry_jumppad:
0x0: {  	(pc) =	sbr.rel $0x88, $3  }
0x1: {  	(tag) =	ssettag $0x0;
	lr =	simm.s32 $0x1  }
0x2: {  	[smem:$0x3F97] =	sst lr;
	_ =	strace $0xD0000000  }
0x3: {  	_ = 	snop  }
0x4: {  	_ = 	snop  }
0x5: {  	_ = 	snop  }
0x6: {  	_ = 	snop  }
0x7: {  	_ = 	snop  }
__scs_overlays_trampoline_lowered:
0x8: {  	[smem:$0x3FA6] =	sst s0  }
0x9: {  	[smem:$0x3FA7] =	sst s1  }
0xa: {  	[smem:$0x3FA8] =	sst s2  }
0xb: {  	[smem:$0x3FA9] =	sst s3  }
0xc: {  	[smem:$0x3FAA] =	sst s4  }
0xd: {  	[smem:$0x3FAB] =	sst s5  }
0xe: {  	[smem:$0x3FAC] =	sst s6  }
0xf: {  	[smem:$0x3FAD] =	sst s7  }
0x10: {  	[smem:$0x3FAE] =	sst s8  }
0x11: {  	[smem:$0x3FAF] =	sst s9;
	s0 =	simm.s32 @!p0 $0x0  }
0x12: {  	s1 =	sld [smem:$0x3F95];
	s0 =	simm.s32 @p0 $0x1  }
0x13: {  	[smem:$0x3FB0] =	sst s0;
	s0 =	simm.s32 @!p1 $0x0  }
0x14: {  	s2 =	sld [smem:$0x3F94];
	s0 =	simm.s32 @p1 $0x1  }
0x15: {  	[smem:$0x3FB1] =	sst s0;
	s0 =	simm.s32 @!p2 $0x0  }
0x16: {  	s3 =	sld [smem:$0x3FDB];
	s0 =	simm.s32 @p2 $0x1  }
0x17: {  	s4 =	simm.s32 $0x1BF5;
	[smem:$0x3FB3] =	sst s0  }
0x18: {  	s0 =	sld [smem:$0x3F96];
	_ =	swait.ge [sflag:s4], $0x0  }
0x19: {  	s7 =	sld [smem:$0x3F97]  }
0x1a: {  	s8 =	sadd.s32 $0xFFFFE003, lr  }
0x1b: {  	s9 =	sadd.s32 $0xFFFFFEF7, lr;
	s5 =	simm.s32 $0xFFFFFFFF;
	p2 =	slt.u32 s8, $0xFFFFF086  }
0x1c: {  	p1 =	slt.u32 s9, $0xF7A;
	s5 =	simm.s32 @!p2 $0x0  }
0x1d: {  	s5 =	simm.s32 @p1 $0x1;
	p0 =	seq.s32 s7, s2  }
0x1e: {  	s7 =	smul.u32 @!p0 $0xF7A, s2;
	p2 =	seq.s32 @!p0 s5, $0x0  }
0x1f: {  	s9 =	smul.u32 $0xF7A, s1;
	s8 =	simm.s32 @!p0 $0x1BF5;
	p2 =	por !p2, p0  }
0x20: {  	[sflag:s8] =	ssyncset.s32 @!p0 $0xFFFFF086;
	s6 =	sadd.s32 @!p0 s3, s7;
	s7 =	simm.s32 @!p0 $0x108  }
0x21: {  	s3 =	sadd.s32 s3, s9;
	s6 =	sadd.s32 @!p0 $0x88, s6;
	s7 =	simm.s32 @p2 $0x1082  }
0x22: {  	[simem:s7], [sflag:s8] =	dma.local @!p0 [hbm:s6], $0xF7A  }
0x23: {  	s9 =	sor.u32 $0xD0000000, s2;
	s6 =	simm.s32 $0x108;
	_ =	swait.ge @!p0 [sflag:s8], $0x0  }
0x24: {  	s3 =	sadd.s32 $0x88, s3;
	s6 =	simm.s32 @!p1 $0x1082;
	[sflag:s4] =	ssyncset.s32 $0xFFFFF086  }
0x25: {  	[simem:s6], [sflag:s4] =	dma.local [hbm:s3], $0xF7A  }
0x26: {  	[smem:$0x3F97] =	sst s1;
	(tag) =	ssettag s2;
	_ =	strace s9  }
0x27: {  	s1 =	sld [smem:$0x3FA7]  }
0x28: {  	s2 =	sld [smem:$0x3FA8]  }
0x29: {  	s4 =	sld [smem:$0x3FAA]  }
0x2a: {  	p0 =	seq.s32 s5, $0x0;
	s5 =	sld [smem:$0x3FAB]  }
0x2b: {  	s6 =	sld [smem:$0x3FAC]  }
0x2c: {  	s7 =	sld [smem:$0x3FAD]  }
0x2d: {  	s3 =	simm.s32 $0x108;
	s8 =	sld [smem:$0x3FAE]  }
0x2e: {  	s3 =	simm.s32 @!p0 $0x1082;
	s9 =	sld [smem:$0x3FAF]  }
0x2f: {  	lr =	sadd.s32 s0, s3;
	s0 =	sld [smem:$0x3FA6]  }
0x30: {  	s3 =	sld [smem:$0x3FA9]  }
0x31: {  	[smem:$0x3FB2] =	sst s10  }
0x32: {  	s10 =	sld [smem:$0x3FB0];
	_ =	sdelay $0x3  }
0x33: {  	p0 =	seq.s32 s10, $0x1;
	s10 =	sld [smem:$0x3FB2];
	_ =	sdelay $0x3  }
0x34: {  	[smem:$0x3FB2] =	sst s10  }
0x35: {  	s10 =	sld [smem:$0x3FB1];
	_ =	sdelay $0x3  }
0x36: {  	p1 =	seq.s32 s10, $0x1;
	s10 =	sld [smem:$0x3FB2];
	_ =	sdelay $0x3  }
0x37: {  	[smem:$0x3FB2] =	sst s10  }
0x38: {  	s10 =	sld [smem:$0x3FB3]  }
0x39: {  	_ = 	snop;
	(pc) =	sbr.ind lr, $3  }
0x3a: {  	_ = 	snop  }
0x3b: {  	_ = 	snop  }
0x3c: {  	p2 =	seq.s32 s10, $0x1;
	s10 =	sld [smem:$0x3FB2]  }
0x3d: {  	_ =	shalt  }
0x3e: {  	_ =	shalt  }
0x3f: {  	_ =	shalt  }
0x40: {  	_ =	shalt  }
0x41: {  	_ =	shalt  }
0x42: {  	_ =	shalt  }
0x43: {  	_ =	shalt  }
0x44: {  	_ =	shalt  }
0x45: {  	_ =	shalt  }
0x46: {  	_ =	shalt  }
0x47: {  	_ =	shalt  }
0x48: {  	_ =	shalt  }
0x49: {  	_ =	shalt  }
0x4a: {  	_ =	shalt  }
0x4b: {  	_ =	shalt  }
0x4c: {  	_ =	shalt  }
0x4d: {  	_ =	shalt  }
0x4e: {  	_ =	shalt  }
0x4f: {  	_ =	shalt  }
0x50: {  	_ =	shalt  }
0x51: {  	_ =	shalt  }
0x52: {  	_ =	shalt  }
0x53: {  	_ =	shalt  }
0x54: {  	_ =	shalt  }
0x55: {  	_ =	shalt  }
0x56: {  	_ =	shalt  }
0x57: {  	_ =	shalt  }
0x58: {  	_ =	shalt  }
0x59: {  	_ =	shalt  }
0x5a: {  	_ =	shalt  }
0x5b: {  	_ =	shalt  }
0x5c: {  	_ =	shalt  }
0x5d: {  	_ =	shalt  }
0x5e: {  	_ =	shalt  }
0x5f: {  	_ =	shalt  }
0x60: {  	_ =	shalt  }
0x61: {  	_ =	shalt  }
0x62: {  	_ =	shalt  }
0x63: {  	_ =	shalt  }
0x64: {  	_ =	shalt  }
0x65: {  	_ =	shalt  }
0x66: {  	_ =	shalt  }
0x67: {  	_ =	shalt  }
0x68: {  	_ =	shalt  }
0x69: {  	_ =	shalt  }
0x6a: {  	_ =	shalt  }
0x6b: {  	_ =	shalt  }
0x6c: {  	_ =	shalt  }
0x6d: {  	_ =	shalt  }
0x6e: {  	_ =	shalt  }
0x6f: {  	_ =	shalt  }
0x70: {  	_ =	shalt  }
0x71: {  	_ =	shalt  }
0x72: {  	_ =	shalt  }
0x73: {  	_ =	shalt  }
0x74: {  	_ =	shalt  }
0x75: {  	_ =	shalt  }
0x76: {  	_ =	shalt  }
0x77: {  	_ =	shalt  }
0x78: {  	_ =	shalt  }
0x79: {  	_ =	shalt  }
0x7a: {  	_ =	shalt  }
0x7b: {  	_ =	shalt  }
0x7c: {  	_ =	shalt  }
0x7d: {  	_ =	shalt  }
0x7e: {  	_ =	shalt  }
0x7f: {  	_ =	shalt  }
0x80: {  	_ =	shalt  }
0x81: {  	_ =	shalt  }
0x82: {  	_ =	shalt  }
0x83: {  	_ =	shalt  }
0x84: {  	_ =	shalt  }
0x85: {  	_ =	shalt  }
0x86: {  	_ =	shalt  }
0x87: {  	_ =	shalt  }
.Lfunc_end0:
.L_simem_size_0:
called_computation.1_lowered:
.L_overlay_start_0:
0x88: {  	s2 =	sld [smem:$0x3FD9]  }
0x89: {  	s3 =	sld [smem:$0x3FFE];
	_ =	sdelay $0x1  }
0x8a: {  	s1 =	srdreg.scid  }
0x8b: {  	s0 =	sand.u32 $0x1, s1  }
0x8c: {  	s17 =	sshll.u32 s0, $0xA;
	s2 =	sadd.s32 s3, s2  }
0x8d: {  	s2 =	sadd.s32 s2, s17  }
0x8e: {  	[smem:$0x3FBE] =	sst s2  }
0x8f: {  	_ = 	snop  }
0x90: {  	s2 =	sld [smem:$0x3FD0];
	(tm) =	ssettm $0x1  }
0x91: {  	s18 =	sld [smem:$0x3FFB];
	_ =	sdelay $0x3  }
0x92: {  	_ =	strace s18  }
0x93: {  	s3 =	sld [smem:$0x3FFC];
	_ =	sdelay $0x3  }
0x94: {  	_ =	strace s3  }
0x95: {  	s3 =	sld [smem:$0x3FFD];
	_ =	sdelay $0x3  }
0x96: {  	_ =	strace s3  }
0x97: {  	_ =	strace $0x8FFFFFFF  }
0x98: {  	s19 =	sld [smem:$0x3FDB];
	_ =	sdelay $0x1  }
0x99: {  	s4 =	simm.s32 $_scs_section_size  }
0x9a: {  	s5 =	simm.s32 $_size__tile_overlayer_lowered;
	s6 =	simm.s32 $_tile_overlayer_lowered  }
0x9b: {  	s22 =	simm.s32 $0x1BFF;
	s21 =	sshll.u32 s6, $0x1;
	s3 =	sadd.s32 s4, s19  }
0x9c: {  	s7 =	simm.s32 $0x0;
	s20 =	sshll.u32 s5, $0x1;
	s5 =	sadd.s32 s21, s3  }
0x9d: {  	[timem:s7], [sflag:s22] =	dma.local [hbm:s5], s20  }
0x9e: {  	_ =	swait.ge [sflag:s22], s20  }
0x9f: {  	s4 =	ssub.s32 $0x0, s20;
	[sflag:s22] =	ssyncset.done $0x0  }
0xa0: {  	[sflag:s22] =	ssyncadd.s32 s4;
	_ =	sdelay $0x1  }
0xa1: {  	s23 =	simm.s32 $0x1B8B  }
0xa2: {  	_ =	swait.ge [sflag:s23], $0x1  }
0xa3: {  	[sflag:s23] =	ssyncset.done $0x0  }
0xa4: {  	s25 =	simm.s32 $0x1B8E;
	s24 =	sld [smem:$0x3FFE];
	[sflag:s23] =	ssyncadd.s32 $0xFFFFFFFF  }
0xa5: {  	s26 =	simm.s32 $execute0_lowered;
	[smem:$0x3FD2] =	sst s25  }
0xa6: {  	s5 =	sshll.u32 s26, $0x1;
	_ =	strace $0x80000049;
	[dreg:$0x1] =	wrdreg $0xFFFFFFFF  }
0xa7: {  	s28 =	simm.s32 $_size_execute0_lowered;
	s3 =	sadd.s32 s3, s5;
	[dreg:$0x0] =	wrdreg $0x0  }
0xa8: {  	s5 =	sshll.u32 s28, $0x1;
	[dreg:$0x2] =	wrdreg s3  }
0xa9: {  	[dreg:$0x3] =	wrdreg s5  }
0xaa: {  	[dreg:$0x4] =	wrdreg $0xC0  }
0xab: {  	_ =	task [dreg:s7], $0x5FFFF  }
0xac: {  	[dreg:$0x1] =	wrdreg $0xFFFFFFFF  }
0xad: {  	[dreg:$0x0] =	wrdreg $0x60  }
0xae: {  	[dreg:$0x2] =	wrdreg s24  }
0xaf: {  	[dreg:$0x3] =	wrdreg s2  }
0xb0: {  	[dreg:$0x4] =	wrdreg $0xA2000  }
0xb1: {  	[dreg:$0x5] =	wrdreg $0xC9800  }
0xb2: {  	[dreg:$0x6] =	wrdreg $0x9  }
0xb3: {  	_ =	task.clear_ibuf [dreg:s7], $0x7FFFF;
	_ =	strace $0x90000049  }
0xb4: {  	s29 =	simm.s32 $0x9;
	_ =	strace $0x8000004B  }
0xb5: {  	_ =	swait.ge [sflag:s29], $0x1  }
0xb6: {  	[sflag:s29] =	ssyncadd.s32 $0xFFFFFFFF  }
0xb7: {  	_ =	strace $0x9000004B  }
0xb8: {  	_ =	sfence  }
0xb9: {  	s30 =	sld [smem:$0x0];
	_ =	sdelay $0x2  }
0xba: {  	s31 =	sshll.u32 s1, $0xD;
	s1 =	sshrl.u32 s1, $0x2  }
0xbb: {  	s3 =	sand.u32 $0x4000, s31;
	s1 =	sadd.s32 s1, s30  }
0xbc: {  	s0 =	sor.u32 s3, s0;
	s1 =	sshll.u32 s1, $0x11  }
0xbd: {  	s0 =	sor.u32 s1, s0  }
0xbe: {  	s0 =	sadd.s32 $0x8F2B, s0  }
0xbf: {  	[sflag:s0] =	ssyncadd.remote.s32 $0x1  }
0xc0: {  	_ =	sfence.sel $0xFFFF  }
0xc1: {  	[dreg:$0x0] =	wrdreg $0xFFFFFFFF;
	(pc) =	sbr.abs _section_cstart, $3  }
0xc2: {  	[dreg:$0x1] =	wrdreg $0xFFFFFFFF  }
0xc3: {  	_ =	task.clear_ibuf [dreg:s7], $0x2FFFF;
	_ =	strace $0x9FFFFFFF  }
0xc4: {  	(tm) =	ssettm $0x7FFFFFFF  }
0xc5: {  	_ =	shalt  }
tec
execute0_lowered:
.L_overlay_start_1:
0x0: {  	(tag) =	ssettag $0x1  }
0x1: {  	s0 =	rddreg [dreg:$0x0]  }
0x2: {  	s1 =	rddreg [dreg:$0x1]  }
0x3: {  	s3 =	rddreg [dreg:$0x2]  }
0x4: {  	s4 =	rddreg [dreg:$0x3]  }
0x5: {  	s2 =	srdreg.scid;
	s10 =	stileid.u32  }
0x6: {  	s5 =	simm.s32 $0x0;
	s31 =	simm.s32 $0x5A00;
	s28 =	simm.s32 $0x1  }
0x7: {  	s29 =	simm.s32 $0x8A00;
	s30 =	simm.s32 $0x9A00;
	s2 =	sand.u32 $0x1, s2  }
0x8: {  	s7 =	smul.u32 $0x278, s10;
	[smem:$0x7FF] =	sst s5;
	s6 =	sadd.s32 $0x16E00, s0  }
0x9: {  	s8 =	sshll.u32 s2, $0x4;
	s9 =	smul.u32 $0x2780, s2;
	_ =	strace $0x8000004A  }
0xa: {  	s2 =	ssub.s32 $0x2, s2;
	s8 =	sor.u32 s10, s8;
	s10 =	smul.u32 $0x2780, s10  }
0xb: {  	s19 =	sshrl.u32 s2, $0x1;
	s8 =	smul.u32 $0x520, s8;
	s7 =	sadd.s32 s7, s9  }
0xc: {  	s7 =	sshll.u32 s7, $0x1;
	s20 =	sadd.s32 $0x800, s10;
	s21 =	sadd.s32 $0x1000, s10  }
0xd: {  	s23 =	sadd.s32 $0x1800, s10;
	s25 =	sadd.s32 $0x2000, s10;
	s12 =	sadd.s32 s20, s3  }
0xe: {  	s11 =	sadd.s32 s8, s0;
	s9 =	sadd.s32 s20, s4;
	[dreg:$0x5] =	wrdreg s12  }
0xf: {  	s0 =	sadd.s32 s7, s0;
	s22 =	sadd.s32 s21, s3;
	[dreg:$0x6] =	wrdreg s9  }
0x10: {  	s7 =	sadd.s32 s10, s3;
	s24 =	sadd.s32 s23, s3;
	[dreg:$0x7] =	wrdreg s22  }
0x11: {  	s8 =	sadd.s32 s10, s4;
	s10 =	sadd.s32 s25, s3;
	[dreg:$0x9] =	wrdreg s24  }
0x12: {  	s2 =	ssub.s32 s2, s19;
	s9 =	sadd.s32 s21, s4;
	[dreg:$0xb] =	wrdreg s10  }
0x13: {  	s26 =	sadd.s32 $0xCA00, s11;
	s18 =	sadd.s32 $0x2600, s11;
	s19 =	sadd.s32 $0x2AA00, s0  }
.Ltmp0:
0x14: {  	s20 =	sadd.s32 $0x20C00, s0;
	s21 =	smax.u32 s2, $0x1;
	(pc) =	sbr.rel .LBB2_1-.Ltmp0, $4  }
0x15: {  	s22 =	simm.s32 $0x9200;
	s24 =	simm.s32 $0x8200;
	[dreg:$0x8] =	wrdreg s9  }
0x16: {  	s0 =	simm.s32 $0x7200;
	s9 =	sadd.s32 s23, s4;
	[dreg:$0xd] =	wrdreg s26  }
0x17: {  	s2 =	simm.s32 $0x2;
	[dreg:$0xa] =	wrdreg s9;
	s9 =	sadd.s32 s25, s4  }
0x18: {  	v0 =	vimm.f32 $0.0e+00;
	s23 =	simm.s32 $0x3;
	s26 =	simm.s32 $0x80;
	[dreg:$0xc] =	wrdreg s9  }
.LBB2_10:
0x19: {  	_ =	swait.ge [sflag:s2], $0x800  }
0x1a: {  	[sflag:s2] =	ssyncset.done $0x0  }
0x1b: {  	[sflag:s2] =	ssyncadd.s32 $0xFFFFF800  }
0x1c: {  	_ =	swait.ge [sflag:s2], $0x800  }
0x1d: {  	[sflag:s2] =	ssyncset.done $0x0  }
0x1e: {  	[sflag:s2] =	ssyncadd.s32 $0xFFFFF800  }
0x1f: {  	_ =	swait.ge [sflag:s2], $0x800  }
0x20: {  	[sflag:s2] =	ssyncset.done $0x0  }
0x21: {  	[sflag:s2] =	ssyncadd.s32 $0xFFFFF800  }
0x22: {  	_ =	swait.ge [sflag:s2], $0x800  }
0x23: {  	s9 =	stileid.u32;
	[sflag:s2] =	ssyncset.done $0x0  }
0x24: {  	s9 =	sshll.u32 s9, $0x6;
	[sflag:s2] =	ssyncadd.s32 $0xFFFFF800  }
0x25: {  	s10 =	sshrl.u32 s7, $0x3;
	s9 =	sor.u32 $0x1C03, s9;
	[bflag:$0x0] =	sbarrier.arrive $0xFFFF  }
0x26: {  	[hbm:s19], [sflag:s9] =	dma.local [spmem:s10], $0x4F0  }
0x27: {  	s5 =	sadd.s32 $0x1, s5;
	_ =	swait.ge [sflag:s23], $0x4F0  }
0x28: {  	p0 =	sne.s32 s5, s21;
	[sflag:s23] =	ssyncset.done $0x0  }
.Ltmp1:
0x29: {  	s25 =	sshrl.u32 s8, $0x3;
	[sflag:s23] =	ssyncadd.s32 $0xFFFFFB10;
	(pc) =	sbr.rel @!p0 .LBB2_11-.Ltmp1, $4  }
0x2a: {  	[hbm:s20], [sflag:s9] =	dma.local [spmem:s25], $0x4F0  }
0x2b: {  	_ =	swait.ge [sflag:s23], $0x4F0  }
0x2c: {  	[sflag:s23] =	ssyncset.done $0x0  }
0x2d: {  	[sflag:s23] =	ssyncadd.s32 $0xFFFFFB10  }
.LBB2_1:
0x2e: {  	s9 =	simm.s32 $0x40;
	s10 =	simm.s32 $0x0  }
.LBB2_2:
0x2f: {  	p0 =	sne.s32 s9, $0x1FC0;
	[tilespmem:s10+$0x8200] =	vst v0;
	s11 =	smov.u32 s9;
	s9 =	sadd.s32 $0x40, s9  }
.Ltmp2:
0x30: {  	[tilespmem:s10+$0x9200] =	vst v0;
	(pc) =	sbr.rel @p0 .LBB2_2-.Ltmp2, $2  }
0x31: {  	_ =	sdelay $0x2  }
0x32: {  	s10 =	sshra.s32 s11, $0x2  }
0x33: {  	[tilespmem:s10+$0x8200] =	vst v0  }
0x34: {  	[tilespmem:s10+$0x9200] =	vst v0  }
0x35: {  	[spmem:s7] =	stream.linear.scatter [tilespmem:s22], [sflag:$0x3], $0x800, $0x38;
	[tilespmem:$0xF100] =	vst v63  }
0x36: {  	_ =	swait.ge [sflag:s23], $0x800  }
0x37: {  	[sflag:s23] =	ssyncset.done $0x0  }
0x38: {  	[sflag:s23] =	ssyncadd.s32 $0xFFFFF800  }
0x39: {  	[spmem:s8] =	stream.linear.scatter [tilespmem:s24], [sflag:$0x3], $0x800, $0x38;
	[tilespmem:$0xF100] =	vst v63  }
0x3a: {  	_ =	swait.ge [sflag:s23], $0x800  }
0x3b: {  	[sflag:s23] =	ssyncset.done $0x0  }
0x3c: {  	s9 =	rddreg [dreg:$0x5];
	[sflag:s23] =	ssyncadd.s32 $0xFFFFF800  }
0x3d: {  	[spmem:s9] =	stream.linear.scatter [tilespmem:s22], [sflag:$0x3], $0x800, $0x38;
	[tilespmem:$0xF100] =	vst v63  }
0x3e: {  	_ =	swait.ge [sflag:s23], $0x800  }
0x3f: {  	[sflag:s23] =	ssyncset.done $0x0  }
0x40: {  	s17 =	rddreg [dreg:$0x6];
	[sflag:s23] =	ssyncadd.s32 $0xFFFFF800  }
0x41: {  	[spmem:s17] =	stream.linear.scatter [tilespmem:s24], [sflag:$0x3], $0x800, $0x38;
	[tilespmem:$0xF100] =	vst v63  }
0x42: {  	_ =	swait.ge [sflag:s23], $0x800  }
0x43: {  	[sflag:s23] =	ssyncset.done $0x0  }
0x44: {  	s25 =	rddreg [dreg:$0x7];
	[sflag:s23] =	ssyncadd.s32 $0xFFFFF800  }
0x45: {  	[spmem:s25] =	stream.linear.scatter [tilespmem:s22], [sflag:$0x3], $0x800, $0x38;
	[tilespmem:$0xF100] =	vst v63  }
0x46: {  	_ =	swait.ge [sflag:s23], $0x800  }
0x47: {  	[sflag:s23] =	ssyncset.done $0x0  }
0x48: {  	s10 =	rddreg [dreg:$0x8];
	[sflag:s23] =	ssyncadd.s32 $0xFFFFF800  }
0x49: {  	[spmem:s10] =	stream.linear.scatter [tilespmem:s24], [sflag:$0x3], $0x800, $0x38;
	[tilespmem:$0xF100] =	vst v63  }
0x4a: {  	_ =	swait.ge [sflag:s23], $0x800  }
0x4b: {  	[sflag:s23] =	ssyncset.done $0x0  }
0x4c: {  	s11 =	rddreg [dreg:$0x9];
	[sflag:s23] =	ssyncadd.s32 $0xFFFFF800  }
0x4d: {  	[spmem:s11] =	stream.linear.scatter [tilespmem:s22], [sflag:$0x3], $0x800, $0x38;
	[tilespmem:$0xF100] =	vst v63  }
0x4e: {  	_ =	swait.ge [sflag:s23], $0x800  }
0x4f: {  	[sflag:s23] =	ssyncset.done $0x0  }
0x50: {  	s12 =	rddreg [dreg:$0xa];
	[sflag:s23] =	ssyncadd.s32 $0xFFFFF800  }
0x51: {  	[spmem:s12] =	stream.linear.scatter [tilespmem:s24], [sflag:$0x3], $0x800, $0x38;
	[tilespmem:$0xF100] =	vst v63  }
0x52: {  	_ =	swait.ge [sflag:s23], $0x800  }
0x53: {  	[sflag:s23] =	ssyncset.done $0x0  }
0x54: {  	s13 =	rddreg [dreg:$0xb];
	[sflag:s23] =	ssyncadd.s32 $0xFFFFF800  }
0x55: {  	[spmem:s13] =	stream.linear.scatter [tilespmem:s22], [sflag:$0x3], $0x780, $0x38;
	[tilespmem:$0xF100] =	vst v63  }
0x56: {  	_ =	swait.ge [sflag:s23], $0x780  }
0x57: {  	[sflag:s23] =	ssyncset.done $0x0  }
0x58: {  	s14 =	rddreg [dreg:$0xc];
	[sflag:s23] =	ssyncadd.s32 $0xFFFFF880  }
0x59: {  	[spmem:s14] =	stream.linear.scatter [tilespmem:s24], [sflag:$0x3], $0x780, $0x38;
	[tilespmem:$0xF100] =	vst v63  }
0x5a: {  	_ =	swait.ge [sflag:s23], $0x780  }
0x5b: {  	[sflag:s23] =	ssyncset.done $0x0  }
0x5c: {  	[sflag:s23] =	ssyncadd.s32 $0xFFFFF880  }
0x5d: {  	[bflag:$0x0] =	sbarrier.arrive $0xFFFF  }
0x5e: {  	s9 =	simm.s32 $0x0;
	s15 =	rddreg [dreg:$0xd]  }
0x5f: {  	[tilespmem:s9], [sflag:$0x3] =	stream.linear.gather [hbm4b:s15+s9], $0x2900, $0x38;
	[tilespmem:$0xF100] =	vst v63  }
0x60: {  	_ =	swait.ge [sflag:s23], $0x2900  }
0x61: {  	[sflag:s23] =	ssyncset.done $0x0  }
0x62: {  	s16 =	simm.s32 $0x2900;
	[sflag:s23] =	ssyncadd.s32 $0xFFFFD700  }
0x63: {  	[tilespmem:s16], [sflag:$0x3] =	stream.linear.gather [hbm4b:s18+s9], $0x2900, $0x38;
	[tilespmem:$0xF100] =	vst v63  }
0x64: {  	_ =	swait.ge [sflag:s23], $0x2900  }
0x65: {  	[sflag:s23] =	ssyncset.done $0x0  }
0x66: {  	s11 =	simm.s32 $0x5200;
	[sflag:s23] =	ssyncadd.s32 $0xFFFFD700  }
0x67: {  	[tilespmem:s11], [sflag:$0x1] =	stream.indirect.gather [hbm4b:s1+s26], $0x10, s16, s26, $0xb8;
	[tilespmem:$0xF100] =	vst v63  }
0x68: {  	s17 =	simm.s32 $0x6200  }
0x69: {  	[tilespmem:s17], [sflag:$0x1] =	stream.indirect.gather [hbm4b:s6+s26], $0x20, s9, s26, $0xb8;
	[tilespmem:$0xF100] =	vst v63  }
0x6a: {  	s25 =	simm.s32 $0x2980  }
0x6b: {  	[tilespmem:s31], [sflag:$0x1] =	stream.indirect.gather [hbm4b:s1+s26], $0x10, s25, s26, $0xb8;
	[tilespmem:$0xF100] =	vst v63  }
0x6c: {  	_ = 	snop  }
0x6d: {  	[tilespmem:s0], [sflag:$0x1] =	stream.indirect.gather [hbm4b:s6+s26], $0x20, s26, s26, $0xb8;
	[tilespmem:$0xF100] =	vst v63  }
.LBB2_4:
0x6e: {  	_ =	swait.ge [sflag:s28], $0x800  }
0x6f: {  	[sflag:s28] =	ssyncset.done $0x0  }
0x70: {  	[sflag:s28] =	ssyncadd.s32 $0xFFFFF800  }
0x71: {  	_ =	swait.ge [sflag:s28], $0x1000  }
0x72: {  	p0 =	seq.s32 s9, $0x0;
	[sflag:s28] =	ssyncset.done $0x0  }
0x73: {  	s10 =	simm.s32 @!p0 $0x2;
	[sflag:s28] =	ssyncadd.s32 $0xFFFFF000  }
0x74: {  	_ =	swait.ge @!p0 [sflag:s10], $0x800  }
0x75: {  	[sflag:s10] =	ssyncset.done @!p0 $0x0  }
0x76: {  	[sflag:s10] =	ssyncadd.s32 @!p0 $0xFFFFF800  }
0x77: {  	_ =	swait.ge @!p0 [sflag:s10], $0x800  }
0x78: {  	[sflag:s10] =	ssyncset.done @!p0 $0x0  }
0x79: {  	s13 =	simm.s32 $0x6280;
	[sflag:s10] =	ssyncadd.s32 @!p0 $0xFFFFF800  }
0x7a: {  	s25 =	simm.s32 $0x5240;
	v1 =	vld [tilespmem:s13+$0x70]  }
0x7b: {  	v2 =	vld [tilespmem:s25+$0x30];
	_ =	sdelay $0x2  }
0x7c: {  	v3 =	vld [tilespmem:s25+$0xFFFFFFC0]  }
0x7d: {  	v4 =	vld [tilespmem:s13+$0xFFFFFFB0]  }
0x7e: {  	v5 =	vld [tilespmem:s13+$0xFFFFFFD0];
	v1 =	vadd.f32 v2, v1  }
0x7f: {  	v7 =	vld [tilespmem:s25+$0xFFFFFFE0]  }
0x80: {  	v2 =	vld [tilespmem:s25+$0xFFFFFFD0];
	v6 =	vmul.f32 $2.000000030e-01, v1  }
0x81: {  	v8 =	vld [tilespmem:s13+$0xFFFFFFF0]  }
0x82: {  	v1 =	vmax.f32 v1, v6;
	v6 =	vld [tilespmem:s25+$0xFFFFFFF0]  }
0x83: {  	v9 =	vld [tilespmem:s13+$0x10]  }
0x84: {  	v10 =	vld [tilespmem:s25+$0x0];
	v1 =	vmul.f32 $1.442695020e+00, v1  }
0x85: {  	v2 =	vadd.f32 v2, v4;
	v4 =	vld [tilespmem:s25+$0x10]  }
0x86: {  	(erf) = vpow2.f32 v1;
	v1 =	vld [tilespmem:s13+$0x30]  }
0x87: {  	v5 =	vadd.f32 v7, v5;
	v7 =	vld [tilespmem:s13+$0x50];
	v6 =	vadd.f32 v6, v8  }
0x88: {  	v11 =	vmul.f32 $2.000000030e-01, v2;
	v8 =	vld [tilespmem:s25+$0x20]  }
0x89: {  	v13 =	vld [tilespmem:s13+$0xFFFFFF90];
	v9 =	vadd.f32 v10, v9;
	v10 =	vmul.f32 $2.000000030e-01, v6  }
0x8a: {  	v12 =	vmul.f32 $2.000000030e-01, v5;
	v2 =	vmax.f32 v2, v11  }
0x8b: {  	s11 =	simm.s32 $0x6380;
	v11 =	vmul.f32 $2.000000030e-01, v9;
	v1 =	vadd.f32 v4, v1;
	v6 =	vmax.f32 v6, v10  }
0x8c: {  	s12 =	simm.s32 $0x52C0;
	v15 =	vld [tilespmem:s11+$0x10];
	v5 =	vmax.f32 v5, v12;
	v2 =	vmul.f32 $1.442695020e+00, v2;
	v4 =	vmul.f32 $1.442695020e+00, v6  }
0x8d: {  	v16 =	vld [tilespmem:s12+$0x0];
	v6 =	vmax.f32 v9, v11;
	v7 =	vadd.f32 v8, v7;
	v9 =	vmul.f32 $2.000000030e-01, v1  }
0x8e: {  	v3 =	vadd.f32 v3, v13;
	v5 =	vmul.f32 $1.442695020e+00, v5;
	v10 =	vld [tilespmem:s11+$0x70];
	v6 =	vmul.f32 $1.442695020e+00, v6  }
0x8f: {  	v8 =	vpop (erf);
	(erf) = vpow2.f32 v2;
	v2 =	vmul.f32 $2.000000030e-01, v7;
	v1 =	vmax.f32 v1, v9;
	v9 =	vld [tilespmem:s12+$0x30]  }
0x90: {  	v12 =	vld [tilespmem:s12+$0xFFFFFFE0];
	(erf) = vpow2.f32 v5;
	v5 =	vmul.f32 $2.000000030e-01, v3  }
0x91: {  	v1 =	vmul.f32 $1.442695020e+00, v1;
	(erf) = vpow2.f32 v4;
	v2 =	vmax.f32 v7, v2;
	v4 =	vld [tilespmem:s11+$0xFFFFFFB0]  }
0x92: {  	v7 =	vld [tilespmem:s11+$0xFFFFFFD0];
	(erf) = vpow2.f32 v6;
	v3 =	vmax.f32 v3, v5;
	v2 =	vmul.f32 $1.442695020e+00, v2  }
0x93: {  	v6 =	vld [tilespmem:s12+$0xFFFFFFD0];
	(erf) = vpow2.f32 v1;
	v1 =	vmul.f32 $1.442695020e+00, v3  }
0x94: {  	(erf) = vpow2.f32 v2;
	v2 =	vadd.f32 v9, v10;
	v9 =	vld [tilespmem:s11+$0xFFFFFFF0]  }
0x95: {  	v10 =	vld [tilespmem:s12+$0xFFFFFFF0];
	(erf) = vpow2.f32 v1  }
0x96: {  	s16 =	simm.s32 $0x8240;
	v18 =	vld [tilespmem:s11+$0x30];
	v14 =	vmul.f32 $2.000000030e-01, v2  }
0x97: {  	v19 =	vld [tilespmem:s12+$0x10];
	[tilespmem:s16+$0x30] =	vst v8  }
0x98: {  	v11 =	vld [tilespmem:s13+$0x60];
	v17 =	vadd.f32 v6, v4;
	v3 =	vpop (erf);
	v4 =	vmax.f32 v2, v14  }
0x99: {  	v21 =	vld [tilespmem:s12+$0x20];
	v12 =	vadd.f32 v12, v7;
	v5 =	vpop (erf);
	v7 =	vmul.f32 $1.442695020e+00, v4  }
0x9a: {  	v13 =	vld [tilespmem:s12+$0xFFFFFFC0];
	v14 =	vmul.f32 $2.000000030e-01, v17;
	v9 =	vadd.f32 v10, v9;
	v1 =	vpop (erf)  }
0x9b: {  	v20 =	vmul.f32 $2.000000030e-01, v12;
	v10 =	vld [tilespmem:s11+$0x50];
	v2 =	vpop (erf);
	(erf) = vpow2.f32 v7  }
0x9c: {  	v15 =	vadd.f32 v16, v15;
	v14 =	vmax.f32 v17, v14;
	v17 =	vld [tilespmem:s11+$0xFFFFFF90];
	v16 =	vmul.f32 $2.000000030e-01, v9;
	v4 =	vpop (erf)  }
0x9d: {  	v19 =	vadd.f32 v19, v18;
	v22 =	vmul.f32 v8, v11;
	[tilespmem:s16+$0xFFFFFFD0] =	vst v3;
	v8 =	vmax.f32 v12, v20;
	v6 =	vpop (erf)  }
0x9e: {  	[tilespmem:s16+$0xFFFFFFE0] =	vst v5;
	v12 =	vld [tilespmem:s13+$0xFFFFFFA0];
	v20 =	vmul.f32 $1.442695020e+00, v14;
	v9 =	vmax.f32 v9, v16;
	v16 =	vmul.f32 $2.000000030e-01, v15;
	v7 =	vpop (erf)  }
0x9f: {  	v23 =	vmul.f32 $1.442695020e+00, v8;
	v11 =	vld [tilespmem:s13+$0xFFFFFFC0];
	v24 =	vmul.f32 $1.442695020e+00, v9;
	[tilespmem:s16+$0xFFFFFFC0] =	vst v7  }
0xa0: {  	[tilespmem:s16+$0xFFFFFFF0] =	vst v1;
	(erf) = vpow2.f32 v20;
	v9 =	vmax.f32 v15, v16;
	v15 =	vmul.f32 $2.000000030e-01, v19;
	v14 =	vld [tilespmem:s13+$0xFFFFFF80]  }
0xa1: {  	v8 =	vld [tilespmem:s13+$0xFFFFFFE0];
	[tilespmem:s16+$0x10] =	vst v4;
	v16 =	vadd.f32 v21, v10;
	(erf) = vpow2.f32 v23;
	v17 =	vadd.f32 v13, v17  }
0xa2: {  	[tilespmem:s16+$0x0] =	vst v2;
	v10 =	vld [tilespmem:s13+$0x20];
	v18 =	vmul.f32 $1.442695020e+00, v9;
	(erf) = vpow2.f32 v24  }
0xa3: {  	s14 =	simm.s32 $0x9240;
	s15 =	simm.s32 $0x8;
	s25 =	simm.s32 $0x9240;
	[tilespmem:s16+$0x20] =	vst v6;
	v9 =	vld [tilespmem:s13+$0x0];
	v13 =	vmax.f32 v19, v15;
	v20 =	vmul.f32 $2.000000030e-01, v16;
	v21 =	vmul.f32 $2.000000030e-01, v17  }
0xa4: {  	s10 =	sshll.u32 s9, $0x8;
	[tilespmem:s14+$0x30] =	vst v22;
	s16 =	simm.s32 $0x6480;
	v19 =	vmul.f32 $1.442695020e+00, v13;
	v13 =	vld [tilespmem:s13+$0x40];
	s13 =	simm.s32 $0x82C0;
	v15 =	vpop (erf)  }
.LBB2_5:
0xa5: {  	v22 =	vld [tilespmem:s16+$0x70];
	v16 =	vmax.f32 v16, v20;
	[tilespmem:s13+$0x30] =	vst v15;
	(erf) = vpow2.f32 v18;
	v7 =	vmul.f32 v7, v14  }
0xa6: {  	s12 =	sadd.s32 $0x80, s12;
	v14 =	vmax.f32 v17, v21;
	v16 =	vmul.f32 $1.442695020e+00, v16;
	v17 =	vld [tilespmem:s11+$0x60];
	(erf) = vpow2.f32 v19  }
0xa7: {  	s15 =	sadd.s32 $0x8, s15;
	v18 =	vld [tilespmem:s12+$0x30];
	v14 =	vmul.f32 $1.442695020e+00, v14;
	[tilespmem:s14+$0xFFFFFFC0] =	vst v7;
	v7 =	vmul.f32 v3, v12  }
0xa8: {  	v11 =	vmul.f32 v5, v11;
	p1 =	slt.u32 s15, $0x78;
	v19 =	vld [tilespmem:s12+$0xFFFFFFC0];
	(erf) = vpow2.f32 v16  }
0xa9: {  	v12 =	vld [tilespmem:s16+$0xFFFFFFB0];
	(erf) = vpow2.f32 v14;
	v3 =	vpop (erf);
	[tilespmem:s14+$0xFFFFFFD0] =	vst v7;
	v7 =	vmul.f32 v1, v8  }
0xaa: {  	v9 =	vmul.f32 v2, v9;
	v10 =	vmul.f32 v4, v10;
	v8 =	vld [tilespmem:s12+$0xFFFFFFD0];
	[tilespmem:s13+$0xFFFFFFD0] =	vst v3  }
0xab: {  	v14 =	vld [tilespmem:s16+$0xFFFFFFD0];
	v4 =	vmul.f32 v15, v17;
	v5 =	vpop (erf);
	[tilespmem:s14+$0xFFFFFFE0] =	vst v11;
	v11 =	vmul.f32 v6, v13  }
0xac: {  	s14 =	sadd.s32 $0x80, s14;
	v6 =	vld [tilespmem:s12+$0xFFFFFFE0];
	v13 =	vadd.f32 v18, v22;
	[tilespmem:s13+$0xFFFFFFE0] =	vst v5;
	v1 =	vpop (erf)  }
0xad: {  	v15 =	vld [tilespmem:s16+$0xFFFFFFF0];
	[tilespmem:s14+$0x30] =	vst v4  }
0xae: {  	v16 =	vld [tilespmem:s12+$0xFFFFFFF0];
	v17 =	vmul.f32 $2.000000030e-01, v13;
	[tilespmem:s13+$0xFFFFFFF0] =	vst v1;
	v2 =	vpop (erf)  }
0xaf: {  	v8 =	vadd.f32 v8, v12;
	v12 =	vld [tilespmem:s16+$0x10];
	[tilespmem:s13+$0x0] =	vst v2;
	v4 =	vpop (erf)  }
0xb0: {  	v18 =	vld [tilespmem:s12+$0x0];
	v13 =	vmax.f32 v13, v17;
	[tilespmem:s13+$0x10] =	vst v4  }
0xb1: {  	v17 =	vmul.f32 $2.000000030e-01, v8;
	v14 =	vadd.f32 v6, v14;
	v20 =	vld [tilespmem:s16+$0x30];
	v13 =	vmul.f32 $1.442695020e+00, v13;
	v6 =	vpop (erf);
	[tilespmem:s25+$0xFFFFFFF0] =	vst v7  }
0xb2: {  	v21 =	vld [tilespmem:s12+$0x10];
	[tilespmem:s13+$0x20] =	vst v6;
	v7 =	vpop (erf)  }
0xb3: {  	v22 =	vmul.f32 $2.000000030e-01, v14;
	v15 =	vadd.f32 v16, v15;
	v16 =	vld [tilespmem:s16+$0x50];
	(erf) = vpow2.f32 v13;
	[tilespmem:s13+$0xFFFFFFC0] =	vst v7  }
0xb4: {  	v8 =	vmax.f32 v8, v17;
	v13 =	vld [tilespmem:s12+$0x20];
	[tilespmem:s25+$0x0] =	vst v9  }
0xb5: {  	v9 =	vld [tilespmem:s16+$0xFFFFFF90];
	v14 =	vmax.f32 v14, v22;
	v17 =	vmul.f32 $2.000000030e-01, v15;
	v18 =	vadd.f32 v18, v12;
	[tilespmem:s25+$0x10] =	vst v10  }
0xb6: {  	v8 =	vmul.f32 $1.442695020e+00, v8;
	v10 =	vmul.f32 $1.442695020e+00, v14;
	v14 =	vld [tilespmem:s11+$0xFFFFFF80];
	[tilespmem:s25+$0x20] =	vst v11;
	s25 =	smov.u32 s14  }
0xb7: {  	v11 =	vmax.f32 v15, v17;
	v15 =	vmul.f32 $2.000000030e-01, v18;
	v20 =	vadd.f32 v21, v20;
	v12 =	vld [tilespmem:s11+$0xFFFFFFA0]  }
.Ltmp3:
0xb8: {  	v21 =	vmul.f32 $1.442695020e+00, v11;
	(erf) = vpow2.f32 v8;
	v11 =	vld [tilespmem:s11+$0xFFFFFFC0];
	(pc) =	sbr.rel @p1 .LBB2_5-.Ltmp3, $4  }
0xb9: {  	v15 =	vmax.f32 v18, v15;
	v22 =	vmul.f32 $2.000000030e-01, v20;
	v16 =	vadd.f32 v13, v16;
	v8 =	vld [tilespmem:s11+$0xFFFFFFE0]  }
0xba: {  	v17 =	vadd.f32 v19, v9;
	v18 =	vmul.f32 $1.442695020e+00, v15;
	(erf) = vpow2.f32 v10;
	v9 =	vld [tilespmem:s11+$0x0]  }
0xbb: {  	v13 =	vmax.f32 v20, v22;
	v20 =	vmul.f32 $2.000000030e-01, v16;
	(erf) = vpow2.f32 v21;
	v10 =	vld [tilespmem:s11+$0x20]  }
0xbc: {  	s13 =	sadd.s32 $0x80, s13;
	v21 =	vmul.f32 $2.000000030e-01, v17;
	v19 =	vmul.f32 $1.442695020e+00, v13;
	v15 =	vpop (erf);
	v13 =	vld [tilespmem:s11+$0x40];
	s11 =	smov.u32 s16;
	s16 =	sadd.s32 $0x100, s16  }
0xbd: {  	v7 =	vmul.f32 v7, v14  }
0xbe: {  	v16 =	vmax.f32 v16, v20;
	(erf) = vpow2.f32 v18;
	[tilespmem:s13+$0x30] =	vst v15;
	v3 =	vmul.f32 v3, v12  }
0xbf: {  	v5 =	vmul.f32 v5, v11;
	v16 =	vmul.f32 $1.442695020e+00, v16;
	[tilespmem:s14+$0xFFFFFFC0] =	vst v7  }
0xc0: {  	v17 =	vmax.f32 v17, v21;
	(erf) = vpow2.f32 v19;
	v1 =	vmul.f32 v1, v8;
	[tilespmem:s14+$0xFFFFFFD0] =	vst v3  }
0xc1: {  	v14 =	vld [tilespmem:s11+$0x60];
	v17 =	vmul.f32 $1.442695020e+00, v17;
	[tilespmem:s14+$0xFFFFFFE0] =	vst v5;
	v2 =	vmul.f32 v2, v9  }
0xc2: {  	(erf) = vpow2.f32 v16;
	[tilespmem:s25+$0xFFFFFFF0] =	vst v1  }
0xc3: {  	v4 =	vmul.f32 v4, v10;
	(erf) = vpow2.f32 v17;
	v7 =	vpop (erf);
	[tilespmem:s25+$0x0] =	vst v2  }
0xc4: {  	v6 =	vmul.f32 v6, v13;
	[tilespmem:s13+$0xFFFFFFD0] =	vst v7  }
0xc5: {  	[tilespmem:s25+$0x10] =	vst v4  }
0xc6: {  	v3 =	vpop (erf);
	v12 =	vmul.f32 v15, v14;
	[tilespmem:s25+$0x20] =	vst v6  }
0xc7: {  	s12 =	sadd.s32 $0x80, s14;
	[tilespmem:s13+$0xFFFFFFE0] =	vst v3  }
0xc8: {  	v16 =	vld [tilespmem:s11+$0xFFFFFFA0];
	v11 =	vpop (erf);
	[tilespmem:s12+$0x30] =	vst v12  }
0xc9: {  	[tilespmem:s13+$0xFFFFFFF0] =	vst v11;
	v1 =	vld [tilespmem:s11+$0xFFFFFFC0];
	v5 =	vpop (erf)  }
0xca: {  	v9 =	vld [tilespmem:s11+$0xFFFFFFE0];
	v14 =	vpop (erf);
	[tilespmem:s13+$0x0] =	vst v5  }
0xcb: {  	[tilespmem:s13+$0x10] =	vst v14;
	v2 =	vld [tilespmem:s11+$0x0];
	v12 =	vpop (erf)  }
0xcc: {  	v4 =	vld [tilespmem:s11+$0x20];
	v15 =	vpop (erf);
	[tilespmem:s13+$0x20] =	vst v12  }
0xcd: {  	v7 =	vmul.f32 v7, v16;
	[tilespmem:s13+$0xFFFFFFC0] =	vst v15;
	v6 =	vld [tilespmem:s11+$0x40]  }
0xce: {  	v1 =	vmul.f32 v3, v1;
	v8 =	vld [tilespmem:s11+$0xFFFFFF80]  }
0xcf: {  	[tilespmem:s12+$0xFFFFFFD0] =	vst v7;
	v3 =	vmul.f32 v11, v9  }
0xd0: {  	[tilespmem:s12+$0xFFFFFFE0] =	vst v1;
	v2 =	vmul.f32 v5, v2  }
0xd1: {  	[tilespmem:s12+$0xFFFFFFF0] =	vst v3;
	v1 =	vmul.f32 v14, v4  }
0xd2: {  	[tilespmem:s12+$0x0] =	vst v2;
	v3 =	vmul.f32 v12, v6  }
0xd3: {  	[tilespmem:s12+$0x10] =	vst v1;
	v8 =	vmul.f32 v15, v8  }
0xd4: {  	s11 =	sand.u32 $0x3FFFFF00, s10;
	[tilespmem:s12+$0x20] =	vst v3  }
0xd5: {  	s15 =	sadd.s32 $0x2900, s11;
	[tilespmem:s12+$0xFFFFFFC0] =	vst v8  }
0xd6: {  	[spmem:s4] =	stream.indirect.scatter.add.f32 [tilespmem:s24], [sflag:$0x2], $0x10, s15, s26, $0xb8;
	[tilespmem:$0xF100] =	vst v63  }
0xd7: {  	p1 =	seq.s32 s9, $0x28  }
0xd8: {  	[spmem:s3] =	stream.indirect.scatter.add.f32 [tilespmem:s22], [sflag:$0x2], $0x10, s15, s26, $0xb8;
	[tilespmem:$0xF100] =	vst v63  }
0xd9: {  	s14 =	simm.s32 @!p1 $0x5200;
	s13 =	simm.s32 @!p1 $0x80;
	s12 =	sadd.s32 @!p1 $0x2A00, s10  }
0xda: {  	[tilespmem:s14], [sflag:$0x1] =	stream.indirect.gather @!p1 [hbm4b:s1+s13], $0x10, s12, s13, $0xb8;
	[tilespmem:$0xF100] =	vst v63  }
0xdb: {  	s12 =	sadd.s32 @!p1 $0x100, s10;
	s14 =	simm.s32 @!p1 $0x6200  }
0xdc: {  	[tilespmem:s14], [sflag:$0x1] =	stream.indirect.gather @!p1 [hbm4b:s6+s13], $0x20, s12, s13, $0xb8;
	[tilespmem:$0xF100] =	vst v63  }
0xdd: {  	_ =	swait.ge [sflag:s28], $0x800  }
0xde: {  	[sflag:s28] =	ssyncset.done $0x0  }
0xdf: {  	[sflag:s28] =	ssyncadd.s32 $0xFFFFF800  }
0xe0: {  	_ =	swait.ge [sflag:s28], $0x1000  }
0xe1: {  	[sflag:s28] =	ssyncset.done $0x0  }
0xe2: {  	s12 =	simm.s32 @!p0 $0x2;
	[sflag:s28] =	ssyncadd.s32 $0xFFFFF000  }
0xe3: {  	_ =	swait.ge @!p0 [sflag:s12], $0x800  }
0xe4: {  	[sflag:s12] =	ssyncset.done @!p0 $0x0  }
0xe5: {  	[sflag:s12] =	ssyncadd.s32 @!p0 $0xFFFFF800  }
0xe6: {  	_ =	swait.ge @!p0 [sflag:s12], $0x800  }
0xe7: {  	[sflag:s12] =	ssyncset.done @!p0 $0x0  }
0xe8: {  	s13 =	simm.s32 $0x72F0;
	[sflag:s12] =	ssyncadd.s32 @!p0 $0xFFFFF800  }
0xe9: {  	s16 =	simm.s32 $0x5A70;
	v1 =	vld [tilespmem:s13+$0x0]  }
0xea: {  	v2 =	vld [tilespmem:s16+$0x0];
	_ =	sdelay $0x2  }
0xeb: {  	v3 =	vld [tilespmem:s16+$0xFFFFFF90]  }
0xec: {  	v4 =	vld [tilespmem:s13+$0xFFFFFF40]  }
0xed: {  	v5 =	vld [tilespmem:s13+$0xFFFFFF60];
	v1 =	vadd.f32 v2, v1  }
0xee: {  	v7 =	vld [tilespmem:s16+$0xFFFFFFB0]  }
0xef: {  	v2 =	vld [tilespmem:s16+$0xFFFFFFA0];
	v6 =	vmul.f32 $2.000000030e-01, v1  }
0xf0: {  	v8 =	vld [tilespmem:s13+$0xFFFFFF80]  }
0xf1: {  	v1 =	vmax.f32 v1, v6;
	v6 =	vld [tilespmem:s16+$0xFFFFFFC0]  }
0xf2: {  	v9 =	vld [tilespmem:s13+$0xFFFFFFA0]  }
0xf3: {  	v10 =	vld [tilespmem:s16+$0xFFFFFFD0];
	v1 =	vmul.f32 $1.442695020e+00, v1  }
0xf4: {  	v5 =	vadd.f32 v7, v5;
	v2 =	vadd.f32 v2, v4;
	v4 =	vld [tilespmem:s16+$0xFFFFFFE0]  }
0xf5: {  	(erf) = vpow2.f32 v1;
	v1 =	vld [tilespmem:s13+$0xFFFFFFC0]  }
0xf6: {  	v7 =	vld [tilespmem:s13+$0xFFFFFFE0];
	v12 =	vmul.f32 $2.000000030e-01, v5;
	v6 =	vadd.f32 v6, v8  }
0xf7: {  	v11 =	vmul.f32 $2.000000030e-01, v2;
	v8 =	vld [tilespmem:s16+$0xFFFFFFF0]  }
0xf8: {  	v13 =	vld [tilespmem:s13+$0xFFFFFF20];
	v9 =	vadd.f32 v10, v9;
	v5 =	vmax.f32 v5, v12;
	v10 =	vmul.f32 $2.000000030e-01, v6  }
0xf9: {  	v5 =	vmul.f32 $1.442695020e+00, v5;
	v2 =	vmax.f32 v2, v11  }
0xfa: {  	s12 =	simm.s32 $0x73F0;
	v11 =	vmul.f32 $2.000000030e-01, v9;
	v1 =	vadd.f32 v4, v1;
	v6 =	vmax.f32 v6, v10  }
0xfb: {  	s25 =	simm.s32 $0x5AF0;
	v15 =	vld [tilespmem:s12+$0xFFFFFFA0];
	v2 =	vmul.f32 $1.442695020e+00, v2;
	v4 =	vmul.f32 $1.442695020e+00, v6  }
0xfc: {  	v16 =	vld [tilespmem:s25+$0xFFFFFFD0];
	v6 =	vmax.f32 v9, v11;
	v7 =	vadd.f32 v8, v7;
	v9 =	vmul.f32 $2.000000030e-01, v1  }
0xfd: {  	v3 =	vadd.f32 v3, v13;
	(erf) = vpow2.f32 v2;
	v10 =	vld [tilespmem:s12+$0x0]  }
0xfe: {  	(erf) = vpow2.f32 v5;
	v2 =	vmul.f32 $2.000000030e-01, v7;
	v1 =	vmax.f32 v1, v9;
	v9 =	vld [tilespmem:s25+$0x0]  }
0xff: {  	v13 =	vld [tilespmem:s25+$0xFFFFFFB0];
	v5 =	vmul.f32 $2.000000030e-01, v3;
	v6 =	vmul.f32 $1.442695020e+00, v6  }
0x100: {  	(erf) = vpow2.f32 v4;
	v4 =	vld [tilespmem:s12+$0xFFFFFF40];
	v1 =	vmul.f32 $1.442695020e+00, v1;
	v2 =	vmax.f32 v7, v2  }
0x101: {  	v3 =	vmax.f32 v3, v5;
	(erf) = vpow2.f32 v6;
	v6 =	vld [tilespmem:s25+$0xFFFFFFA0];
	v2 =	vmul.f32 $1.442695020e+00, v2  }
0x102: {  	v7 =	vld [tilespmem:s12+$0xFFFFFF60];
	(erf) = vpow2.f32 v1;
	v1 =	vmul.f32 $1.442695020e+00, v3  }
0x103: {  	(erf) = vpow2.f32 v2;
	v2 =	vadd.f32 v9, v10;
	v9 =	vld [tilespmem:s12+$0xFFFFFF80]  }
0x104: {  	v8 =	vpop (erf);
	v10 =	vld [tilespmem:s25+$0xFFFFFFC0];
	(erf) = vpow2.f32 v1  }
0x105: {  	s17 =	simm.s32 $0x8A70;
	v18 =	vld [tilespmem:s12+$0xFFFFFFC0];
	v14 =	vmul.f32 $2.000000030e-01, v2  }
0x106: {  	v19 =	vld [tilespmem:s25+$0xFFFFFFE0];
	[tilespmem:s17+$0x0] =	vst v8  }
0x107: {  	v11 =	vld [tilespmem:s13+$0xFFFFFFF0];
	v3 =	vpop (erf);
	v17 =	vadd.f32 v6, v4;
	v4 =	vmax.f32 v2, v14  }
0x108: {  	v21 =	vld [tilespmem:s25+$0xFFFFFFF0];
	v5 =	vpop (erf);
	v13 =	vadd.f32 v13, v7;
	v7 =	vmul.f32 $1.442695020e+00, v4  }
0x109: {  	v12 =	vld [tilespmem:s25+$0xFFFFFF90];
	v1 =	vpop (erf);
	v14 =	vmul.f32 $2.000000030e-01, v17;
	v9 =	vadd.f32 v10, v9  }
0x10a: {  	v20 =	vmul.f32 $2.000000030e-01, v13;
	v2 =	vpop (erf);
	v10 =	vld [tilespmem:s12+$0xFFFFFFE0];
	(erf) = vpow2.f32 v7  }
0x10b: {  	v15 =	vadd.f32 v16, v15;
	v14 =	vmax.f32 v17, v14;
	v17 =	vld [tilespmem:s12+$0xFFFFFF20];
	v4 =	vpop (erf);
	v16 =	vmul.f32 $2.000000030e-01, v9  }
0x10c: {  	v22 =	vmul.f32 v8, v11;
	[tilespmem:s17+$0xFFFFFFB0] =	vst v5;
	v8 =	vmax.f32 v13, v20;
	v20 =	vmul.f32 $1.442695020e+00, v14;
	v6 =	vpop (erf)  }
0x10d: {  	v19 =	vadd.f32 v19, v18;
	[tilespmem:s17+$0xFFFFFFA0] =	vst v3;
	v11 =	vld [tilespmem:s13+$0xFFFFFF50];
	v9 =	vmax.f32 v9, v16;
	v16 =	vmul.f32 $2.000000030e-01, v15;
	v7 =	vpop (erf)  }
0x10e: {  	v13 =	vld [tilespmem:s13+$0xFFFFFF30];
	v23 =	vmul.f32 $1.442695020e+00, v8;
	(erf) = vpow2.f32 v20;
	[tilespmem:s17+$0xFFFFFF90] =	vst v7  }
0x10f: {  	[tilespmem:s17+$0xFFFFFFC0] =	vst v1;
	v24 =	vmul.f32 $1.442695020e+00, v9;
	v9 =	vmax.f32 v15, v16;
	v15 =	vmul.f32 $2.000000030e-01, v19;
	v14 =	vld [tilespmem:s13+$0xFFFFFF10]  }
0x110: {  	v8 =	vld [tilespmem:s13+$0xFFFFFF70];
	[tilespmem:s17+$0xFFFFFFE0] =	vst v4;
	(erf) = vpow2.f32 v23;
	v16 =	vadd.f32 v21, v10;
	v17 =	vadd.f32 v12, v17  }
0x111: {  	[tilespmem:s17+$0xFFFFFFD0] =	vst v2;
	v10 =	vld [tilespmem:s13+$0xFFFFFFB0];
	v18 =	vmul.f32 $1.442695020e+00, v9;
	(erf) = vpow2.f32 v24  }
0x112: {  	s15 =	simm.s32 $0x9A70;
	s14 =	simm.s32 $0x8AF0;
	[tilespmem:s17+$0xFFFFFFF0] =	vst v6;
	v9 =	vld [tilespmem:s13+$0xFFFFFF90];
	v12 =	vmax.f32 v19, v15;
	v20 =	vmul.f32 $2.000000030e-01, v16;
	v21 =	vmul.f32 $2.000000030e-01, v17  }
0x113: {  	s16 =	simm.s32 $0x8;
	[tilespmem:s15+$0x0] =	vst v22;
	s17 =	simm.s32 $0x74F0;
	v19 =	vmul.f32 $1.442695020e+00, v12;
	v12 =	vld [tilespmem:s13+$0xFFFFFFD0];
	s13 =	simm.s32 $0x9A70;
	v15 =	vpop (erf)  }
.LBB2_7:
0x114: {  	v22 =	vld [tilespmem:s17+$0x0];
	v16 =	vmax.f32 v16, v20;
	[tilespmem:s14+$0x0] =	vst v15;
	(erf) = vpow2.f32 v18;
	v7 =	vmul.f32 v7, v14  }
0x115: {  	s25 =	sadd.s32 $0x80, s25;
	v14 =	vmax.f32 v17, v21;
	v16 =	vmul.f32 $1.442695020e+00, v16;
	v17 =	vld [tilespmem:s12+$0xFFFFFFF0];
	(erf) = vpow2.f32 v19  }
0x116: {  	s16 =	sadd.s32 $0x8, s16;
	v18 =	vld [tilespmem:s25+$0x0];
	v14 =	vmul.f32 $1.442695020e+00, v14;
	[tilespmem:s15+$0xFFFFFF90] =	vst v7;
	v7 =	vmul.f32 v3, v13  }
0x117: {  	v11 =	vmul.f32 v5, v11;
	p0 =	slt.u32 s16, $0x78;
	v19 =	vld [tilespmem:s25+$0xFFFFFF90];
	(erf) = vpow2.f32 v16  }
0x118: {  	v13 =	vld [tilespmem:s17+$0xFFFFFF40];
	(erf) = vpow2.f32 v14;
	v3 =	vpop (erf);
	[tilespmem:s15+$0xFFFFFFA0] =	vst v7;
	v7 =	vmul.f32 v1, v8  }
0x119: {  	v9 =	vmul.f32 v2, v9;
	v10 =	vmul.f32 v4, v10;
	v8 =	vld [tilespmem:s25+$0xFFFFFFA0];
	[tilespmem:s14+$0xFFFFFFA0] =	vst v3  }
0x11a: {  	v14 =	vld [tilespmem:s17+$0xFFFFFF60];
	v4 =	vmul.f32 v15, v17;
	v5 =	vpop (erf);
	[tilespmem:s15+$0xFFFFFFB0] =	vst v11;
	v11 =	vmul.f32 v6, v12  }
0x11b: {  	s15 =	sadd.s32 $0x80, s15;
	v6 =	vld [tilespmem:s25+$0xFFFFFFB0];
	v12 =	vadd.f32 v18, v22;
	[tilespmem:s14+$0xFFFFFFB0] =	vst v5;
	v1 =	vpop (erf)  }
0x11c: {  	v15 =	vld [tilespmem:s17+$0xFFFFFF80];
	[tilespmem:s15+$0x0] =	vst v4  }
0x11d: {  	v16 =	vld [tilespmem:s25+$0xFFFFFFC0];
	v17 =	vmul.f32 $2.000000030e-01, v12;
	[tilespmem:s14+$0xFFFFFFC0] =	vst v1;
	v2 =	vpop (erf)  }
0x11e: {  	v8 =	vadd.f32 v8, v13;
	v13 =	vld [tilespmem:s17+$0xFFFFFFA0];
	[tilespmem:s14+$0xFFFFFFD0] =	vst v2;
	v4 =	vpop (erf)  }
0x11f: {  	v18 =	vld [tilespmem:s25+$0xFFFFFFD0];
	v12 =	vmax.f32 v12, v17;
	[tilespmem:s14+$0xFFFFFFE0] =	vst v4  }
0x120: {  	v17 =	vmul.f32 $2.000000030e-01, v8;
	v14 =	vadd.f32 v6, v14;
	v20 =	vld [tilespmem:s17+$0xFFFFFFC0];
	v12 =	vmul.f32 $1.442695020e+00, v12;
	v6 =	vpop (erf);
	[tilespmem:s13+$0xFFFFFFC0] =	vst v7  }
0x121: {  	v21 =	vld [tilespmem:s25+$0xFFFFFFE0];
	[tilespmem:s14+$0xFFFFFFF0] =	vst v6;
	v7 =	vpop (erf)  }
0x122: {  	v22 =	vmul.f32 $2.000000030e-01, v14;
	v15 =	vadd.f32 v16, v15;
	v16 =	vld [tilespmem:s17+$0xFFFFFFE0];
	(erf) = vpow2.f32 v12;
	[tilespmem:s14+$0xFFFFFF90] =	vst v7  }
0x123: {  	v8 =	vmax.f32 v8, v17;
	v12 =	vld [tilespmem:s25+$0xFFFFFFF0];
	[tilespmem:s13+$0xFFFFFFD0] =	vst v9  }
0x124: {  	v9 =	vld [tilespmem:s17+$0xFFFFFF20];
	v14 =	vmax.f32 v14, v22;
	v17 =	vmul.f32 $2.000000030e-01, v15;
	v18 =	vadd.f32 v18, v13;
	[tilespmem:s13+$0xFFFFFFE0] =	vst v10  }
0x125: {  	v8 =	vmul.f32 $1.442695020e+00, v8;
	v10 =	vmul.f32 $1.442695020e+00, v14;
	v14 =	vld [tilespmem:s12+$0xFFFFFF10];
	[tilespmem:s13+$0xFFFFFFF0] =	vst v11;
	s13 =	smov.u32 s15  }
0x126: {  	v11 =	vmax.f32 v15, v17;
	v15 =	vmul.f32 $2.000000030e-01, v18;
	v20 =	vadd.f32 v21, v20;
	v13 =	vld [tilespmem:s12+$0xFFFFFF30]  }
.Ltmp4:
0x127: {  	v21 =	vmul.f32 $1.442695020e+00, v11;
	(erf) = vpow2.f32 v8;
	v11 =	vld [tilespmem:s12+$0xFFFFFF50];
	(pc) =	sbr.rel @p0 .LBB2_7-.Ltmp4, $4  }
0x128: {  	v15 =	vmax.f32 v18, v15;
	v22 =	vmul.f32 $2.000000030e-01, v20;
	v16 =	vadd.f32 v12, v16;
	v8 =	vld [tilespmem:s12+$0xFFFFFF70]  }
0x129: {  	v17 =	vadd.f32 v19, v9;
	v18 =	vmul.f32 $1.442695020e+00, v15;
	(erf) = vpow2.f32 v10;
	v9 =	vld [tilespmem:s12+$0xFFFFFF90]  }
0x12a: {  	v12 =	vmax.f32 v20, v22;
	v20 =	vmul.f32 $2.000000030e-01, v16;
	(erf) = vpow2.f32 v21;
	v10 =	vld [tilespmem:s12+$0xFFFFFFB0]  }
0x12b: {  	s14 =	sadd.s32 $0x80, s14;
	v21 =	vmul.f32 $2.000000030e-01, v17;
	v19 =	vmul.f32 $1.442695020e+00, v12;
	v15 =	vpop (erf);
	v12 =	vld [tilespmem:s12+$0xFFFFFFD0];
	s12 =	smov.u32 s17;
	s17 =	sadd.s32 $0x100, s17  }
0x12c: {  	(erf) = vpow2.f32 v18;
	v7 =	vmul.f32 v7, v14  }
0x12d: {  	v16 =	vmax.f32 v16, v20;
	[tilespmem:s14+$0x0] =	vst v15;
	v3 =	vmul.f32 v3, v13;
	v5 =	vmul.f32 v5, v11  }
0x12e: {  	v17 =	vmax.f32 v17, v21;
	v16 =	vmul.f32 $1.442695020e+00, v16;
	(erf) = vpow2.f32 v19;
	[tilespmem:s15+$0xFFFFFF90] =	vst v7  }
0x12f: {  	v1 =	vmul.f32 v1, v8;
	v17 =	vmul.f32 $1.442695020e+00, v17;
	[tilespmem:s15+$0xFFFFFFA0] =	vst v3  }
0x130: {  	[tilespmem:s15+$0xFFFFFFB0] =	vst v5;
	v2 =	vmul.f32 v2, v9;
	(erf) = vpow2.f32 v16  }
0x131: {  	[tilespmem:s13+$0xFFFFFFC0] =	vst v1;
	(erf) = vpow2.f32 v17  }
0x132: {  	v4 =	vmul.f32 v4, v10;
	v52 =	vpop (erf);
	[tilespmem:s13+$0xFFFFFFD0] =	vst v2  }
0x133: {  	v6 =	vmul.f32 v6, v12;
	[tilespmem:s14+$0xFFFFFFA0] =	vst v52  }
0x134: {  	[tilespmem:s13+$0xFFFFFFE0] =	vst v4  }
0x135: {  	v51 =	vld [tilespmem:s12+$0xFFFFFFF0];
	v3 =	vpop (erf);
	[tilespmem:s13+$0xFFFFFFF0] =	vst v6  }
0x136: {  	v60 =	vld [tilespmem:s12+$0xFFFFFF30];
	v53 =	vpop (erf);
	[tilespmem:s14+$0xFFFFFFB0] =	vst v3  }
0x137: {  	[tilespmem:s14+$0xFFFFFFC0] =	vst v53;
	v1 =	vld [tilespmem:s12+$0xFFFFFF50];
	v55 =	vpop (erf)  }
0x138: {  	v61 =	vld [tilespmem:s12+$0xFFFFFF70];
	v56 =	vpop (erf);
	[tilespmem:s14+$0xFFFFFFD0] =	vst v55  }
0x139: {  	[tilespmem:s14+$0xFFFFFFE0] =	vst v56;
	v2 =	vld [tilespmem:s12+$0xFFFFFF90];
	v57 =	vpop (erf)  }
0x13a: {  	v54 =	vmul.f32 v15, v51;
	v62 =	vld [tilespmem:s12+$0xFFFFFFB0];
	v58 =	vpop (erf);
	[tilespmem:s14+$0xFFFFFFF0] =	vst v57  }
0x13b: {  	s25 =	sadd.s32 $0x80, s15;
	v7 =	vmul.f32 v52, v60;
	[tilespmem:s14+$0xFFFFFF90] =	vst v58;
	v63 =	vld [tilespmem:s12+$0xFFFFFFD0]  }
0x13c: {  	[tilespmem:s25+$0x0] =	vst v54;
	v1 =	vmul.f32 v3, v1;
	v59 =	vld [tilespmem:s12+$0xFFFFFF10]  }
0x13d: {  	[tilespmem:s25+$0xFFFFFFA0] =	vst v7;
	v3 =	vmul.f32 v53, v61  }
0x13e: {  	[tilespmem:s25+$0xFFFFFFB0] =	vst v1;
	v2 =	vmul.f32 v55, v2  }
0x13f: {  	[tilespmem:s25+$0xFFFFFFC0] =	vst v3;
	v1 =	vmul.f32 v56, v62  }
0x140: {  	[tilespmem:s25+$0xFFFFFFD0] =	vst v2;
	v3 =	vmul.f32 v57, v63  }
0x141: {  	[tilespmem:s25+$0xFFFFFFE0] =	vst v1;
	v8 =	vmul.f32 v58, v59  }
.Ltmp5:
0x142: {  	[tilespmem:s25+$0xFFFFFFF0] =	vst v3;
	(pc) =	sbr.rel @p1 .LBB2_10-.Ltmp5, $4  }
0x143: {  	s11 =	sadd.s32 $0x2980, s11;
	[tilespmem:s25+$0xFFFFFF90] =	vst v8  }
0x144: {  	[spmem:s4] =	stream.indirect.scatter.add.f32 [tilespmem:s29], [sflag:$0x2], $0x10, s11, s26, $0xb8;
	[tilespmem:$0xF100] =	vst v63  }
0x145: {  	_ = 	snop  }
0x146: {  	[spmem:s3] =	stream.indirect.scatter.add.f32 [tilespmem:s30], [sflag:$0x2], $0x10, s11, s26, $0xb8;
	[tilespmem:$0xF100] =	vst v63  }
.Ltmp6:
0x147: {  	(pc) =	sbr.rel .LBB2_4-.Ltmp6, $4  }
0x148: {  	s11 =	sadd.s32 $0x2A80, s10  }
0x149: {  	[tilespmem:s31], [sflag:$0x1] =	stream.indirect.gather [hbm4b:s1+s26], $0x10, s11, s26, $0xb8;
	[tilespmem:$0xF100] =	vst v63  }
0x14a: {  	s25 =	sadd.s32 $0x180, s10;
	s9 =	sadd.s32 $0x1, s9  }
0x14b: {  	[tilespmem:s0], [sflag:$0x1] =	stream.indirect.gather [hbm4b:s6+s26], $0x20, s25, s26, $0xb8;
	[tilespmem:$0xF100] =	vst v63  }
.LBB2_11:
0x14c: {  	_ =	sfence.sel $0x180000  }
0x14d: {  	[bflag:$0x0] =	sbarrier.arrive $0xFFFF  }
0x14e: {  	_ =	strace $0x9000004A  }
0x14f: {  	s0 =	stileid.u32;
	[bflag:$0x2] =	sbarrier.arrive $0xFFFF  }
0x150: {  	p0 =	sne.s32 s0, $0x0;
	s0 =	rddreg [dreg:$0x4]  }
0x151: {  	s0 =	sadd.s32 @!p0 $0x100000, s0  }
0x152: {  	[sflag:s0] =	ssyncadd.tile.s32 @!p0 $0x1;
	_ =	shalt  }
.Lfunc_end2:
_tile_overlayer_lowered:
.L_overlay_start_2:
0x153: {  	(tag) =	ssettag $0x2  }
0x154: {  	s0 =	rddreg [dreg:$0x0];
	s2 =	stileid.u32  }
0x155: {  	s1 =	rddreg [dreg:$0x1];
	p0 =	sne.s32 s2, $0x0  }
0x156: {  	s3 =	rddreg [dreg:$0x2];
	[bflag:$0x3] =	sbarrier.arrive $0xFFFF;
	s2 =	simm.s32 @!p0 $0x1C03  }
0x157: {  	[timem:s3], [sflag:s2] =	dma.local @!p0 [hbm:s0], s1  }
0x158: {  	s0 =	simm.s32 @!p0 $0x3  }
0x159: {  	_ =	swait.ge @!p0 [sflag:s0], s1  }
0x15a: {  	s1 =	ssub.s32 @!p0 $0x0, s1;
	[sflag:s0] =	ssyncset.done @!p0 $0x0  }
0x15b: {  	[sflag:s0] =	ssyncadd.s32 @!p0 s1  }
0x15c: {  	[bflag:$0x3] =	sbarrier.arrive $0xFFFF  }
0x15d: {  	_ =	shalt  }

// kernel: kernel.7.cloned.1.call-start
scs
__scs_entry_jumppad:
0x0: {  	(pc) =	sbr.rel $0x88, $3  }
0x1: {  	(tag) =	ssettag $0x0;
	lr =	simm.s32 $0x1  }
0x2: {  	[smem:$0x3F97] =	sst lr;
	_ =	strace $0xD0000000  }
0x3: {  	_ = 	snop  }
0x4: {  	_ = 	snop  }
0x5: {  	_ = 	snop  }
0x6: {  	_ = 	snop  }
0x7: {  	_ = 	snop  }
__scs_overlays_trampoline_lowered:
0x8: {  	[smem:$0x3FA6] =	sst s0  }
0x9: {  	[smem:$0x3FA7] =	sst s1  }
0xa: {  	[smem:$0x3FA8] =	sst s2  }
0xb: {  	[smem:$0x3FA9] =	sst s3  }
0xc: {  	[smem:$0x3FAA] =	sst s4  }
0xd: {  	[smem:$0x3FAB] =	sst s5  }
0xe: {  	[smem:$0x3FAC] =	sst s6  }
0xf: {  	[smem:$0x3FAD] =	sst s7  }
0x10: {  	[smem:$0x3FAE] =	sst s8  }
0x11: {  	[smem:$0x3FAF] =	sst s9;
	s0 =	simm.s32 @!p0 $0x0  }
0x12: {  	s1 =	sld [smem:$0x3F95];
	s0 =	simm.s32 @p0 $0x1  }
0x13: {  	[smem:$0x3FB0] =	sst s0;
	s0 =	simm.s32 @!p1 $0x0  }
0x14: {  	s2 =	sld [smem:$0x3F94];
	s0 =	simm.s32 @p1 $0x1  }
0x15: {  	[smem:$0x3FB1] =	sst s0;
	s0 =	simm.s32 @!p2 $0x0  }
0x16: {  	s3 =	sld [smem:$0x3FDB];
	s0 =	simm.s32 @p2 $0x1  }
0x17: {  	s4 =	simm.s32 $0x1BF5;
	[smem:$0x3FB3] =	sst s0  }
0x18: {  	s0 =	sld [smem:$0x3F96];
	_ =	swait.ge [sflag:s4], $0x0  }
0x19: {  	s7 =	sld [smem:$0x3F97]  }
0x1a: {  	s8 =	sadd.s32 $0xFFFFE003, lr  }
0x1b: {  	s9 =	sadd.s32 $0xFFFFFEF7, lr;
	s5 =	simm.s32 $0xFFFFFFFF;
	p2 =	slt.u32 s8, $0xFFFFF086  }
0x1c: {  	p1 =	slt.u32 s9, $0xF7A;
	s5 =	simm.s32 @!p2 $0x0  }
0x1d: {  	s5 =	simm.s32 @p1 $0x1;
	p0 =	seq.s32 s7, s2  }
0x1e: {  	s7 =	smul.u32 @!p0 $0xF7A, s2;
	p2 =	seq.s32 @!p0 s5, $0x0  }
0x1f: {  	s9 =	smul.u32 $0xF7A, s1;
	s8 =	simm.s32 @!p0 $0x1BF5;
	p2 =	por !p2, p0  }
0x20: {  	[sflag:s8] =	ssyncset.s32 @!p0 $0xFFFFF086;
	s6 =	sadd.s32 @!p0 s3, s7;
	s7 =	simm.s32 @!p0 $0x108  }
0x21: {  	s3 =	sadd.s32 s3, s9;
	s6 =	sadd.s32 @!p0 $0x88, s6;
	s7 =	simm.s32 @p2 $0x1082  }
0x22: {  	[simem:s7], [sflag:s8] =	dma.local @!p0 [hbm:s6], $0xF7A  }
0x23: {  	s9 =	sor.u32 $0xD0000000, s2;
	s6 =	simm.s32 $0x108;
	_ =	swait.ge @!p0 [sflag:s8], $0x0  }
0x24: {  	s3 =	sadd.s32 $0x88, s3;
	s6 =	simm.s32 @!p1 $0x1082;
	[sflag:s4] =	ssyncset.s32 $0xFFFFF086  }
0x25: {  	[simem:s6], [sflag:s4] =	dma.local [hbm:s3], $0xF7A  }
0x26: {  	[smem:$0x3F97] =	sst s1;
	(tag) =	ssettag s2;
	_ =	strace s9  }
0x27: {  	s1 =	sld [smem:$0x3FA7]  }
0x28: {  	s2 =	sld [smem:$0x3FA8]  }
0x29: {  	s4 =	sld [smem:$0x3FAA]  }
0x2a: {  	p0 =	seq.s32 s5, $0x0;
	s5 =	sld [smem:$0x3FAB]  }
0x2b: {  	s6 =	sld [smem:$0x3FAC]  }
0x2c: {  	s7 =	sld [smem:$0x3FAD]  }
0x2d: {  	s3 =	simm.s32 $0x108;
	s8 =	sld [smem:$0x3FAE]  }
0x2e: {  	s3 =	simm.s32 @!p0 $0x1082;
	s9 =	sld [smem:$0x3FAF]  }
0x2f: {  	lr =	sadd.s32 s0, s3;
	s0 =	sld [smem:$0x3FA6]  }
0x30: {  	s3 =	sld [smem:$0x3FA9]  }
0x31: {  	[smem:$0x3FB2] =	sst s10  }
0x32: {  	s10 =	sld [smem:$0x3FB0];
	_ =	sdelay $0x3  }
0x33: {  	p0 =	seq.s32 s10, $0x1;
	s10 =	sld [smem:$0x3FB2];
	_ =	sdelay $0x3  }
0x34: {  	[smem:$0x3FB2] =	sst s10  }
0x35: {  	s10 =	sld [smem:$0x3FB1];
	_ =	sdelay $0x3  }
0x36: {  	p1 =	seq.s32 s10, $0x1;
	s10 =	sld [smem:$0x3FB2];
	_ =	sdelay $0x3  }
0x37: {  	[smem:$0x3FB2] =	sst s10  }
0x38: {  	s10 =	sld [smem:$0x3FB3]  }
0x39: {  	_ = 	snop;
	(pc) =	sbr.ind lr, $3  }
0x3a: {  	_ = 	snop  }
0x3b: {  	_ = 	snop  }
0x3c: {  	p2 =	seq.s32 s10, $0x1;
	s10 =	sld [smem:$0x3FB2]  }
0x3d: {  	_ =	shalt  }
0x3e: {  	_ =	shalt  }
0x3f: {  	_ =	shalt  }
0x40: {  	_ =	shalt  }
0x41: {  	_ =	shalt  }
0x42: {  	_ =	shalt  }
0x43: {  	_ =	shalt  }
0x44: {  	_ =	shalt  }
0x45: {  	_ =	shalt  }
0x46: {  	_ =	shalt  }
0x47: {  	_ =	shalt  }
0x48: {  	_ =	shalt  }
0x49: {  	_ =	shalt  }
0x4a: {  	_ =	shalt  }
0x4b: {  	_ =	shalt  }
0x4c: {  	_ =	shalt  }
0x4d: {  	_ =	shalt  }
0x4e: {  	_ =	shalt  }
0x4f: {  	_ =	shalt  }
0x50: {  	_ =	shalt  }
0x51: {  	_ =	shalt  }
0x52: {  	_ =	shalt  }
0x53: {  	_ =	shalt  }
0x54: {  	_ =	shalt  }
0x55: {  	_ =	shalt  }
0x56: {  	_ =	shalt  }
0x57: {  	_ =	shalt  }
0x58: {  	_ =	shalt  }
0x59: {  	_ =	shalt  }
0x5a: {  	_ =	shalt  }
0x5b: {  	_ =	shalt  }
0x5c: {  	_ =	shalt  }
0x5d: {  	_ =	shalt  }
0x5e: {  	_ =	shalt  }
0x5f: {  	_ =	shalt  }
0x60: {  	_ =	shalt  }
0x61: {  	_ =	shalt  }
0x62: {  	_ =	shalt  }
0x63: {  	_ =	shalt  }
0x64: {  	_ =	shalt  }
0x65: {  	_ =	shalt  }
0x66: {  	_ =	shalt  }
0x67: {  	_ =	shalt  }
0x68: {  	_ =	shalt  }
0x69: {  	_ =	shalt  }
0x6a: {  	_ =	shalt  }
0x6b: {  	_ =	shalt  }
0x6c: {  	_ =	shalt  }
0x6d: {  	_ =	shalt  }
0x6e: {  	_ =	shalt  }
0x6f: {  	_ =	shalt  }
0x70: {  	_ =	shalt  }
0x71: {  	_ =	shalt  }
0x72: {  	_ =	shalt  }
0x73: {  	_ =	shalt  }
0x74: {  	_ =	shalt  }
0x75: {  	_ =	shalt  }
0x76: {  	_ =	shalt  }
0x77: {  	_ =	shalt  }
0x78: {  	_ =	shalt  }
0x79: {  	_ =	shalt  }
0x7a: {  	_ =	shalt  }
0x7b: {  	_ =	shalt  }
0x7c: {  	_ =	shalt  }
0x7d: {  	_ =	shalt  }
0x7e: {  	_ =	shalt  }
0x7f: {  	_ =	shalt  }
0x80: {  	_ =	shalt  }
0x81: {  	_ =	shalt  }
0x82: {  	_ =	shalt  }
0x83: {  	_ =	shalt  }
0x84: {  	_ =	shalt  }
0x85: {  	_ =	shalt  }
0x86: {  	_ =	shalt  }
0x87: {  	_ =	shalt  }
.Lfunc_end0:
.L_simem_size_0:
called_computation_lowered:
.L_overlay_start_0:
0x88: {  	s2 =	sld [smem:$0x3FD9]  }
0x89: {  	s3 =	sld [smem:$0x3FFE];
	_ =	sdelay $0x1  }
0x8a: {  	s1 =	srdreg.scid  }
0x8b: {  	s0 =	sand.u32 $0x1, s1  }
0x8c: {  	s17 =	sshll.u32 s0, $0xA;
	s2 =	sadd.s32 s3, s2  }
0x8d: {  	s2 =	sadd.s32 s2, s17  }
0x8e: {  	[smem:$0x3FBE] =	sst s2  }
0x8f: {  	_ = 	snop  }
0x90: {  	s2 =	sld [smem:$0x3FD0];
	(tm) =	ssettm $0x1  }
0x91: {  	s18 =	sld [smem:$0x3FFB];
	_ =	sdelay $0x3  }
0x92: {  	_ =	strace s18  }
0x93: {  	s3 =	sld [smem:$0x3FFC];
	_ =	sdelay $0x3  }
0x94: {  	_ =	strace s3  }
0x95: {  	s3 =	sld [smem:$0x3FFD];
	_ =	sdelay $0x3  }
0x96: {  	_ =	strace s3  }
0x97: {  	_ =	strace $0x8FFFFFFF  }
0x98: {  	s19 =	sld [smem:$0x3FDB];
	_ =	sdelay $0x1  }
0x99: {  	s4 =	simm.s32 $_scs_section_size  }
0x9a: {  	s5 =	simm.s32 $_size__tile_overlayer_lowered;
	s6 =	simm.s32 $_tile_overlayer_lowered  }
0x9b: {  	s22 =	simm.s32 $0x1BFF;
	s21 =	sshll.u32 s6, $0x1;
	s3 =	sadd.s32 s4, s19  }
0x9c: {  	s7 =	simm.s32 $0x0;
	s20 =	sshll.u32 s5, $0x1;
	s5 =	sadd.s32 s21, s3  }
0x9d: {  	[timem:s7], [sflag:s22] =	dma.local [hbm:s5], s20  }
0x9e: {  	_ =	swait.ge [sflag:s22], s20  }
0x9f: {  	s4 =	ssub.s32 $0x0, s20;
	[sflag:s22] =	ssyncset.done $0x0  }
0xa0: {  	[sflag:s22] =	ssyncadd.s32 s4;
	_ =	sdelay $0x1  }
0xa1: {  	s23 =	simm.s32 $0x1B8B  }
0xa2: {  	_ =	swait.ge [sflag:s23], $0x1  }
0xa3: {  	[sflag:s23] =	ssyncset.done $0x0  }
0xa4: {  	s25 =	simm.s32 $0x1B8E;
	s24 =	sld [smem:$0x3FFE];
	[sflag:s23] =	ssyncadd.s32 $0xFFFFFFFF  }
0xa5: {  	s26 =	simm.s32 $execute0_lowered;
	[smem:$0x3FD2] =	sst s25  }
0xa6: {  	s5 =	sshll.u32 s26, $0x1;
	_ =	strace $0x80000046;
	[dreg:$0x1] =	wrdreg $0xFFFFFFFF  }
0xa7: {  	s28 =	simm.s32 $_size_execute0_lowered;
	s3 =	sadd.s32 s3, s5;
	[dreg:$0x0] =	wrdreg $0x0  }
0xa8: {  	s5 =	sshll.u32 s28, $0x1;
	[dreg:$0x2] =	wrdreg s3  }
0xa9: {  	[dreg:$0x3] =	wrdreg s5  }
0xaa: {  	[dreg:$0x4] =	wrdreg $0xC0  }
0xab: {  	_ =	task [dreg:s7], $0x5FFFF  }
0xac: {  	[dreg:$0x1] =	wrdreg $0xFFFFFFFF  }
0xad: {  	[dreg:$0x0] =	wrdreg $0x60  }
0xae: {  	[dreg:$0x2] =	wrdreg s24  }
0xaf: {  	[dreg:$0x3] =	wrdreg s2  }
0xb0: {  	[dreg:$0x4] =	wrdreg $0x102000  }
0xb1: {  	[dreg:$0x5] =	wrdreg $0x1A0000  }
0xb2: {  	[dreg:$0x6] =	wrdreg $0x9  }
0xb3: {  	_ =	task.clear_ibuf [dreg:s7], $0x7FFFF;
	_ =	strace $0x90000046  }
0xb4: {  	s29 =	simm.s32 $0x9;
	_ =	strace $0x80000048  }
0xb5: {  	_ =	swait.ge [sflag:s29], $0x1  }
0xb6: {  	[sflag:s29] =	ssyncadd.s32 $0xFFFFFFFF  }
0xb7: {  	_ =	strace $0x90000048  }
0xb8: {  	_ =	sfence  }
0xb9: {  	s30 =	sld [smem:$0x0];
	_ =	sdelay $0x2  }
0xba: {  	s31 =	sshll.u32 s1, $0xD;
	s1 =	sshrl.u32 s1, $0x2  }
0xbb: {  	s3 =	sand.u32 $0x4000, s31;
	s1 =	sadd.s32 s1, s30  }
0xbc: {  	s0 =	sor.u32 s3, s0;
	s1 =	sshll.u32 s1, $0x11  }
0xbd: {  	s0 =	sor.u32 s1, s0  }
0xbe: {  	s0 =	sadd.s32 $0x8F2B, s0  }
0xbf: {  	[sflag:s0] =	ssyncadd.remote.s32 $0x1  }
0xc0: {  	_ =	sfence.sel $0xFFFF  }
0xc1: {  	[dreg:$0x0] =	wrdreg $0xFFFFFFFF;
	(pc) =	sbr.abs _section_cstart, $3  }
0xc2: {  	[dreg:$0x1] =	wrdreg $0xFFFFFFFF  }
0xc3: {  	_ =	task.clear_ibuf [dreg:s7], $0x2FFFF;
	_ =	strace $0x9FFFFFFF  }
0xc4: {  	(tm) =	ssettm $0x7FFFFFFF  }
0xc5: {  	_ =	shalt  }
tec
execute0_lowered:
.L_overlay_start_1:
0x0: {  	(tag) =	ssettag $0x1  }
0x1: {  	s0 =	rddreg [dreg:$0x0]  }
0x2: {  	s2 =	rddreg [dreg:$0x1]  }
0x3: {  	s3 =	rddreg [dreg:$0x2]  }
0x4: {  	s1 =	srdreg.scid;
	s4 =	rddreg [dreg:$0x3]  }
0x5: {  	s13 =	stileid.u32;
	s5 =	simm.s32 $0x0;
	s31 =	simm.s32 $0x5A00  }
0x6: {  	s28 =	simm.s32 $0x1;
	s29 =	simm.s32 $0xBA00;
	s9 =	smul.u32 $0x278, s13  }
0x7: {  	s30 =	simm.s32 $0xE200;
	s1 =	sand.u32 $0x1, s1;
	s26 =	smul.u32 $0x27800, s13  }
0x8: {  	[smem:$0x7FF] =	sst s5;
	s6 =	sshll.u32 s1, $0x4;
	s7 =	smul.u32 $0x2780, s1  }
0x9: {  	_ =	strace $0x80000047;
	s1 =	ssub.s32 $0x2, s1;
	s6 =	sor.u32 s13, s6  }
0xa: {  	s12 =	sshrl.u32 s1, $0x1;
	s13 =	smul.u32 $0x9E00, s13;
	s14 =	sshrl.u32 s26, $0x2  }
0xb: {  	s16 =	sadd.s32 $0x80, s9;
	s18 =	sadd.s32 $0x100, s9;
	s8 =	smul.u32 $0x520, s6  }
0xc: {  	s7 =	sadd.s32 s9, s7;
	s6 =	sadd.s32 $0x16E00, s0;
	s1 =	ssub.s32 s1, s12  }
0xd: {  	s17 =	sshll.u32 s16, $0x6;
	s12 =	sshll.u32 s16, $0x4;
	s19 =	sshll.u32 s18, $0x6  }
0xe: {  	s25 =	sshll.u32 s7, $0x3;
	s7 =	sshll.u32 s7, $0x1;
	s15 =	sshrl.u32 s13, $0x2  }
0xf: {  	s13 =	sadd.s32 s17, s3;
	s12 =	sadd.s32 s12, s4;
	s26 =	smax.u32 s1, $0x1  }
0x10: {  	s1 =	simm.s32 $0x2;
	s10 =	sadd.s32 s8, s0;
	s11 =	sadd.s32 s25, s0  }
0x11: {  	s0 =	sadd.s32 s7, s0;
	s7 =	sadd.s32 s14, s3;
	[dreg:$0x5] =	wrdreg s13  }
0x12: {  	s8 =	sadd.s32 s15, s4;
	[dreg:$0x6] =	wrdreg s12;
	s12 =	sshll.u32 s18, $0x4  }
0x13: {  	s14 =	sadd.s32 $0x180, s9;
	s13 =	sadd.s32 s19, s3;
	[dreg:$0x11] =	wrdreg s26  }
0x14: {  	s9 =	sadd.s32 $0x200, s9;
	[dreg:$0x7] =	wrdreg s13;
	s12 =	sadd.s32 s12, s4  }
0x15: {  	s26 =	simm.s32 $0x80;
	s23 =	sadd.s32 $0xCA00, s10;
	[dreg:$0x8] =	wrdreg s12  }
0x16: {  	s20 =	sshll.u32 s14, $0x6;
	s24 =	sadd.s32 $0x2600, s10;
	[dreg:$0xd] =	wrdreg s23  }
0x17: {  	s22 =	sshll.u32 s9, $0x6;
	s25 =	sadd.s32 $0x2FA00, s11;
	[dreg:$0xe] =	wrdreg s24  }
0x18: {  	s9 =	sshll.u32 s9, $0x4;
	s0 =	sadd.s32 $0x57200, s0;
	[dreg:$0xf] =	wrdreg s25  }
.Ltmp0:
0x19: {  	s12 =	sadd.s32 s20, s3;
	[dreg:$0x10] =	wrdreg s0;
	(pc) =	sbr.rel .LBB2_1-.Ltmp0, $4  }
0x1a: {  	s21 =	sshll.u32 s14, $0x4;
	s9 =	sadd.s32 s9, s4;
	[dreg:$0x9] =	wrdreg s12  }
0x1b: {  	v1 =	vlaneseq.u32;
	s23 =	simm.s32 $0x3;
	s12 =	sadd.s32 s21, s4;
	[dreg:$0xc] =	wrdreg s9  }
0x1c: {  	v0 =	vimm.f32 $0.0e+00;
	v1 =	vshrl.u32 v1, $0x3;
	s24 =	simm.s32 $0xB200;
	[dreg:$0xa] =	wrdreg s12;
	s12 =	sadd.s32 s22, s3  }
0x1d: {  	v2 =	vor.u32 $0x2, v1;
	v3 =	vor.u32 $0x4, v1;
	v4 =	vor.u32 $0x6, v1;
	s0 =	simm.s32 $0x8A00;
	s22 =	simm.s32 $0xC200;
	[dreg:$0xb] =	wrdreg s12  }
.LBB2_10:
0x1e: {  	_ =	swait.ge [sflag:s1], $0x800  }
0x1f: {  	[sflag:s1] =	ssyncset.done $0x0  }
0x20: {  	[sflag:s1] =	ssyncadd.s32 $0xFFFFF800  }
0x21: {  	_ =	swait.ge [sflag:s1], $0x2000  }
0x22: {  	[sflag:s1] =	ssyncset.done $0x0  }
0x23: {  	[sflag:s1] =	ssyncadd.s32 $0xFFFFE000  }
0x24: {  	_ =	swait.ge [sflag:s1], $0x800  }
0x25: {  	[sflag:s1] =	ssyncset.done $0x0  }
0x26: {  	[sflag:s1] =	ssyncadd.s32 $0xFFFFF800  }
0x27: {  	_ =	swait.ge [sflag:s1], $0x2000  }
0x28: {  	[sflag:s1] =	ssyncset.done $0x0  }
0x29: {  	s9 =	stileid.u32;
	[sflag:s1] =	ssyncadd.s32 $0xFFFFE000  }
0x2a: {  	s9 =	sshll.u32 s9, $0x6;
	[bflag:$0x0] =	sbarrier.arrive $0xFFFF  }
0x2b: {  	s10 =	sshrl.u32 s7, $0x3;
	s9 =	sor.u32 $0x1C03, s9;
	s11 =	rddreg [dreg:$0xf]  }
0x2c: {  	[hbm:s11], [sflag:s9] =	dma.local [spmem:s10], $0x13C0  }
0x2d: {  	_ =	swait.ge [sflag:s23], $0x13C0  }
0x2e: {  	[sflag:s23] =	ssyncset.done $0x0  }
0x2f: {  	s20 =	sshrl.u32 s8, $0x3;
	s21 =	rddreg [dreg:$0x10];
	[sflag:s23] =	ssyncadd.s32 $0xFFFFEC40  }
0x30: {  	[hbm:s21], [sflag:s9] =	dma.local [spmem:s20], $0x4F0  }
0x31: {  	_ =	swait.ge [sflag:s23], $0x4F0  }
0x32: {  	s5 =	sadd.s32 $0x1, s5;
	s25 =	rddreg [dreg:$0x11]  }
0x33: {  	p0 =	sne.s32 s5, s25  }
.Ltmp1:
0x34: {  	_ = 	snop;
	(pc) =	sbr.rel @!p0 .LBB2_11-.Ltmp1, $3  }
0x35: {  	_ =	sdelay $0x1  }
0x36: {  	[sflag:s23] =	ssyncset.done $0x0  }
0x37: {  	[sflag:s23] =	ssyncadd.s32 $0xFFFFFB10  }
.LBB2_1:
0x38: {  	s10 =	simm.s32 $0x0  }
0x39: {  	s9 =	simm.s32 $0xC220;
	[tilespmem:s10+$0xB200] =	vst v0  }
0x3a: {  	[tilespmem:s9+$0xFFFFFFE0] =	vst v0  }
0x3b: {  	[tilespmem:s9+$0xFFFFFFF0] =	vst v0  }
0x3c: {  	[tilespmem:s9+$0x0] =	vst v0  }
0x3d: {  	s10 =	simm.s32 $0x40;
	[tilespmem:s9+$0x10] =	vst v0  }
.LBB2_2:
0x3e: {  	s11 =	sshra.s32 s10, $0x2;
	p0 =	sne.s32 s10, $0x1FC0  }
.Ltmp2:
0x3f: {  	s10 =	sadd.s32 $0x40, s10;
	s9 =	sadd.s32 $0x40, s9;
	[tilespmem:s11+$0xB200] =	vst v0;
	(pc) =	sbr.rel @p0 .LBB2_2-.Ltmp2, $4  }
0x40: {  	[tilespmem:s9+$0xFFFFFFE0] =	vst v0  }
0x41: {  	[tilespmem:s9+$0xFFFFFFF0] =	vst v0  }
0x42: {  	[tilespmem:s9+$0x0] =	vst v0  }
0x43: {  	[tilespmem:s9+$0x10] =	vst v0  }
0x44: {  	[spmem:s7] =	stream.linear.scatter [tilespmem:s22], [sflag:$0x3], $0x2000, $0x38;
	[tilespmem:$0x1C780] =	vst v63  }
0x45: {  	_ =	swait.ge [sflag:s23], $0x2000  }
0x46: {  	[sflag:s23] =	ssyncset.done $0x0  }
0x47: {  	[sflag:s23] =	ssyncadd.s32 $0xFFFFE000  }
0x48: {  	[spmem:s8] =	stream.linear.scatter [tilespmem:s24], [sflag:$0x3], $0x800, $0x38;
	[tilespmem:$0x1C780] =	vst v63  }
0x49: {  	_ =	swait.ge [sflag:s23], $0x800  }
0x4a: {  	[sflag:s23] =	ssyncset.done $0x0  }
0x4b: {  	s9 =	rddreg [dreg:$0x5];
	[sflag:s23] =	ssyncadd.s32 $0xFFFFF800  }
0x4c: {  	[spmem:s9] =	stream.linear.scatter [tilespmem:s22], [sflag:$0x3], $0x2000, $0x38;
	[tilespmem:$0x1C780] =	vst v63  }
0x4d: {  	_ =	swait.ge [sflag:s23], $0x2000  }
0x4e: {  	[sflag:s23] =	ssyncset.done $0x0  }
0x4f: {  	s12 =	rddreg [dreg:$0x6];
	[sflag:s23] =	ssyncadd.s32 $0xFFFFE000  }
0x50: {  	[spmem:s12] =	stream.linear.scatter [tilespmem:s24], [sflag:$0x3], $0x800, $0x38;
	[tilespmem:$0x1C780] =	vst v63  }
0x51: {  	_ =	swait.ge [sflag:s23], $0x800  }
0x52: {  	[sflag:s23] =	ssyncset.done $0x0  }
0x53: {  	s13 =	rddreg [dreg:$0x7];
	[sflag:s23] =	ssyncadd.s32 $0xFFFFF800  }
0x54: {  	[spmem:s13] =	stream.linear.scatter [tilespmem:s22], [sflag:$0x3], $0x2000, $0x38;
	[tilespmem:$0x1C780] =	vst v63  }
0x55: {  	_ =	swait.ge [sflag:s23], $0x2000  }
0x56: {  	[sflag:s23] =	ssyncset.done $0x0  }
0x57: {  	s14 =	rddreg [dreg:$0x8];
	[sflag:s23] =	ssyncadd.s32 $0xFFFFE000  }
0x58: {  	[spmem:s14] =	stream.linear.scatter [tilespmem:s24], [sflag:$0x3], $0x800, $0x38;
	[tilespmem:$0x1C780] =	vst v63  }
0x59: {  	_ =	swait.ge [sflag:s23], $0x800  }
0x5a: {  	[sflag:s23] =	ssyncset.done $0x0  }
0x5b: {  	s15 =	rddreg [dreg:$0x9];
	[sflag:s23] =	ssyncadd.s32 $0xFFFFF800  }
0x5c: {  	[spmem:s15] =	stream.linear.scatter [tilespmem:s22], [sflag:$0x3], $0x2000, $0x38;
	[tilespmem:$0x1C780] =	vst v63  }
0x5d: {  	_ =	swait.ge [sflag:s23], $0x2000  }
0x5e: {  	[sflag:s23] =	ssyncset.done $0x0  }
0x5f: {  	s16 =	rddreg [dreg:$0xa];
	[sflag:s23] =	ssyncadd.s32 $0xFFFFE000  }
0x60: {  	[spmem:s16] =	stream.linear.scatter [tilespmem:s24], [sflag:$0x3], $0x800, $0x38;
	[tilespmem:$0x1C780] =	vst v63  }
0x61: {  	_ =	swait.ge [sflag:s23], $0x800  }
0x62: {  	[sflag:s23] =	ssyncset.done $0x0  }
0x63: {  	s17 =	rddreg [dreg:$0xb];
	[sflag:s23] =	ssyncadd.s32 $0xFFFFF800  }
0x64: {  	[spmem:s17] =	stream.linear.scatter [tilespmem:s22], [sflag:$0x3], $0x1E00, $0x38;
	[tilespmem:$0x1C780] =	vst v63  }
0x65: {  	_ =	swait.ge [sflag:s23], $0x1E00  }
0x66: {  	[sflag:s23] =	ssyncset.done $0x0  }
0x67: {  	s18 =	rddreg [dreg:$0xc];
	[sflag:s23] =	ssyncadd.s32 $0xFFFFE200  }
0x68: {  	[spmem:s18] =	stream.linear.scatter [tilespmem:s24], [sflag:$0x3], $0x780, $0x38;
	[tilespmem:$0x1C780] =	vst v63  }
0x69: {  	_ =	swait.ge [sflag:s23], $0x780  }
0x6a: {  	[sflag:s23] =	ssyncset.done $0x0  }
0x6b: {  	[sflag:s23] =	ssyncadd.s32 $0xFFFFF880  }
0x6c: {  	[bflag:$0x0] =	sbarrier.arrive $0xFFFF  }
0x6d: {  	s9 =	simm.s32 $0x0;
	s10 =	rddreg [dreg:$0xd]  }
0x6e: {  	[tilespmem:s9], [sflag:$0x3] =	stream.linear.gather [hbm4b:s10+s9], $0x2900, $0x38;
	[tilespmem:$0x1C780] =	vst v63  }
0x6f: {  	_ =	swait.ge [sflag:s23], $0x2900  }
0x70: {  	[sflag:s23] =	ssyncset.done $0x0  }
0x71: {  	s11 =	simm.s32 $0x2900;
	s19 =	rddreg [dreg:$0xe];
	[sflag:s23] =	ssyncadd.s32 $0xFFFFD700  }
0x72: {  	[tilespmem:s11], [sflag:$0x3] =	stream.linear.gather [hbm4b:s19+s9], $0x2900, $0x38;
	[tilespmem:$0x1C780] =	vst v63  }
0x73: {  	_ =	swait.ge [sflag:s23], $0x2900  }
0x74: {  	[sflag:s23] =	ssyncset.done $0x0  }
0x75: {  	s20 =	simm.s32 $0x5200;
	[sflag:s23] =	ssyncadd.s32 $0xFFFFD700  }
0x76: {  	[tilespmem:s20], [sflag:$0x1] =	stream.indirect.gather [hbm4b:s2+s26], $0x10, s11, s26, $0xb8;
	[tilespmem:$0x1C780] =	vst v63  }
0x77: {  	s21 =	simm.s32 $0x6200  }
0x78: {  	[tilespmem:s21], [sflag:$0x1] =	stream.indirect.gather [hbm4b:s6+s26], $0x50, s9, s26, $0xb8;
	[tilespmem:$0x1C780] =	vst v63  }
0x79: {  	s25 =	simm.s32 $0x2980  }
0x7a: {  	[tilespmem:s31], [sflag:$0x1] =	stream.indirect.gather [hbm4b:s2+s26], $0x10, s25, s26, $0xb8;
	[tilespmem:$0x1C780] =	vst v63  }
0x7b: {  	_ = 	snop  }
0x7c: {  	[tilespmem:s0], [sflag:$0x1] =	stream.indirect.gather [hbm4b:s6+s26], $0x50, s26, s26, $0xb8;
	[tilespmem:$0x1C780] =	vst v63  }
.LBB2_4:
0x7d: {  	_ =	swait.ge [sflag:s28], $0x800  }
0x7e: {  	[sflag:s28] =	ssyncset.done $0x0  }
0x7f: {  	[sflag:s28] =	ssyncadd.s32 $0xFFFFF800  }
0x80: {  	_ =	swait.ge [sflag:s28], $0x2800  }
0x81: {  	p0 =	seq.s32 s9, $0x0;
	[sflag:s28] =	ssyncset.done $0x0  }
0x82: {  	s10 =	simm.s32 @!p0 $0x2;
	[sflag:s28] =	ssyncadd.s32 $0xFFFFD800  }
0x83: {  	_ =	swait.ge @!p0 [sflag:s10], $0x800  }
0x84: {  	[sflag:s10] =	ssyncset.done @!p0 $0x0  }
0x85: {  	[sflag:s10] =	ssyncadd.s32 @!p0 $0xFFFFF800  }
0x86: {  	_ =	swait.ge @!p0 [sflag:s10], $0x2000  }
0x87: {  	[sflag:s10] =	ssyncset.done @!p0 $0x0  }
0x88: {  	s15 =	simm.s32 $0x62A0;
	[sflag:s10] =	ssyncadd.s32 @!p0 $0xFFFFE000  }
0x89: {  	s19 =	simm.s32 $0x5220;
	v5 =	vld [tilespmem:s15+$0x90]  }
0x8a: {  	v6 =	vld [tilespmem:s19+$0x10];
	_ =	sdelay $0x4  }
0x8b: {  	v7 =	vld [tilespmem:s19+$0xFFFFFFE0];
	v5 =	vadd.f32 v6, v5  }
0x8c: {  	v8 =	vld [tilespmem:s19+$0xFFFFFFF0]  }
0x8d: {  	v10 =	vld [tilespmem:s15+$0x40];
	v9 =	vmul.f32 $2.000000030e-01, v5  }
0x8e: {  	v6 =	vld [tilespmem:s15+$0xFFFFFFF0]  }
0x8f: {  	v11 =	vld [tilespmem:s19+$0x0];
	v5 =	vmax.f32 v5, v9  }
0x90: {  	v9 =	vld [tilespmem:s15+$0xFFFFFFA0];
	v5 =	vmul.f32 $1.442695020e+00, v5;
	_ =	sdelay $0x1  }
0x91: {  	(erf) = vpow2.f32 v5  }
0x92: {  	v5 =	vadd.f32 v8, v6  }
0x93: {  	v6 =	vadd.f32 v11, v10  }
0x94: {  	v8 =	vmul.f32 $2.000000030e-01, v5;
	v7 =	vadd.f32 v7, v9  }
0x95: {  	v9 =	vmul.f32 $2.000000030e-01, v6  }
0x96: {  	v5 =	vmax.f32 v5, v8;
	v8 =	vmul.f32 $2.000000030e-01, v7  }
0x97: {  	v6 =	vmax.f32 v6, v9;
	v5 =	vmul.f32 $1.442695020e+00, v5  }
0x98: {  	v6 =	vmul.f32 $1.442695020e+00, v6;
	v7 =	vmax.f32 v7, v8  }
0x99: {  	s25 =	simm.s32 $0x63E0;
	v7 =	vmul.f32 $1.442695020e+00, v7;
	(erf) = vpow2.f32 v5  }
0x9a: {  	s20 =	simm.s32 $0xB220;
	s12 =	simm.s32 $0x5260;
	v5 =	vld [tilespmem:s25+$0x90];
	(erf) = vpow2.f32 v6;
	v8 =	vpop (erf)  }
0x9b: {  	v6 =	vld [tilespmem:s12+$0x10];
	(erf) = vpow2.f32 v7;
	[tilespmem:s20+$0x10] =	vst v8  }
0x9c: {  	v7 =	vld [tilespmem:s15+$0x50];
	_ =	sdelay $0x2  }
0x9d: {  	v12 =	vld [tilespmem:s12+$0xFFFFFFF0];
	v10 =	vperm.xlane v8, v1  }
0x9e: {  	v14 =	vld [tilespmem:s12+$0x0]  }
0x9f: {  	v17 =	vld [tilespmem:s25+$0xFFFFFFA0];
	v5 =	vadd.f32 v6, v5;
	v7 =	vmul.f32 v7, v10  }
0xa0: {  	s11 =	simm.s32 $0xC280;
	v11 =	vld [tilespmem:s25+$0xFFFFFFF0];
	v6 =	vpop (erf)  }
0xa1: {  	v9 =	vld [tilespmem:s12+$0xFFFFFFE0];
	v13 =	vpop (erf);
	[tilespmem:s11+$0x40] =	vst v7;
	v7 =	vmul.f32 $2.000000030e-01, v5  }
0xa2: {  	v10 =	vld [tilespmem:s25+$0x40];
	v15 =	vpop (erf)  }
0xa3: {  	v16 =	vld [tilespmem:s15+$0x60];
	[tilespmem:s20+$0xFFFFFFE0] =	vst v15;
	v5 =	vmax.f32 v5, v7  }
0xa4: {  	v19 =	vperm.xlane v8, v2;
	v7 =	vld [tilespmem:s15+$0xFFFFFF60];
	v5 =	vmul.f32 $1.442695020e+00, v5  }
0xa5: {  	[tilespmem:s20+$0xFFFFFFF0] =	vst v6;
	v20 =	vperm.xlane v6, v1;
	v23 =	vperm.xlane v6, v3  }
0xa6: {  	v11 =	vadd.f32 v12, v11;
	[tilespmem:s20+$0x0] =	vst v13;
	v18 =	vld [tilespmem:s15+$0xFFFFFFB0];
	v24 =	vperm.xlane v13, v3;
	(erf) = vpow2.f32 v5  }
0xa7: {  	v12 =	vld [tilespmem:s15+$0x0];
	v21 =	vperm.xlane v15, v3;
	v10 =	vadd.f32 v14, v10;
	v5 =	vperm.xlane v15, v1  }
0xa8: {  	s21 =	simm.s32 $0x52A0;
	v9 =	vadd.f32 v9, v17;
	v14 =	vmul.f32 v16, v19;
	v19 =	vmul.f32 $2.000000030e-01, v11  }
0xa9: {  	v25 =	vld [tilespmem:s21+$0xFFFFFFE0];
	s12 =	simm.s32 $0x6520;
	v17 =	vmul.f32 $2.000000030e-01, v10;
	v5 =	vmul.f32 v7, v5  }
0xaa: {  	v28 =	vld [tilespmem:s12+$0xFFFFFFA0];
	v16 =	vperm.xlane v13, v1;
	[tilespmem:s11+$0x50] =	vst v14;
	v7 =	vmax.f32 v11, v19;
	v11 =	vmul.f32 $2.000000030e-01, v9  }
0xab: {  	v10 =	vmax.f32 v10, v17;
	v14 =	vmul.f32 v18, v20;
	v18 =	vld [tilespmem:s15+$0x70];
	v7 =	vmul.f32 $1.442695020e+00, v7;
	[tilespmem:s11+$0xFFFFFF80] =	vst v5  }
0xac: {  	v10 =	vmul.f32 $1.442695020e+00, v10;
	v5 =	vmul.f32 v12, v16;
	v12 =	vld [tilespmem:s15+$0xFFFFFF70];
	v9 =	vmax.f32 v9, v11  }
0xad: {  	[tilespmem:s11+$0xFFFFFFC0] =	vst v14;
	v11 =	vld [tilespmem:s12+$0x90];
	(erf) = vpow2.f32 v7;
	v9 =	vmul.f32 $1.442695020e+00, v9  }
0xae: {  	v17 =	vperm.xlane v6, v2;
	v7 =	vld [tilespmem:s15+$0xFFFFFFC0];
	[tilespmem:s11+$0x0] =	vst v5;
	(erf) = vpow2.f32 v10  }
0xaf: {  	s14 =	simm.s32 $0xB260;
	v5 =	vperm.xlane v8, v3;
	v10 =	vld [tilespmem:s15+$0x10];
	v14 =	vpop (erf);
	(erf) = vpow2.f32 v9  }
0xb0: {  	v6 =	vperm.xlane v6, v4;
	v16 =	vperm.xlane v15, v2;
	v9 =	vld [tilespmem:s21+$0x10];
	[tilespmem:s14+$0x10] =	vst v14  }
0xb1: {  	v19 =	vperm.xlane v13, v2;
	v5 =	vmul.f32 v18, v5;
	v18 =	vld [tilespmem:s25+$0x50]  }
0xb2: {  	v26 =	vld [tilespmem:s21+$0xFFFFFFF0];
	v25 =	vadd.f32 v25, v28;
	v20 =	vperm.xlane v15, v4;
	v12 =	vmul.f32 v12, v16  }
0xb3: {  	v15 =	vld [tilespmem:s12+$0xFFFFFFF0];
	[tilespmem:s11+$0x60] =	vst v5;
	v5 =	vperm.xlane v13, v4;
	v13 =	vperm.xlane v14, v1  }
0xb4: {  	v7 =	vmul.f32 v7, v17;
	v17 =	vld [tilespmem:s12+$0x40];
	[tilespmem:s11+$0xFFFFFF90] =	vst v12;
	v12 =	vmul.f32 $2.000000030e-01, v25  }
0xb5: {  	v8 =	vperm.xlane v8, v4;
	v22 =	vld [tilespmem:s15+$0x80];
	v10 =	vmul.f32 v10, v19  }
0xb6: {  	s16 =	simm.s32 $0x52E0;
	v9 =	vadd.f32 v9, v11;
	v12 =	vmax.f32 v25, v12;
	v16 =	vpop (erf);
	v13 =	vmul.f32 v18, v13;
	v18 =	vld [tilespmem:s21+$0x0]  }
0xb7: {  	s13 =	simm.s32 $0xC380;
	v38 =	vld [tilespmem:s16+$0x0];
	v28 =	vperm.xlane v14, v2;
	[tilespmem:s11+$0x10] =	vst v10;
	v10 =	vmul.f32 $1.442695020e+00, v12;
	v19 =	vpop (erf)  }
0xb8: {  	v12 =	vld [tilespmem:s15+$0x20];
	v11 =	vperm.xlane v16, v1;
	v29 =	vpop (erf);
	[tilespmem:s13+$0x40] =	vst v13;
	v13 =	vmul.f32 $2.000000030e-01, v9  }
0xb9: {  	v15 =	vadd.f32 v26, v15;
	v55 =	vperm.xlane v16, v3;
	v27 =	vperm.xlane v19, v1;
	[tilespmem:s14+$0xFFFFFFE0] =	vst v29;
	v32 =	vld [tilespmem:s25+$0x60]  }
0xba: {  	[tilespmem:s14+$0xFFFFFFF0] =	vst v16;
	v22 =	vmul.f32 v22, v8;
	v56 =	vperm.xlane v19, v3;
	v8 =	vld [tilespmem:s25+$0xFFFFFF60];
	v9 =	vmax.f32 v9, v13  }
0xbb: {  	v26 =	vld [tilespmem:s25+$0xFFFFFFB0];
	[tilespmem:s14+$0x0] =	vst v19;
	v17 =	vadd.f32 v18, v17;
	v9 =	vmul.f32 $1.442695020e+00, v9;
	v18 =	vmul.f32 $2.000000030e-01, v15  }
0xbc: {  	v33 =	vld [tilespmem:s25+$0x0];
	v30 =	vperm.xlane v29, v1;
	v31 =	vperm.xlane v29, v2;
	s14 =	simm.s32 $0x6660  }
0xbd: {  	[tilespmem:s11+$0x70] =	vst v22;
	v22 =	vld [tilespmem:s14+$0x40];
	v34 =	vmul.f32 $2.000000030e-01, v17;
	(erf) = vpow2.f32 v9;
	v9 =	vmax.f32 v15, v18  }
0xbe: {  	[tilespmem:s11+$0xFFFFFFD0] =	vst v7;
	v13 =	vperm.xlane v16, v2;
	v18 =	vld [tilespmem:s15+$0xFFFFFF80];
	v7 =	vmul.f32 $1.442695020e+00, v9  }
0xbf: {  	v39 =	vld [tilespmem:s14+$0xFFFFFFA0];
	v15 =	vmul.f32 v32, v28;
	v9 =	vmax.f32 v17, v34;
	v8 =	vmul.f32 v8, v30  }
0xc0: {  	v28 =	vld [tilespmem:s14+$0x90];
	v9 =	vmul.f32 $1.442695020e+00, v9;
	(erf) = vpow2.f32 v7  }
0xc1: {  	v24 =	vmul.f32 v12, v24;
	v11 =	vmul.f32 v26, v11;
	v17 =	vld [tilespmem:s15+$0xFFFFFFD0];
	[tilespmem:s13+$0x50] =	vst v15  }
0xc2: {  	v7 =	vld [tilespmem:s25+$0x70];
	[tilespmem:s13+$0xFFFFFF80] =	vst v8;
	v8 =	vmul.f32 v33, v27;
	(erf) = vpow2.f32 v9  }
0xc3: {  	[tilespmem:s13+$0xFFFFFFC0] =	vst v11;
	v25 =	vld [tilespmem:s25+$0xFFFFFF70];
	v18 =	vmul.f32 v18, v21;
	(erf) = vpow2.f32 v10  }
0xc4: {  	v15 =	vperm.xlane v19, v2;
	v27 =	vperm.xlane v29, v3;
	v10 =	vld [tilespmem:s25+$0xFFFFFFC0];
	[tilespmem:s13+$0x0] =	vst v8  }
0xc5: {  	v9 =	vperm.xlane v29, v4;
	v8 =	vperm.xlane v14, v3;
	v26 =	vld [tilespmem:s25+$0x10];
	[tilespmem:s11+$0xFFFFFFA0] =	vst v18  }
0xc6: {  	s17 =	simm.s32 $0xB2A0;
	v14 =	vperm.xlane v14, v4;
	v21 =	vmul.f32 v17, v23;
	v63 =	vld [tilespmem:s15+$0xFFFFFF90];
	v11 =	vpop (erf)  }
0xc7: {  	v29 =	vmul.f32 v7, v8;
	v8 =	vperm.xlane v16, v4;
	v16 =	vld [tilespmem:s16+$0x10];
	[tilespmem:s17+$0x10] =	vst v11  }
0xc8: {  	v7 =	vperm.xlane v19, v4;
	v23 =	vmul.f32 v25, v31;
	v17 =	vld [tilespmem:s12+$0x50]  }
0xc9: {  	[tilespmem:s13+$0x60] =	vst v29;
	v25 =	vmul.f32 v10, v13;
	v29 =	vld [tilespmem:s16+$0xFFFFFFE0];
	v13 =	vperm.xlane v11, v1;
	v30 =	vpop (erf)  }
0xca: {  	v22 =	vadd.f32 v38, v22;
	v12 =	vld [tilespmem:s25+$0x80];
	v26 =	vmul.f32 v26, v15;
	v31 =	vperm.xlane v30, v1  }
0xcb: {  	v10 =	vld [tilespmem:s14+$0xFFFFFFF0];
	v19 =	vperm.xlane v30, v2;
	v20 =	vmul.f32 v63, v20;
	v57 =	vpop (erf)  }
0xcc: {  	v15 =	vld [tilespmem:s16+$0xFFFFFFF0];
	[tilespmem:s13+$0x10] =	vst v26;
	v26 =	vmul.f32 $2.000000030e-01, v22;
	v35 =	vperm.xlane v57, v1;
	v36 =	vpop (erf)  }
0xcd: {  	v16 =	vadd.f32 v16, v28;
	v37 =	vperm.xlane v36, v1;
	v13 =	vmul.f32 v17, v13  }
0xce: {  	s18 =	simm.s32 $0xC480;
	[tilespmem:s13+$0xFFFFFFD0] =	vst v25;
	v18 =	vperm.xlane v36, v2;
	v17 =	vperm.xlane v57, v2  }
0xcf: {  	v28 =	vmul.f32 v12, v14;
	v14 =	vmul.f32 $2.000000030e-01, v16;
	[tilespmem:s18+$0x40] =	vst v13  }
0xd0: {  	[tilespmem:s17+$0xFFFFFFE0] =	vst v36;
	v25 =	vadd.f32 v29, v39;
	v29 =	vperm.xlane v11, v2;
	v12 =	vperm.xlane v36, v3;
	v42 =	vld [tilespmem:s12+$0x60]  }
0xd1: {  	[tilespmem:s17+$0xFFFFFFF0] =	vst v30;
	v40 =	vld [tilespmem:s12+$0xFFFFFF60];
	v41 =	vadd.f32 v15, v10;
	v13 =	vperm.xlane v30, v3;
	v16 =	vmax.f32 v16, v14  }
0xd2: {  	[tilespmem:s13+$0xFFFFFF90] =	vst v23;
	v58 =	vld [tilespmem:s12+$0xFFFFFFB0];
	v14 =	vperm.xlane v30, v4;
	v30 =	vmul.f32 $1.442695020e+00, v16  }
0xd3: {  	v60 =	vld [tilespmem:s25+$0xFFFFFF80];
	[tilespmem:s17+$0x0] =	vst v57;
	v10 =	vperm.xlane v57, v3;
	v23 =	vmul.f32 $2.000000030e-01, v41  }
0xd4: {  	v59 =	vld [tilespmem:s12+$0x0];
	v15 =	vperm.xlane v36, v4;
	(erf) = vpow2.f32 v30  }
0xd5: {  	[tilespmem:s11+$0xFFFFFFE0] =	vst v21;
	v61 =	vld [tilespmem:s25+$0xFFFFFFD0];
	v21 =	vmax.f32 v41, v23;
	v23 =	vmul.f32 $2.000000030e-01, v25;
	v29 =	vmul.f32 v42, v29  }
0xd6: {  	v62 =	vld [tilespmem:s25+$0x20];
	v22 =	vmax.f32 v22, v26;
	[tilespmem:s13+$0x70] =	vst v28;
	v21 =	vmul.f32 $1.442695020e+00, v21;
	v26 =	vmul.f32 v40, v37  }
0xd7: {  	v22 =	vmul.f32 $1.442695020e+00, v22;
	v30 =	vmul.f32 v58, v31;
	v25 =	vmax.f32 v25, v23;
	v23 =	vld [tilespmem:s15+$0xFFFFFFE0];
	[tilespmem:s18+$0x50] =	vst v29  }
0xd8: {  	(erf) = vpow2.f32 v21;
	[tilespmem:s18+$0xFFFFFF80] =	vst v26;
	v29 =	vmul.f32 $1.442695020e+00, v25;
	v28 =	vld [tilespmem:s12+$0x70]  }
0xd9: {  	[tilespmem:s18+$0xFFFFFFC0] =	vst v30;
	v21 =	vmul.f32 v59, v35;
	(erf) = vpow2.f32 v22;
	v25 =	vld [tilespmem:s12+$0xFFFFFF70]  }
0xda: {  	[tilespmem:s11+$0x20] =	vst v24;
	v26 =	vld [tilespmem:s12+$0xFFFFFFC0];
	v22 =	vmul.f32 v60, v27;
	(erf) = vpow2.f32 v29  }
0xdb: {  	s10 =	sshll.u32 s9, $0x8;
	v24 =	vld [tilespmem:s15+$0x30];
	v30 =	vperm.xlane v11, v3;
	[tilespmem:s18+$0x0] =	vst v21;
	v29 =	vmul.f32 v61, v55  }
0xdc: {  	s19 =	simm.s32 $0xC;
	s20 =	simm.s32 $0x67A0;
	v16 =	vperm.xlane v57, v4;
	s15 =	simm.s32 $0xC480;
	v27 =	vld [tilespmem:s12+$0x10];
	[tilespmem:s13+$0xFFFFFFA0] =	vst v22;
	v22 =	vmul.f32 v62, v56  }
.LBB2_5:
0xdd: {  	v31 =	vld [tilespmem:s20+$0x90];
	s16 =	sadd.s32 $0x40, s16;
	v32 =	vpop (erf);
	v28 =	vmul.f32 v28, v30;
	s17 =	sadd.s32 $0x40, s17;
	[tilespmem:s13+$0xFFFFFFE0] =	vst v29;
	v23 =	vmul.f32 v23, v6;
	v21 =	vmov v15  }
0xde: {  	v6 =	vmov v8;
	v8 =	vmov v14;
	v15 =	vld [tilespmem:s16+$0x10];
	[tilespmem:s17+$0x10] =	vst v32;
	v18 =	vmul.f32 v25, v18  }
0xdf: {  	v14 =	vld [tilespmem:s14+$0x50];
	v19 =	vmul.f32 v26, v19;
	[tilespmem:s18+$0x60] =	vst v28  }
0xe0: {  	[tilespmem:s18+$0xFFFFFF90] =	vst v18;
	v25 =	vld [tilespmem:s12+$0x80];
	v24 =	vmul.f32 v24, v5;
	v5 =	vmov v7;
	v7 =	vmov v16  }
0xe1: {  	s19 =	sadd.s32 $0x4, s19;
	v16 =	vld [tilespmem:s16+$0xFFFFFFE0];
	v26 =	vpop (erf);
	[tilespmem:s18+$0xFFFFFFD0] =	vst v19;
	v17 =	vmul.f32 v27, v17  }
0xe2: {  	p1 =	slt.u32 s19, $0x7C;
	v18 =	vperm.xlane v32, v1;
	v27 =	vld [tilespmem:s20+$0xFFFFFFF0];
	[tilespmem:s17+$0xFFFFFFF0] =	vst v26;
	v28 =	vperm.xlane v26, v1;
	v29 =	vpop (erf)  }
0xe3: {  	v19 =	vperm.xlane v11, v4;
	v11 =	vmov v32;
	v30 =	vld [tilespmem:s16+$0xFFFFFFF0];
	[tilespmem:s17+$0x0] =	vst v29;
	v33 =	vperm.xlane v29, v1;
	v34 =	vpop (erf)  }
0xe4: {  	v32 =	vld [tilespmem:s20+$0x40];
	[tilespmem:s17+$0xFFFFFFE0] =	vst v34;
	v35 =	vperm.xlane v34, v1;
	v14 =	vmul.f32 v14, v18  }
0xe5: {  	s18 =	sadd.s32 $0x100, s18;
	v15 =	vadd.f32 v15, v31;
	v18 =	vperm.xlane v34, v2;
	v36 =	vld [tilespmem:s16+$0x0];
	[tilespmem:s15+$0x10] =	vst v17;
	v25 =	vmul.f32 v25, v19  }
0xe6: {  	v19 =	vperm.xlane v26, v2;
	v17 =	vperm.xlane v29, v2;
	v31 =	vld [tilespmem:s20+$0xFFFFFFA0];
	[tilespmem:s18+$0x40] =	vst v14  }
0xe7: {  	v38 =	vperm.xlane v34, v3;
	v14 =	vmul.f32 $2.000000030e-01, v15;
	v37 =	vld [tilespmem:s14+$0xFFFFFF60];
	[tilespmem:s15+$0x70] =	vst v25  }
0xe8: {  	v39 =	vperm.xlane v29, v3;
	v25 =	vadd.f32 v30, v27;
	v27 =	vperm.xlane v26, v3;
	v30 =	vld [tilespmem:s14+$0x60];
	[tilespmem:s13+$0x20] =	vst v22  }
0xe9: {  	v22 =	vmax.f32 v15, v14;
	v15 =	vperm.xlane v34, v4;
	v14 =	vperm.xlane v26, v4;
	v34 =	vld [tilespmem:s14+$0xFFFFFFB0];
	[tilespmem:s11+$0xFFFFFFB0] =	vst v20  }
0xea: {  	v22 =	vmul.f32 $1.442695020e+00, v22;
	v20 =	vmul.f32 $2.000000030e-01, v25;
	v26 =	vadd.f32 v36, v32;
	v32 =	vld [tilespmem:s14+$0x0];
	[tilespmem:s11+$0xFFFFFFF0] =	vst v23  }
0xeb: {  	v23 =	vadd.f32 v16, v31;
	v16 =	vperm.xlane v29, v4;
	v29 =	vperm.xlane v11, v2;
	v31 =	vld [tilespmem:s12+$0xFFFFFF80];
	[tilespmem:s11+$0x30] =	vst v24;
	s11 =	smov.u32 s13;
	s13 =	smov.u32 s15;
	s15 =	smov.u32 s18  }
0xec: {  	v20 =	vmax.f32 v25, v20;
	v24 =	vmul.f32 $2.000000030e-01, v26;
	(erf) = vpow2.f32 v22;
	v22 =	vld [tilespmem:s12+$0xFFFFFFD0]  }
0xed: {  	v25 =	vmul.f32 $2.000000030e-01, v23;
	v29 =	vmul.f32 v30, v29;
	v36 =	vld [tilespmem:s12+$0x20]  }
0xee: {  	v20 =	vmul.f32 $1.442695020e+00, v20;
	v24 =	vmax.f32 v26, v24;
	v26 =	vmul.f32 v37, v35;
	v35 =	vld [tilespmem:s25+$0xFFFFFF90]  }
0xef: {  	v30 =	vmul.f32 v34, v28;
	v25 =	vmax.f32 v23, v25;
	v24 =	vmul.f32 $1.442695020e+00, v24;
	[tilespmem:s18+$0x50] =	vst v29;
	v23 =	vld [tilespmem:s25+$0xFFFFFFE0]  }
.Ltmp3:
0xf0: {  	v29 =	vmul.f32 $1.442695020e+00, v25;
	(erf) = vpow2.f32 v20;
	[tilespmem:s18+$0xFFFFFF80] =	vst v26;
	v28 =	vld [tilespmem:s14+$0x70];
	(pc) =	sbr.rel @p1 .LBB2_5-.Ltmp3, $4  }
0xf1: {  	v20 =	vmul.f32 v32, v33;
	(erf) = vpow2.f32 v24;
	v25 =	vld [tilespmem:s14+$0xFFFFFF70];
	[tilespmem:s18+$0xFFFFFFC0] =	vst v30  }
0xf2: {  	v31 =	vmul.f32 v31, v12;
	v12 =	vmov v38;
	(erf) = vpow2.f32 v29;
	v26 =	vld [tilespmem:s14+$0xFFFFFFC0]  }
0xf3: {  	v30 =	vperm.xlane v11, v3;
	v29 =	vmul.f32 v22, v13;
	v13 =	vmov v27;
	[tilespmem:s18+$0x0] =	vst v20;
	v24 =	vld [tilespmem:s25+$0x30];
	s25 =	smov.u32 s12;
	s12 =	smov.u32 s14;
	s14 =	smov.u32 s20  }
0xf4: {  	v22 =	vmul.f32 v36, v10;
	v10 =	vmovc v39;
	s20 =	sadd.s32 $0x140, s20;
	v20 =	vmul.f32 v35, v9;
	v9 =	vmov v21;
	v27 =	vld [tilespmem:s12+$0x10];
	[tilespmem:s13+$0xFFFFFFA0] =	vst v31  }
0xf5: {  	v21 =	vpop (erf);
	s17 =	sadd.s32 $0x40, s17  }
0xf6: {  	[tilespmem:s17+$0x10] =	vst v21  }
0xf7: {  	v31 =	vld [tilespmem:s14+$0x50];
	_ =	sdelay $0x2  }
0xf8: {  	v32 =	vperm.xlane v21, v1;
	_ =	sdelay $0x1  }
0xf9: {  	v28 =	vmul.f32 v28, v30;
	v31 =	vmul.f32 v31, v32  }
0xfa: {  	s16 =	sadd.s32 $0x100, s18;
	[tilespmem:s13+$0xFFFFFFE0] =	vst v29  }
0xfb: {  	v30 =	vpop (erf);
	[tilespmem:s16+$0x40] =	vst v31  }
0xfc: {  	[tilespmem:s11+$0xFFFFFFB0] =	vst v20;
	v29 =	vpop (erf);
	v31 =	vld [tilespmem:s14+$0x60]  }
0xfd: {  	[tilespmem:s18+$0x60] =	vst v28;
	v28 =	vpop (erf)  }
0xfe: {  	v52 =	vld [tilespmem:s12+$0x80];
	[tilespmem:s17+$0xFFFFFFE0] =	vst v28  }
0xff: {  	v18 =	vmul.f32 v25, v18;
	v33 =	vperm.xlane v21, v2;
	[tilespmem:s17+$0xFFFFFFF0] =	vst v30;
	v25 =	vld [tilespmem:s14+$0xFFFFFF60]  }
0x100: {  	v19 =	vmul.f32 v26, v19;
	[tilespmem:s17+$0x0] =	vst v29;
	v26 =	vld [tilespmem:s14+$0xFFFFFFB0]  }
0x101: {  	v11 =	vperm.xlane v11, v4;
	[tilespmem:s18+$0xFFFFFF90] =	vst v18;
	v18 =	vld [tilespmem:s14+$0x0];
	v31 =	vmul.f32 v31, v33  }
0x102: {  	[tilespmem:s18+$0xFFFFFFD0] =	vst v19;
	v17 =	vmul.f32 v27, v17;
	v19 =	vperm.xlane v28, v1  }
0x103: {  	v27 =	vperm.xlane v30, v1;
	v11 =	vmul.f32 v52, v11;
	[tilespmem:s16+$0x50] =	vst v31  }
0x104: {  	[tilespmem:s15+$0x10] =	vst v17;
	v17 =	vmul.f32 v25, v19;
	v31 =	vperm.xlane v29, v1;
	v19 =	vld [tilespmem:s14+$0x70]  }
0x105: {  	[tilespmem:s15+$0x70] =	vst v11;
	v11 =	vmul.f32 v26, v27  }
0x106: {  	v20 =	vld [tilespmem:s12+$0xFFFFFF80];
	[tilespmem:s16+$0xFFFFFF80] =	vst v17;
	v17 =	vmul.f32 v18, v31  }
0x107: {  	[tilespmem:s16+$0xFFFFFFC0] =	vst v11;
	v11 =	vperm.xlane v21, v3;
	v18 =	vld [tilespmem:s14+$0xFFFFFF70]  }
0x108: {  	v5 =	vmul.f32 v24, v5;
	v25 =	vld [tilespmem:s14+$0xFFFFFFC0];
	[tilespmem:s16+$0x0] =	vst v17  }
0x109: {  	[tilespmem:s13+$0x20] =	vst v22;
	v17 =	vld [tilespmem:s14+$0x10];
	v11 =	vmul.f32 v19, v11  }
0x10a: {  	v6 =	vmul.f32 v23, v6;
	v23 =	vld [tilespmem:s12+$0xFFFFFFD0];
	[tilespmem:s11+$0x30] =	vst v5;
	v19 =	vperm.xlane v28, v2  }
0x10b: {  	v22 =	vperm.xlane v30, v2;
	v5 =	vld [tilespmem:s12+$0x20];
	[tilespmem:s16+$0x60] =	vst v11  }
0x10c: {  	[tilespmem:s11+$0xFFFFFFF0] =	vst v6;
	v11 =	vperm.xlane v29, v2;
	v6 =	vmul.f32 v18, v19;
	v18 =	vld [tilespmem:s14+$0x80]  }
0x10d: {  	v19 =	vmul.f32 v25, v22  }
0x10e: {  	v22 =	vld [tilespmem:s25+$0xFFFFFF90];
	[tilespmem:s16+$0xFFFFFF90] =	vst v6;
	v6 =	vmul.f32 v17, v11  }
0x10f: {  	v11 =	vmul.f32 v20, v12;
	[tilespmem:s16+$0xFFFFFFD0] =	vst v19;
	v12 =	vperm.xlane v21, v4;
	v17 =	vld [tilespmem:s14+$0xFFFFFF80]  }
0x110: {  	v13 =	vmul.f32 v23, v13;
	[tilespmem:s16+$0x10] =	vst v6;
	v6 =	vld [tilespmem:s14+$0xFFFFFFD0]  }
0x111: {  	v5 =	vmul.f32 v5, v10;
	[tilespmem:s15+$0xFFFFFFA0] =	vst v11;
	v11 =	vmul.f32 v18, v12;
	v12 =	vld [tilespmem:s14+$0x20]  }
0x112: {  	[tilespmem:s15+$0xFFFFFFE0] =	vst v13;
	v19 =	vld [tilespmem:s25+$0xFFFFFFE0];
	v18 =	vperm.xlane v28, v3  }
0x113: {  	v10 =	vperm.xlane v30, v3;
	v13 =	vld [tilespmem:s25+$0x30];
	[tilespmem:s15+$0x20] =	vst v5;
	v9 =	vmul.f32 v22, v9  }
0x114: {  	v5 =	vld [tilespmem:s12+$0xFFFFFF90];
	[tilespmem:s16+$0x70] =	vst v11;
	v11 =	vperm.xlane v29, v3;
	v17 =	vmul.f32 v17, v18  }
0x115: {  	[tilespmem:s13+$0xFFFFFFB0] =	vst v9;
	v9 =	vld [tilespmem:s12+$0xFFFFFFE0];
	v6 =	vmul.f32 v6, v10  }
0x116: {  	v10 =	vld [tilespmem:s12+$0x30];
	[tilespmem:s16+$0xFFFFFFA0] =	vst v17;
	v11 =	vmul.f32 v12, v11  }
0x117: {  	v8 =	vmul.f32 v19, v8;
	[tilespmem:s16+$0xFFFFFFE0] =	vst v6;
	v6 =	vld [tilespmem:s14+$0xFFFFFF90]  }
0x118: {  	v7 =	vmul.f32 v13, v7;
	[tilespmem:s16+$0x20] =	vst v11;
	v11 =	vld [tilespmem:s14+$0xFFFFFFE0]  }
0x119: {  	[tilespmem:s13+$0xFFFFFFF0] =	vst v8;
	v5 =	vmul.f32 v5, v15;
	v8 =	vld [tilespmem:s14+$0x30]  }
0x11a: {  	[tilespmem:s13+$0x30] =	vst v7;
	v12 =	vperm.xlane v28, v4;
	v7 =	vmul.f32 v9, v14  }
0x11b: {  	v9 =	vperm.xlane v30, v4;
	[tilespmem:s15+$0xFFFFFFB0] =	vst v5;
	v10 =	vmul.f32 v10, v16  }
0x11c: {  	v5 =	vperm.xlane v29, v4;
	[tilespmem:s15+$0xFFFFFFF0] =	vst v7;
	v6 =	vmul.f32 v6, v12  }
0x11d: {  	[tilespmem:s15+$0x30] =	vst v10;
	v7 =	vmul.f32 v11, v9  }
0x11e: {  	[tilespmem:s16+$0xFFFFFFB0] =	vst v6;
	v5 =	vmul.f32 v8, v5  }
0x11f: {  	s25 =	sand.u32 $0x3FFFFF00, s10;
	[tilespmem:s16+$0xFFFFFFF0] =	vst v7  }
0x120: {  	[tilespmem:s16+$0x30] =	vst v5;
	s16 =	sadd.s32 $0x2900, s25  }
0x121: {  	[spmem:s4] =	stream.indirect.scatter.add.f32 [tilespmem:s24], [sflag:$0x2], $0x10, s16, s26, $0xb8;
	[tilespmem:$0x1C780] =	vst v63  }
0x122: {  	p1 =	seq.s32 s9, $0x28  }
0x123: {  	[spmem:s3] =	stream.indirect.scatter.add.f32 [tilespmem:s22], [sflag:$0x2], $0x40, s16, s26, $0xb8;
	[tilespmem:$0x1C780] =	vst v63  }
0x124: {  	s11 =	sadd.s32 @!p1 $0x2A00, s10;
	s12 =	simm.s32 @!p1 $0x80;
	s13 =	simm.s32 @!p1 $0x5200  }
0x125: {  	[tilespmem:s13], [sflag:$0x1] =	stream.indirect.gather @!p1 [hbm4b:s2+s12], $0x10, s11, s12, $0xb8;
	[tilespmem:$0x1C780] =	vst v63  }
0x126: {  	s11 =	sadd.s32 @!p1 $0x100, s10;
	s13 =	simm.s32 @!p1 $0x6200  }
0x127: {  	[tilespmem:s13], [sflag:$0x1] =	stream.indirect.gather @!p1 [hbm4b:s6+s12], $0x50, s11, s12, $0xb8;
	[tilespmem:$0x1C780] =	vst v63  }
0x128: {  	_ =	swait.ge [sflag:s28], $0x800  }
0x129: {  	[sflag:s28] =	ssyncset.done $0x0  }
0x12a: {  	[sflag:s28] =	ssyncadd.s32 $0xFFFFF800  }
0x12b: {  	_ =	swait.ge [sflag:s28], $0x2800  }
0x12c: {  	[sflag:s28] =	ssyncset.done $0x0  }
0x12d: {  	s11 =	simm.s32 @!p0 $0x2;
	[sflag:s28] =	ssyncadd.s32 $0xFFFFD800  }
0x12e: {  	_ =	swait.ge @!p0 [sflag:s11], $0x800  }
0x12f: {  	[sflag:s11] =	ssyncset.done @!p0 $0x0  }
0x130: {  	[sflag:s11] =	ssyncadd.s32 @!p0 $0xFFFFF800  }
0x131: {  	_ =	swait.ge @!p0 [sflag:s11], $0x2000  }
0x132: {  	[sflag:s11] =	ssyncset.done @!p0 $0x0  }
0x133: {  	s16 =	simm.s32 $0x8B30;
	[sflag:s11] =	ssyncadd.s32 @!p0 $0xFFFFE000  }
0x134: {  	s17 =	simm.s32 $0x5A30;
	v5 =	vld [tilespmem:s16+$0x0]  }
0x135: {  	v6 =	vld [tilespmem:s17+$0x0];
	_ =	sdelay $0x4  }
0x136: {  	v7 =	vld [tilespmem:s17+$0xFFFFFFD0];
	v5 =	vadd.f32 v6, v5  }
0x137: {  	v8 =	vld [tilespmem:s17+$0xFFFFFFE0]  }
0x138: {  	v10 =	vld [tilespmem:s16+$0xFFFFFFB0];
	v9 =	vmul.f32 $2.000000030e-01, v5  }
0x139: {  	v6 =	vld [tilespmem:s16+$0xFFFFFF60]  }
0x13a: {  	v11 =	vld [tilespmem:s17+$0xFFFFFFF0];
	v5 =	vmax.f32 v5, v9  }
0x13b: {  	v9 =	vld [tilespmem:s16+$0xFFFFFF10];
	v5 =	vmul.f32 $1.442695020e+00, v5;
	_ =	sdelay $0x1  }
0x13c: {  	(erf) = vpow2.f32 v5  }
0x13d: {  	v5 =	vadd.f32 v8, v6  }
0x13e: {  	v6 =	vadd.f32 v11, v10  }
0x13f: {  	v8 =	vmul.f32 $2.000000030e-01, v5;
	v7 =	vadd.f32 v7, v9  }
0x140: {  	v9 =	vmul.f32 $2.000000030e-01, v6  }
0x141: {  	v5 =	vmax.f32 v5, v8;
	v8 =	vmul.f32 $2.000000030e-01, v7  }
0x142: {  	v6 =	vmax.f32 v6, v9;
	v5 =	vmul.f32 $1.442695020e+00, v5  }
0x143: {  	v6 =	vmul.f32 $1.442695020e+00, v6;
	v7 =	vmax.f32 v7, v8  }
0x144: {  	s11 =	simm.s32 $0x8C70;
	v7 =	vmul.f32 $1.442695020e+00, v7;
	(erf) = vpow2.f32 v5  }
0x145: {  	s19 =	simm.s32 $0x5A70;
	s18 =	simm.s32 $0xBA30;
	v5 =	vld [tilespmem:s11+$0x0];
	(erf) = vpow2.f32 v6;
	v8 =	vpop (erf)  }
0x146: {  	v6 =	vld [tilespmem:s19+$0x0];
	(erf) = vpow2.f32 v7;
	[tilespmem:s18+$0x0] =	vst v8  }
0x147: {  	v7 =	vld [tilespmem:s16+$0xFFFFFFC0];
	_ =	sdelay $0x2  }
0x148: {  	v12 =	vld [tilespmem:s19+$0xFFFFFFE0];
	v10 =	vperm.xlane v8, v1  }
0x149: {  	v14 =	vld [tilespmem:s19+$0xFFFFFFF0]  }
0x14a: {  	v17 =	vld [tilespmem:s11+$0xFFFFFF10];
	v5 =	vadd.f32 v6, v5;
	v7 =	vmul.f32 v7, v10  }
0x14b: {  	s12 =	simm.s32 $0xE2F0;
	v11 =	vld [tilespmem:s11+$0xFFFFFF60];
	v6 =	vpop (erf)  }
0x14c: {  	v9 =	vld [tilespmem:s19+$0xFFFFFFD0];
	v13 =	vpop (erf);
	[tilespmem:s12+$0xFFFFFFD0] =	vst v7;
	v7 =	vmul.f32 $2.000000030e-01, v5  }
0x14d: {  	v10 =	vld [tilespmem:s11+$0xFFFFFFB0];
	v15 =	vpop (erf)  }
0x14e: {  	v16 =	vld [tilespmem:s16+$0xFFFFFFD0];
	[tilespmem:s18+$0xFFFFFFD0] =	vst v15;
	v5 =	vmax.f32 v5, v7  }
0x14f: {  	v19 =	vperm.xlane v8, v2;
	v7 =	vld [tilespmem:s16+$0xFFFFFED0];
	v5 =	vmul.f32 $1.442695020e+00, v5  }
0x150: {  	[tilespmem:s18+$0xFFFFFFE0] =	vst v6;
	v20 =	vperm.xlane v6, v1;
	v23 =	vperm.xlane v6, v3  }
0x151: {  	v11 =	vadd.f32 v12, v11;
	[tilespmem:s18+$0xFFFFFFF0] =	vst v13;
	v18 =	vld [tilespmem:s16+$0xFFFFFF20];
	v24 =	vperm.xlane v13, v3;
	(erf) = vpow2.f32 v5  }
0x152: {  	v12 =	vld [tilespmem:s16+$0xFFFFFF70];
	v21 =	vperm.xlane v15, v3;
	v10 =	vadd.f32 v14, v10;
	v5 =	vperm.xlane v15, v1  }
0x153: {  	s20 =	simm.s32 $0x5AB0;
	v9 =	vadd.f32 v9, v17;
	v14 =	vmul.f32 v16, v19;
	v19 =	vmul.f32 $2.000000030e-01, v11  }
0x154: {  	s13 =	simm.s32 $0x8DB0;
	v25 =	vld [tilespmem:s20+$0xFFFFFFD0];
	v17 =	vmul.f32 $2.000000030e-01, v10;
	v5 =	vmul.f32 v7, v5  }
0x155: {  	v28 =	vld [tilespmem:s13+$0xFFFFFF10];
	v16 =	vperm.xlane v13, v1;
	[tilespmem:s12+$0xFFFFFFE0] =	vst v14;
	v7 =	vmax.f32 v11, v19;
	v11 =	vmul.f32 $2.000000030e-01, v9  }
0x156: {  	v10 =	vmax.f32 v10, v17;
	v14 =	vmul.f32 v18, v20;
	v18 =	vld [tilespmem:s16+$0xFFFFFFE0];
	v7 =	vmul.f32 $1.442695020e+00, v7;
	[tilespmem:s12+$0xFFFFFF10] =	vst v5  }
0x157: {  	v10 =	vmul.f32 $1.442695020e+00, v10;
	v5 =	vmul.f32 v12, v16;
	v12 =	vld [tilespmem:s16+$0xFFFFFEE0];
	v9 =	vmax.f32 v9, v11  }
0x158: {  	[tilespmem:s12+$0xFFFFFF50] =	vst v14;
	v11 =	vld [tilespmem:s13+$0x0];
	(erf) = vpow2.f32 v7;
	v9 =	vmul.f32 $1.442695020e+00, v9  }
0x159: {  	v17 =	vperm.xlane v6, v2;
	v7 =	vld [tilespmem:s16+$0xFFFFFF30];
	[tilespmem:s12+$0xFFFFFF90] =	vst v5;
	(erf) = vpow2.f32 v10  }
0x15a: {  	s21 =	simm.s32 $0xBA70;
	v5 =	vperm.xlane v8, v3;
	v10 =	vld [tilespmem:s16+$0xFFFFFF80];
	v14 =	vpop (erf);
	(erf) = vpow2.f32 v9  }
0x15b: {  	v6 =	vperm.xlane v6, v4;
	v16 =	vperm.xlane v15, v2;
	v9 =	vld [tilespmem:s20+$0x0];
	[tilespmem:s21+$0x0] =	vst v14  }
0x15c: {  	v19 =	vperm.xlane v13, v2;
	v5 =	vmul.f32 v18, v5;
	v18 =	vld [tilespmem:s11+$0xFFFFFFC0]  }
0x15d: {  	v26 =	vld [tilespmem:s20+$0xFFFFFFE0];
	v25 =	vadd.f32 v25, v28;
	v20 =	vperm.xlane v15, v4;
	v12 =	vmul.f32 v12, v16  }
0x15e: {  	v15 =	vld [tilespmem:s13+$0xFFFFFF60];
	[tilespmem:s12+$0xFFFFFFF0] =	vst v5;
	v5 =	vperm.xlane v13, v4;
	v13 =	vperm.xlane v14, v1  }
0x15f: {  	v7 =	vmul.f32 v7, v17;
	v17 =	vld [tilespmem:s13+$0xFFFFFFB0];
	[tilespmem:s12+$0xFFFFFF20] =	vst v12;
	v12 =	vmul.f32 $2.000000030e-01, v25  }
0x160: {  	v8 =	vperm.xlane v8, v4;
	v22 =	vld [tilespmem:s16+$0xFFFFFFF0];
	v10 =	vmul.f32 v10, v19  }
0x161: {  	s15 =	simm.s32 $0x8EF0;
	v9 =	vadd.f32 v9, v11;
	v12 =	vmax.f32 v25, v12;
	v16 =	vpop (erf);
	v13 =	vmul.f32 v18, v13;
	v18 =	vld [tilespmem:s20+$0xFFFFFFF0]  }
0x162: {  	s14 =	simm.s32 $0xE3F0;
	s17 =	simm.s32 $0x5AF0;
	v39 =	vld [tilespmem:s15+$0xFFFFFF10];
	v28 =	vperm.xlane v14, v2;
	[tilespmem:s12+$0xFFFFFFA0] =	vst v10;
	v10 =	vmul.f32 $1.442695020e+00, v12;
	v19 =	vpop (erf)  }
0x163: {  	v38 =	vld [tilespmem:s17+$0xFFFFFFF0];
	v11 =	vperm.xlane v16, v1;
	v29 =	vpop (erf);
	[tilespmem:s14+$0xFFFFFFD0] =	vst v13;
	v13 =	vmul.f32 $2.000000030e-01, v9  }
0x164: {  	v15 =	vadd.f32 v26, v15;
	v55 =	vperm.xlane v16, v3;
	v27 =	vperm.xlane v19, v1;
	[tilespmem:s21+$0xFFFFFFD0] =	vst v29;
	v53 =	vld [tilespmem:s11+$0xFFFFFFD0]  }
0x165: {  	v22 =	vmul.f32 v22, v8;
	v56 =	vperm.xlane v19, v3;
	v8 =	vld [tilespmem:s11+$0xFFFFFED0];
	v9 =	vmax.f32 v9, v13  }
0x166: {  	v12 =	vld [tilespmem:s16+$0xFFFFFF90];
	[tilespmem:s21+$0xFFFFFFE0] =	vst v16;
	v17 =	vadd.f32 v18, v17;
	v9 =	vmul.f32 $1.442695020e+00, v9;
	v18 =	vmul.f32 $2.000000030e-01, v15  }
0x167: {  	v26 =	vld [tilespmem:s11+$0xFFFFFF20];
	[tilespmem:s21+$0xFFFFFFF0] =	vst v19;
	v30 =	vperm.xlane v29, v1;
	v31 =	vperm.xlane v29, v2  }
0x168: {  	v54 =	vld [tilespmem:s11+$0xFFFFFF70];
	v34 =	vmul.f32 $2.000000030e-01, v17;
	(erf) = vpow2.f32 v9;
	v9 =	vmax.f32 v15, v18  }
0x169: {  	[tilespmem:s12+$0xFFFFFF60] =	vst v7;
	v13 =	vperm.xlane v16, v2;
	v18 =	vld [tilespmem:s16+$0xFFFFFEF0];
	v7 =	vmul.f32 $1.442695020e+00, v9  }
0x16a: {  	[tilespmem:s12+$0x0] =	vst v22;
	v22 =	vld [tilespmem:s15+$0xFFFFFFB0];
	v15 =	vmul.f32 v53, v28;
	v9 =	vmax.f32 v17, v34;
	v8 =	vmul.f32 v8, v30  }
0x16b: {  	v28 =	vld [tilespmem:s15+$0x0];
	v9 =	vmul.f32 $1.442695020e+00, v9;
	(erf) = vpow2.f32 v7  }
0x16c: {  	v24 =	vmul.f32 v12, v24;
	v11 =	vmul.f32 v26, v11;
	v17 =	vld [tilespmem:s16+$0xFFFFFF40];
	[tilespmem:s14+$0xFFFFFFE0] =	vst v15  }
0x16d: {  	v7 =	vld [tilespmem:s11+$0xFFFFFFE0];
	[tilespmem:s14+$0xFFFFFF10] =	vst v8;
	v8 =	vmul.f32 v54, v27;
	(erf) = vpow2.f32 v9  }
0x16e: {  	[tilespmem:s14+$0xFFFFFF50] =	vst v11;
	v25 =	vld [tilespmem:s11+$0xFFFFFEE0];
	v18 =	vmul.f32 v18, v21;
	(erf) = vpow2.f32 v10  }
0x16f: {  	v15 =	vperm.xlane v19, v2;
	v27 =	vperm.xlane v29, v3;
	v10 =	vld [tilespmem:s11+$0xFFFFFF30];
	[tilespmem:s14+$0xFFFFFF90] =	vst v8  }
0x170: {  	v9 =	vperm.xlane v29, v4;
	v8 =	vperm.xlane v14, v3;
	v26 =	vld [tilespmem:s11+$0xFFFFFF80];
	[tilespmem:s12+$0xFFFFFF30] =	vst v18  }
0x171: {  	s18 =	simm.s32 $0xBAB0;
	v14 =	vperm.xlane v14, v4;
	v21 =	vmul.f32 v17, v23;
	v63 =	vld [tilespmem:s16+$0xFFFFFF00];
	v11 =	vpop (erf)  }
0x172: {  	v29 =	vmul.f32 v7, v8;
	v8 =	vperm.xlane v16, v4;
	v16 =	vld [tilespmem:s17+$0x0];
	[tilespmem:s18+$0x0] =	vst v11  }
0x173: {  	v7 =	vperm.xlane v19, v4;
	v23 =	vmul.f32 v25, v31;
	v17 =	vld [tilespmem:s13+$0xFFFFFFC0]  }
0x174: {  	[tilespmem:s14+$0xFFFFFFF0] =	vst v29;
	v25 =	vmul.f32 v10, v13;
	v29 =	vld [tilespmem:s17+$0xFFFFFFD0];
	v13 =	vperm.xlane v11, v1;
	v30 =	vpop (erf)  }
0x175: {  	v22 =	vadd.f32 v38, v22;
	v12 =	vld [tilespmem:s11+$0xFFFFFFF0];
	v26 =	vmul.f32 v26, v15;
	v31 =	vperm.xlane v30, v1  }
0x176: {  	v10 =	vld [tilespmem:s15+$0xFFFFFF60];
	v19 =	vperm.xlane v30, v2;
	v20 =	vmul.f32 v63, v20;
	v57 =	vpop (erf)  }
0x177: {  	v15 =	vld [tilespmem:s17+$0xFFFFFFE0];
	[tilespmem:s14+$0xFFFFFFA0] =	vst v26;
	v26 =	vmul.f32 $2.000000030e-01, v22;
	v35 =	vperm.xlane v57, v1;
	v36 =	vpop (erf)  }
0x178: {  	v16 =	vadd.f32 v16, v28;
	v37 =	vperm.xlane v36, v1;
	v13 =	vmul.f32 v17, v13  }
0x179: {  	s19 =	simm.s32 $0xE4F0;
	[tilespmem:s14+$0xFFFFFF60] =	vst v25;
	v18 =	vperm.xlane v36, v2;
	v17 =	vperm.xlane v57, v2  }
0x17a: {  	v28 =	vmul.f32 v12, v14;
	v14 =	vmul.f32 $2.000000030e-01, v16;
	[tilespmem:s19+$0xFFFFFFD0] =	vst v13  }
0x17b: {  	[tilespmem:s18+$0xFFFFFFD0] =	vst v36;
	v25 =	vadd.f32 v29, v39;
	v29 =	vperm.xlane v11, v2;
	v12 =	vperm.xlane v36, v3;
	v42 =	vld [tilespmem:s13+$0xFFFFFFD0]  }
0x17c: {  	[tilespmem:s18+$0xFFFFFFE0] =	vst v30;
	v40 =	vld [tilespmem:s13+$0xFFFFFED0];
	v41 =	vadd.f32 v15, v10;
	v13 =	vperm.xlane v30, v3;
	v16 =	vmax.f32 v16, v14  }
0x17d: {  	[tilespmem:s14+$0xFFFFFF20] =	vst v23;
	v58 =	vld [tilespmem:s13+$0xFFFFFF20];
	v14 =	vperm.xlane v30, v4;
	v30 =	vmul.f32 $1.442695020e+00, v16  }
0x17e: {  	v60 =	vld [tilespmem:s11+$0xFFFFFEF0];
	[tilespmem:s18+$0xFFFFFFF0] =	vst v57;
	v10 =	vperm.xlane v57, v3;
	v23 =	vmul.f32 $2.000000030e-01, v41  }
0x17f: {  	v59 =	vld [tilespmem:s13+$0xFFFFFF70];
	v15 =	vperm.xlane v36, v4;
	(erf) = vpow2.f32 v30  }
0x180: {  	[tilespmem:s12+$0xFFFFFF70] =	vst v21;
	v61 =	vld [tilespmem:s11+$0xFFFFFF40];
	v21 =	vmax.f32 v41, v23;
	v23 =	vmul.f32 $2.000000030e-01, v25;
	v29 =	vmul.f32 v42, v29  }
0x181: {  	v62 =	vld [tilespmem:s11+$0xFFFFFF90];
	v22 =	vmax.f32 v22, v26;
	[tilespmem:s14+$0x0] =	vst v28;
	v21 =	vmul.f32 $1.442695020e+00, v21;
	v26 =	vmul.f32 v40, v37  }
0x182: {  	v22 =	vmul.f32 $1.442695020e+00, v22;
	v30 =	vmul.f32 v58, v31;
	v25 =	vmax.f32 v25, v23;
	v23 =	vld [tilespmem:s16+$0xFFFFFF50];
	[tilespmem:s19+$0xFFFFFFE0] =	vst v29  }
0x183: {  	(erf) = vpow2.f32 v21;
	[tilespmem:s19+$0xFFFFFF10] =	vst v26;
	v29 =	vmul.f32 $1.442695020e+00, v25;
	v28 =	vld [tilespmem:s13+$0xFFFFFFE0]  }
0x184: {  	[tilespmem:s19+$0xFFFFFF50] =	vst v30;
	v21 =	vmul.f32 v59, v35;
	(erf) = vpow2.f32 v22;
	v25 =	vld [tilespmem:s13+$0xFFFFFEE0]  }
0x185: {  	[tilespmem:s12+$0xFFFFFFB0] =	vst v24;
	v26 =	vld [tilespmem:s13+$0xFFFFFF30];
	v22 =	vmul.f32 v60, v27;
	(erf) = vpow2.f32 v29  }
0x186: {  	v24 =	vld [tilespmem:s16+$0xFFFFFFA0];
	v30 =	vperm.xlane v11, v3;
	[tilespmem:s19+$0xFFFFFF90] =	vst v21;
	v29 =	vmul.f32 v61, v55  }
0x187: {  	s20 =	simm.s32 $0xC;
	s21 =	simm.s32 $0x9030;
	v16 =	vperm.xlane v57, v4;
	s16 =	simm.s32 $0xE4F0;
	v27 =	vld [tilespmem:s13+$0xFFFFFF80];
	[tilespmem:s14+$0xFFFFFF30] =	vst v22;
	v22 =	vmul.f32 v62, v56  }
.LBB2_7:
0x188: {  	v31 =	vld [tilespmem:s21+$0x0];
	s17 =	sadd.s32 $0x40, s17;
	v32 =	vpop (erf);
	v28 =	vmul.f32 v28, v30;
	s18 =	sadd.s32 $0x40, s18;
	[tilespmem:s14+$0xFFFFFF70] =	vst v29;
	v23 =	vmul.f32 v23, v6;
	v21 =	vmov v15  }
0x189: {  	v6 =	vmov v8;
	v8 =	vmov v14;
	v15 =	vld [tilespmem:s17+$0x0];
	[tilespmem:s18+$0x0] =	vst v32;
	v18 =	vmul.f32 v25, v18  }
0x18a: {  	v14 =	vld [tilespmem:s15+$0xFFFFFFC0];
	v19 =	vmul.f32 v26, v19;
	[tilespmem:s19+$0xFFFFFFF0] =	vst v28  }
0x18b: {  	[tilespmem:s19+$0xFFFFFF20] =	vst v18;
	v25 =	vld [tilespmem:s13+$0xFFFFFFF0];
	v24 =	vmul.f32 v24, v5;
	v5 =	vmov v7;
	v7 =	vmov v16  }
0x18c: {  	s20 =	sadd.s32 $0x4, s20;
	v16 =	vld [tilespmem:s17+$0xFFFFFFD0];
	v26 =	vpop (erf);
	[tilespmem:s19+$0xFFFFFF60] =	vst v19;
	v17 =	vmul.f32 v27, v17  }
0x18d: {  	p0 =	slt.u32 s20, $0x7C;
	v18 =	vperm.xlane v32, v1;
	v27 =	vld [tilespmem:s21+$0xFFFFFF60];
	[tilespmem:s18+$0xFFFFFFE0] =	vst v26;
	v28 =	vperm.xlane v26, v1;
	v29 =	vpop (erf)  }
0x18e: {  	v19 =	vperm.xlane v11, v4;
	v11 =	vmov v32;
	v30 =	vld [tilespmem:s17+$0xFFFFFFE0];
	[tilespmem:s18+$0xFFFFFFF0] =	vst v29;
	v33 =	vperm.xlane v29, v1;
	v34 =	vpop (erf)  }
0x18f: {  	v32 =	vld [tilespmem:s21+$0xFFFFFFB0];
	[tilespmem:s18+$0xFFFFFFD0] =	vst v34;
	v35 =	vperm.xlane v34, v1;
	v14 =	vmul.f32 v14, v18  }
0x190: {  	s19 =	sadd.s32 $0x100, s19;
	v15 =	vadd.f32 v15, v31;
	v18 =	vperm.xlane v34, v2;
	v36 =	vld [tilespmem:s17+$0xFFFFFFF0];
	[tilespmem:s16+$0xFFFFFFA0] =	vst v17;
	v25 =	vmul.f32 v25, v19  }
0x191: {  	v19 =	vperm.xlane v26, v2;
	v17 =	vperm.xlane v29, v2;
	v31 =	vld [tilespmem:s21+$0xFFFFFF10];
	[tilespmem:s19+$0xFFFFFFD0] =	vst v14  }
0x192: {  	v38 =	vperm.xlane v34, v3;
	v14 =	vmul.f32 $2.000000030e-01, v15;
	v37 =	vld [tilespmem:s15+$0xFFFFFED0];
	[tilespmem:s16+$0x0] =	vst v25  }
0x193: {  	v39 =	vperm.xlane v29, v3;
	v25 =	vadd.f32 v30, v27;
	v27 =	vperm.xlane v26, v3;
	v30 =	vld [tilespmem:s15+$0xFFFFFFD0];
	[tilespmem:s14+$0xFFFFFFB0] =	vst v22  }
0x194: {  	v22 =	vmax.f32 v15, v14;
	v15 =	vperm.xlane v34, v4;
	v14 =	vperm.xlane v26, v4;
	v34 =	vld [tilespmem:s15+$0xFFFFFF20];
	[tilespmem:s12+$0xFFFFFF40] =	vst v20  }
0x195: {  	v22 =	vmul.f32 $1.442695020e+00, v22;
	v20 =	vmul.f32 $2.000000030e-01, v25;
	v26 =	vadd.f32 v36, v32;
	v32 =	vld [tilespmem:s15+$0xFFFFFF70];
	[tilespmem:s12+$0xFFFFFF80] =	vst v23  }
0x196: {  	v23 =	vadd.f32 v16, v31;
	v16 =	vperm.xlane v29, v4;
	v29 =	vperm.xlane v11, v2;
	v31 =	vld [tilespmem:s13+$0xFFFFFEF0];
	[tilespmem:s12+$0xFFFFFFC0] =	vst v24;
	s12 =	smov.u32 s14;
	s14 =	smov.u32 s16;
	s16 =	smov.u32 s19  }
0x197: {  	v20 =	vmax.f32 v25, v20;
	v24 =	vmul.f32 $2.000000030e-01, v26;
	(erf) = vpow2.f32 v22;
	v22 =	vld [tilespmem:s13+$0xFFFFFF40]  }
0x198: {  	v25 =	vmul.f32 $2.000000030e-01, v23;
	v29 =	vmul.f32 v30, v29;
	v36 =	vld [tilespmem:s13+$0xFFFFFF90]  }
0x199: {  	v20 =	vmul.f32 $1.442695020e+00, v20;
	v24 =	vmax.f32 v26, v24;
	v26 =	vmul.f32 v37, v35;
	v35 =	vld [tilespmem:s11+$0xFFFFFF00]  }
0x19a: {  	v30 =	vmul.f32 v34, v28;
	v25 =	vmax.f32 v23, v25;
	v24 =	vmul.f32 $1.442695020e+00, v24;
	[tilespmem:s19+$0xFFFFFFE0] =	vst v29;
	v23 =	vld [tilespmem:s11+$0xFFFFFF50]  }
.Ltmp4:
0x19b: {  	v29 =	vmul.f32 $1.442695020e+00, v25;
	(erf) = vpow2.f32 v20;
	[tilespmem:s19+$0xFFFFFF10] =	vst v26;
	v28 =	vld [tilespmem:s15+$0xFFFFFFE0];
	(pc) =	sbr.rel @p0 .LBB2_7-.Ltmp4, $4  }
0x19c: {  	v20 =	vmul.f32 v32, v33;
	(erf) = vpow2.f32 v24;
	v25 =	vld [tilespmem:s15+$0xFFFFFEE0];
	[tilespmem:s19+$0xFFFFFF50] =	vst v30  }
0x19d: {  	v31 =	vmul.f32 v31, v12;
	v12 =	vmov v38;
	(erf) = vpow2.f32 v29;
	v26 =	vld [tilespmem:s15+$0xFFFFFF30]  }
0x19e: {  	v30 =	vperm.xlane v11, v3;
	v29 =	vmul.f32 v22, v13;
	v13 =	vmov v27;
	[tilespmem:s19+$0xFFFFFF90] =	vst v20;
	v24 =	vld [tilespmem:s11+$0xFFFFFFA0];
	s11 =	smov.u32 s13;
	s13 =	smov.u32 s15;
	s15 =	smov.u32 s21  }
0x19f: {  	v22 =	vmul.f32 v36, v10;
	v10 =	vmovc v39;
	s21 =	sadd.s32 $0x140, s21;
	v20 =	vmul.f32 v35, v9;
	v9 =	vmov v21;
	v27 =	vld [tilespmem:s13+$0xFFFFFF80];
	[tilespmem:s14+$0xFFFFFF30] =	vst v31  }
0x1a0: {  	v21 =	vpop (erf);
	s18 =	sadd.s32 $0x40, s18  }
0x1a1: {  	[tilespmem:s18+$0x0] =	vst v21  }
0x1a2: {  	v28 =	vmul.f32 v28, v30;
	v31 =	vld [tilespmem:s15+$0xFFFFFFC0]  }
0x1a3: {  	v32 =	vperm.xlane v21, v1;
	_ =	sdelay $0x1  }
0x1a4: {  	[tilespmem:s14+$0xFFFFFF70] =	vst v29;
	v30 =	vpop (erf)  }
0x1a5: {  	[tilespmem:s19+$0xFFFFFFF0] =	vst v28;
	v28 =	vpop (erf)  }
0x1a6: {  	[tilespmem:s14+$0xFFFFFFB0] =	vst v22;
	v31 =	vmul.f32 v31, v32;
	v32 =	vpop (erf)  }
0x1a7: {  	v33 =	vld [tilespmem:s13+$0xFFFFFFF0];
	[tilespmem:s18+$0xFFFFFFD0] =	vst v32  }
0x1a8: {  	[tilespmem:s18+$0xFFFFFFE0] =	vst v30;
	v57 =	vld [tilespmem:s15+$0xFFFFFED0]  }
0x1a9: {  	v6 =	vmul.f32 v23, v6;
	[tilespmem:s18+$0xFFFFFFF0] =	vst v28;
	v58 =	vld [tilespmem:s15+$0xFFFFFF20]  }
0x1aa: {  	v11 =	vperm.xlane v11, v4;
	v18 =	vmul.f32 v25, v18;
	[tilespmem:s12+$0xFFFFFF40] =	vst v20;
	v59 =	vld [tilespmem:s15+$0xFFFFFF70]  }
0x1ab: {  	v19 =	vmul.f32 v26, v19;
	[tilespmem:s12+$0xFFFFFF80] =	vst v6;
	v61 =	vperm.xlane v32, v1  }
0x1ac: {  	[tilespmem:s19+$0xFFFFFF20] =	vst v18;
	v62 =	vperm.xlane v30, v1;
	v63 =	vperm.xlane v28, v1  }
0x1ad: {  	s17 =	sadd.s32 $0x100, s19;
	v47 =	vld [tilespmem:s11+$0xFFFFFF00];
	[tilespmem:s19+$0xFFFFFF60] =	vst v19;
	v11 =	vmul.f32 v33, v11;
	v33 =	vmul.f32 v57, v61  }
0x1ae: {  	v56 =	vld [tilespmem:s11+$0xFFFFFFA0];
	[tilespmem:s17+$0xFFFFFFD0] =	vst v31;
	v35 =	vmul.f32 v58, v62  }
0x1af: {  	v31 =	vld [tilespmem:s15+$0xFFFFFFD0];
	v36 =	vmul.f32 v59, v63;
	[tilespmem:s17+$0xFFFFFF10] =	vst v33  }
0x1b0: {  	v17 =	vmul.f32 v27, v17;
	[tilespmem:s17+$0xFFFFFF50] =	vst v35;
	v37 =	vld [tilespmem:s15+$0xFFFFFEE0]  }
0x1b1: {  	v5 =	vmul.f32 v24, v5;
	v39 =	vld [tilespmem:s15+$0xFFFFFF30];
	[tilespmem:s17+$0xFFFFFF90] =	vst v36  }
0x1b2: {  	v34 =	vperm.xlane v21, v2;
	v9 =	vmul.f32 v47, v9;
	[tilespmem:s16+$0xFFFFFFA0] =	vst v17;
	v17 =	vld [tilespmem:s15+$0xFFFFFF80]  }
0x1b3: {  	[tilespmem:s12+$0xFFFFFFC0] =	vst v5;
	v7 =	vmul.f32 v56, v7;
	v40 =	vperm.xlane v32, v2  }
0x1b4: {  	v42 =	vperm.xlane v30, v2;
	v43 =	vld [tilespmem:s13+$0xFFFFFF40];
	[tilespmem:s14+$0xFFFFFF40] =	vst v9;
	v60 =	vmul.f32 v31, v34  }
0x1b5: {  	v41 =	vld [tilespmem:s13+$0xFFFFFEF0];
	v44 =	vperm.xlane v28, v2;
	[tilespmem:s14+$0xFFFFFFC0] =	vst v7;
	v6 =	vmul.f32 v37, v40  }
0x1b6: {  	v5 =	vld [tilespmem:s13+$0xFFFFFF90];
	[tilespmem:s17+$0xFFFFFFE0] =	vst v60;
	v46 =	vmul.f32 v39, v42  }
0x1b7: {  	v34 =	vld [tilespmem:s15+$0xFFFFFFE0];
	[tilespmem:s17+$0xFFFFFF20] =	vst v6;
	v6 =	vmul.f32 v17, v44  }
0x1b8: {  	[tilespmem:s17+$0xFFFFFF60] =	vst v46;
	v50 =	vld [tilespmem:s15+$0xFFFFFEF0]  }
0x1b9: {  	v13 =	vmul.f32 v43, v13;
	[tilespmem:s17+$0xFFFFFFA0] =	vst v6;
	v6 =	vld [tilespmem:s15+$0xFFFFFF40]  }
0x1ba: {  	v38 =	vperm.xlane v21, v3;
	v48 =	vmul.f32 v41, v12;
	[tilespmem:s16+$0x0] =	vst v11;
	v52 =	vld [tilespmem:s15+$0xFFFFFF90]  }
0x1bb: {  	v54 =	vld [tilespmem:s11+$0xFFFFFF50];
	v53 =	vperm.xlane v32, v3;
	v5 =	vmul.f32 v5, v10;
	[tilespmem:s16+$0xFFFFFF70] =	vst v13  }
0x1bc: {  	v55 =	vperm.xlane v30, v3;
	[tilespmem:s16+$0xFFFFFF30] =	vst v48;
	v58 =	vld [tilespmem:s13+$0xFFFFFF50];
	v11 =	vmul.f32 v34, v38  }
0x1bd: {  	v57 =	vperm.xlane v28, v3;
	[tilespmem:s16+$0xFFFFFFB0] =	vst v5;
	v5 =	vld [tilespmem:s13+$0xFFFFFF00];
	v17 =	vmul.f32 v50, v53  }
0x1be: {  	v59 =	vld [tilespmem:s13+$0xFFFFFFA0];
	[tilespmem:s17+$0xFFFFFFF0] =	vst v11;
	v6 =	vmul.f32 v6, v55  }
0x1bf: {  	v45 =	vld [tilespmem:s15+$0xFFFFFFF0];
	[tilespmem:s17+$0xFFFFFF30] =	vst v17;
	v11 =	vmul.f32 v52, v57  }
0x1c0: {  	v8 =	vmul.f32 v54, v8;
	[tilespmem:s17+$0xFFFFFF70] =	vst v6;
	v6 =	vld [tilespmem:s15+$0xFFFFFF00]  }
0x1c1: {  	v7 =	vmul.f32 v58, v14;
	[tilespmem:s17+$0xFFFFFFB0] =	vst v11;
	v60 =	vld [tilespmem:s15+$0xFFFFFF50]  }
0x1c2: {  	v49 =	vperm.xlane v21, v4;
	[tilespmem:s14+$0xFFFFFF80] =	vst v8;
	v5 =	vmul.f32 v5, v15;
	v61 =	vld [tilespmem:s15+$0xFFFFFFA0]  }
0x1c3: {  	v62 =	vperm.xlane v32, v4;
	v10 =	vmul.f32 v59, v16;
	[tilespmem:s16+$0xFFFFFF80] =	vst v7  }
0x1c4: {  	v63 =	vperm.xlane v30, v4;
	[tilespmem:s16+$0xFFFFFF40] =	vst v5;
	v51 =	vmul.f32 v45, v49  }
0x1c5: {  	v5 =	vperm.xlane v28, v4;
	[tilespmem:s16+$0xFFFFFFC0] =	vst v10;
	v6 =	vmul.f32 v6, v62  }
0x1c6: {  	[tilespmem:s17+$0x0] =	vst v51;
	v7 =	vmul.f32 v60, v63  }
0x1c7: {  	v5 =	vmul.f32 v61, v5;
	[tilespmem:s17+$0xFFFFFF40] =	vst v6  }
.Ltmp5:
0x1c8: {  	[tilespmem:s17+$0xFFFFFF80] =	vst v7;
	(pc) =	sbr.rel @p1 .LBB2_10-.Ltmp5, $4  }
0x1c9: {  	s25 =	sadd.s32 $0x2980, s25;
	[tilespmem:s17+$0xFFFFFFC0] =	vst v5  }
0x1ca: {  	[spmem:s4] =	stream.indirect.scatter.add.f32 [tilespmem:s29], [sflag:$0x2], $0x10, s25, s26, $0xb8;
	[tilespmem:$0x1C780] =	vst v63  }
0x1cb: {  	_ = 	snop  }
0x1cc: {  	[spmem:s3] =	stream.indirect.scatter.add.f32 [tilespmem:s30], [sflag:$0x2], $0x40, s25, s26, $0xb8;
	[tilespmem:$0x1C780] =	vst v63  }
.Ltmp6:
0x1cd: {  	(pc) =	sbr.rel .LBB2_4-.Ltmp6, $4  }
0x1ce: {  	s11 =	sadd.s32 $0x2A80, s10  }
0x1cf: {  	[tilespmem:s31], [sflag:$0x1] =	stream.indirect.gather [hbm4b:s2+s26], $0x10, s11, s26, $0xb8;
	[tilespmem:$0x1C780] =	vst v63  }
0x1d0: {  	s25 =	sadd.s32 $0x180, s10;
	s9 =	sadd.s32 $0x1, s9  }
0x1d1: {  	[tilespmem:s0], [sflag:$0x1] =	stream.indirect.gather [hbm4b:s6+s26], $0x50, s25, s26, $0xb8;
	[tilespmem:$0x1C780] =	vst v63  }
.LBB2_11:
0x1d2: {  	_ =	sfence.sel $0x180000  }
0x1d3: {  	[bflag:$0x0] =	sbarrier.arrive $0xFFFF  }
0x1d4: {  	_ =	strace $0x90000047  }
0x1d5: {  	s0 =	stileid.u32;
	[bflag:$0x2] =	sbarrier.arrive $0xFFFF  }
0x1d6: {  	p0 =	sne.s32 s0, $0x0;
	s0 =	rddreg [dreg:$0x4]  }
0x1d7: {  	s0 =	sadd.s32 @!p0 $0x100000, s0  }
0x1d8: {  	[sflag:s0] =	ssyncadd.tile.s32 @!p0 $0x1;
	_ =	shalt  }
.Lfunc_end2:
_tile_overlayer_lowered:
.L_overlay_start_2:
0x1d9: {  	(tag) =	ssettag $0x2  }
0x1da: {  	s0 =	rddreg [dreg:$0x0];
	s2 =	stileid.u32  }
0x1db: {  	s1 =	rddreg [dreg:$0x1];
	p0 =	sne.s32 s2, $0x0  }
0x1dc: {  	s3 =	rddreg [dreg:$0x2];
	[bflag:$0x3] =	sbarrier.arrive $0xFFFF;
	s2 =	simm.s32 @!p0 $0x1C03  }
0x1dd: {  	[timem:s3], [sflag:s2] =	dma.local @!p0 [hbm:s0], s1  }
0x1de: {  	s0 =	simm.s32 @!p0 $0x3  }
0x1df: {  	_ =	swait.ge @!p0 [sflag:s0], s1  }
0x1e0: {  	s1 =	ssub.s32 @!p0 $0x0, s1;
	[sflag:s0] =	ssyncset.done @!p0 $0x0  }
0x1e1: {  	[sflag:s0] =	ssyncadd.s32 @!p0 s1  }
0x1e2: {  	[bflag:$0x3] =	sbarrier.arrive $0xFFFF  }
0x1e3: {  	_ =	shalt  }

</sc_bundles>
